<compile_context>
chip_gen: v7x
topology: tpu7x:2x2x1
jax: 0.10.2.dev20260603
libtpu: 0.0.44.dev20260713+nightly
codegen_flags: <defaults>
</compile_context>

<pallas_src>
import jax
import jax.numpy as jnp
from jax import lax
from jax.experimental import pallas as pl
from jax.experimental.pallas import tpu as pltpu
from jax.experimental.pallas import tpu_sc as plsc

BZ = 8
SIZE = 256
NV = 35709
NF = 70789
C = 16
FTOT = BZ * NF
VTOT = BZ * NV
P = BZ * SIZE * SIZE
HW = SIZE * SIZE

NC = 2
NS = 16
NW = NC * NS
N = 512
G = N // 128
CHUNKS = P // (NW * N)
L = 16

PCH = 1024
FCT = -(-FTOT // PCH)
VCT = -(-VTOT // PCH)


def _pad_body(faces_hbm, vert_hbm, attr_hbm, f16_hbm, xy16_hbm, a16_hbm,
              fin_v, vin_v, fout_v, xyout_v, at_v, aout_v, sem):
    cid = lax.axis_index("c")
    sid = lax.axis_index("s")
    wid = sid * NC + cid
    iota = lax.iota(jnp.int32, L)
    zeros16 = jnp.zeros((L,), jnp.int32)
    ones16 = jnp.full((L,), 1, jnp.int32)
    two16 = jnp.full((L,), 2, jnp.int32)

    def face_it(i, carry):
        t = i * NW + wid

        @pl.when(t < FCT)
        def _():
            base = jnp.minimum(t * PCH, FTOT - PCH)
            for k in range(3):
                pltpu.sync_copy(faces_hbm.at[k, pl.ds(base, PCH)],
                                fin_v.at[k])

            def grp(j, c2):
                pvec = iota + j * L
                i0 = fin_v[0, pl.ds(j * L, L)]
                i1 = fin_v[1, pl.ds(j * L, L)]
                i2 = fin_v[2, pl.ds(j * L, L)]
                plsc.store_scatter(fout_v, [pvec, zeros16], i0)
                plsc.store_scatter(fout_v, [pvec, ones16], i1)
                plsc.store_scatter(fout_v, [pvec, two16], i2)
                return c2
            lax.fori_loop(0, PCH // L, grp, 0)
            pltpu.sync_copy(fout_v, f16_hbm.at[pl.ds(base, PCH)])
        return carry

    def vert_it(i, carry):
        t = i * NW + wid

        @pl.when(t < VCT)
        def _():
            base = jnp.minimum(t * PCH, VTOT - PCH)
            for k in range(2):
                pltpu.sync_copy(vert_hbm.at[k, pl.ds(base, PCH)],
                                vin_v.at[k])

            def grp(j, c2):
                pvec = iota + j * L
                x = vin_v[0, pl.ds(j * L, L)]
                y = vin_v[1, pl.ds(j * L, L)]
                plsc.store_scatter(xyout_v, [pvec, zeros16], x)
                plsc.store_scatter(xyout_v, [pvec, ones16], y)
                return c2
            lax.fori_loop(0, PCH // L, grp, 0)
            pltpu.sync_copy(xyout_v, xy16_hbm.at[pl.ds(base, PCH)])
        return carry

    def attr_it(i, carry):
        t = i * NW + wid

        @pl.when(t < VCT)
        def _():
            base = jnp.minimum(t * PCH, VTOT - PCH)
            hs = [pltpu.async_copy(attr_hbm.at[c, pl.ds(base, PCH)],
                                   at_v.at[c, pl.ds(0, PCH)], sem)
                  for c in range(C)]
            for h in hs:
                h.wait()

            def vloop(v, c2):
                aout_v[v, :] = plsc.load_gather(at_v, [iota, zeros16 + v])
                return c2
            lax.fori_loop(0, PCH, vloop, 0)
            pltpu.sync_copy(aout_v, a16_hbm.at[pl.ds(base, PCH)])
        return carry

    lax.fori_loop(0, -(-FCT // NW), face_it, 0)
    lax.fori_loop(0, -(-VCT // NW), vert_it, 0)
    lax.fori_loop(0, -(-VCT // NW), attr_it, 0)


def _body(attr_hbm, faces_hbm, xy_hbm, p2f_hbm, bary_hbm, out_hbm,
          pix_v, bary_v, fsel_v, frow_v, vidx_v, xy_v, wts_v, arows_v,
          obuf_v, sem):
    cid = lax.axis_index("c")
    sid = lax.axis_index("s")
    wid = sid * NC + cid
    iota = lax.iota(jnp.int32, L)
    zeros16 = jnp.zeros((L,), jnp.int32)
    ones16 = jnp.full((L,), 1, jnp.int32)

    def chunk_body(ci, carry):
        base = (wid * CHUNKS + ci) * N
        pltpu.sync_copy(p2f_hbm.at[pl.ds(base, N)], pix_v)
        for k in range(3):
            pltpu.sync_copy(bary_hbm.at[k, pl.ds(base, N)], bary_v.at[k])

        def fsel_g(g, c2):
            def fsel_l(l, c3):
                f = pix_v[pl.ds(g * 128 + l * L, L)]
                fsel_v[g, pl.ds(l * L, L)] = jnp.maximum(f, 0)
                return c3
            return lax.fori_loop(0, 128 // L, fsel_l, c2)
        lax.fori_loop(0, G, fsel_g, 0)

        hf = [pltpu.async_copy(faces_hbm.at[fsel_v.at[g]], frow_v.at[g], sem)
              for g in range(G)]
        for h in hf:
            h.wait()

        def vidx_g(g, c2):
            def vidx_l(l, c3):
                lanes = iota + l * L
                gv = zeros16 + g
                for k in range(3):
                    ik = plsc.load_gather(
                        frow_v, [gv, lanes, jnp.full((L,), k, jnp.int32)])
                    vidx_v[k, g, pl.ds(l * L, L)] = ik
                return c3
            return lax.fori_loop(0, 128 // L, vidx_l, c2)
        lax.fori_loop(0, G, vidx_g, 0)

        hxy = [pltpu.async_copy(xy_hbm.at[vidx_v.at[k, g]], xy_v.at[k, g], sem)
               for k in range(3) for g in range(G)]
        for h in hxy:
            h.wait()

        ha = [pltpu.async_copy(attr_hbm.at[vidx_v.at[k, g]], arows_v.at[k, g], sem)
              for k in range(3) for g in range(G)]

        def wts_g(g, c2):
            def wts_l(l, c3):
                lanes = iota + l * L
                gv = zeros16 + g
                k0 = zeros16
                k1 = ones16
                k2 = jnp.full((L,), 2, jnp.int32)
                x0 = plsc.load_gather(xy_v, [k0, gv, lanes, zeros16])
                y0 = plsc.load_gather(xy_v, [k0, gv, lanes, ones16])
                x1 = plsc.load_gather(xy_v, [k1, gv, lanes, zeros16])
                y1 = plsc.load_gather(xy_v, [k1, gv, lanes, ones16])
                x2 = plsc.load_gather(xy_v, [k2, gv, lanes, zeros16])
                y2 = plsc.load_gather(xy_v, [k2, gv, lanes, ones16])
                area = (x0 - x1) * (y2 - y1) - (y0 - y1) * (x2 - x1)
                f = pix_v[pl.ds(g * 128 + l * L, L)]
                valid = jnp.logical_and(area > 0.0, f >= 0)
                m = jnp.where(valid, 1.0, 0.0).astype(jnp.float32)
                for k in range(3):
                    wk = bary_v[k, pl.ds(g * 128 + l * L, L)] * m
                    wts_v[k, pl.ds(g * 128 + l * L, L)] = wk
                return c3
            return lax.fori_loop(0, 128 // L, wts_l, c2)
        lax.fori_loop(0, G, wts_g, 0)

        for h in ha:
            h.wait()

        def blend_g(g, c2):
            def blend_l(l, c3):
                w0v = wts_v[0, pl.ds(g * 128 + l * L, L)]
                w1v = wts_v[1, pl.ds(g * 128 + l * L, L)]
                w2v = wts_v[2, pl.ds(g * 128 + l * L, L)]
                for i in range(L):
                    q = l * L + i
                    a0 = arows_v[0, g, q, :]
                    a1 = arows_v[1, g, q, :]
                    a2 = arows_v[2, g, q, :]
                    ov = a0 * w0v[i] + a1 * w1v[i] + a2 * w2v[i]
                    plsc.store_scatter(
                        obuf_v, [iota, zeros16 + (g * 128 + q)], ov)
                return c3
            return lax.fori_loop(0, 128 // L, blend_l, c2)
        lax.fori_loop(0, G, blend_g, 0)

        b = lax.shift_right_logical(base, 16)
        hw0 = pl.multiple_of(base & (HW - 1), N)
        ho = [pltpu.async_copy(obuf_v.at[c, pl.ds(0, N)],
                               out_hbm.at[b, c, pl.ds(hw0, N)], sem)
              for c in range(C)]
        for h in ho:
            h.wait()
        return carry

    lax.fori_loop(0, CHUNKS, chunk_body, 0)


def kernel(vert_attr, vert, faces_packed, pix_to_face, bary_coords):
    attr_t = jnp.swapaxes(vert_attr.reshape(VTOT, C), 0, 1)
    vert_t = jnp.swapaxes(vert.reshape(VTOT, 3)[:, :2], 0, 1)
    faces_t = jnp.swapaxes(faces_packed, 0, 1)
    p2f = pix_to_face.reshape(P)
    bary_t = jnp.swapaxes(bary_coords.reshape(P, 3), 0, 1)

    mesh = plsc.VectorSubcoreMesh(
        core_axis_name="c", subcore_axis_name="s",
        num_cores=NC, num_subcores=NS)
    cp = pltpu.CompilerParams(
        needs_layout_passes=False, use_tc_tiling_on_sc=False)

    pad = pl.kernel(
        _pad_body,
        out_type=(jax.ShapeDtypeStruct((FTOT, C), jnp.int32),
                  jax.ShapeDtypeStruct((VTOT, C), jnp.float32),
                  jax.ShapeDtypeStruct((VTOT, C), jnp.float32)),
        mesh=mesh,
        compiler_params=cp,
        scratch_types=[
            pltpu.VMEM((3, PCH), jnp.int32),
            pltpu.VMEM((2, PCH), jnp.float32),
            pltpu.VMEM((PCH, C), jnp.int32),
            pltpu.VMEM((PCH, C), jnp.float32),
            pltpu.VMEM((C, PCH + 1), jnp.float32),
            pltpu.VMEM((PCH, C), jnp.float32),
            pltpu.SemaphoreType.DMA,
        ],
    )
    faces16, xy16, attr16 = pad(faces_t, vert_t, attr_t)

    run = pl.kernel(
        _body,
        out_type=jax.ShapeDtypeStruct((BZ, C, HW), jnp.float32),
        mesh=mesh,
        compiler_params=cp,
        scratch_types=[
            pltpu.VMEM((N,), jnp.int32),
            pltpu.VMEM((3, N), jnp.float32),
            pltpu.VMEM((G, 128), jnp.int32),
            pltpu.VMEM((G, 128, C), jnp.int32),
            pltpu.VMEM((3, G, 128), jnp.int32),
            pltpu.VMEM((3, G, 128, C), jnp.float32),
            pltpu.VMEM((3, N), jnp.float32),
            pltpu.VMEM((3, G, 128, C), jnp.float32),
            pltpu.VMEM((C, N + 1), jnp.float32),
            pltpu.SemaphoreType.DMA,
        ],
    )
    out = run(attr16, faces16, xy16, p2f, bary_t)
    return out.reshape(BZ, C, SIZE, SIZE)

# --- scband reference (transcript-rebuilt; emitter-appended) ---
"""Pipeline reference for scband-attr2-uv-26276609917134 (READ-ONLY COPY).

The authoritative reference and input builder live on the scoring server;
editing this copy changes nothing except your own understanding.
"""

import jax, jax.numpy as jnp
import numpy as np

BZ = 8
SIZE = 256
NV = 35709
NF = 70789
C = 16
FTOT = BZ * NF
VTOT = BZ * NV


def setup_inputs(seed: int = 0) -> dict:
    key = jax.random.key(seed)
    ks = jax.random.split(key, 5)
    vert_attr = jax.random.normal(ks[0], (BZ, NV, C), dtype=jnp.float32)
    vert = jax.random.normal(ks[1], (BZ, NV, 3), dtype=jnp.float32)
    faces_packed = jax.random.randint(ks[2], (FTOT, 3), 0, VTOT, dtype=jnp.int32)
    # pix_to_face: -1 marks empty pixels (no face rasterized there)
    pix_to_face = jax.random.randint(ks[3], (BZ, SIZE, SIZE, 1), -1, FTOT, dtype=jnp.int32)
    b = jax.random.uniform(ks[4], (BZ, SIZE, SIZE, 1, 3), dtype=jnp.float32) + 1e-4
    bary_coords = b / jnp.sum(b, axis=-1, keepdims=True)  # valid barycentric weights
    return {
        "vert_attr": vert_attr,
        "vert": vert,
        "faces_packed": faces_packed,
        "pix_to_face": pix_to_face,
        "bary_coords": bary_coords,
    }


def _interpolate_face_attributes(pix_to_face, bary_coords, faces_attrs):
    # pix_to_face: [B,H,W,K] int, -1 = empty; bary_coords: [B,H,W,K,3]; faces_attrs: [F,3,C]
    empty = pix_to_face < 0
    idx = jnp.where(empty, 0, pix_to_face)
    attrs = jnp.take(faces_attrs, idx, axis=0)  # [B,H,W,K,3,C]
    px = jnp.sum(bary_coords[..., None] * attrs, axis=-2)  # [B,H,W,K,C]
    px = jnp.where(empty[..., None], 0.0, px)
    return px


def reference(vert_attr, vert, faces_packed, pix_to_face, bary_coords):
    c = vert_attr.shape[2]
    vert_attr_packed = vert_attr.reshape(-1, c)
    faces_attrs = jnp.take(vert_attr_packed, faces_packed, axis=0)  # [FTOT,3,C]
    # backface culling (cull=True path)
    vert_packed = vert.reshape(-1, 3)
    faces_verts = jnp.take(vert_packed, faces_packed, axis=0)  # [FTOT,3,3]
    v0 = faces_verts[:, 0]
    v1 = faces_verts[:, 1]
    v2 = faces_verts[:, 2]
    areas = (v0[:, 0] - v1[:, 0]) * (v2[:, 1] - v1[:, 1]) - (v0[:, 1] - v1[:, 1]) * (v2[:, 0] - v1[:, 0])
    mask = areas <= 0
    faces_attrs = jnp.where(mask[:, None, None], jnp.zeros((), dtype=faces_attrs.dtype), faces_attrs)
    uv_tex = _interpolate_face_attributes(pix_to_face, bary_coords, faces_attrs)  # [B,H,W,1,C]
    out = jnp.squeeze(uv_tex, axis=3)  # [B,H,W,C]
    out = jnp.transpose(out, (0, 3, 1, 2))  # [B,C,H,W]
    return out

if __name__ == "__main__":
    import jax
    _d = setup_inputs()
    print(jax.jit(kernel)(*tuple(_d.values())))

</pallas_src>

<mosaic_0001>
#map = affine_map<(d0, d1) -> (0, 0)>
module attributes {stable_mosaic.version = 14 : i64} {
  func.func @_pad_body(%arg0: i32, %arg1: i32, %arg2: memref<3x566312xi32, #tpu.memory_space<hbm>>, %arg3: memref<2x285672xf32, #tpu.memory_space<hbm>>, %arg4: memref<16x285672xf32, #tpu.memory_space<hbm>>, %arg5: memref<566312x16xi32, #tpu.memory_space<hbm>>, %arg6: memref<285672x16xf32, #tpu.memory_space<hbm>>, %arg7: memref<285672x16xf32, #tpu.memory_space<hbm>>, %arg8: memref<3x1024xi32, #tpu.memory_space<vmem>>, %arg9: memref<2x1024xf32, #tpu.memory_space<vmem>>, %arg10: memref<1024x16xi32, #tpu.memory_space<vmem>>, %arg11: memref<1024x16xf32, #tpu.memory_space<vmem>>, %arg12: memref<16x1025xf32, #tpu.memory_space<vmem>>, %arg13: memref<1024x16xf32, #tpu.memory_space<vmem>>, %arg14: memref<!tpu.dma_semaphore, #tpu.memory_space<semaphore_mem>>) attributes {dimension_semantics = [#tpu.dimension_semantics<core_parallel>, #tpu.dimension_semantics<subcore_parallel>], iteration_bounds = array<i64: 2, 16>, scalar_prefetch = 0 : i64, scratch_operands = 7 : i64, tpu.core_type = #tpu.core_type<sc_vector_subcore>, window_params = [{transform_indices = #map}, {transform_indices = #map}, {transform_indices = #map}, {transform_indices = #map}, {transform_indices = #map}, {transform_indices = #map}]} {
    %mul3A = arith.constant 2 : i32
    %mul3A_0 = arith.muli %arg1, %mul3A : i32
    %add3A = arith.addi %mul3A_0, %arg0 : i32
    %iota3A = tpu.iota {dimensions = array<i32: 0>} : vector<16xi32>
    %broadcast_in_dim3A = arith.constant 0 : i32
    %broadcast_in_dim3A_1 = vector.broadcast %broadcast_in_dim3A : i32 to vector<16xi32>
    %broadcast_in_dim3A_2 = arith.constant 1 : i32
    %broadcast_in_dim3A_3 = vector.broadcast %broadcast_in_dim3A_2 : i32 to vector<16xi32>
    %broadcast_in_dim3A_4 = arith.constant 2 : i32
    %broadcast_in_dim3A_5 = vector.broadcast %broadcast_in_dim3A_4 : i32 to vector<16xi32>
    %scan3A = arith.constant 0 : i32
    %scan3A_6 = arith.constant 0 : i32
    %scan3A_7 = arith.constant 18 : i32
    %scan3A_8 = arith.addi %scan3A_6, %scan3A_7 : i32
    %scan3A_9 = arith.constant 1 : i32
    scf.for %scan3A_23 = %scan3A_6 to %scan3A_8 step %scan3A_9  : i32 {
      %mul3A_24 = arith.constant 32 : i32
      %mul3A_25 = arith.muli %scan3A_23, %mul3A_24 : i32
      %add3A_26 = arith.addi %mul3A_25, %add3A : i32
      %lt3A = arith.constant 554 : i32
      %lt3A_27 = arith.cmpi slt, %add3A_26, %lt3A : i32
      %convert_element_type3A = arith.extui %lt3A_27 : i1 to i32
      %cond3A = arith.constant 0 : i32
      %cond3A_28 = arith.cmpi ne, %convert_element_type3A, %cond3A : i32
      scf.if %cond3A_28 {
        %mul3A_29 = arith.constant 1024 : i32
        %mul3A_30 = arith.muli %add3A_26, %mul3A_29 : i32
        %min3A = arith.constant 565288 : i32
        %min3A_31 = arith.minsi %mul3A_30, %min3A : i32
        %run_scoped3A = arith.constant 0 : i32
        %run_scoped3A_32 = arith.constant 0 : i32
        "tpu.region"() ({
          %run_scoped3A_43 = tpu.sem_alloc : memref<!tpu.dma_semaphore, #tpu.memory_space<semaphore_mem>>
          %dma_start3A = arith.constant 0 : i32
          %dma_start3A_44 = tpu.memref_slice %arg8[%run_scoped3A_32, %dma_start3A] : memref<3x1024xi32, #tpu.memory_space<vmem>> -> memref<1x1024xi32, #tpu.memory_space<vmem>>
          %dma_start3A_45 = tpu.memref_squeeze %dma_start3A_44 : memref<1x1024xi32, #tpu.memory_space<vmem>> -> memref<1024xi32, #tpu.memory_space<vmem>>
          %dma_start3A_46 = tpu.memref_slice %arg2[%run_scoped3A, %min3A_31] : memref<3x566312xi32, #tpu.memory_space<hbm>> -> memref<1x1024xi32, #tpu.memory_space<hbm>>
          %dma_start3A_47 = tpu.memref_squeeze %dma_start3A_46 : memref<1x1024xi32, #tpu.memory_space<hbm>> -> memref<1024xi32, #tpu.memory_space<hbm>>
          %dma_start3A_48 = arith.constant 0 : i32
          %dma_start3A_49 = tpu.memref_slice %arg8[%run_scoped3A_32, %dma_start3A_48] : memref<3x1024xi32, #tpu.memory_space<vmem>> -> memref<1x1024xi32, #tpu.memory_space<vmem>>
          %dma_start3A_50 = tpu.memref_squeeze %dma_start3A_49 : memref<1x1024xi32, #tpu.memory_space<vmem>> -> memref<1024xi32, #tpu.memory_space<vmem>>
          %dma_start3A_51 = tpu.memref_slice %arg2[%run_scoped3A, %min3A_31] : memref<3x566312xi32, #tpu.memory_space<hbm>> -> memref<1x1024xi32, #tpu.memory_space<hbm>>
          %dma_start3A_52 = tpu.memref_squeeze %dma_start3A_51 : memref<1x1024xi32, #tpu.memory_space<hbm>> -> memref<1024xi32, #tpu.memory_space<hbm>>
          tpu.enqueue_dma source(%dma_start3A_52 : memref<1024xi32, #tpu.memory_space<hbm>>) target(%dma_start3A_50 : memref<1024xi32, #tpu.memory_space<vmem>>) target_semaphore(%run_scoped3A_43 : memref<!tpu.dma_semaphore, #tpu.memory_space<semaphore_mem>>)
          %dma_wait3A = arith.constant 0 : i32
          %dma_wait3A_53 = tpu.memref_slice %arg8[%run_scoped3A_32, %dma_wait3A] : memref<3x1024xi32, #tpu.memory_space<vmem>> -> memref<1x1024xi32, #tpu.memory_space<vmem>>
          %dma_wait3A_54 = tpu.memref_squeeze %dma_wait3A_53 : memref<1x1024xi32, #tpu.memory_space<vmem>> -> memref<1024xi32, #tpu.memory_space<vmem>>
          %dma_wait3A_55 = tpu.memref_slice %arg2[%run_scoped3A, %min3A_31] : memref<3x566312xi32, #tpu.memory_space<hbm>> -> memref<1x1024xi32, #tpu.memory_space<hbm>>
          %dma_wait3A_56 = tpu.memref_squeeze %dma_wait3A_55 : memref<1x1024xi32, #tpu.memory_space<hbm>> -> memref<1024xi32, #tpu.memory_space<hbm>>
          %dma_wait3A_57 = arith.constant 0 : i32
          %dma_wait3A_58 = tpu.memref_slice %arg8[%run_scoped3A_32, %dma_wait3A_57] : memref<3x1024xi32, #tpu.memory_space<vmem>> -> memref<1x1024xi32, #tpu.memory_space<vmem>>
          %dma_wait3A_59 = tpu.memref_squeeze %dma_wait3A_58 : memref<1x1024xi32, #tpu.memory_space<vmem>> -> memref<1024xi32, #tpu.memory_space<vmem>>
          %dma_wait3A_60 = tpu.memref_slice %arg2[%run_scoped3A, %min3A_31] : memref<3x566312xi32, #tpu.memory_space<hbm>> -> memref<1x1024xi32, #tpu.memory_space<hbm>>
          %dma_wait3A_61 = tpu.memref_squeeze %dma_wait3A_60 : memref<1x1024xi32, #tpu.memory_space<hbm>> -> memref<1024xi32, #tpu.memory_space<hbm>>
          tpu.wait_dma2 semaphore(%run_scoped3A_43 : memref<!tpu.dma_semaphore, #tpu.memory_space<semaphore_mem>>) src(%dma_wait3A_61 : memref<1024xi32, #tpu.memory_space<hbm>>) dst(%dma_wait3A_59 : memref<1024xi32, #tpu.memory_space<vmem>>)
          tpu.yield
        }) : () -> ()
        %run_scoped3A_33 = arith.constant 1 : i32
        %run_scoped3A_34 = arith.constant 1 : i32
        "tpu.region"() ({
          %run_scoped3A_43 = tpu.sem_alloc : memref<!tpu.dma_semaphore, #tpu.memory_space<semaphore_mem>>
          %dma_start3A = arith.constant 0 : i32
          %dma_start3A_44 = tpu.memref_slice %arg8[%run_scoped3A_34, %dma_start3A] : memref<3x1024xi32, #tpu.memory_space<vmem>> -> memref<1x1024xi32, #tpu.memory_space<vmem>>
          %dma_start3A_45 = tpu.memref_squeeze %dma_start3A_44 : memref<1x1024xi32, #tpu.memory_space<vmem>> -> memref<1024xi32, #tpu.memory_space<vmem>>
          %dma_start3A_46 = tpu.memref_slice %arg2[%run_scoped3A_33, %min3A_31] : memref<3x566312xi32, #tpu.memory_space<hbm>> -> memref<1x1024xi32, #tpu.memory_space<hbm>>
          %dma_start3A_47 = tpu.memref_squeeze %dma_start3A_46 : memref<1x1024xi32, #tpu.memory_space<hbm>> -> memref<1024xi32, #tpu.memory_space<hbm>>
          %dma_start3A_48 = arith.constant 0 : i32
          %dma_start3A_49 = tpu.memref_slice %arg8[%run_scoped3A_34, %dma_start3A_48] : memref<3x1024xi32, #tpu.memory_space<vmem>> -> memref<1x1024xi32, #tpu.memory_space<vmem>>
          %dma_start3A_50 = tpu.memref_squeeze %dma_start3A_49 : memref<1x1024xi32, #tpu.memory_space<vmem>> -> memref<1024xi32, #tpu.memory_space<vmem>>
          %dma_start3A_51 = tpu.memref_slice %arg2[%run_scoped3A_33, %min3A_31] : memref<3x566312xi32, #tpu.memory_space<hbm>> -> memref<1x1024xi32, #tpu.memory_space<hbm>>
          %dma_start3A_52 = tpu.memref_squeeze %dma_start3A_51 : memref<1x1024xi32, #tpu.memory_space<hbm>> -> memref<1024xi32, #tpu.memory_space<hbm>>
          tpu.enqueue_dma source(%dma_start3A_52 : memref<1024xi32, #tpu.memory_space<hbm>>) target(%dma_start3A_50 : memref<1024xi32, #tpu.memory_space<vmem>>) target_semaphore(%run_scoped3A_43 : memref<!tpu.dma_semaphore, #tpu.memory_space<semaphore_mem>>)
          %dma_wait3A = arith.constant 0 : i32
          %dma_wait3A_53 = tpu.memref_slice %arg8[%run_scoped3A_34, %dma_wait3A] : memref<3x1024xi32, #tpu.memory_space<vmem>> -> memref<1x1024xi32, #tpu.memory_space<vmem>>
          %dma_wait3A_54 = tpu.memref_squeeze %dma_wait3A_53 : memref<1x1024xi32, #tpu.memory_space<vmem>> -> memref<1024xi32, #tpu.memory_space<vmem>>
          %dma_wait3A_55 = tpu.memref_slice %arg2[%run_scoped3A_33, %min3A_31] : memref<3x566312xi32, #tpu.memory_space<hbm>> -> memref<1x1024xi32, #tpu.memory_space<hbm>>
          %dma_wait3A_56 = tpu.memref_squeeze %dma_wait3A_55 : memref<1x1024xi32, #tpu.memory_space<hbm>> -> memref<1024xi32, #tpu.memory_space<hbm>>
          %dma_wait3A_57 = arith.constant 0 : i32
          %dma_wait3A_58 = tpu.memref_slice %arg8[%run_scoped3A_34, %dma_wait3A_57] : memref<3x1024xi32, #tpu.memory_space<vmem>> -> memref<1x1024xi32, #tpu.memory_space<vmem>>
          %dma_wait3A_59 = tpu.memref_squeeze %dma_wait3A_58 : memref<1x1024xi32, #tpu.memory_space<vmem>> -> memref<1024xi32, #tpu.memory_space<vmem>>
          %dma_wait3A_60 = tpu.memref_slice %arg2[%run_scoped3A_33, %min3A_31] : memref<3x566312xi32, #tpu.memory_space<hbm>> -> memref<1x1024xi32, #tpu.memory_space<hbm>>
          %dma_wait3A_61 = tpu.memref_squeeze %dma_wait3A_60 : memref<1x1024xi32, #tpu.memory_space<hbm>> -> memref<1024xi32, #tpu.memory_space<hbm>>
          tpu.wait_dma2 semaphore(%run_scoped3A_43 : memref<!tpu.dma_semaphore, #tpu.memory_space<semaphore_mem>>) src(%dma_wait3A_61 : memref<1024xi32, #tpu.memory_space<hbm>>) dst(%dma_wait3A_59 : memref<1024xi32, #tpu.memory_space<vmem>>)
          tpu.yield
        }) : () -> ()
        %run_scoped3A_35 = arith.constant 2 : i32
        %run_scoped3A_36 = arith.constant 2 : i32
        "tpu.region"() ({
          %run_scoped3A_43 = tpu.sem_alloc : memref<!tpu.dma_semaphore, #tpu.memory_space<semaphore_mem>>
          %dma_start3A = arith.constant 0 : i32
          %dma_start3A_44 = tpu.memref_slice %arg8[%run_scoped3A_36, %dma_start3A] : memref<3x1024xi32, #tpu.memory_space<vmem>> -> memref<1x1024xi32, #tpu.memory_space<vmem>>
          %dma_start3A_45 = tpu.memref_squeeze %dma_start3A_44 : memref<1x1024xi32, #tpu.memory_space<vmem>> -> memref<1024xi32, #tpu.memory_space<vmem>>
          %dma_start3A_46 = tpu.memref_slice %arg2[%run_scoped3A_35, %min3A_31] : memref<3x566312xi32, #tpu.memory_space<hbm>> -> memref<1x1024xi32, #tpu.memory_space<hbm>>
          %dma_start3A_47 = tpu.memref_squeeze %dma_start3A_46 : memref<1x1024xi32, #tpu.memory_space<hbm>> -> memref<1024xi32, #tpu.memory_space<hbm>>
          %dma_start3A_48 = arith.constant 0 : i32
          %dma_start3A_49 = tpu.memref_slice %arg8[%run_scoped3A_36, %dma_start3A_48] : memref<3x1024xi32, #tpu.memory_space<vmem>> -> memref<1x1024xi32, #tpu.memory_space<vmem>>
          %dma_start3A_50 = tpu.memref_squeeze %dma_start3A_49 : memref<1x1024xi32, #tpu.memory_space<vmem>> -> memref<1024xi32, #tpu.memory_space<vmem>>
          %dma_start3A_51 = tpu.memref_slice %arg2[%run_scoped3A_35, %min3A_31] : memref<3x566312xi32, #tpu.memory_space<hbm>> -> memref<1x1024xi32, #tpu.memory_space<hbm>>
          %dma_start3A_52 = tpu.memref_squeeze %dma_start3A_51 : memref<1x1024xi32, #tpu.memory_space<hbm>> -> memref<1024xi32, #tpu.memory_space<hbm>>
          tpu.enqueue_dma source(%dma_start3A_52 : memref<1024xi32, #tpu.memory_space<hbm>>) target(%dma_start3A_50 : memref<1024xi32, #tpu.memory_space<vmem>>) target_semaphore(%run_scoped3A_43 : memref<!tpu.dma_semaphore, #tpu.memory_space<semaphore_mem>>)
          %dma_wait3A = arith.constant 0 : i32
          %dma_wait3A_53 = tpu.memref_slice %arg8[%run_scoped3A_36, %dma_wait3A] : memref<3x1024xi32, #tpu.memory_space<vmem>> -> memref<1x1024xi32, #tpu.memory_space<vmem>>
          %dma_wait3A_54 = tpu.memref_squeeze %dma_wait3A_53 : memref<1x1024xi32, #tpu.memory_space<vmem>> -> memref<1024xi32, #tpu.memory_space<vmem>>
          %dma_wait3A_55 = tpu.memref_slice %arg2[%run_scoped3A_35, %min3A_31] : memref<3x566312xi32, #tpu.memory_space<hbm>> -> memref<1x1024xi32, #tpu.memory_space<hbm>>
          %dma_wait3A_56 = tpu.memref_squeeze %dma_wait3A_55 : memref<1x1024xi32, #tpu.memory_space<hbm>> -> memref<1024xi32, #tpu.memory_space<hbm>>
          %dma_wait3A_57 = arith.constant 0 : i32
          %dma_wait3A_58 = tpu.memref_slice %arg8[%run_scoped3A_36, %dma_wait3A_57] : memref<3x1024xi32, #tpu.memory_space<vmem>> -> memref<1x1024xi32, #tpu.memory_space<vmem>>
          %dma_wait3A_59 = tpu.memref_squeeze %dma_wait3A_58 : memref<1x1024xi32, #tpu.memory_space<vmem>> -> memref<1024xi32, #tpu.memory_space<vmem>>
          %dma_wait3A_60 = tpu.memref_slice %arg2[%run_scoped3A_35, %min3A_31] : memref<3x566312xi32, #tpu.memory_space<hbm>> -> memref<1x1024xi32, #tpu.memory_space<hbm>>
          %dma_wait3A_61 = tpu.memref_squeeze %dma_wait3A_60 : memref<1x1024xi32, #tpu.memory_space<hbm>> -> memref<1024xi32, #tpu.memory_space<hbm>>
          tpu.wait_dma2 semaphore(%run_scoped3A_43 : memref<!tpu.dma_semaphore, #tpu.memory_space<semaphore_mem>>) src(%dma_wait3A_61 : memref<1024xi32, #tpu.memory_space<hbm>>) dst(%dma_wait3A_59 : memref<1024xi32, #tpu.memory_space<vmem>>)
          tpu.yield
        }) : () -> ()
        %scan3A_37 = arith.constant 0 : i32
        %scan3A_38 = arith.constant 0 : i32
        %scan3A_39 = arith.constant 64 : i32
        %scan3A_40 = arith.addi %scan3A_38, %scan3A_39 : i32
        %scan3A_41 = arith.constant 1 : i32
        scf.for %scan3A_43 = %scan3A_38 to %scan3A_40 step %scan3A_41  : i32 {
          %mul3A_44 = arith.constant 16 : i32
          %mul3A_45 = arith.muli %scan3A_43, %mul3A_44 : i32
          %add3A_46 = vector.broadcast %mul3A_45 : i32 to vector<16xi32>
          %add3A_47 = arith.addi %iota3A, %add3A_46 : vector<16xi32>
          %mul3A_48 = arith.constant 16 : i32
          %mul3A_49 = arith.muli %scan3A_43, %mul3A_48 : i32
          %get3A = arith.constant 0 : i32
          %get3A_50 = arith.index_cast %get3A : i32 to index
          %get3A_51 = arith.index_cast %mul3A_49 : i32 to index
          %get3A_52 = tpu.vector_load %arg8[%get3A_50, %get3A_51] {strides = array<i32>} : memref<3x1024xi32, #tpu.memory_space<vmem>>, vector<16xi32>,
          %mul3A_53 = arith.constant 16 : i32
          %mul3A_54 = arith.muli %scan3A_43, %mul3A_53 : i32
          %get3A_55 = arith.constant 1 : i32
          %get3A_56 = arith.index_cast %get3A_55 : i32 to index
          %get3A_57 = arith.index_cast %mul3A_54 : i32 to index
          %get3A_58 = tpu.vector_load %arg8[%get3A_56, %get3A_57] {strides = array<i32>} : memref<3x1024xi32, #tpu.memory_space<vmem>>, vector<16xi32>,
          %mul3A_59 = arith.constant 16 : i32
          %mul3A_60 = arith.muli %scan3A_43, %mul3A_59 : i32
          %get3A_61 = arith.constant 2 : i32
          %get3A_62 = arith.index_cast %get3A_61 : i32 to index
          %get3A_63 = arith.index_cast %mul3A_60 : i32 to index
          %get3A_64 = tpu.vector_load %arg8[%get3A_62, %get3A_63] {strides = array<i32>} : memref<3x1024xi32, #tpu.memory_space<vmem>>, vector<16xi32>,
          tpu.vector_store_idx %arg10[%add3A_47, %broadcast_in_dim3A_1], %get3A_52 : memref<1024x16xi32, #tpu.memory_space<vmem>>[vector<16xi32>, vector<16xi32>], vector<16xi32>,
          tpu.vector_store_idx %arg10[%add3A_47, %broadcast_in_dim3A_3], %get3A_58 : memref<1024x16xi32, #tpu.memory_space<vmem>>[vector<16xi32>, vector<16xi32>], vector<16xi32>,
          tpu.vector_store_idx %arg10[%add3A_47, %broadcast_in_dim3A_5], %get3A_64 : memref<1024x16xi32, #tpu.memory_space<vmem>>[vector<16xi32>, vector<16xi32>], vector<16xi32>,
        }
        %scan3A_42 = arith.constant 64 : i32
        "tpu.region"() ({
          %run_scoped3A_43 = tpu.sem_alloc : memref<!tpu.dma_semaphore, #tpu.memory_space<semaphore_mem>>
          %dma_start3A = arith.constant 0 : i32
          %dma_start3A_44 = tpu.memref_slice %arg5[%min3A_31, %dma_start3A] : memref<566312x16xi32, #tpu.memory_space<hbm>> -> memref<1024x16xi32, #tpu.memory_space<hbm>>
          %dma_start3A_45 = arith.constant 0 : i32
          %dma_start3A_46 = tpu.memref_slice %arg5[%min3A_31, %dma_start3A_45] : memref<566312x16xi32, #tpu.memory_space<hbm>> -> memref<1024x16xi32, #tpu.memory_space<hbm>>
          tpu.enqueue_dma source(%arg10 : memref<1024x16xi32, #tpu.memory_space<vmem>>) target(%dma_start3A_46 : memref<1024x16xi32, #tpu.memory_space<hbm>>) target_semaphore(%run_scoped3A_43 : memref<!tpu.dma_semaphore, #tpu.memory_space<semaphore_mem>>)
          %dma_wait3A = arith.constant 0 : i32
          %dma_wait3A_47 = tpu.memref_slice %arg5[%min3A_31, %dma_wait3A] : memref<566312x16xi32, #tpu.memory_space<hbm>> -> memref<1024x16xi32, #tpu.memory_space<hbm>>
          %dma_wait3A_48 = arith.constant 0 : i32
          %dma_wait3A_49 = tpu.memref_slice %arg5[%min3A_31, %dma_wait3A_48] : memref<566312x16xi32, #tpu.memory_space<hbm>> -> memref<1024x16xi32, #tpu.memory_space<hbm>>
          tpu.wait_dma2 semaphore(%run_scoped3A_43 : memref<!tpu.dma_semaphore, #tpu.memory_space<semaphore_mem>>) src(%arg10 : memref<1024x16xi32, #tpu.memory_space<vmem>>) dst(%dma_wait3A_49 : memref<1024x16xi32, #tpu.memory_space<hbm>>)
          tpu.yield
        }) : () -> ()
      } else {
      }
    }
    %scan3A_10 = arith.constant 18 : i32
    %scan3A_11 = arith.constant 0 : i32
    %scan3A_12 = arith.constant 0 : i32
    %scan3A_13 = arith.constant 9 : i32
    %scan3A_14 = arith.addi %scan3A_12, %scan3A_13 : i32
    %scan3A_15 = arith.constant 1 : i32
    scf.for %scan3A_23 = %scan3A_12 to %scan3A_14 step %scan3A_15  : i32 {
      %mul3A_24 = arith.constant 32 : i32
      %mul3A_25 = arith.muli %scan3A_23, %mul3A_24 : i32
      %add3A_26 = arith.addi %mul3A_25, %add3A : i32
      %lt3A = arith.constant 279 : i32
      %lt3A_27 = arith.cmpi slt, %add3A_26, %lt3A : i32
      %convert_element_type3A = arith.extui %lt3A_27 : i1 to i32
      %cond3A = arith.constant 0 : i32
      %cond3A_28 = arith.cmpi ne, %convert_element_type3A, %cond3A : i32
      scf.if %cond3A_28 {
        %mul3A_29 = arith.constant 1024 : i32
        %mul3A_30 = arith.muli %add3A_26, %mul3A_29 : i32
        %min3A = arith.constant 284648 : i32
        %min3A_31 = arith.minsi %mul3A_30, %min3A : i32
        %run_scoped3A = arith.constant 0 : i32
        %run_scoped3A_32 = arith.constant 0 : i32
        "tpu.region"() ({
          %run_scoped3A_41 = tpu.sem_alloc : memref<!tpu.dma_semaphore, #tpu.memory_space<semaphore_mem>>
          %dma_start3A = arith.constant 0 : i32
          %dma_start3A_42 = tpu.memref_slice %arg9[%run_scoped3A_32, %dma_start3A] : memref<2x1024xf32, #tpu.memory_space<vmem>> -> memref<1x1024xf32, #tpu.memory_space<vmem>>
          %dma_start3A_43 = tpu.memref_squeeze %dma_start3A_42 : memref<1x1024xf32, #tpu.memory_space<vmem>> -> memref<1024xf32, #tpu.memory_space<vmem>>
          %dma_start3A_44 = tpu.memref_slice %arg3[%run_scoped3A, %min3A_31] : memref<2x285672xf32, #tpu.memory_space<hbm>> -> memref<1x1024xf32, #tpu.memory_space<hbm>>
          %dma_start3A_45 = tpu.memref_squeeze %dma_start3A_44 : memref<1x1024xf32, #tpu.memory_space<hbm>> -> memref<1024xf32, #tpu.memory_space<hbm>>
          %dma_start3A_46 = arith.constant 0 : i32
          %dma_start3A_47 = tpu.memref_slice %arg9[%run_scoped3A_32, %dma_start3A_46] : memref<2x1024xf32, #tpu.memory_space<vmem>> -> memref<1x1024xf32, #tpu.memory_space<vmem>>
          %dma_start3A_48 = tpu.memref_squeeze %dma_start3A_47 : memref<1x1024xf32, #tpu.memory_space<vmem>> -> memref<1024xf32, #tpu.memory_space<vmem>>
          %dma_start3A_49 = tpu.memref_slice %arg3[%run_scoped3A, %min3A_31] : memref<2x285672xf32, #tpu.memory_space<hbm>> -> memref<1x1024xf32, #tpu.memory_space<hbm>>
          %dma_start3A_50 = tpu.memref_squeeze %dma_start3A_49 : memref<1x1024xf32, #tpu.memory_space<hbm>> -> memref<1024xf32, #tpu.memory_space<hbm>>
          tpu.enqueue_dma source(%dma_start3A_50 : memref<1024xf32, #tpu.memory_space<hbm>>) target(%dma_start3A_48 : memref<1024xf32, #tpu.memory_space<vmem>>) target_semaphore(%run_scoped3A_41 : memref<!tpu.dma_semaphore, #tpu.memory_space<semaphore_mem>>)
          %dma_wait3A = arith.constant 0 : i32
          %dma_wait3A_51 = tpu.memref_slice %arg9[%run_scoped3A_32, %dma_wait3A] : memref<2x1024xf32, #tpu.memory_space<vmem>> -> memref<1x1024xf32, #tpu.memory_space<vmem>>
          %dma_wait3A_52 = tpu.memref_squeeze %dma_wait3A_51 : memref<1x1024xf32, #tpu.memory_space<vmem>> -> memref<1024xf32, #tpu.memory_space<vmem>>
          %dma_wait3A_53 = tpu.memref_slice %arg3[%run_scoped3A, %min3A_31] : memref<2x285672xf32, #tpu.memory_space<hbm>> -> memref<1x1024xf32, #tpu.memory_space<hbm>>
          %dma_wait3A_54 = tpu.memref_squeeze %dma_wait3A_53 : memref<1x1024xf32, #tpu.memory_space<hbm>> -> memref<1024xf32, #tpu.memory_space<hbm>>
          %dma_wait3A_55 = arith.constant 0 : i32
          %dma_wait3A_56 = tpu.memref_slice %arg9[%run_scoped3A_32, %dma_wait3A_55] : memref<2x1024xf32, #tpu.memory_space<vmem>> -> memref<1x1024xf32, #tpu.memory_space<vmem>>
          %dma_wait3A_57 = tpu.memref_squeeze %dma_wait3A_56 : memref<1x1024xf32, #tpu.memory_space<vmem>> -> memref<1024xf32, #tpu.memory_space<vmem>>
          %dma_wait3A_58 = tpu.memref_slice %arg3[%run_scoped3A, %min3A_31] : memref<2x285672xf32, #tpu.memory_space<hbm>> -> memref<1x1024xf32, #tpu.memory_space<hbm>>
          %dma_wait3A_59 = tpu.memref_squeeze %dma_wait3A_58 : memref<1x1024xf32, #tpu.memory_space<hbm>> -> memref<1024xf32, #tpu.memory_space<hbm>>
          tpu.wait_dma2 semaphore(%run_scoped3A_41 : memref<!tpu.dma_semaphore, #tpu.memory_space<semaphore_mem>>) src(%dma_wait3A_59 : memref<1024xf32, #tpu.memory_space<hbm>>) dst(%dma_wait3A_57 : memref<1024xf32, #tpu.memory_space<vmem>>)
          tpu.yield
        }) : () -> ()
        %run_scoped3A_33 = arith.constant 1 : i32
        %run_scoped3A_34 = arith.constant 1 : i32
        "tpu.region"() ({
          %run_scoped3A_41 = tpu.sem_alloc : memref<!tpu.dma_semaphore, #tpu.memory_space<semaphore_mem>>
          %dma_start3A = arith.constant 0 : i32
          %dma_start3A_42 = tpu.memref_slice %arg9[%run_scoped3A_34, %dma_start3A] : memref<2x1024xf32, #tpu.memory_space<vmem>> -> memref<1x1024xf32, #tpu.memory_space<vmem>>
          %dma_start3A_43 = tpu.memref_squeeze %dma_start3A_42 : memref<1x1024xf32, #tpu.memory_space<vmem>> -> memref<1024xf32, #tpu.memory_space<vmem>>
          %dma_start3A_44 = tpu.memref_slice %arg3[%run_scoped3A_33, %min3A_31] : memref<2x285672xf32, #tpu.memory_space<hbm>> -> memref<1x1024xf32, #tpu.memory_space<hbm>>
          %dma_start3A_45 = tpu.memref_squeeze %dma_start3A_44 : memref<1x1024xf32, #tpu.memory_space<hbm>> -> memref<1024xf32, #tpu.memory_space<hbm>>
          %dma_start3A_46 = arith.constant 0 : i32
          %dma_start3A_47 = tpu.memref_slice %arg9[%run_scoped3A_34, %dma_start3A_46] : memref<2x1024xf32, #tpu.memory_space<vmem>> -> memref<1x1024xf32, #tpu.memory_space<vmem>>
          %dma_start3A_48 = tpu.memref_squeeze %dma_start3A_47 : memref<1x1024xf32, #tpu.memory_space<vmem>> -> memref<1024xf32, #tpu.memory_space<vmem>>
          %dma_start3A_49 = tpu.memref_slice %arg3[%run_scoped3A_33, %min3A_31] : memref<2x285672xf32, #tpu.memory_space<hbm>> -> memref<1x1024xf32, #tpu.memory_space<hbm>>
          %dma_start3A_50 = tpu.memref_squeeze %dma_start3A_49 : memref<1x1024xf32, #tpu.memory_space<hbm>> -> memref<1024xf32, #tpu.memory_space<hbm>>
          tpu.enqueue_dma source(%dma_start3A_50 : memref<1024xf32, #tpu.memory_space<hbm>>) target(%dma_start3A_48 : memref<1024xf32, #tpu.memory_space<vmem>>) target_semaphore(%run_scoped3A_41 : memref<!tpu.dma_semaphore, #tpu.memory_space<semaphore_mem>>)
          %dma_wait3A = arith.constant 0 : i32
          %dma_wait3A_51 = tpu.memref_slice %arg9[%run_scoped3A_34, %dma_wait3A] : memref<2x1024xf32, #tpu.memory_space<vmem>> -> memref<1x1024xf32, #tpu.memory_space<vmem>>
          %dma_wait3A_52 = tpu.memref_squeeze %dma_wait3A_51 : memref<1x1024xf32, #tpu.memory_space<vmem>> -> memref<1024xf32, #tpu.memory_space<vmem>>
          %dma_wait3A_53 = tpu.memref_slice %arg3[%run_scoped3A_33, %min3A_31] : memref<2x285672xf32, #tpu.memory_space<hbm>> -> memref<1x1024xf32, #tpu.memory_space<hbm>>
          %dma_wait3A_54 = tpu.memref_squeeze %dma_wait3A_53 : memref<1x1024xf32, #tpu.memory_space<hbm>> -> memref<1024xf32, #tpu.memory_space<hbm>>
          %dma_wait3A_55 = arith.constant 0 : i32
          %dma_wait3A_56 = tpu.memref_slice %arg9[%run_scoped3A_34, %dma_wait3A_55] : memref<2x1024xf32, #tpu.memory_space<vmem>> -> memref<1x1024xf32, #tpu.memory_space<vmem>>
          %dma_wait3A_57 = tpu.memref_squeeze %dma_wait3A_56 : memref<1x1024xf32, #tpu.memory_space<vmem>> -> memref<1024xf32, #tpu.memory_space<vmem>>
          %dma_wait3A_58 = tpu.memref_slice %arg3[%run_scoped3A_33, %min3A_31] : memref<2x285672xf32, #tpu.memory_space<hbm>> -> memref<1x1024xf32, #tpu.memory_space<hbm>>
          %dma_wait3A_59 = tpu.memref_squeeze %dma_wait3A_58 : memref<1x1024xf32, #tpu.memory_space<hbm>> -> memref<1024xf32, #tpu.memory_space<hbm>>
          tpu.wait_dma2 semaphore(%run_scoped3A_41 : memref<!tpu.dma_semaphore, #tpu.memory_space<semaphore_mem>>) src(%dma_wait3A_59 : memref<1024xf32, #tpu.memory_space<hbm>>) dst(%dma_wait3A_57 : memref<1024xf32, #tpu.memory_space<vmem>>)
          tpu.yield
        }) : () -> ()
        %scan3A_35 = arith.constant 0 : i32
        %scan3A_36 = arith.constant 0 : i32
        %scan3A_37 = arith.constant 64 : i32
        %scan3A_38 = arith.addi %scan3A_36, %scan3A_37 : i32
        %scan3A_39 = arith.constant 1 : i32
        scf.for %scan3A_41 = %scan3A_36 to %scan3A_38 step %scan3A_39  : i32 {
          %mul3A_42 = arith.constant 16 : i32
          %mul3A_43 = arith.muli %scan3A_41, %mul3A_42 : i32
          %add3A_44 = vector.broadcast %mul3A_43 : i32 to vector<16xi32>
          %add3A_45 = arith.addi %iota3A, %add3A_44 : vector<16xi32>
          %mul3A_46 = arith.constant 16 : i32
          %mul3A_47 = arith.muli %scan3A_41, %mul3A_46 : i32
          %get3A = arith.constant 0 : i32
          %get3A_48 = arith.index_cast %get3A : i32 to index
          %get3A_49 = arith.index_cast %mul3A_47 : i32 to index
          %get3A_50 = tpu.vector_load %arg9[%get3A_48, %get3A_49] {strides = array<i32>} : memref<2x1024xf32, #tpu.memory_space<vmem>>, vector<16xf32>,
          %mul3A_51 = arith.constant 16 : i32
          %mul3A_52 = arith.muli %scan3A_41, %mul3A_51 : i32
          %get3A_53 = arith.constant 1 : i32
          %get3A_54 = arith.index_cast %get3A_53 : i32 to index
          %get3A_55 = arith.index_cast %mul3A_52 : i32 to index
          %get3A_56 = tpu.vector_load %arg9[%get3A_54, %get3A_55] {strides = array<i32>} : memref<2x1024xf32, #tpu.memory_space<vmem>>, vector<16xf32>,
          tpu.vector_store_idx %arg11[%add3A_45, %broadcast_in_dim3A_1], %get3A_50 : memref<1024x16xf32, #tpu.memory_space<vmem>>[vector<16xi32>, vector<16xi32>], vector<16xf32>,
          tpu.vector_store_idx %arg11[%add3A_45, %broadcast_in_dim3A_3], %get3A_56 : memref<1024x16xf32, #tpu.memory_space<vmem>>[vector<16xi32>, vector<16xi32>], vector<16xf32>,
        }
        %scan3A_40 = arith.constant 64 : i32
        "tpu.region"() ({
          %run_scoped3A_41 = tpu.sem_alloc : memref<!tpu.dma_semaphore, #tpu.memory_space<semaphore_mem>>
          %dma_start3A = arith.constant 0 : i32
          %dma_start3A_42 = tpu.memref_slice %arg6[%min3A_31, %dma_start3A] : memref<285672x16xf32, #tpu.memory_space<hbm>> -> memref<1024x16xf32, #tpu.memory_space<hbm>>
          %dma_start3A_43 = arith.constant 0 : i32
          %dma_start3A_44 = tpu.memref_slice %arg6[%min3A_31, %dma_start3A_43] : memref<285672x16xf32, #tpu.memory_space<hbm>> -> memref<1024x16xf32, #tpu.memory_space<hbm>>
          tpu.enqueue_dma source(%arg11 : memref<1024x16xf32, #tpu.memory_space<vmem>>) target(%dma_start3A_44 : memref<1024x16xf32, #tpu.memory_space<hbm>>) target_semaphore(%run_scoped3A_41 : memref<!tpu.dma_semaphore, #tpu.memory_space<semaphore_mem>>)
          %dma_wait3A = arith.constant 0 : i32
          %dma_wait3A_45 = tpu.memref_slice %arg6[%min3A_31, %dma_wait3A] : memref<285672x16xf32, #tpu.memory_space<hbm>> -> memref<1024x16xf32, #tpu.memory_space<hbm>>
          %dma_wait3A_46 = arith.constant 0 : i32
          %dma_wait3A_47 = tpu.memref_slice %arg6[%min3A_31, %dma_wait3A_46] : memref<285672x16xf32, #tpu.memory_space<hbm>> -> memref<1024x16xf32, #tpu.memory_space<hbm>>
          tpu.wait_dma2 semaphore(%run_scoped3A_41 : memref<!tpu.dma_semaphore, #tpu.memory_space<semaphore_mem>>) src(%arg11 : memref<1024x16xf32, #tpu.memory_space<vmem>>) dst(%dma_wait3A_47 : memref<1024x16xf32, #tpu.memory_space<hbm>>)
          tpu.yield
        }) : () -> ()
      } else {
      }
    }
    %scan3A_16 = arith.constant 9 : i32
    %scan3A_17 = arith.constant 0 : i32
    %scan3A_18 = arith.constant 0 : i32
    %scan3A_19 = arith.constant 9 : i32
    %scan3A_20 = arith.addi %scan3A_18, %scan3A_19 : i32
    %scan3A_21 = arith.constant 1 : i32
    scf.for %scan3A_23 = %scan3A_18 to %scan3A_20 step %scan3A_21  : i32 {
      %mul3A_24 = arith.constant 32 : i32
      %mul3A_25 = arith.muli %scan3A_23, %mul3A_24 : i32
      %add3A_26 = arith.addi %mul3A_25, %add3A : i32
      %lt3A = arith.constant 279 : i32
      %lt3A_27 = arith.cmpi slt, %add3A_26, %lt3A : i32
      %convert_element_type3A = arith.extui %lt3A_27 : i1 to i32
      %cond3A = arith.constant 0 : i32
      %cond3A_28 = arith.cmpi ne, %convert_element_type3A, %cond3A : i32
      scf.if %cond3A_28 {
        %mul3A_29 = arith.constant 1024 : i32
        %mul3A_30 = arith.muli %add3A_26, %mul3A_29 : i32
        %min3A = arith.constant 284648 : i32
        %min3A_31 = arith.minsi %mul3A_30, %min3A : i32
        %dma_start3A = arith.constant 0 : i32
        %dma_start3A_32 = arith.constant 0 : i32
        %dma_start3A_33 = arith.constant 0 : i32
        %dma_start3A_34 = tpu.memref_slice %arg12[%dma_start3A_32, %dma_start3A_33] : memref<16x1025xf32, #tpu.memory_space<vmem>> -> memref<1x1024xf32, #tpu.memory_space<vmem>>
        %dma_start3A_35 = tpu.memref_squeeze %dma_start3A_34 : memref<1x1024xf32, #tpu.memory_space<vmem>> -> memref<1024xf32, #tpu.memory_space<vmem>>
        %dma_start3A_36 = tpu.memref_slice %arg4[%dma_start3A, %min3A_31] : memref<16x285672xf32, #tpu.memory_space<hbm>> -> memref<1x1024xf32, #tpu.memory_space<hbm>>
        %dma_start3A_37 = tpu.memref_squeeze %dma_start3A_36 : memref<1x1024xf32, #tpu.memory_space<hbm>> -> memref<1024xf32, #tpu.memory_space<hbm>>
        %dma_start3A_38 = arith.constant 0 : i32
        %dma_start3A_39 = tpu.memref_slice %arg12[%dma_start3A_32, %dma_start3A_38] : memref<16x1025xf32, #tpu.memory_space<vmem>> -> memref<1x1024xf32, #tpu.memory_space<vmem>>
        %dma_start3A_40 = tpu.memref_squeeze %dma_start3A_39 : memref<1x1024xf32, #tpu.memory_space<vmem>> -> memref<1024xf32, #tpu.memory_space<vmem>>
        %dma_start3A_41 = tpu.memref_slice %arg4[%dma_start3A, %min3A_31] : memref<16x285672xf32, #tpu.memory_space<hbm>> -> memref<1x1024xf32, #tpu.memory_space<hbm>>
        %dma_start3A_42 = tpu.memref_squeeze %dma_start3A_41 : memref<1x1024xf32, #tpu.memory_space<hbm>> -> memref<1024xf32, #tpu.memory_space<hbm>>
        tpu.enqueue_dma source(%dma_start3A_42 : memref<1024xf32, #tpu.memory_space<hbm>>) target(%dma_start3A_40 : memref<1024xf32, #tpu.memory_space<vmem>>) target_semaphore(%arg14 : memref<!tpu.dma_semaphore, #tpu.memory_space<semaphore_mem>>)
        %dma_start3A_43 = arith.constant 1 : i32
        %dma_start3A_44 = arith.constant 1 : i32
        %dma_start3A_45 = arith.constant 0 : i32
        %dma_start3A_46 = tpu.memref_slice %arg12[%dma_start3A_44, %dma_start3A_45] : memref<16x1025xf32, #tpu.memory_space<vmem>> -> memref<1x1024xf32, #tpu.memory_space<vmem>>
        %dma_start3A_47 = tpu.memref_squeeze %dma_start3A_46 : memref<1x1024xf32, #tpu.memory_space<vmem>> -> memref<1024xf32, #tpu.memory_space<vmem>>
        %dma_start3A_48 = tpu.memref_slice %arg4[%dma_start3A_43, %min3A_31] : memref<16x285672xf32, #tpu.memory_space<hbm>> -> memref<1x1024xf32, #tpu.memory_space<hbm>>
        %dma_start3A_49 = tpu.memref_squeeze %dma_start3A_48 : memref<1x1024xf32, #tpu.memory_space<hbm>> -> memref<1024xf32, #tpu.memory_space<hbm>>
        %dma_start3A_50 = arith.constant 0 : i32
        %dma_start3A_51 = tpu.memref_slice %arg12[%dma_start3A_44, %dma_start3A_50] : memref<16x1025xf32, #tpu.memory_space<vmem>> -> memref<1x1024xf32, #tpu.memory_space<vmem>>
        %dma_start3A_52 = tpu.memref_squeeze %dma_start3A_51 : memref<1x1024xf32, #tpu.memory_space<vmem>> -> memref<1024xf32, #tpu.memory_space<vmem>>
        %dma_start3A_53 = tpu.memref_slice %arg4[%dma_start3A_43, %min3A_31] : memref<16x285672xf32, #tpu.memory_space<hbm>> -> memref<1x1024xf32, #tpu.memory_space<hbm>>
        %dma_start3A_54 = tpu.memref_squeeze %dma_start3A_53 : memref<1x1024xf32, #tpu.memory_space<hbm>> -> memref<1024xf32, #tpu.memory_space<hbm>>
        tpu.enqueue_dma source(%dma_start3A_54 : memref<1024xf32, #tpu.memory_space<hbm>>) target(%dma_start3A_52 : memref<1024xf32, #tpu.memory_space<vmem>>) target_semaphore(%arg14 : memref<!tpu.dma_semaphore, #tpu.memory_space<semaphore_mem>>)
        %dma_start3A_55 = arith.constant 2 : i32
        %dma_start3A_56 = arith.constant 2 : i32
        %dma_start3A_57 = arith.constant 0 : i32
        %dma_start3A_58 = tpu.memref_slice %arg12[%dma_start3A_56, %dma_start3A_57] : memref<16x1025xf32, #tpu.memory_space<vmem>> -> memref<1x1024xf32, #tpu.memory_space<vmem>>
        %dma_start3A_59 = tpu.memref_squeeze %dma_start3A_58 : memref<1x1024xf32, #tpu.memory_space<vmem>> -> memref<1024xf32, #tpu.memory_space<vmem>>
        %dma_start3A_60 = tpu.memref_slice %arg4[%dma_start3A_55, %min3A_31] : memref<16x285672xf32, #tpu.memory_space<hbm>> -> memref<1x1024xf32, #tpu.memory_space<hbm>>
        %dma_start3A_61 = tpu.memref_squeeze %dma_start3A_60 : memref<1x1024xf32, #tpu.memory_space<hbm>> -> memref<1024xf32, #tpu.memory_space<hbm>>
        %dma_start3A_62 = arith.constant 0 : i32
        %dma_start3A_63 = tpu.memref_slice %arg12[%dma_start3A_56, %dma_start3A_62] : memref<16x1025xf32, #tpu.memory_space<vmem>> -> memref<1x1024xf32, #tpu.memory_space<vmem>>
        %dma_start3A_64 = tpu.memref_squeeze %dma_start3A_63 : memref<1x1024xf32, #tpu.memory_space<vmem>> -> memref<1024xf32, #tpu.memory_space<vmem>>
        %dma_start3A_65 = tpu.memref_slice %arg4[%dma_start3A_55, %min3A_31] : memref<16x285672xf32, #tpu.memory_space<hbm>> -> memref<1x1024xf32, #tpu.memory_space<hbm>>
        %dma_start3A_66 = tpu.memref_squeeze %dma_start3A_65 : memref<1x1024xf32, #tpu.memory_space<hbm>> -> memref<1024xf32, #tpu.memory_space<hbm>>
        tpu.enqueue_dma source(%dma_start3A_66 : memref<1024xf32, #tpu.memory_space<hbm>>) target(%dma_start3A_64 : memref<1024xf32, #tpu.memory_space<vmem>>) target_semaphore(%arg14 : memref<!tpu.dma_semaphore, #tpu.memory_space<semaphore_mem>>)
        %dma_start3A_67 = arith.constant 3 : i32
        %dma_start3A_68 = arith.constant 3 : i32
        %dma_start3A_69 = arith.constant 0 : i32
        %dma_start3A_70 = tpu.memref_slice %arg12[%dma_start3A_68, %dma_start3A_69] : memref<16x1025xf32, #tpu.memory_space<vmem>> -> memref<1x1024xf32, #tpu.memory_space<vmem>>
        %dma_start3A_71 = tpu.memref_squeeze %dma_start3A_70 : memref<1x1024xf32, #tpu.memory_space<vmem>> -> memref<1024xf32, #tpu.memory_space<vmem>>
        %dma_start3A_72 = tpu.memref_slice %arg4[%dma_start3A_67, %min3A_31] : memref<16x285672xf32, #tpu.memory_space<hbm>> -> memref<1x1024xf32, #tpu.memory_space<hbm>>
        %dma_start3A_73 = tpu.memref_squeeze %dma_start3A_72 : memref<1x1024xf32, #tpu.memory_space<hbm>> -> memref<1024xf32, #tpu.memory_space<hbm>>
        %dma_start3A_74 = arith.constant 0 : i32
        %dma_start3A_75 = tpu.memref_slice %arg12[%dma_start3A_68, %dma_start3A_74] : memref<16x1025xf32, #tpu.memory_space<vmem>> -> memref<1x1024xf32, #tpu.memory_space<vmem>>
        %dma_start3A_76 = tpu.memref_squeeze %dma_start3A_75 : memref<1x1024xf32, #tpu.memory_space<vmem>> -> memref<1024xf32, #tpu.memory_space<vmem>>
        %dma_start3A_77 = tpu.memref_slice %arg4[%dma_start3A_67, %min3A_31] : memref<16x285672xf32, #tpu.memory_space<hbm>> -> memref<1x1024xf32, #tpu.memory_space<hbm>>
        %dma_start3A_78 = tpu.memref_squeeze %dma_start3A_77 : memref<1x1024xf32, #tpu.memory_space<hbm>> -> memref<1024xf32, #tpu.memory_space<hbm>>
        tpu.enqueue_dma source(%dma_start3A_78 : memref<1024xf32, #tpu.memory_space<hbm>>) target(%dma_start3A_76 : memref<1024xf32, #tpu.memory_space<vmem>>) target_semaphore(%arg14 : memref<!tpu.dma_semaphore, #tpu.memory_space<semaphore_mem>>)
        %dma_start3A_79 = arith.constant 4 : i32
        %dma_start3A_80 = arith.constant 4 : i32
        %dma_start3A_81 = arith.constant 0 : i32
        %dma_start3A_82 = tpu.memref_slice %arg12[%dma_start3A_80, %dma_start3A_81] : memref<16x1025xf32, #tpu.memory_space<vmem>> -> memref<1x1024xf32, #tpu.memory_space<vmem>>
        %dma_start3A_83 = tpu.memref_squeeze %dma_start3A_82 : memref<1x1024xf32, #tpu.memory_space<vmem>> -> memref<1024xf32, #tpu.memory_space<vmem>>
        %dma_start3A_84 = tpu.memref_slice %arg4[%dma_start3A_79, %min3A_31] : memref<16x285672xf32, #tpu.memory_space<hbm>> -> memref<1x1024xf32, #tpu.memory_space<hbm>>
        %dma_start3A_85 = tpu.memref_squeeze %dma_start3A_84 : memref<1x1024xf32, #tpu.memory_space<hbm>> -> memref<1024xf32, #tpu.memory_space<hbm>>
        %dma_start3A_86 = arith.constant 0 : i32
        %dma_start3A_87 = tpu.memref_slice %arg12[%dma_start3A_80, %dma_start3A_86] : memref<16x1025xf32, #tpu.memory_space<vmem>> -> memref<1x1024xf32, #tpu.memory_space<vmem>>
        %dma_start3A_88 = tpu.memref_squeeze %dma_start3A_87 : memref<1x1024xf32, #tpu.memory_space<vmem>> -> memref<1024xf32, #tpu.memory_space<vmem>>
        %dma_start3A_89 = tpu.memref_slice %arg4[%dma_start3A_79, %min3A_31] : memref<16x285672xf32, #tpu.memory_space<hbm>> -> memref<1x1024xf32, #tpu.memory_space<hbm>>
        %dma_start3A_90 = tpu.memref_squeeze %dma_start3A_89 : memref<1x1024xf32, #tpu.memory_space<hbm>> -> memref<1024xf32, #tpu.memory_space<hbm>>
        tpu.enqueue_dma source(%dma_start3A_90 : memref<1024xf32, #tpu.memory_space<hbm>>) target(%dma_start3A_88 : memref<1024xf32, #tpu.memory_space<vmem>>) target_semaphore(%arg14 : memref<!tpu.dma_semaphore, #tpu.memory_space<semaphore_mem>>)
        %dma_start3A_91 = arith.constant 5 : i32
        %dma_start3A_92 = arith.constant 5 : i32
        %dma_start3A_93 = arith.constant 0 : i32
        %dma_start3A_94 = tpu.memref_slice %arg12[%dma_start3A_92, %dma_start3A_93] : memref<16x1025xf32, #tpu.memory_space<vmem>> -> memref<1x1024xf32, #tpu.memory_space<vmem>>
        %dma_start3A_95 = tpu.memref_squeeze %dma_start3A_94 : memref<1x1024xf32, #tpu.memory_space<vmem>> -> memref<1024xf32, #tpu.memory_space<vmem>>
        %dma_start3A_96 = tpu.memref_slice %arg4[%dma_start3A_91, %min3A_31] : memref<16x285672xf32, #tpu.memory_space<hbm>> -> memref<1x1024xf32, #tpu.memory_space<hbm>>
        %dma_start3A_97 = tpu.memref_squeeze %dma_start3A_96 : memref<1x1024xf32, #tpu.memory_space<hbm>> -> memref<1024xf32, #tpu.memory_space<hbm>>
        %dma_start3A_98 = arith.constant 0 : i32
        %dma_start3A_99 = tpu.memref_slice %arg12[%dma_start3A_92, %dma_start3A_98] : memref<16x1025xf32, #tpu.memory_space<vmem>> -> memref<1x1024xf32, #tpu.memory_space<vmem>>
        %dma_start3A_100 = tpu.memref_squeeze %dma_start3A_99 : memref<1x1024xf32, #tpu.memory_space<vmem>> -> memref<1024xf32, #tpu.memory_space<vmem>>
        %dma_start3A_101 = tpu.memref_slice %arg4[%dma_start3A_91, %min3A_31] : memref<16x285672xf32, #tpu.memory_space<hbm>> -> memref<1x1024xf32, #tpu.memory_space<hbm>>
        %dma_start3A_102 = tpu.memref_squeeze %dma_start3A_101 : memref<1x1024xf32, #tpu.memory_space<hbm>> -> memref<1024xf32, #tpu.memory_space<hbm>>
        tpu.enqueue_dma source(%dma_start3A_102 : memref<1024xf32, #tpu.memory_space<hbm>>) target(%dma_start3A_100 : memref<1024xf32, #tpu.memory_space<vmem>>) target_semaphore(%arg14 : memref<!tpu.dma_semaphore, #tpu.memory_space<semaphore_mem>>)
        %dma_start3A_103 = arith.constant 6 : i32
        %dma_start3A_104 = arith.constant 6 : i32
        %dma_start3A_105 = arith.constant 0 : i32
        %dma_start3A_106 = tpu.memref_slice %arg12[%dma_start3A_104, %dma_start3A_105] : memref<16x1025xf32, #tpu.memory_space<vmem>> -> memref<1x1024xf32, #tpu.memory_space<vmem>>
        %dma_start3A_107 = tpu.memref_squeeze %dma_start3A_106 : memref<1x1024xf32, #tpu.memory_space<vmem>> -> memref<1024xf32, #tpu.memory_space<vmem>>
        %dma_start3A_108 = tpu.memref_slice %arg4[%dma_start3A_103, %min3A_31] : memref<16x285672xf32, #tpu.memory_space<hbm>> -> memref<1x1024xf32, #tpu.memory_space<hbm>>
        %dma_start3A_109 = tpu.memref_squeeze %dma_start3A_108 : memref<1x1024xf32, #tpu.memory_space<hbm>> -> memref<1024xf32, #tpu.memory_space<hbm>>
        %dma_start3A_110 = arith.constant 0 : i32
        %dma_start3A_111 = tpu.memref_slice %arg12[%dma_start3A_104, %dma_start3A_110] : memref<16x1025xf32, #tpu.memory_space<vmem>> -> memref<1x1024xf32, #tpu.memory_space<vmem>>
        %dma_start3A_112 = tpu.memref_squeeze %dma_start3A_111 : memref<1x1024xf32, #tpu.memory_space<vmem>> -> memref<1024xf32, #tpu.memory_space<vmem>>
        %dma_start3A_113 = tpu.memref_slice %arg4[%dma_start3A_103, %min3A_31] : memref<16x285672xf32, #tpu.memory_space<hbm>> -> memref<1x1024xf32, #tpu.memory_space<hbm>>
        %dma_start3A_114 = tpu.memref_squeeze %dma_start3A_113 : memref<1x1024xf32, #tpu.memory_space<hbm>> -> memref<1024xf32, #tpu.memory_space<hbm>>
        tpu.enqueue_dma source(%dma_start3A_114 : memref<1024xf32, #tpu.memory_space<hbm>>) target(%dma_start3A_112 : memref<1024xf32, #tpu.memory_space<vmem>>) target_semaphore(%arg14 : memref<!tpu.dma_semaphore, #tpu.memory_space<semaphore_mem>>)
        %dma_start3A_115 = arith.constant 7 : i32
        %dma_start3A_116 = arith.constant 7 : i32
        %dma_start3A_117 = arith.constant 0 : i32
        %dma_start3A_118 = tpu.memref_slice %arg12[%dma_start3A_116, %dma_start3A_117] : memref<16x1025xf32, #tpu.memory_space<vmem>> -> memref<1x1024xf32, #tpu.memory_space<vmem>>
        %dma_start3A_119 = tpu.memref_squeeze %dma_start3A_118 : memref<1x1024xf32, #tpu.memory_space<vmem>> -> memref<1024xf32, #tpu.memory_space<vmem>>
        %dma_start3A_120 = tpu.memref_slice %arg4[%dma_start3A_115, %min3A_31] : memref<16x285672xf32, #tpu.memory_space<hbm>> -> memref<1x1024xf32, #tpu.memory_space<hbm>>
        %dma_start3A_121 = tpu.memref_squeeze %dma_start3A_120 : memref<1x1024xf32, #tpu.memory_space<hbm>> -> memref<1024xf32, #tpu.memory_space<hbm>>
        %dma_start3A_122 = arith.constant 0 : i32
        %dma_start3A_123 = tpu.memref_slice %arg12[%dma_start3A_116, %dma_start3A_122] : memref<16x1025xf32, #tpu.memory_space<vmem>> -> memref<1x1024xf32, #tpu.memory_space<vmem>>
        %dma_start3A_124 = tpu.memref_squeeze %dma_start3A_123 : memref<1x1024xf32, #tpu.memory_space<vmem>> -> memref<1024xf32, #tpu.memory_space<vmem>>
        %dma_start3A_125 = tpu.memref_slice %arg4[%dma_start3A_115, %min3A_31] : memref<16x285672xf32, #tpu.memory_space<hbm>> -> memref<1x1024xf32, #tpu.memory_space<hbm>>
        %dma_start3A_126 = tpu.memref_squeeze %dma_start3A_125 : memref<1x1024xf32, #tpu.memory_space<hbm>> -> memref<1024xf32, #tpu.memory_space<hbm>>
        tpu.enqueue_dma source(%dma_start3A_126 : memref<1024xf32, #tpu.memory_space<hbm>>) target(%dma_start3A_124 : memref<1024xf32, #tpu.memory_space<vmem>>) target_semaphore(%arg14 : memref<!tpu.dma_semaphore, #tpu.memory_space<semaphore_mem>>)
        %dma_start3A_127 = arith.constant 8 : i32
        %dma_start3A_128 = arith.constant 8 : i32
        %dma_start3A_129 = arith.constant 0 : i32
        %dma_start3A_130 = tpu.memref_slice %arg12[%dma_start3A_128, %dma_start3A_129] : memref<16x1025xf32, #tpu.memory_space<vmem>> -> memref<1x1024xf32, #tpu.memory_space<vmem>>
        %dma_start3A_131 = tpu.memref_squeeze %dma_start3A_130 : memref<1x1024xf32, #tpu.memory_space<vmem>> -> memref<1024xf32, #tpu.memory_space<vmem>>
        %dma_start3A_132 = tpu.memref_slice %arg4[%dma_start3A_127, %min3A_31] : memref<16x285672xf32, #tpu.memory_space<hbm>> -> memref<1x1024xf32, #tpu.memory_space<hbm>>
        %dma_start3A_133 = tpu.memref_squeeze %dma_start3A_132 : memref<1x1024xf32, #tpu.memory_space<hbm>> -> memref<1024xf32, #tpu.memory_space<hbm>>
        %dma_start3A_134 = arith.constant 0 : i32
        %dma_start3A_135 = tpu.memref_slice %arg12[%dma_start3A_128, %dma_start3A_134] : memref<16x1025xf32, #tpu.memory_space<vmem>> -> memref<1x1024xf32, #tpu.memory_space<vmem>>
        %dma_start3A_136 = tpu.memref_squeeze %dma_start3A_135 : memref<1x1024xf32, #tpu.memory_space<vmem>> -> memref<1024xf32, #tpu.memory_space<vmem>>
        %dma_start3A_137 = tpu.memref_slice %arg4[%dma_start3A_127, %min3A_31] : memref<16x285672xf32, #tpu.memory_space<hbm>> -> memref<1x1024xf32, #tpu.memory_space<hbm>>
        %dma_start3A_138 = tpu.memref_squeeze %dma_start3A_137 : memref<1x1024xf32, #tpu.memory_space<hbm>> -> memref<1024xf32, #tpu.memory_space<hbm>>
        tpu.enqueue_dma source(%dma_start3A_138 : memref<1024xf32, #tpu.memory_space<hbm>>) target(%dma_start3A_136 : memref<1024xf32, #tpu.memory_space<vmem>>) target_semaphore(%arg14 : memref<!tpu.dma_semaphore, #tpu.memory_space<semaphore_mem>>)
        %dma_start3A_139 = arith.constant 9 : i32
        %dma_start3A_140 = arith.constant 9 : i32
        %dma_start3A_141 = arith.constant 0 : i32
        %dma_start3A_142 = tpu.memref_slice %arg12[%dma_start3A_140, %dma_start3A_141] : memref<16x1025xf32, #tpu.memory_space<vmem>> -> memref<1x1024xf32, #tpu.memory_space<vmem>>
        %dma_start3A_143 = tpu.memref_squeeze %dma_start3A_142 : memref<1x1024xf32, #tpu.memory_space<vmem>> -> memref<1024xf32, #tpu.memory_space<vmem>>
        %dma_start3A_144 = tpu.memref_slice %arg4[%dma_start3A_139, %min3A_31] : memref<16x285672xf32, #tpu.memory_space<hbm>> -> memref<1x1024xf32, #tpu.memory_space<hbm>>
        %dma_start3A_145 = tpu.memref_squeeze %dma_start3A_144 : memref<1x1024xf32, #tpu.memory_space<hbm>> -> memref<1024xf32, #tpu.memory_space<hbm>>
        %dma_start3A_146 = arith.constant 0 : i32
        %dma_start3A_147 = tpu.memref_slice %arg12[%dma_start3A_140, %dma_start3A_146] : memref<16x1025xf32, #tpu.memory_space<vmem>> -> memref<1x1024xf32, #tpu.memory_space<vmem>>
        %dma_start3A_148 = tpu.memref_squeeze %dma_start3A_147 : memref<1x1024xf32, #tpu.memory_space<vmem>> -> memref<1024xf32, #tpu.memory_space<vmem>>
        %dma_start3A_149 = tpu.memref_slice %arg4[%dma_start3A_139, %min3A_31] : memref<16x285672xf32, #tpu.memory_space<hbm>> -> memref<1x1024xf32, #tpu.memory_space<hbm>>
        %dma_start3A_150 = tpu.memref_squeeze %dma_start3A_149 : memref<1x1024xf32, #tpu.memory_space<hbm>> -> memref<1024xf32, #tpu.memory_space<hbm>>
        tpu.enqueue_dma source(%dma_start3A_150 : memref<1024xf32, #tpu.memory_space<hbm>>) target(%dma_start3A_148 : memref<1024xf32, #tpu.memory_space<vmem>>) target_semaphore(%arg14 : memref<!tpu.dma_semaphore, #tpu.memory_space<semaphore_mem>>)
        %dma_start3A_151 = arith.constant 10 : i32
        %dma_start3A_152 = arith.constant 10 : i32
        %dma_start3A_153 = arith.constant 0 : i32
        %dma_start3A_154 = tpu.memref_slice %arg12[%dma_start3A_152, %dma_start3A_153] : memref<16x1025xf32, #tpu.memory_space<vmem>> -> memref<1x1024xf32, #tpu.memory_space<vmem>>
        %dma_start3A_155 = tpu.memref_squeeze %dma_start3A_154 : memref<1x1024xf32, #tpu.memory_space<vmem>> -> memref<1024xf32, #tpu.memory_space<vmem>>
        %dma_start3A_156 = tpu.memref_slice %arg4[%dma_start3A_151, %min3A_31] : memref<16x285672xf32, #tpu.memory_space<hbm>> -> memref<1x1024xf32, #tpu.memory_space<hbm>>
        %dma_start3A_157 = tpu.memref_squeeze %dma_start3A_156 : memref<1x1024xf32, #tpu.memory_space<hbm>> -> memref<1024xf32, #tpu.memory_space<hbm>>
        %dma_start3A_158 = arith.constant 0 : i32
        %dma_start3A_159 = tpu.memref_slice %arg12[%dma_start3A_152, %dma_start3A_158] : memref<16x1025xf32, #tpu.memory_space<vmem>> -> memref<1x1024xf32, #tpu.memory_space<vmem>>
        %dma_start3A_160 = tpu.memref_squeeze %dma_start3A_159 : memref<1x1024xf32, #tpu.memory_space<vmem>> -> memref<1024xf32, #tpu.memory_space<vmem>>
        %dma_start3A_161 = tpu.memref_slice %arg4[%dma_start3A_151, %min3A_31] : memref<16x285672xf32, #tpu.memory_space<hbm>> -> memref<1x1024xf32, #tpu.memory_space<hbm>>
        %dma_start3A_162 = tpu.memref_squeeze %dma_start3A_161 : memref<1x1024xf32, #tpu.memory_space<hbm>> -> memref<1024xf32, #tpu.memory_space<hbm>>
        tpu.enqueue_dma source(%dma_start3A_162 : memref<1024xf32, #tpu.memory_space<hbm>>) target(%dma_start3A_160 : memref<1024xf32, #tpu.memory_space<vmem>>) target_semaphore(%arg14 : memref<!tpu.dma_semaphore, #tpu.memory_space<semaphore_mem>>)
        %dma_start3A_163 = arith.constant 11 : i32
        %dma_start3A_164 = arith.constant 11 : i32
        %dma_start3A_165 = arith.constant 0 : i32
        %dma_start3A_166 = tpu.memref_slice %arg12[%dma_start3A_164, %dma_start3A_165] : memref<16x1025xf32, #tpu.memory_space<vmem>> -> memref<1x1024xf32, #tpu.memory_space<vmem>>
        %dma_start3A_167 = tpu.memref_squeeze %dma_start3A_166 : memref<1x1024xf32, #tpu.memory_space<vmem>> -> memref<1024xf32, #tpu.memory_space<vmem>>
        %dma_start3A_168 = tpu.memref_slice %arg4[%dma_start3A_163, %min3A_31] : memref<16x285672xf32, #tpu.memory_space<hbm>> -> memref<1x1024xf32, #tpu.memory_space<hbm>>
        %dma_start3A_169 = tpu.memref_squeeze %dma_start3A_168 : memref<1x1024xf32, #tpu.memory_space<hbm>> -> memref<1024xf32, #tpu.memory_space<hbm>>
        %dma_start3A_170 = arith.constant 0 : i32
        %dma_start3A_171 = tpu.memref_slice %arg12[%dma_start3A_164, %dma_start3A_170] : memref<16x1025xf32, #tpu.memory_space<vmem>> -> memref<1x1024xf32, #tpu.memory_space<vmem>>
        %dma_start3A_172 = tpu.memref_squeeze %dma_start3A_171 : memref<1x1024xf32, #tpu.memory_space<vmem>> -> memref<1024xf32, #tpu.memory_space<vmem>>
        %dma_start3A_173 = tpu.memref_slice %arg4[%dma_start3A_163, %min3A_31] : memref<16x285672xf32, #tpu.memory_space<hbm>> -> memref<1x1024xf32, #tpu.memory_space<hbm>>
        %dma_start3A_174 = tpu.memref_squeeze %dma_start3A_173 : memref<1x1024xf32, #tpu.memory_space<hbm>> -> memref<1024xf32, #tpu.memory_space<hbm>>
        tpu.enqueue_dma source(%dma_start3A_174 : memref<1024xf32, #tpu.memory_space<hbm>>) target(%dma_start3A_172 : memref<1024xf32, #tpu.memory_space<vmem>>) target_semaphore(%arg14 : memref<!tpu.dma_semaphore, #tpu.memory_space<semaphore_mem>>)
        %dma_start3A_175 = arith.constant 12 : i32
        %dma_start3A_176 = arith.constant 12 : i32
        %dma_start3A_177 = arith.constant 0 : i32
        %dma_start3A_178 = tpu.memref_slice %arg12[%dma_start3A_176, %dma_start3A_177] : memref<16x1025xf32, #tpu.memory_space<vmem>> -> memref<1x1024xf32, #tpu.memory_space<vmem>>
        %dma_start3A_179 = tpu.memref_squeeze %dma_start3A_178 : memref<1x1024xf32, #tpu.memory_space<vmem>> -> memref<1024xf32, #tpu.memory_space<vmem>>
        %dma_start3A_180 = tpu.memref_slice %arg4[%dma_start3A_175, %min3A_31] : memref<16x285672xf32, #tpu.memory_space<hbm>> -> memref<1x1024xf32, #tpu.memory_space<hbm>>
        %dma_start3A_181 = tpu.memref_squeeze %dma_start3A_180 : memref<1x1024xf32, #tpu.memory_space<hbm>> -> memref<1024xf32, #tpu.memory_space<hbm>>
        %dma_start3A_182 = arith.constant 0 : i32
        %dma_start3A_183 = tpu.memref_slice %arg12[%dma_start3A_176, %dma_start3A_182] : memref<16x1025xf32, #tpu.memory_space<vmem>> -> memref<1x1024xf32, #tpu.memory_space<vmem>>
        %dma_start3A_184 = tpu.memref_squeeze %dma_start3A_183 : memref<1x1024xf32, #tpu.memory_space<vmem>> -> memref<1024xf32, #tpu.memory_space<vmem>>
        %dma_start3A_185 = tpu.memref_slice %arg4[%dma_start3A_175, %min3A_31] : memref<16x285672xf32, #tpu.memory_space<hbm>> -> memref<1x1024xf32, #tpu.memory_space<hbm>>
        %dma_start3A_186 = tpu.memref_squeeze %dma_start3A_185 : memref<1x1024xf32, #tpu.memory_space<hbm>> -> memref<1024xf32, #tpu.memory_space<hbm>>
        tpu.enqueue_dma source(%dma_start3A_186 : memref<1024xf32, #tpu.memory_space<hbm>>) target(%dma_start3A_184 : memref<1024xf32, #tpu.memory_space<vmem>>) target_semaphore(%arg14 : memref<!tpu.dma_semaphore, #tpu.memory_space<semaphore_mem>>)
        %dma_start3A_187 = arith.constant 13 : i32
        %dma_start3A_188 = arith.constant 13 : i32
        %dma_start3A_189 = arith.constant 0 : i32
        %dma_start3A_190 = tpu.memref_slice %arg12[%dma_start3A_188, %dma_start3A_189] : memref<16x1025xf32, #tpu.memory_space<vmem>> -> memref<1x1024xf32, #tpu.memory_space<vmem>>
        %dma_start3A_191 = tpu.memref_squeeze %dma_start3A_190 : memref<1x1024xf32, #tpu.memory_space<vmem>> -> memref<1024xf32, #tpu.memory_space<vmem>>
        %dma_start3A_192 = tpu.memref_slice %arg4[%dma_start3A_187, %min3A_31] : memref<16x285672xf32, #tpu.memory_space<hbm>> -> memref<1x1024xf32, #tpu.memory_space<hbm>>
        %dma_start3A_193 = tpu.memref_squeeze %dma_start3A_192 : memref<1x1024xf32, #tpu.memory_space<hbm>> -> memref<1024xf32, #tpu.memory_space<hbm>>
        %dma_start3A_194 = arith.constant 0 : i32
        %dma_start3A_195 = tpu.memref_slice %arg12[%dma_start3A_188, %dma_start3A_194] : memref<16x1025xf32, #tpu.memory_space<vmem>> -> memref<1x1024xf32, #tpu.memory_space<vmem>>
        %dma_start3A_196 = tpu.memref_squeeze %dma_start3A_195 : memref<1x1024xf32, #tpu.memory_space<vmem>> -> memref<1024xf32, #tpu.memory_space<vmem>>
        %dma_start3A_197 = tpu.memref_slice %arg4[%dma_start3A_187, %min3A_31] : memref<16x285672xf32, #tpu.memory_space<hbm>> -> memref<1x1024xf32, #tpu.memory_space<hbm>>
        %dma_start3A_198 = tpu.memref_squeeze %dma_start3A_197 : memref<1x1024xf32, #tpu.memory_space<hbm>> -> memref<1024xf32, #tpu.memory_space<hbm>>
        tpu.enqueue_dma source(%dma_start3A_198 : memref<1024xf32, #tpu.memory_space<hbm>>) target(%dma_start3A_196 : memref<1024xf32, #tpu.memory_space<vmem>>) target_semaphore(%arg14 : memref<!tpu.dma_semaphore, #tpu.memory_space<semaphore_mem>>)
        %dma_start3A_199 = arith.constant 14 : i32
        %dma_start3A_200 = arith.constant 14 : i32
        %dma_start3A_201 = arith.constant 0 : i32
        %dma_start3A_202 = tpu.memref_slice %arg12[%dma_start3A_200, %dma_start3A_201] : memref<16x1025xf32, #tpu.memory_space<vmem>> -> memref<1x1024xf32, #tpu.memory_space<vmem>>
        %dma_start3A_203 = tpu.memref_squeeze %dma_start3A_202 : memref<1x1024xf32, #tpu.memory_space<vmem>> -> memref<1024xf32, #tpu.memory_space<vmem>>
        %dma_start3A_204 = tpu.memref_slice %arg4[%dma_start3A_199, %min3A_31] : memref<16x285672xf32, #tpu.memory_space<hbm>> -> memref<1x1024xf32, #tpu.memory_space<hbm>>
        %dma_start3A_205 = tpu.memref_squeeze %dma_start3A_204 : memref<1x1024xf32, #tpu.memory_space<hbm>> -> memref<1024xf32, #tpu.memory_space<hbm>>
        %dma_start3A_206 = arith.constant 0 : i32
        %dma_start3A_207 = tpu.memref_slice %arg12[%dma_start3A_200, %dma_start3A_206] : memref<16x1025xf32, #tpu.memory_space<vmem>> -> memref<1x1024xf32, #tpu.memory_space<vmem>>
        %dma_start3A_208 = tpu.memref_squeeze %dma_start3A_207 : memref<1x1024xf32, #tpu.memory_space<vmem>> -> memref<1024xf32, #tpu.memory_space<vmem>>
        %dma_start3A_209 = tpu.memref_slice %arg4[%dma_start3A_199, %min3A_31] : memref<16x285672xf32, #tpu.memory_space<hbm>> -> memref<1x1024xf32, #tpu.memory_space<hbm>>
        %dma_start3A_210 = tpu.memref_squeeze %dma_start3A_209 : memref<1x1024xf32, #tpu.memory_space<hbm>> -> memref<1024xf32, #tpu.memory_space<hbm>>
        tpu.enqueue_dma source(%dma_start3A_210 : memref<1024xf32, #tpu.memory_space<hbm>>) target(%dma_start3A_208 : memref<1024xf32, #tpu.memory_space<vmem>>) target_semaphore(%arg14 : memref<!tpu.dma_semaphore, #tpu.memory_space<semaphore_mem>>)
        %dma_start3A_211 = arith.constant 15 : i32
        %dma_start3A_212 = arith.constant 15 : i32
        %dma_start3A_213 = arith.constant 0 : i32
        %dma_start3A_214 = tpu.memref_slice %arg12[%dma_start3A_212, %dma_start3A_213] : memref<16x1025xf32, #tpu.memory_space<vmem>> -> memref<1x1024xf32, #tpu.memory_space<vmem>>
        %dma_start3A_215 = tpu.memref_squeeze %dma_start3A_214 : memref<1x1024xf32, #tpu.memory_space<vmem>> -> memref<1024xf32, #tpu.memory_space<vmem>>
        %dma_start3A_216 = tpu.memref_slice %arg4[%dma_start3A_211, %min3A_31] : memref<16x285672xf32, #tpu.memory_space<hbm>> -> memref<1x1024xf32, #tpu.memory_space<hbm>>
        %dma_start3A_217 = tpu.memref_squeeze %dma_start3A_216 : memref<1x1024xf32, #tpu.memory_space<hbm>> -> memref<1024xf32, #tpu.memory_space<hbm>>
        %dma_start3A_218 = arith.constant 0 : i32
        %dma_start3A_219 = tpu.memref_slice %arg12[%dma_start3A_212, %dma_start3A_218] : memref<16x1025xf32, #tpu.memory_space<vmem>> -> memref<1x1024xf32, #tpu.memory_space<vmem>>
        %dma_start3A_220 = tpu.memref_squeeze %dma_start3A_219 : memref<1x1024xf32, #tpu.memory_space<vmem>> -> memref<1024xf32, #tpu.memory_space<vmem>>
        %dma_start3A_221 = tpu.memref_slice %arg4[%dma_start3A_211, %min3A_31] : memref<16x285672xf32, #tpu.memory_space<hbm>> -> memref<1x1024xf32, #tpu.memory_space<hbm>>
        %dma_start3A_222 = tpu.memref_squeeze %dma_start3A_221 : memref<1x1024xf32, #tpu.memory_space<hbm>> -> memref<1024xf32, #tpu.memory_space<hbm>>
        tpu.enqueue_dma source(%dma_start3A_222 : memref<1024xf32, #tpu.memory_space<hbm>>) target(%dma_start3A_220 : memref<1024xf32, #tpu.memory_space<vmem>>) target_semaphore(%arg14 : memref<!tpu.dma_semaphore, #tpu.memory_space<semaphore_mem>>)
        %dma_wait3A = arith.constant 0 : i32
        %dma_wait3A_223 = arith.constant 0 : i32
        %dma_wait3A_224 = arith.constant 0 : i32
        %dma_wait3A_225 = tpu.memref_slice %arg12[%dma_wait3A_223, %dma_wait3A_224] : memref<16x1025xf32, #tpu.memory_space<vmem>> -> memref<1x1024xf32, #tpu.memory_space<vmem>>
        %dma_wait3A_226 = tpu.memref_squeeze %dma_wait3A_225 : memref<1x1024xf32, #tpu.memory_space<vmem>> -> memref<1024xf32, #tpu.memory_space<vmem>>
        %dma_wait3A_227 = tpu.memref_slice %arg4[%dma_wait3A, %min3A_31] : memref<16x285672xf32, #tpu.memory_space<hbm>> -> memref<1x1024xf32, #tpu.memory_space<hbm>>
        %dma_wait3A_228 = tpu.memref_squeeze %dma_wait3A_227 : memref<1x1024xf32, #tpu.memory_space<hbm>> -> memref<1024xf32, #tpu.memory_space<hbm>>
        %dma_wait3A_229 = arith.constant 0 : i32
        %dma_wait3A_230 = tpu.memref_slice %arg12[%dma_wait3A_223, %dma_wait3A_229] : memref<16x1025xf32, #tpu.memory_space<vmem>> -> memref<1x1024xf32, #tpu.memory_space<vmem>>
        %dma_wait3A_231 = tpu.memref_squeeze %dma_wait3A_230 : memref<1x1024xf32, #tpu.memory_space<vmem>> -> memref<1024xf32, #tpu.memory_space<vmem>>
        %dma_wait3A_232 = tpu.memref_slice %arg4[%dma_wait3A, %min3A_31] : memref<16x285672xf32, #tpu.memory_space<hbm>> -> memref<1x1024xf32, #tpu.memory_space<hbm>>
        %dma_wait3A_233 = tpu.memref_squeeze %dma_wait3A_232 : memref<1x1024xf32, #tpu.memory_space<hbm>> -> memref<1024xf32, #tpu.memory_space<hbm>>
        tpu.wait_dma2 semaphore(%arg14 : memref<!tpu.dma_semaphore, #tpu.memory_space<semaphore_mem>>) src(%dma_wait3A_233 : memref<1024xf32, #tpu.memory_space<hbm>>) dst(%dma_wait3A_231 : memref<1024xf32, #tpu.memory_space<vmem>>)
        %dma_wait3A_234 = arith.constant 1 : i32
        %dma_wait3A_235 = arith.constant 1 : i32
        %dma_wait3A_236 = arith.constant 0 : i32
        %dma_wait3A_237 = tpu.memref_slice %arg12[%dma_wait3A_235, %dma_wait3A_236] : memref<16x1025xf32, #tpu.memory_space<vmem>> -> memref<1x1024xf32, #tpu.memory_space<vmem>>
        %dma_wait3A_238 = tpu.memref_squeeze %dma_wait3A_237 : memref<1x1024xf32, #tpu.memory_space<vmem>> -> memref<1024xf32, #tpu.memory_space<vmem>>
        %dma_wait3A_239 = tpu.memref_slice %arg4[%dma_wait3A_234, %min3A_31] : memref<16x285672xf32, #tpu.memory_space<hbm>> -> memref<1x1024xf32, #tpu.memory_space<hbm>>
        %dma_wait3A_240 = tpu.memref_squeeze %dma_wait3A_239 : memref<1x1024xf32, #tpu.memory_space<hbm>> -> memref<1024xf32, #tpu.memory_space<hbm>>
        %dma_wait3A_241 = arith.constant 0 : i32
        %dma_wait3A_242 = tpu.memref_slice %arg12[%dma_wait3A_235, %dma_wait3A_241] : memref<16x1025xf32, #tpu.memory_space<vmem>> -> memref<1x1024xf32, #tpu.memory_space<vmem>>
        %dma_wait3A_243 = tpu.memref_squeeze %dma_wait3A_242 : memref<1x1024xf32, #tpu.memory_space<vmem>> -> memref<1024xf32, #tpu.memory_space<vmem>>
        %dma_wait3A_244 = tpu.memref_slice %arg4[%dma_wait3A_234, %min3A_31] : memref<16x285672xf32, #tpu.memory_space<hbm>> -> memref<1x1024xf32, #tpu.memory_space<hbm>>
        %dma_wait3A_245 = tpu.memref_squeeze %dma_wait3A_244 : memref<1x1024xf32, #tpu.memory_space<hbm>> -> memref<1024xf32, #tpu.memory_space<hbm>>
        tpu.wait_dma2 semaphore(%arg14 : memref<!tpu.dma_semaphore, #tpu.memory_space<semaphore_mem>>) src(%dma_wait3A_245 : memref<1024xf32, #tpu.memory_space<hbm>>) dst(%dma_wait3A_243 : memref<1024xf32, #tpu.memory_space<vmem>>)
        %dma_wait3A_246 = arith.constant 2 : i32
        %dma_wait3A_247 = arith.constant 2 : i32
        %dma_wait3A_248 = arith.constant 0 : i32
        %dma_wait3A_249 = tpu.memref_slice %arg12[%dma_wait3A_247, %dma_wait3A_248] : memref<16x1025xf32, #tpu.memory_space<vmem>> -> memref<1x1024xf32, #tpu.memory_space<vmem>>
        %dma_wait3A_250 = tpu.memref_squeeze %dma_wait3A_249 : memref<1x1024xf32, #tpu.memory_space<vmem>> -> memref<1024xf32, #tpu.memory_space<vmem>>
        %dma_wait3A_251 = tpu.memref_slice %arg4[%dma_wait3A_246, %min3A_31] : memref<16x285672xf32, #tpu.memory_space<hbm>> -> memref<1x1024xf32, #tpu.memory_space<hbm>>
        %dma_wait3A_252 = tpu.memref_squeeze %dma_wait3A_251 : memref<1x1024xf32, #tpu.memory_space<hbm>> -> memref<1024xf32, #tpu.memory_space<hbm>>
        %dma_wait3A_253 = arith.constant 0 : i32
        %dma_wait3A_254 = tpu.memref_slice %arg12[%dma_wait3A_247, %dma_wait3A_253] : memref<16x1025xf32, #tpu.memory_space<vmem>> -> memref<1x1024xf32, #tpu.memory_space<vmem>>
        %dma_wait3A_255 = tpu.memref_squeeze %dma_wait3A_254 : memref<1x1024xf32, #tpu.memory_space<vmem>> -> memref<1024xf32, #tpu.memory_space<vmem>>
        %dma_wait3A_256 = tpu.memref_slice %arg4[%dma_wait3A_246, %min3A_31] : memref<16x285672xf32, #tpu.memory_space<hbm>> -> memref<1x1024xf32, #tpu.memory_space<hbm>>
        %dma_wait3A_257 = tpu.memref_squeeze %dma_wait3A_256 : memref<1x1024xf32, #tpu.memory_space<hbm>> -> memref<1024xf32, #tpu.memory_space<hbm>>
        tpu.wait_dma2 semaphore(%arg14 : memref<!tpu.dma_semaphore, #tpu.memory_space<semaphore_mem>>) src(%dma_wait3A_257 : memref<1024xf32, #tpu.memory_space<hbm>>) dst(%dma_wait3A_255 : memref<1024xf32, #tpu.memory_space<vmem>>)
        %dma_wait3A_258 = arith.constant 3 : i32
        %dma_wait3A_259 = arith.constant 3 : i32
        %dma_wait3A_260 = arith.constant 0 : i32
        %dma_wait3A_261 = tpu.memref_slice %arg12[%dma_wait3A_259, %dma_wait3A_260] : memref<16x1025xf32, #tpu.memory_space<vmem>> -> memref<1x1024xf32, #tpu.memory_space<vmem>>
        %dma_wait3A_262 = tpu.memref_squeeze %dma_wait3A_261 : memref<1x1024xf32, #tpu.memory_space<vmem>> -> memref<1024xf32, #tpu.memory_space<vmem>>
        %dma_wait3A_263 = tpu.memref_slice %arg4[%dma_wait3A_258, %min3A_31] : memref<16x285672xf32, #tpu.memory_space<hbm>> -> memref<1x1024xf32, #tpu.memory_space<hbm>>
        %dma_wait3A_264 = tpu.memref_squeeze %dma_wait3A_263 : memref<1x1024xf32, #tpu.memory_space<hbm>> -> memref<1024xf32, #tpu.memory_space<hbm>>
        %dma_wait3A_265 = arith.constant 0 : i32
        %dma_wait3A_266 = tpu.memref_slice %arg12[%dma_wait3A_259, %dma_wait3A_265] : memref<16x1025xf32, #tpu.memory_space<vmem>> -> memref<1x1024xf32, #tpu.memory_space<vmem>>
        %dma_wait3A_267 = tpu.memref_squeeze %dma_wait3A_266 : memref<1x1024xf32, #tpu.memory_space<vmem>> -> memref<1024xf32, #tpu.memory_space<vmem>>
        %dma_wait3A_268 = tpu.memref_slice %arg4[%dma_wait3A_258, %min3A_31] : memref<16x285672xf32, #tpu.memory_space<hbm>> -> memref<1x1024xf32, #tpu.memory_space<hbm>>
        %dma_wait3A_269 = tpu.memref_squeeze %dma_wait3A_268 : memref<1x1024xf32, #tpu.memory_space<hbm>> -> memref<1024xf32, #tpu.memory_space<hbm>>
        tpu.wait_dma2 semaphore(%arg14 : memref<!tpu.dma_semaphore, #tpu.memory_space<semaphore_mem>>) src(%dma_wait3A_269 : memref<1024xf32, #tpu.memory_space<hbm>>) dst(%dma_wait3A_267 : memref<1024xf32, #tpu.memory_space<vmem>>)
        %dma_wait3A_270 = arith.constant 4 : i32
        %dma_wait3A_271 = arith.constant 4 : i32
        %dma_wait3A_272 = arith.constant 0 : i32
        %dma_wait3A_273 = tpu.memref_slice %arg12[%dma_wait3A_271, %dma_wait3A_272] : memref<16x1025xf32, #tpu.memory_space<vmem>> -> memref<1x1024xf32, #tpu.memory_space<vmem>>
        %dma_wait3A_274 = tpu.memref_squeeze %dma_wait3A_273 : memref<1x1024xf32, #tpu.memory_space<vmem>> -> memref<1024xf32, #tpu.memory_space<vmem>>
        %dma_wait3A_275 = tpu.memref_slice %arg4[%dma_wait3A_270, %min3A_31] : memref<16x285672xf32, #tpu.memory_space<hbm>> -> memref<1x1024xf32, #tpu.memory_space<hbm>>
        %dma_wait3A_276 = tpu.memref_squeeze %dma_wait3A_275 : memref<1x1024xf32, #tpu.memory_space<hbm>> -> memref<1024xf32, #tpu.memory_space<hbm>>
        %dma_wait3A_277 = arith.constant 0 : i32
        %dma_wait3A_278 = tpu.memref_slice %arg12[%dma_wait3A_271, %dma_wait3A_277] : memref<16x1025xf32, #tpu.memory_space<vmem>> -> memref<1x1024xf32, #tpu.memory_space<vmem>>
        %dma_wait3A_279 = tpu.memref_squeeze %dma_wait3A_278 : memref<1x1024xf32, #tpu.memory_space<vmem>> -> memref<1024xf32, #tpu.memory_space<vmem>>
        %dma_wait3A_280 = tpu.memref_slice %arg4[%dma_wait3A_270, %min3A_31] : memref<16x285672xf32, #tpu.memory_space<hbm>> -> memref<1x1024xf32, #tpu.memory_space<hbm>>
        %dma_wait3A_281 = tpu.memref_squeeze %dma_wait3A_280 : memref<1x1024xf32, #tpu.memory_space<hbm>> -> memref<1024xf32, #tpu.memory_space<hbm>>
        tpu.wait_dma2 semaphore(%arg14 : memref<!tpu.dma_semaphore, #tpu.memory_space<semaphore_mem>>) src(%dma_wait3A_281 : memref<1024xf32, #tpu.memory_space<hbm>>) dst(%dma_wait3A_279 : memref<1024xf32, #tpu.memory_space<vmem>>)
        %dma_wait3A_282 = arith.constant 5 : i32
        %dma_wait3A_283 = arith.constant 5 : i32
        %dma_wait3A_284 = arith.constant 0 : i32
        %dma_wait3A_285 = tpu.memref_slice %arg12[%dma_wait3A_283, %dma_wait3A_284] : memref<16x1025xf32, #tpu.memory_space<vmem>> -> memref<1x1024xf32, #tpu.memory_space<vmem>>
        %dma_wait3A_286 = tpu.memref_squeeze %dma_wait3A_285 : memref<1x1024xf32, #tpu.memory_space<vmem>> -> memref<1024xf32, #tpu.memory_space<vmem>>
        %dma_wait3A_287 = tpu.memref_slice %arg4[%dma_wait3A_282, %min3A_31] : memref<16x285672xf32, #tpu.memory_space<hbm>> -> memref<1x1024xf32, #tpu.memory_space<hbm>>
        %dma_wait3A_288 = tpu.memref_squeeze %dma_wait3A_287 : memref<1x1024xf32, #tpu.memory_space<hbm>> -> memref<1024xf32, #tpu.memory_space<hbm>>
        %dma_wait3A_289 = arith.constant 0 : i32
        %dma_wait3A_290 = tpu.memref_slice %arg12[%dma_wait3A_283, %dma_wait3A_289] : memref<16x1025xf32, #tpu.memory_space<vmem>> -> memref<1x1024xf32, #tpu.memory_space<vmem>>
        %dma_wait3A_291 = tpu.memref_squeeze %dma_wait3A_290 : memref<1x1024xf32, #tpu.memory_space<vmem>> -> memref<1024xf32, #tpu.memory_space<vmem>>
        %dma_wait3A_292 = tpu.memref_slice %arg4[%dma_wait3A_282, %min3A_31] : memref<16x285672xf32, #tpu.memory_space<hbm>> -> memref<1x1024xf32, #tpu.memory_space<hbm>>
        %dma_wait3A_293 = tpu.memref_squeeze %dma_wait3A_292 : memref<1x1024xf32, #tpu.memory_space<hbm>> -> memref<1024xf32, #tpu.memory_space<hbm>>
        tpu.wait_dma2 semaphore(%arg14 : memref<!tpu.dma_semaphore, #tpu.memory_space<semaphore_mem>>) src(%dma_wait3A_293 : memref<1024xf32, #tpu.memory_space<hbm>>) dst(%dma_wait3A_291 : memref<1024xf32, #tpu.memory_space<vmem>>)
        %dma_wait3A_294 = arith.constant 6 : i32
        %dma_wait3A_295 = arith.constant 6 : i32
        %dma_wait3A_296 = arith.constant 0 : i32
        %dma_wait3A_297 = tpu.memref_slice %arg12[%dma_wait3A_295, %dma_wait3A_296] : memref<16x1025xf32, #tpu.memory_space<vmem>> -> memref<1x1024xf32, #tpu.memory_space<vmem>>
        %dma_wait3A_298 = tpu.memref_squeeze %dma_wait3A_297 : memref<1x1024xf32, #tpu.memory_space<vmem>> -> memref<1024xf32, #tpu.memory_space<vmem>>
        %dma_wait3A_299 = tpu.memref_slice %arg4[%dma_wait3A_294, %min3A_31] : memref<16x285672xf32, #tpu.memory_space<hbm>> -> memref<1x1024xf32, #tpu.memory_space<hbm>>
        %dma_wait3A_300 = tpu.memref_squeeze %dma_wait3A_299 : memref<1x1024xf32, #tpu.memory_space<hbm>> -> memref<1024xf32, #tpu.memory_space<hbm>>
        %dma_wait3A_301 = arith.constant 0 : i32
        %dma_wait3A_302 = tpu.memref_slice %arg12[%dma_wait3A_295, %dma_wait3A_301] : memref<16x1025xf32, #tpu.memory_space<vmem>> -> memref<1x1024xf32, #tpu.memory_space<vmem>>
        %dma_wait3A_303 = tpu.memref_squeeze %dma_wait3A_302 : memref<1x1024xf32, #tpu.memory_space<vmem>> -> memref<1024xf32, #tpu.memory_space<vmem>>
        %dma_wait3A_304 = tpu.memref_slice %arg4[%dma_wait3A_294, %min3A_31] : memref<16x285672xf32, #tpu.memory_space<hbm>> -> memref<1x1024xf32, #tpu.memory_space<hbm>>
        %dma_wait3A_305 = tpu.memref_squeeze %dma_wait3A_304 : memref<1x1024xf32, #tpu.memory_space<hbm>> -> memref<1024xf32, #tpu.memory_space<hbm>>
        tpu.wait_dma2 semaphore(%arg14 : memref<!tpu.dma_semaphore, #tpu.memory_space<semaphore_mem>>) src(%dma_wait3A_305 : memref<1024xf32, #tpu.memory_space<hbm>>) dst(%dma_wait3A_303 : memref<1024xf32, #tpu.memory_space<vmem>>)
        %dma_wait3A_306 = arith.constant 7 : i32
        %dma_wait3A_307 = arith.constant 7 : i32
        %dma_wait3A_308 = arith.constant 0 : i32
        %dma_wait3A_309 = tpu.memref_slice %arg12[%dma_wait3A_307, %dma_wait3A_308] : memref<16x1025xf32, #tpu.memory_space<vmem>> -> memref<1x1024xf32, #tpu.memory_space<vmem>>
        %dma_wait3A_310 = tpu.memref_squeeze %dma_wait3A_309 : memref<1x1024xf32, #tpu.memory_space<vmem>> -> memref<1024xf32, #tpu.memory_space<vmem>>
        %dma_wait3A_311 = tpu.memref_slice %arg4[%dma_wait3A_306, %min3A_31] : memref<16x285672xf32, #tpu.memory_space<hbm>> -> memref<1x1024xf32, #tpu.memory_space<hbm>>
        %dma_wait3A_312 = tpu.memref_squeeze %dma_wait3A_311 : memref<1x1024xf32, #tpu.memory_space<hbm>> -> memref<1024xf32, #tpu.memory_space<hbm>>
        %dma_wait3A_313 = arith.constant 0 : i32
        %dma_wait3A_314 = tpu.memref_slice %arg12[%dma_wait3A_307, %dma_wait3A_313] : memref<16x1025xf32, #tpu.memory_space<vmem>> -> memref<1x1024xf32, #tpu.memory_space<vmem>>
        %dma_wait3A_315 = tpu.memref_squeeze %dma_wait3A_314 : memref<1x1024xf32, #tpu.memory_space<vmem>> -> memref<1024xf32, #tpu.memory_space<vmem>>
        %dma_wait3A_316 = tpu.memref_slice %arg4[%dma_wait3A_306, %min3A_31] : memref<16x285672xf32, #tpu.memory_space<hbm>> -> memref<1x1024xf32, #tpu.memory_space<hbm>>
        %dma_wait3A_317 = tpu.memref_squeeze %dma_wait3A_316 : memref<1x1024xf32, #tpu.memory_space<hbm>> -> memref<1024xf32, #tpu.memory_space<hbm>>
        tpu.wait_dma2 semaphore(%arg14 : memref<!tpu.dma_semaphore, #tpu.memory_space<semaphore_mem>>) src(%dma_wait3A_317 : memref<1024xf32, #tpu.memory_space<hbm>>) dst(%dma_wait3A_315 : memref<1024xf32, #tpu.memory_space<vmem>>)
        %dma_wait3A_318 = arith.constant 8 : i32
        %dma_wait3A_319 = arith.constant 8 : i32
        %dma_wait3A_320 = arith.constant 0 : i32
        %dma_wait3A_321 = tpu.memref_slice %arg12[%dma_wait3A_319, %dma_wait3A_320] : memref<16x1025xf32, #tpu.memory_space<vmem>> -> memref<1x1024xf32, #tpu.memory_space<vmem>>
        %dma_wait3A_322 = tpu.memref_squeeze %dma_wait3A_321 : memref<1x1024xf32, #tpu.memory_space<vmem>> -> memref<1024xf32, #tpu.memory_space<vmem>>
        %dma_wait3A_323 = tpu.memref_slice %arg4[%dma_wait3A_318, %min3A_31] : memref<16x285672xf32, #tpu.memory_space<hbm>> -> memref<1x1024xf32, #tpu.memory_space<hbm>>
        %dma_wait3A_324 = tpu.memref_squeeze %dma_wait3A_323 : memref<1x1024xf32, #tpu.memory_space<hbm>> -> memref<1024xf32, #tpu.memory_space<hbm>>
        %dma_wait3A_325 = arith.constant 0 : i32
        %dma_wait3A_326 = tpu.memref_slice %arg12[%dma_wait3A_319, %dma_wait3A_325] : memref<16x1025xf32, #tpu.memory_space<vmem>> -> memref<1x1024xf32, #tpu.memory_space<vmem>>
        %dma_wait3A_327 = tpu.memref_squeeze %dma_wait3A_326 : memref<1x1024xf32, #tpu.memory_space<vmem>> -> memref<1024xf32, #tpu.memory_space<vmem>>
        %dma_wait3A_328 = tpu.memref_slice %arg4[%dma_wait3A_318, %min3A_31] : memref<16x285672xf32, #tpu.memory_space<hbm>> -> memref<1x1024xf32, #tpu.memory_space<hbm>>
        %dma_wait3A_329 = tpu.memref_squeeze %dma_wait3A_328 : memref<1x1024xf32, #tpu.memory_space<hbm>> -> memref<1024xf32, #tpu.memory_space<hbm>>
        tpu.wait_dma2 semaphore(%arg14 : memref<!tpu.dma_semaphore, #tpu.memory_space<semaphore_mem>>) src(%dma_wait3A_329 : memref<1024xf32, #tpu.memory_space<hbm>>) dst(%dma_wait3A_327 : memref<1024xf32, #tpu.memory_space<vmem>>)
        %dma_wait3A_330 = arith.constant 9 : i32
        %dma_wait3A_331 = arith.constant 9 : i32
        %dma_wait3A_332 = arith.constant 0 : i32
        %dma_wait3A_333 = tpu.memref_slice %arg12[%dma_wait3A_331, %dma_wait3A_332] : memref<16x1025xf32, #tpu.memory_space<vmem>> -> memref<1x1024xf32, #tpu.memory_space<vmem>>
        %dma_wait3A_334 = tpu.memref_squeeze %dma_wait3A_333 : memref<1x1024xf32, #tpu.memory_space<vmem>> -> memref<1024xf32, #tpu.memory_space<vmem>>
        %dma_wait3A_335 = tpu.memref_slice %arg4[%dma_wait3A_330, %min3A_31] : memref<16x285672xf32, #tpu.memory_space<hbm>> -> memref<1x1024xf32, #tpu.memory_space<hbm>>
        %dma_wait3A_336 = tpu.memref_squeeze %dma_wait3A_335 : memref<1x1024xf32, #tpu.memory_space<hbm>> -> memref<1024xf32, #tpu.memory_space<hbm>>
        %dma_wait3A_337 = arith.constant 0 : i32
        %dma_wait3A_338 = tpu.memref_slice %arg12[%dma_wait3A_331, %dma_wait3A_337] : memref<16x1025xf32, #tpu.memory_space<vmem>> -> memref<1x1024xf32, #tpu.memory_space<vmem>>
        %dma_wait3A_339 = tpu.memref_squeeze %dma_wait3A_338 : memref<1x1024xf32, #tpu.memory_space<vmem>> -> memref<1024xf32, #tpu.memory_space<vmem>>
        %dma_wait3A_340 = tpu.memref_slice %arg4[%dma_wait3A_330, %min3A_31] : memref<16x285672xf32, #tpu.memory_space<hbm>> -> memref<1x1024xf32, #tpu.memory_space<hbm>>
        %dma_wait3A_341 = tpu.memref_squeeze %dma_wait3A_340 : memref<1x1024xf32, #tpu.memory_space<hbm>> -> memref<1024xf32, #tpu.memory_space<hbm>>
        tpu.wait_dma2 semaphore(%arg14 : memref<!tpu.dma_semaphore, #tpu.memory_space<semaphore_mem>>) src(%dma_wait3A_341 : memref<1024xf32, #tpu.memory_space<hbm>>) dst(%dma_wait3A_339 : memref<1024xf32, #tpu.memory_space<vmem>>)
        %dma_wait3A_342 = arith.constant 10 : i32
        %dma_wait3A_343 = arith.constant 10 : i32
        %dma_wait3A_344 = arith.constant 0 : i32
        %dma_wait3A_345 = tpu.memref_slice %arg12[%dma_wait3A_343, %dma_wait3A_344] : memref<16x1025xf32, #tpu.memory_space<vmem>> -> memref<1x1024xf32, #tpu.memory_space<vmem>>
        %dma_wait3A_346 = tpu.memref_squeeze %dma_wait3A_345 : memref<1x1024xf32, #tpu.memory_space<vmem>> -> memref<1024xf32, #tpu.memory_space<vmem>>
        %dma_wait3A_347 = tpu.memref_slice %arg4[%dma_wait3A_342, %min3A_31] : memref<16x285672xf32, #tpu.memory_space<hbm>> -> memref<1x1024xf32, #tpu.memory_space<hbm>>
        %dma_wait3A_348 = tpu.memref_squeeze %dma_wait3A_347 : memref<1x1024xf32, #tpu.memory_space<hbm>> -> memref<1024xf32, #tpu.memory_space<hbm>>
        %dma_wait3A_349 = arith.constant 0 : i32
        %dma_wait3A_350 = tpu.memref_slice %arg12[%dma_wait3A_343, %dma_wait3A_349] : memref<16x1025xf32, #tpu.memory_space<vmem>> -> memref<1x1024xf32, #tpu.memory_space<vmem>>
        %dma_wait3A_351 = tpu.memref_squeeze %dma_wait3A_350 : memref<1x1024xf32, #tpu.memory_space<vmem>> -> memref<1024xf32, #tpu.memory_space<vmem>>
        %dma_wait3A_352 = tpu.memref_slice %arg4[%dma_wait3A_342, %min3A_31] : memref<16x285672xf32, #tpu.memory_space<hbm>> -> memref<1x1024xf32, #tpu.memory_space<hbm>>
        %dma_wait3A_353 = tpu.memref_squeeze %dma_wait3A_352 : memref<1x1024xf32, #tpu.memory_space<hbm>> -> memref<1024xf32, #tpu.memory_space<hbm>>
        tpu.wait_dma2 semaphore(%arg14 : memref<!tpu.dma_semaphore, #tpu.memory_space<semaphore_mem>>) src(%dma_wait3A_353 : memref<1024xf32, #tpu.memory_space<hbm>>) dst(%dma_wait3A_351 : memref<1024xf32, #tpu.memory_space<vmem>>)
        %dma_wait3A_354 = arith.constant 11 : i32
        %dma_wait3A_355 = arith.constant 11 : i32
        %dma_wait3A_356 = arith.constant 0 : i32
        %dma_wait3A_357 = tpu.memref_slice %arg12[%dma_wait3A_355, %dma_wait3A_356] : memref<16x1025xf32, #tpu.memory_space<vmem>> -> memref<1x1024xf32, #tpu.memory_space<vmem>>
        %dma_wait3A_358 = tpu.memref_squeeze %dma_wait3A_357 : memref<1x1024xf32, #tpu.memory_space<vmem>> -> memref<1024xf32, #tpu.memory_space<vmem>>
        %dma_wait3A_359 = tpu.memref_slice %arg4[%dma_wait3A_354, %min3A_31] : memref<16x285672xf32, #tpu.memory_space<hbm>> -> memref<1x1024xf32, #tpu.memory_space<hbm>>
        %dma_wait3A_360 = tpu.memref_squeeze %dma_wait3A_359 : memref<1x1024xf32, #tpu.memory_space<hbm>> -> memref<1024xf32, #tpu.memory_space<hbm>>
        %dma_wait3A_361 = arith.constant 0 : i32
        %dma_wait3A_362 = tpu.memref_slice %arg12[%dma_wait3A_355, %dma_wait3A_361] : memref<16x1025xf32, #tpu.memory_space<vmem>> -> memref<1x1024xf32, #tpu.memory_space<vmem>>
        %dma_wait3A_363 = tpu.memref_squeeze %dma_wait3A_362 : memref<1x1024xf32, #tpu.memory_space<vmem>> -> memref<1024xf32, #tpu.memory_space<vmem>>
        %dma_wait3A_364 = tpu.memref_slice %arg4[%dma_wait3A_354, %min3A_31] : memref<16x285672xf32, #tpu.memory_space<hbm>> -> memref<1x1024xf32, #tpu.memory_space<hbm>>
        %dma_wait3A_365 = tpu.memref_squeeze %dma_wait3A_364 : memref<1x1024xf32, #tpu.memory_space<hbm>> -> memref<1024xf32, #tpu.memory_space<hbm>>
        tpu.wait_dma2 semaphore(%arg14 : memref<!tpu.dma_semaphore, #tpu.memory_space<semaphore_mem>>) src(%dma_wait3A_365 : memref<1024xf32, #tpu.memory_space<hbm>>) dst(%dma_wait3A_363 : memref<1024xf32, #tpu.memory_space<vmem>>)
        %dma_wait3A_366 = arith.constant 12 : i32
        %dma_wait3A_367 = arith.constant 12 : i32
        %dma_wait3A_368 = arith.constant 0 : i32
        %dma_wait3A_369 = tpu.memref_slice %arg12[%dma_wait3A_367, %dma_wait3A_368] : memref<16x1025xf32, #tpu.memory_space<vmem>> -> memref<1x1024xf32, #tpu.memory_space<vmem>>
        %dma_wait3A_370 = tpu.memref_squeeze %dma_wait3A_369 : memref<1x1024xf32, #tpu.memory_space<vmem>> -> memref<1024xf32, #tpu.memory_space<vmem>>
        %dma_wait3A_371 = tpu.memref_slice %arg4[%dma_wait3A_366, %min3A_31] : memref<16x285672xf32, #tpu.memory_space<hbm>> -> memref<1x1024xf32, #tpu.memory_space<hbm>>
        %dma_wait3A_372 = tpu.memref_squeeze %dma_wait3A_371 : memref<1x1024xf32, #tpu.memory_space<hbm>> -> memref<1024xf32, #tpu.memory_space<hbm>>
        %dma_wait3A_373 = arith.constant 0 : i32
        %dma_wait3A_374 = tpu.memref_slice %arg12[%dma_wait3A_367, %dma_wait3A_373] : memref<16x1025xf32, #tpu.memory_space<vmem>> -> memref<1x1024xf32, #tpu.memory_space<vmem>>
        %dma_wait3A_375 = tpu.memref_squeeze %dma_wait3A_374 : memref<1x1024xf32, #tpu.memory_space<vmem>> -> memref<1024xf32, #tpu.memory_space<vmem>>
        %dma_wait3A_376 = tpu.memref_slice %arg4[%dma_wait3A_366, %min3A_31] : memref<16x285672xf32, #tpu.memory_space<hbm>> -> memref<1x1024xf32, #tpu.memory_space<hbm>>
        %dma_wait3A_377 = tpu.memref_squeeze %dma_wait3A_376 : memref<1x1024xf32, #tpu.memory_space<hbm>> -> memref<1024xf32, #tpu.memory_space<hbm>>
        tpu.wait_dma2 semaphore(%arg14 : memref<!tpu.dma_semaphore, #tpu.memory_space<semaphore_mem>>) src(%dma_wait3A_377 : memref<1024xf32, #tpu.memory_space<hbm>>) dst(%dma_wait3A_375 : memref<1024xf32, #tpu.memory_space<vmem>>)
        %dma_wait3A_378 = arith.constant 13 : i32
        %dma_wait3A_379 = arith.constant 13 : i32
        %dma_wait3A_380 = arith.constant 0 : i32
        %dma_wait3A_381 = tpu.memref_slice %arg12[%dma_wait3A_379, %dma_wait3A_380] : memref<16x1025xf32, #tpu.memory_space<vmem>> -> memref<1x1024xf32, #tpu.memory_space<vmem>>
        %dma_wait3A_382 = tpu.memref_squeeze %dma_wait3A_381 : memref<1x1024xf32, #tpu.memory_space<vmem>> -> memref<1024xf32, #tpu.memory_space<vmem>>
        %dma_wait3A_383 = tpu.memref_slice %arg4[%dma_wait3A_378, %min3A_31] : memref<16x285672xf32, #tpu.memory_space<hbm>> -> memref<1x1024xf32, #tpu.memory_space<hbm>>
        %dma_wait3A_384 = tpu.memref_squeeze %dma_wait3A_383 : memref<1x1024xf32, #tpu.memory_space<hbm>> -> memref<1024xf32, #tpu.memory_space<hbm>>
        %dma_wait3A_385 = arith.constant 0 : i32
        %dma_wait3A_386 = tpu.memref_slice %arg12[%dma_wait3A_379, %dma_wait3A_385] : memref<16x1025xf32, #tpu.memory_space<vmem>> -> memref<1x1024xf32, #tpu.memory_space<vmem>>
        %dma_wait3A_387 = tpu.memref_squeeze %dma_wait3A_386 : memref<1x1024xf32, #tpu.memory_space<vmem>> -> memref<1024xf32, #tpu.memory_space<vmem>>
        %dma_wait3A_388 = tpu.memref_slice %arg4[%dma_wait3A_378, %min3A_31] : memref<16x285672xf32, #tpu.memory_space<hbm>> -> memref<1x1024xf32, #tpu.memory_space<hbm>>
        %dma_wait3A_389 = tpu.memref_squeeze %dma_wait3A_388 : memref<1x1024xf32, #tpu.memory_space<hbm>> -> memref<1024xf32, #tpu.memory_space<hbm>>
        tpu.wait_dma2 semaphore(%arg14 : memref<!tpu.dma_semaphore, #tpu.memory_space<semaphore_mem>>) src(%dma_wait3A_389 : memref<1024xf32, #tpu.memory_space<hbm>>) dst(%dma_wait3A_387 : memref<1024xf32, #tpu.memory_space<vmem>>)
        %dma_wait3A_390 = arith.constant 14 : i32
        %dma_wait3A_391 = arith.constant 14 : i32
        %dma_wait3A_392 = arith.constant 0 : i32
        %dma_wait3A_393 = tpu.memref_slice %arg12[%dma_wait3A_391, %dma_wait3A_392] : memref<16x1025xf32, #tpu.memory_space<vmem>> -> memref<1x1024xf32, #tpu.memory_space<vmem>>
        %dma_wait3A_394 = tpu.memref_squeeze %dma_wait3A_393 : memref<1x1024xf32, #tpu.memory_space<vmem>> -> memref<1024xf32, #tpu.memory_space<vmem>>
        %dma_wait3A_395 = tpu.memref_slice %arg4[%dma_wait3A_390, %min3A_31] : memref<16x285672xf32, #tpu.memory_space<hbm>> -> memref<1x1024xf32, #tpu.memory_space<hbm>>
        %dma_wait3A_396 = tpu.memref_squeeze %dma_wait3A_395 : memref<1x1024xf32, #tpu.memory_space<hbm>> -> memref<1024xf32, #tpu.memory_space<hbm>>
        %dma_wait3A_397 = arith.constant 0 : i32
        %dma_wait3A_398 = tpu.memref_slice %arg12[%dma_wait3A_391, %dma_wait3A_397] : memref<16x1025xf32, #tpu.memory_space<vmem>> -> memref<1x1024xf32, #tpu.memory_space<vmem>>
        %dma_wait3A_399 = tpu.memref_squeeze %dma_wait3A_398 : memref<1x1024xf32, #tpu.memory_space<vmem>> -> memref<1024xf32, #tpu.memory_space<vmem>>
        %dma_wait3A_400 = tpu.memref_slice %arg4[%dma_wait3A_390, %min3A_31] : memref<16x285672xf32, #tpu.memory_space<hbm>> -> memref<1x1024xf32, #tpu.memory_space<hbm>>
        %dma_wait3A_401 = tpu.memref_squeeze %dma_wait3A_400 : memref<1x1024xf32, #tpu.memory_space<hbm>> -> memref<1024xf32, #tpu.memory_space<hbm>>
        tpu.wait_dma2 semaphore(%arg14 : memref<!tpu.dma_semaphore, #tpu.memory_space<semaphore_mem>>) src(%dma_wait3A_401 : memref<1024xf32, #tpu.memory_space<hbm>>) dst(%dma_wait3A_399 : memref<1024xf32, #tpu.memory_space<vmem>>)
        %dma_wait3A_402 = arith.constant 15 : i32
        %dma_wait3A_403 = arith.constant 15 : i32
        %dma_wait3A_404 = arith.constant 0 : i32
        %dma_wait3A_405 = tpu.memref_slice %arg12[%dma_wait3A_403, %dma_wait3A_404] : memref<16x1025xf32, #tpu.memory_space<vmem>> -> memref<1x1024xf32, #tpu.memory_space<vmem>>
        %dma_wait3A_406 = tpu.memref_squeeze %dma_wait3A_405 : memref<1x1024xf32, #tpu.memory_space<vmem>> -> memref<1024xf32, #tpu.memory_space<vmem>>
        %dma_wait3A_407 = tpu.memref_slice %arg4[%dma_wait3A_402, %min3A_31] : memref<16x285672xf32, #tpu.memory_space<hbm>> -> memref<1x1024xf32, #tpu.memory_space<hbm>>
        %dma_wait3A_408 = tpu.memref_squeeze %dma_wait3A_407 : memref<1x1024xf32, #tpu.memory_space<hbm>> -> memref<1024xf32, #tpu.memory_space<hbm>>
        %dma_wait3A_409 = arith.constant 0 : i32
        %dma_wait3A_410 = tpu.memref_slice %arg12[%dma_wait3A_403, %dma_wait3A_409] : memref<16x1025xf32, #tpu.memory_space<vmem>> -> memref<1x1024xf32, #tpu.memory_space<vmem>>
        %dma_wait3A_411 = tpu.memref_squeeze %dma_wait3A_410 : memref<1x1024xf32, #tpu.memory_space<vmem>> -> memref<1024xf32, #tpu.memory_space<vmem>>
        %dma_wait3A_412 = tpu.memref_slice %arg4[%dma_wait3A_402, %min3A_31] : memref<16x285672xf32, #tpu.memory_space<hbm>> -> memref<1x1024xf32, #tpu.memory_space<hbm>>
        %dma_wait3A_413 = tpu.memref_squeeze %dma_wait3A_412 : memref<1x1024xf32, #tpu.memory_space<hbm>> -> memref<1024xf32, #tpu.memory_space<hbm>>
        tpu.wait_dma2 semaphore(%arg14 : memref<!tpu.dma_semaphore, #tpu.memory_space<semaphore_mem>>) src(%dma_wait3A_413 : memref<1024xf32, #tpu.memory_space<hbm>>) dst(%dma_wait3A_411 : memref<1024xf32, #tpu.memory_space<vmem>>)
        %scan3A_414 = arith.constant 0 : i32
        %scan3A_415 = arith.constant 0 : i32
        %scan3A_416 = arith.constant 1024 : i32
        %scan3A_417 = arith.addi %scan3A_415, %scan3A_416 : i32
        %scan3A_418 = arith.constant 1 : i32
        scf.for %scan3A_420 = %scan3A_415 to %scan3A_417 step %scan3A_418  : i32 {
          %add3A_421 = vector.broadcast %scan3A_420 : i32 to vector<16xi32>
          %add3A_422 = arith.addi %broadcast_in_dim3A_1, %add3A_421 : vector<16xi32>
          %gather3A = tpu.vector_load_idx %arg12[%iota3A, %add3A_422] : memref<16x1025xf32, #tpu.memory_space<vmem>>[vector<16xi32>, vector<16xi32>], vector<16xf32>,
          %swap3A = arith.index_cast %scan3A_420 : i32 to index
          %swap3A_423 = arith.constant 0 : index
          %swap3A_424 = tpu.vector_load %arg13[%swap3A, %swap3A_423] {strides = array<i32>} : memref<1024x16xf32, #tpu.memory_space<vmem>>, vector<16xf32>,
          tpu.vector_store %arg13[%swap3A, %swap3A_423], %gather3A {strides = array<i32>} : memref<1024x16xf32, #tpu.memory_space<vmem>>, vector<16xf32>,
        }
        %scan3A_419 = arith.constant 1024 : i32
        "tpu.region"() ({
          %run_scoped3A = tpu.sem_alloc : memref<!tpu.dma_semaphore, #tpu.memory_space<semaphore_mem>>
          %dma_start3A_420 = arith.constant 0 : i32
          %dma_start3A_421 = tpu.memref_slice %arg7[%min3A_31, %dma_start3A_420] : memref<285672x16xf32, #tpu.memory_space<hbm>> -> memref<1024x16xf32, #tpu.memory_space<hbm>>
          %dma_start3A_422 = arith.constant 0 : i32
          %dma_start3A_423 = tpu.memref_slice %arg7[%min3A_31, %dma_start3A_422] : memref<285672x16xf32, #tpu.memory_space<hbm>> -> memref<1024x16xf32, #tpu.memory_space<hbm>>
          tpu.enqueue_dma source(%arg13 : memref<1024x16xf32, #tpu.memory_space<vmem>>) target(%dma_start3A_423 : memref<1024x16xf32, #tpu.memory_space<hbm>>) target_semaphore(%run_scoped3A : memref<!tpu.dma_semaphore, #tpu.memory_space<semaphore_mem>>)
          %dma_wait3A_424 = arith.constant 0 : i32
          %dma_wait3A_425 = tpu.memref_slice %arg7[%min3A_31, %dma_wait3A_424] : memref<285672x16xf32, #tpu.memory_space<hbm>> -> memref<1024x16xf32, #tpu.memory_space<hbm>>
          %dma_wait3A_426 = arith.constant 0 : i32
          %dma_wait3A_427 = tpu.memref_slice %arg7[%min3A_31, %dma_wait3A_426] : memref<285672x16xf32, #tpu.memory_space<hbm>> -> memref<1024x16xf32, #tpu.memory_space<hbm>>
          tpu.wait_dma2 semaphore(%run_scoped3A : memref<!tpu.dma_semaphore, #tpu.memory_space<semaphore_mem>>) src(%arg13 : memref<1024x16xf32, #tpu.memory_space<vmem>>) dst(%dma_wait3A_427 : memref<1024x16xf32, #tpu.memory_space<hbm>>)
          tpu.yield
        }) : () -> ()
      } else {
      }
    }
    %scan3A_22 = arith.constant 9 : i32
    return
  }
}

#map = affine_map<(d0, d1) -> (0, 0)>
#map1 = affine_map<(d0, d1) -> (0)>
#map2 = affine_map<(d0, d1) -> (0, 0, 0)>
module attributes {stable_mosaic.version = 14 : i64} {
  func.func @_body(%arg0: i32, %arg1: i32, %arg2: memref<285672x16xf32, #tpu.memory_space<hbm>>, %arg3: memref<566312x16xi32, #tpu.memory_space<hbm>>, %arg4: memref<285672x16xf32, #tpu.memory_space<hbm>>, %arg5: memref<524288xi32, #tpu.memory_space<hbm>>, %arg6: memref<3x524288xf32, #tpu.memory_space<hbm>>, %arg7: memref<8x16x65536xf32, #tpu.memory_space<hbm>>, %arg8: memref<512xi32, #tpu.memory_space<vmem>>, %arg9: memref<3x512xf32, #tpu.memory_space<vmem>>, %arg10: memref<4x128xi32, #tpu.memory_space<vmem>>, %arg11: memref<4x128x16xi32, #tpu.memory_space<vmem>>, %arg12: memref<3x4x128xi32, #tpu.memory_space<vmem>>, %arg13: memref<3x4x128x16xf32, #tpu.memory_space<vmem>>, %arg14: memref<3x512xf32, #tpu.memory_space<vmem>>, %arg15: memref<3x4x128x16xf32, #tpu.memory_space<vmem>>, %arg16: memref<16x513xf32, #tpu.memory_space<vmem>>, %arg17: memref<!tpu.dma_semaphore, #tpu.memory_space<semaphore_mem>>) attributes {dimension_semantics = [#tpu.dimension_semantics<core_parallel>, #tpu.dimension_semantics<subcore_parallel>], iteration_bounds = array<i64: 2, 16>, scalar_prefetch = 0 : i64, scratch_operands = 10 : i64, tpu.core_type = #tpu.core_type<sc_vector_subcore>, window_params = [{transform_indices = #map}, {transform_indices = #map}, {transform_indices = #map}, {transform_indices = #map1}, {transform_indices = #map}, {transform_indices = #map2}]} {
    %mul3A = arith.constant 2 : i32
    %mul3A_0 = arith.muli %arg1, %mul3A : i32
    %add3A = arith.addi %mul3A_0, %arg0 : i32
    %iota3A = tpu.iota {dimensions = array<i32: 0>} : vector<16xi32>
    %broadcast_in_dim3A = arith.constant 0 : i32
    %broadcast_in_dim3A_1 = vector.broadcast %broadcast_in_dim3A : i32 to vector<16xi32>
    %broadcast_in_dim3A_2 = arith.constant 1 : i32
    %broadcast_in_dim3A_3 = vector.broadcast %broadcast_in_dim3A_2 : i32 to vector<16xi32>
    %scan3A = arith.constant 0 : i32
    %scan3A_4 = arith.constant 0 : i32
    %scan3A_5 = arith.constant 32 : i32
    %scan3A_6 = arith.addi %scan3A_4, %scan3A_5 : i32
    %scan3A_7 = arith.constant 1 : i32
    scf.for %scan3A_9 = %scan3A_4 to %scan3A_6 step %scan3A_7  : i32 {
      %mul3A_10 = arith.constant 32 : i32
      %mul3A_11 = arith.muli %add3A, %mul3A_10 : i32
      %add3A_12 = arith.addi %mul3A_11, %scan3A_9 : i32
      %mul3A_13 = arith.constant 512 : i32
      %mul3A_14 = arith.muli %add3A_12, %mul3A_13 : i32
      "tpu.region"() ({
        %run_scoped3A_1196 = tpu.sem_alloc : memref<!tpu.dma_semaphore, #tpu.memory_space<semaphore_mem>>
        %dma_start3A_1197 = tpu.memref_slice %arg5[%mul3A_14] : memref<524288xi32, #tpu.memory_space<hbm>> -> memref<512xi32, #tpu.memory_space<hbm>>
        %dma_start3A_1198 = tpu.memref_slice %arg5[%mul3A_14] : memref<524288xi32, #tpu.memory_space<hbm>> -> memref<512xi32, #tpu.memory_space<hbm>>
        tpu.enqueue_dma source(%dma_start3A_1198 : memref<512xi32, #tpu.memory_space<hbm>>) target(%arg8 : memref<512xi32, #tpu.memory_space<vmem>>) target_semaphore(%run_scoped3A_1196 : memref<!tpu.dma_semaphore, #tpu.memory_space<semaphore_mem>>)
        %dma_wait3A_1199 = tpu.memref_slice %arg5[%mul3A_14] : memref<524288xi32, #tpu.memory_space<hbm>> -> memref<512xi32, #tpu.memory_space<hbm>>
        %dma_wait3A_1200 = tpu.memref_slice %arg5[%mul3A_14] : memref<524288xi32, #tpu.memory_space<hbm>> -> memref<512xi32, #tpu.memory_space<hbm>>
        tpu.wait_dma2 semaphore(%run_scoped3A_1196 : memref<!tpu.dma_semaphore, #tpu.memory_space<semaphore_mem>>) src(%dma_wait3A_1200 : memref<512xi32, #tpu.memory_space<hbm>>) dst(%arg8 : memref<512xi32, #tpu.memory_space<vmem>>)
        tpu.yield
      }) : () -> ()
      %run_scoped3A = arith.constant 0 : i32
      %run_scoped3A_15 = arith.constant 0 : i32
      "tpu.region"() ({
        %run_scoped3A_1196 = tpu.sem_alloc : memref<!tpu.dma_semaphore, #tpu.memory_space<semaphore_mem>>
        %dma_start3A_1197 = arith.constant 0 : i32
        %dma_start3A_1198 = tpu.memref_slice %arg9[%run_scoped3A_15, %dma_start3A_1197] : memref<3x512xf32, #tpu.memory_space<vmem>> -> memref<1x512xf32, #tpu.memory_space<vmem>>
        %dma_start3A_1199 = tpu.memref_squeeze %dma_start3A_1198 : memref<1x512xf32, #tpu.memory_space<vmem>> -> memref<512xf32, #tpu.memory_space<vmem>>
        %dma_start3A_1200 = tpu.memref_slice %arg6[%run_scoped3A, %mul3A_14] : memref<3x524288xf32, #tpu.memory_space<hbm>> -> memref<1x512xf32, #tpu.memory_space<hbm>>
        %dma_start3A_1201 = tpu.memref_squeeze %dma_start3A_1200 : memref<1x512xf32, #tpu.memory_space<hbm>> -> memref<512xf32, #tpu.memory_space<hbm>>
        %dma_start3A_1202 = arith.constant 0 : i32
        %dma_start3A_1203 = tpu.memref_slice %arg9[%run_scoped3A_15, %dma_start3A_1202] : memref<3x512xf32, #tpu.memory_space<vmem>> -> memref<1x512xf32, #tpu.memory_space<vmem>>
        %dma_start3A_1204 = tpu.memref_squeeze %dma_start3A_1203 : memref<1x512xf32, #tpu.memory_space<vmem>> -> memref<512xf32, #tpu.memory_space<vmem>>
        %dma_start3A_1205 = tpu.memref_slice %arg6[%run_scoped3A, %mul3A_14] : memref<3x524288xf32, #tpu.memory_space<hbm>> -> memref<1x512xf32, #tpu.memory_space<hbm>>
        %dma_start3A_1206 = tpu.memref_squeeze %dma_start3A_1205 : memref<1x512xf32, #tpu.memory_space<hbm>> -> memref<512xf32, #tpu.memory_space<hbm>>
        tpu.enqueue_dma source(%dma_start3A_1206 : memref<512xf32, #tpu.memory_space<hbm>>) target(%dma_start3A_1204 : memref<512xf32, #tpu.memory_space<vmem>>) target_semaphore(%run_scoped3A_1196 : memref<!tpu.dma_semaphore, #tpu.memory_space<semaphore_mem>>)
        %dma_wait3A_1207 = arith.constant 0 : i32
        %dma_wait3A_1208 = tpu.memref_slice %arg9[%run_scoped3A_15, %dma_wait3A_1207] : memref<3x512xf32, #tpu.memory_space<vmem>> -> memref<1x512xf32, #tpu.memory_space<vmem>>
        %dma_wait3A_1209 = tpu.memref_squeeze %dma_wait3A_1208 : memref<1x512xf32, #tpu.memory_space<vmem>> -> memref<512xf32, #tpu.memory_space<vmem>>
        %dma_wait3A_1210 = tpu.memref_slice %arg6[%run_scoped3A, %mul3A_14] : memref<3x524288xf32, #tpu.memory_space<hbm>> -> memref<1x512xf32, #tpu.memory_space<hbm>>
        %dma_wait3A_1211 = tpu.memref_squeeze %dma_wait3A_1210 : memref<1x512xf32, #tpu.memory_space<hbm>> -> memref<512xf32, #tpu.memory_space<hbm>>
        %dma_wait3A_1212 = arith.constant 0 : i32
        %dma_wait3A_1213 = tpu.memref_slice %arg9[%run_scoped3A_15, %dma_wait3A_1212] : memref<3x512xf32, #tpu.memory_space<vmem>> -> memref<1x512xf32, #tpu.memory_space<vmem>>
        %dma_wait3A_1214 = tpu.memref_squeeze %dma_wait3A_1213 : memref<1x512xf32, #tpu.memory_space<vmem>> -> memref<512xf32, #tpu.memory_space<vmem>>
        %dma_wait3A_1215 = tpu.memref_slice %arg6[%run_scoped3A, %mul3A_14] : memref<3x524288xf32, #tpu.memory_space<hbm>> -> memref<1x512xf32, #tpu.memory_space<hbm>>
        %dma_wait3A_1216 = tpu.memref_squeeze %dma_wait3A_1215 : memref<1x512xf32, #tpu.memory_space<hbm>> -> memref<512xf32, #tpu.memory_space<hbm>>
        tpu.wait_dma2 semaphore(%run_scoped3A_1196 : memref<!tpu.dma_semaphore, #tpu.memory_space<semaphore_mem>>) src(%dma_wait3A_1216 : memref<512xf32, #tpu.memory_space<hbm>>) dst(%dma_wait3A_1214 : memref<512xf32, #tpu.memory_space<vmem>>)
        tpu.yield
      }) : () -> ()
      %run_scoped3A_16 = arith.constant 1 : i32
      %run_scoped3A_17 = arith.constant 1 : i32
      "tpu.region"() ({
        %run_scoped3A_1196 = tpu.sem_alloc : memref<!tpu.dma_semaphore, #tpu.memory_space<semaphore_mem>>
        %dma_start3A_1197 = arith.constant 0 : i32
        %dma_start3A_1198 = tpu.memref_slice %arg9[%run_scoped3A_17, %dma_start3A_1197] : memref<3x512xf32, #tpu.memory_space<vmem>> -> memref<1x512xf32, #tpu.memory_space<vmem>>
        %dma_start3A_1199 = tpu.memref_squeeze %dma_start3A_1198 : memref<1x512xf32, #tpu.memory_space<vmem>> -> memref<512xf32, #tpu.memory_space<vmem>>
        %dma_start3A_1200 = tpu.memref_slice %arg6[%run_scoped3A_16, %mul3A_14] : memref<3x524288xf32, #tpu.memory_space<hbm>> -> memref<1x512xf32, #tpu.memory_space<hbm>>
        %dma_start3A_1201 = tpu.memref_squeeze %dma_start3A_1200 : memref<1x512xf32, #tpu.memory_space<hbm>> -> memref<512xf32, #tpu.memory_space<hbm>>
        %dma_start3A_1202 = arith.constant 0 : i32
        %dma_start3A_1203 = tpu.memref_slice %arg9[%run_scoped3A_17, %dma_start3A_1202] : memref<3x512xf32, #tpu.memory_space<vmem>> -> memref<1x512xf32, #tpu.memory_space<vmem>>
        %dma_start3A_1204 = tpu.memref_squeeze %dma_start3A_1203 : memref<1x512xf32, #tpu.memory_space<vmem>> -> memref<512xf32, #tpu.memory_space<vmem>>
        %dma_start3A_1205 = tpu.memref_slice %arg6[%run_scoped3A_16, %mul3A_14] : memref<3x524288xf32, #tpu.memory_space<hbm>> -> memref<1x512xf32, #tpu.memory_space<hbm>>
        %dma_start3A_1206 = tpu.memref_squeeze %dma_start3A_1205 : memref<1x512xf32, #tpu.memory_space<hbm>> -> memref<512xf32, #tpu.memory_space<hbm>>
        tpu.enqueue_dma source(%dma_start3A_1206 : memref<512xf32, #tpu.memory_space<hbm>>) target(%dma_start3A_1204 : memref<512xf32, #tpu.memory_space<vmem>>) target_semaphore(%run_scoped3A_1196 : memref<!tpu.dma_semaphore, #tpu.memory_space<semaphore_mem>>)
        %dma_wait3A_1207 = arith.constant 0 : i32
        %dma_wait3A_1208 = tpu.memref_slice %arg9[%run_scoped3A_17, %dma_wait3A_1207] : memref<3x512xf32, #tpu.memory_space<vmem>> -> memref<1x512xf32, #tpu.memory_space<vmem>>
        %dma_wait3A_1209 = tpu.memref_squeeze %dma_wait3A_1208 : memref<1x512xf32, #tpu.memory_space<vmem>> -> memref<512xf32, #tpu.memory_space<vmem>>
        %dma_wait3A_1210 = tpu.memref_slice %arg6[%run_scoped3A_16, %mul3A_14] : memref<3x524288xf32, #tpu.memory_space<hbm>> -> memref<1x512xf32, #tpu.memory_space<hbm>>
        %dma_wait3A_1211 = tpu.memref_squeeze %dma_wait3A_1210 : memref<1x512xf32, #tpu.memory_space<hbm>> -> memref<512xf32, #tpu.memory_space<hbm>>
        %dma_wait3A_1212 = arith.constant 0 : i32
        %dma_wait3A_1213 = tpu.memref_slice %arg9[%run_scoped3A_17, %dma_wait3A_1212] : memref<3x512xf32, #tpu.memory_space<vmem>> -> memref<1x512xf32, #tpu.memory_space<vmem>>
        %dma_wait3A_1214 = tpu.memref_squeeze %dma_wait3A_1213 : memref<1x512xf32, #tpu.memory_space<vmem>> -> memref<512xf32, #tpu.memory_space<vmem>>
        %dma_wait3A_1215 = tpu.memref_slice %arg6[%run_scoped3A_16, %mul3A_14] : memref<3x524288xf32, #tpu.memory_space<hbm>> -> memref<1x512xf32, #tpu.memory_space<hbm>>
        %dma_wait3A_1216 = tpu.memref_squeeze %dma_wait3A_1215 : memref<1x512xf32, #tpu.memory_space<hbm>> -> memref<512xf32, #tpu.memory_space<hbm>>
        tpu.wait_dma2 semaphore(%run_scoped3A_1196 : memref<!tpu.dma_semaphore, #tpu.memory_space<semaphore_mem>>) src(%dma_wait3A_1216 : memref<512xf32, #tpu.memory_space<hbm>>) dst(%dma_wait3A_1214 : memref<512xf32, #tpu.memory_space<vmem>>)
        tpu.yield
      }) : () -> ()
      %run_scoped3A_18 = arith.constant 2 : i32
      %run_scoped3A_19 = arith.constant 2 : i32
      "tpu.region"() ({
        %run_scoped3A_1196 = tpu.sem_alloc : memref<!tpu.dma_semaphore, #tpu.memory_space<semaphore_mem>>
        %dma_start3A_1197 = arith.constant 0 : i32
        %dma_start3A_1198 = tpu.memref_slice %arg9[%run_scoped3A_19, %dma_start3A_1197] : memref<3x512xf32, #tpu.memory_space<vmem>> -> memref<1x512xf32, #tpu.memory_space<vmem>>
        %dma_start3A_1199 = tpu.memref_squeeze %dma_start3A_1198 : memref<1x512xf32, #tpu.memory_space<vmem>> -> memref<512xf32, #tpu.memory_space<vmem>>
        %dma_start3A_1200 = tpu.memref_slice %arg6[%run_scoped3A_18, %mul3A_14] : memref<3x524288xf32, #tpu.memory_space<hbm>> -> memref<1x512xf32, #tpu.memory_space<hbm>>
        %dma_start3A_1201 = tpu.memref_squeeze %dma_start3A_1200 : memref<1x512xf32, #tpu.memory_space<hbm>> -> memref<512xf32, #tpu.memory_space<hbm>>
        %dma_start3A_1202 = arith.constant 0 : i32
        %dma_start3A_1203 = tpu.memref_slice %arg9[%run_scoped3A_19, %dma_start3A_1202] : memref<3x512xf32, #tpu.memory_space<vmem>> -> memref<1x512xf32, #tpu.memory_space<vmem>>
        %dma_start3A_1204 = tpu.memref_squeeze %dma_start3A_1203 : memref<1x512xf32, #tpu.memory_space<vmem>> -> memref<512xf32, #tpu.memory_space<vmem>>
        %dma_start3A_1205 = tpu.memref_slice %arg6[%run_scoped3A_18, %mul3A_14] : memref<3x524288xf32, #tpu.memory_space<hbm>> -> memref<1x512xf32, #tpu.memory_space<hbm>>
        %dma_start3A_1206 = tpu.memref_squeeze %dma_start3A_1205 : memref<1x512xf32, #tpu.memory_space<hbm>> -> memref<512xf32, #tpu.memory_space<hbm>>
        tpu.enqueue_dma source(%dma_start3A_1206 : memref<512xf32, #tpu.memory_space<hbm>>) target(%dma_start3A_1204 : memref<512xf32, #tpu.memory_space<vmem>>) target_semaphore(%run_scoped3A_1196 : memref<!tpu.dma_semaphore, #tpu.memory_space<semaphore_mem>>)
        %dma_wait3A_1207 = arith.constant 0 : i32
        %dma_wait3A_1208 = tpu.memref_slice %arg9[%run_scoped3A_19, %dma_wait3A_1207] : memref<3x512xf32, #tpu.memory_space<vmem>> -> memref<1x512xf32, #tpu.memory_space<vmem>>
        %dma_wait3A_1209 = tpu.memref_squeeze %dma_wait3A_1208 : memref<1x512xf32, #tpu.memory_space<vmem>> -> memref<512xf32, #tpu.memory_space<vmem>>
        %dma_wait3A_1210 = tpu.memref_slice %arg6[%run_scoped3A_18, %mul3A_14] : memref<3x524288xf32, #tpu.memory_space<hbm>> -> memref<1x512xf32, #tpu.memory_space<hbm>>
        %dma_wait3A_1211 = tpu.memref_squeeze %dma_wait3A_1210 : memref<1x512xf32, #tpu.memory_space<hbm>> -> memref<512xf32, #tpu.memory_space<hbm>>
        %dma_wait3A_1212 = arith.constant 0 : i32
        %dma_wait3A_1213 = tpu.memref_slice %arg9[%run_scoped3A_19, %dma_wait3A_1212] : memref<3x512xf32, #tpu.memory_space<vmem>> -> memref<1x512xf32, #tpu.memory_space<vmem>>
        %dma_wait3A_1214 = tpu.memref_squeeze %dma_wait3A_1213 : memref<1x512xf32, #tpu.memory_space<vmem>> -> memref<512xf32, #tpu.memory_space<vmem>>
        %dma_wait3A_1215 = tpu.memref_slice %arg6[%run_scoped3A_18, %mul3A_14] : memref<3x524288xf32, #tpu.memory_space<hbm>> -> memref<1x512xf32, #tpu.memory_space<hbm>>
        %dma_wait3A_1216 = tpu.memref_squeeze %dma_wait3A_1215 : memref<1x512xf32, #tpu.memory_space<hbm>> -> memref<512xf32, #tpu.memory_space<hbm>>
        tpu.wait_dma2 semaphore(%run_scoped3A_1196 : memref<!tpu.dma_semaphore, #tpu.memory_space<semaphore_mem>>) src(%dma_wait3A_1216 : memref<512xf32, #tpu.memory_space<hbm>>) dst(%dma_wait3A_1214 : memref<512xf32, #tpu.memory_space<vmem>>)
        tpu.yield
      }) : () -> ()
      %scan3A_20 = arith.constant 0 : i32
      %scan3A_21 = arith.constant 0 : i32
      %scan3A_22 = arith.constant 4 : i32
      %scan3A_23 = arith.addi %scan3A_21, %scan3A_22 : i32
      %scan3A_24 = arith.constant 1 : i32
      scf.for %scan3A_1196 = %scan3A_21 to %scan3A_23 step %scan3A_24  : i32 {
        %scan3A_1197 = arith.constant 0 : i32
        %scan3A_1198 = arith.constant 8 : i32
        %scan3A_1199 = arith.addi %scan3A_1197, %scan3A_1198 : i32
        %scan3A_1200 = arith.constant 1 : i32
        scf.for %scan3A_1202 = %scan3A_1197 to %scan3A_1199 step %scan3A_1200  : i32 {
          %mul3A_1203 = arith.constant 128 : i32
          %mul3A_1204 = arith.muli %scan3A_1196, %mul3A_1203 : i32
          %mul3A_1205 = arith.constant 16 : i32
          %mul3A_1206 = arith.muli %scan3A_1202, %mul3A_1205 : i32
          %add3A_1207 = arith.addi %mul3A_1204, %mul3A_1206 : i32
          %get3A = arith.index_cast %add3A_1207 : i32 to index
          %get3A_1208 = tpu.vector_load %arg8[%get3A] {strides = array<i32>} : memref<512xi32, #tpu.memory_space<vmem>>, vector<16xi32>,
          %max3A = arith.constant 0 : i32
          %max3A_1209 = vector.broadcast %max3A : i32 to vector<16xi32>
          %max3A_1210 = arith.maxsi %get3A_1208, %max3A_1209 : vector<16xi32>
          %mul3A_1211 = arith.constant 16 : i32
          %mul3A_1212 = arith.muli %scan3A_1202, %mul3A_1211 : i32
          %swap3A = arith.index_cast %scan3A_1196 : i32 to index
          %swap3A_1213 = arith.index_cast %mul3A_1212 : i32 to index
          %swap3A_1214 = tpu.vector_load %arg10[%swap3A, %swap3A_1213] {strides = array<i32>} : memref<4x128xi32, #tpu.memory_space<vmem>>, vector<16xi32>,
          tpu.vector_store %arg10[%swap3A, %swap3A_1213], %max3A_1210 {strides = array<i32>} : memref<4x128xi32, #tpu.memory_space<vmem>>, vector<16xi32>,
        }
        %scan3A_1201 = arith.constant 8 : i32
      }
      %scan3A_25 = arith.constant 4 : i32
      %dma_start3A = arith.constant 0 : i32
      %dma_start3A_26 = arith.constant 0 : i32
      %dma_start3A_27 = arith.constant 0 : i32
      %dma_start3A_28 = arith.constant 0 : i32
      %dma_start3A_29 = tpu.memref_slice %arg11[%dma_start3A_26, %dma_start3A_27, %dma_start3A_28] : memref<4x128x16xi32, #tpu.memory_space<vmem>> -> memref<1x128x16xi32, #tpu.memory_space<vmem>>
      %dma_start3A_30 = tpu.memref_squeeze %dma_start3A_29 : memref<1x128x16xi32, #tpu.memory_space<vmem>> -> memref<128x16xi32, #tpu.memory_space<vmem>>
      %dma_start3A_31 = arith.constant 0 : i32
      %dma_start3A_32 = tpu.memref_slice %arg10[%dma_start3A, %dma_start3A_31] : memref<4x128xi32, #tpu.memory_space<vmem>> -> memref<1x128xi32, #tpu.memory_space<vmem>>
      %dma_start3A_33 = tpu.memref_squeeze %dma_start3A_32 : memref<1x128xi32, #tpu.memory_space<vmem>> -> memref<128xi32, #tpu.memory_space<vmem>>
      %dma_start3A_34 = arith.constant 0 : i32
      %dma_start3A_35 = arith.constant 0 : i32
      %dma_start3A_36 = tpu.memref_slice %arg3[%dma_start3A_34, %dma_start3A_35] : memref<566312x16xi32, #tpu.memory_space<hbm>> -> memref<566312x16xi32, #tpu.memory_space<hbm>>
      tpu.enqueue_indirect_dma source(%dma_start3A_36 : memref<566312x16xi32, #tpu.memory_space<hbm>>) target(%dma_start3A_30 : memref<128x16xi32, #tpu.memory_space<vmem>>) offsets(%dma_start3A_33 : memref<128xi32, #tpu.memory_space<vmem>>) semaphore(%arg17 : memref<!tpu.dma_semaphore, #tpu.memory_space<semaphore_mem>>)
      %dma_start3A_37 = arith.constant 1 : i32
      %dma_start3A_38 = arith.constant 1 : i32
      %dma_start3A_39 = arith.constant 0 : i32
      %dma_start3A_40 = arith.constant 0 : i32
      %dma_start3A_41 = tpu.memref_slice %arg11[%dma_start3A_38, %dma_start3A_39, %dma_start3A_40] : memref<4x128x16xi32, #tpu.memory_space<vmem>> -> memref<1x128x16xi32, #tpu.memory_space<vmem>>
      %dma_start3A_42 = tpu.memref_squeeze %dma_start3A_41 : memref<1x128x16xi32, #tpu.memory_space<vmem>> -> memref<128x16xi32, #tpu.memory_space<vmem>>
      %dma_start3A_43 = arith.constant 0 : i32
      %dma_start3A_44 = tpu.memref_slice %arg10[%dma_start3A_37, %dma_start3A_43] : memref<4x128xi32, #tpu.memory_space<vmem>> -> memref<1x128xi32, #tpu.memory_space<vmem>>
      %dma_start3A_45 = tpu.memref_squeeze %dma_start3A_44 : memref<1x128xi32, #tpu.memory_space<vmem>> -> memref<128xi32, #tpu.memory_space<vmem>>
      %dma_start3A_46 = arith.constant 0 : i32
      %dma_start3A_47 = arith.constant 0 : i32
      %dma_start3A_48 = tpu.memref_slice %arg3[%dma_start3A_46, %dma_start3A_47] : memref<566312x16xi32, #tpu.memory_space<hbm>> -> memref<566312x16xi32, #tpu.memory_space<hbm>>
      tpu.enqueue_indirect_dma source(%dma_start3A_48 : memref<566312x16xi32, #tpu.memory_space<hbm>>) target(%dma_start3A_42 : memref<128x16xi32, #tpu.memory_space<vmem>>) offsets(%dma_start3A_45 : memref<128xi32, #tpu.memory_space<vmem>>) semaphore(%arg17 : memref<!tpu.dma_semaphore, #tpu.memory_space<semaphore_mem>>)
      %dma_start3A_49 = arith.constant 2 : i32
      %dma_start3A_50 = arith.constant 2 : i32
      %dma_start3A_51 = arith.constant 0 : i32
      %dma_start3A_52 = arith.constant 0 : i32
      %dma_start3A_53 = tpu.memref_slice %arg11[%dma_start3A_50, %dma_start3A_51, %dma_start3A_52] : memref<4x128x16xi32, #tpu.memory_space<vmem>> -> memref<1x128x16xi32, #tpu.memory_space<vmem>>
      %dma_start3A_54 = tpu.memref_squeeze %dma_start3A_53 : memref<1x128x16xi32, #tpu.memory_space<vmem>> -> memref<128x16xi32, #tpu.memory_space<vmem>>
      %dma_start3A_55 = arith.constant 0 : i32
      %dma_start3A_56 = tpu.memref_slice %arg10[%dma_start3A_49, %dma_start3A_55] : memref<4x128xi32, #tpu.memory_space<vmem>> -> memref<1x128xi32, #tpu.memory_space<vmem>>
      %dma_start3A_57 = tpu.memref_squeeze %dma_start3A_56 : memref<1x128xi32, #tpu.memory_space<vmem>> -> memref<128xi32, #tpu.memory_space<vmem>>
      %dma_start3A_58 = arith.constant 0 : i32
      %dma_start3A_59 = arith.constant 0 : i32
      %dma_start3A_60 = tpu.memref_slice %arg3[%dma_start3A_58, %dma_start3A_59] : memref<566312x16xi32, #tpu.memory_space<hbm>> -> memref<566312x16xi32, #tpu.memory_space<hbm>>
      tpu.enqueue_indirect_dma source(%dma_start3A_60 : memref<566312x16xi32, #tpu.memory_space<hbm>>) target(%dma_start3A_54 : memref<128x16xi32, #tpu.memory_space<vmem>>) offsets(%dma_start3A_57 : memref<128xi32, #tpu.memory_space<vmem>>) semaphore(%arg17 : memref<!tpu.dma_semaphore, #tpu.memory_space<semaphore_mem>>)
      %dma_start3A_61 = arith.constant 3 : i32
      %dma_start3A_62 = arith.constant 3 : i32
      %dma_start3A_63 = arith.constant 0 : i32
      %dma_start3A_64 = arith.constant 0 : i32
      %dma_start3A_65 = tpu.memref_slice %arg11[%dma_start3A_62, %dma_start3A_63, %dma_start3A_64] : memref<4x128x16xi32, #tpu.memory_space<vmem>> -> memref<1x128x16xi32, #tpu.memory_space<vmem>>
      %dma_start3A_66 = tpu.memref_squeeze %dma_start3A_65 : memref<1x128x16xi32, #tpu.memory_space<vmem>> -> memref<128x16xi32, #tpu.memory_space<vmem>>
      %dma_start3A_67 = arith.constant 0 : i32
      %dma_start3A_68 = tpu.memref_slice %arg10[%dma_start3A_61, %dma_start3A_67] : memref<4x128xi32, #tpu.memory_space<vmem>> -> memref<1x128xi32, #tpu.memory_space<vmem>>
      %dma_start3A_69 = tpu.memref_squeeze %dma_start3A_68 : memref<1x128xi32, #tpu.memory_space<vmem>> -> memref<128xi32, #tpu.memory_space<vmem>>
      %dma_start3A_70 = arith.constant 0 : i32
      %dma_start3A_71 = arith.constant 0 : i32
      %dma_start3A_72 = tpu.memref_slice %arg3[%dma_start3A_70, %dma_start3A_71] : memref<566312x16xi32, #tpu.memory_space<hbm>> -> memref<566312x16xi32, #tpu.memory_space<hbm>>
      tpu.enqueue_indirect_dma source(%dma_start3A_72 : memref<566312x16xi32, #tpu.memory_space<hbm>>) target(%dma_start3A_66 : memref<128x16xi32, #tpu.memory_space<vmem>>) offsets(%dma_start3A_69 : memref<128xi32, #tpu.memory_space<vmem>>) semaphore(%arg17 : memref<!tpu.dma_semaphore, #tpu.memory_space<semaphore_mem>>)
      %dma_wait3A = arith.constant 0 : i32
      %dma_wait3A_73 = arith.constant 0 : i32
      %dma_wait3A_74 = arith.constant 0 : i32
      %dma_wait3A_75 = arith.constant 0 : i32
      %dma_wait3A_76 = tpu.memref_slice %arg11[%dma_wait3A_73, %dma_wait3A_74, %dma_wait3A_75] : memref<4x128x16xi32, #tpu.memory_space<vmem>> -> memref<1x128x16xi32, #tpu.memory_space<vmem>>
      %dma_wait3A_77 = tpu.memref_squeeze %dma_wait3A_76 : memref<1x128x16xi32, #tpu.memory_space<vmem>> -> memref<128x16xi32, #tpu.memory_space<vmem>>
      %dma_wait3A_78 = arith.constant 0 : i32
      %dma_wait3A_79 = tpu.memref_slice %arg10[%dma_wait3A, %dma_wait3A_78] : memref<4x128xi32, #tpu.memory_space<vmem>> -> memref<1x128xi32, #tpu.memory_space<vmem>>
      %dma_wait3A_80 = tpu.memref_squeeze %dma_wait3A_79 : memref<1x128xi32, #tpu.memory_space<vmem>> -> memref<128xi32, #tpu.memory_space<vmem>>
      %dma_wait3A_81 = arith.constant 0 : i32
      %dma_wait3A_82 = arith.constant 0 : i32
      %dma_wait3A_83 = tpu.memref_slice %arg3[%dma_wait3A_81, %dma_wait3A_82] : memref<566312x16xi32, #tpu.memory_space<hbm>> -> memref<566312x16xi32, #tpu.memory_space<hbm>>
      tpu.wait_indirect_dma semaphore(%arg17 : memref<!tpu.dma_semaphore, #tpu.memory_space<semaphore_mem>>) src(%dma_wait3A_83 : memref<566312x16xi32, #tpu.memory_space<hbm>>) dst(%dma_wait3A_77 : memref<128x16xi32, #tpu.memory_space<vmem>>)
      %dma_wait3A_84 = arith.constant 1 : i32
      %dma_wait3A_85 = arith.constant 1 : i32
      %dma_wait3A_86 = arith.constant 0 : i32
      %dma_wait3A_87 = arith.constant 0 : i32
      %dma_wait3A_88 = tpu.memref_slice %arg11[%dma_wait3A_85, %dma_wait3A_86, %dma_wait3A_87] : memref<4x128x16xi32, #tpu.memory_space<vmem>> -> memref<1x128x16xi32, #tpu.memory_space<vmem>>
      %dma_wait3A_89 = tpu.memref_squeeze %dma_wait3A_88 : memref<1x128x16xi32, #tpu.memory_space<vmem>> -> memref<128x16xi32, #tpu.memory_space<vmem>>
      %dma_wait3A_90 = arith.constant 0 : i32
      %dma_wait3A_91 = tpu.memref_slice %arg10[%dma_wait3A_84, %dma_wait3A_90] : memref<4x128xi32, #tpu.memory_space<vmem>> -> memref<1x128xi32, #tpu.memory_space<vmem>>
      %dma_wait3A_92 = tpu.memref_squeeze %dma_wait3A_91 : memref<1x128xi32, #tpu.memory_space<vmem>> -> memref<128xi32, #tpu.memory_space<vmem>>
      %dma_wait3A_93 = arith.constant 0 : i32
      %dma_wait3A_94 = arith.constant 0 : i32
      %dma_wait3A_95 = tpu.memref_slice %arg3[%dma_wait3A_93, %dma_wait3A_94] : memref<566312x16xi32, #tpu.memory_space<hbm>> -> memref<566312x16xi32, #tpu.memory_space<hbm>>
      tpu.wait_indirect_dma semaphore(%arg17 : memref<!tpu.dma_semaphore, #tpu.memory_space<semaphore_mem>>) src(%dma_wait3A_95 : memref<566312x16xi32, #tpu.memory_space<hbm>>) dst(%dma_wait3A_89 : memref<128x16xi32, #tpu.memory_space<vmem>>)
      %dma_wait3A_96 = arith.constant 2 : i32
      %dma_wait3A_97 = arith.constant 2 : i32
      %dma_wait3A_98 = arith.constant 0 : i32
      %dma_wait3A_99 = arith.constant 0 : i32
      %dma_wait3A_100 = tpu.memref_slice %arg11[%dma_wait3A_97, %dma_wait3A_98, %dma_wait3A_99] : memref<4x128x16xi32, #tpu.memory_space<vmem>> -> memref<1x128x16xi32, #tpu.memory_space<vmem>>
      %dma_wait3A_101 = tpu.memref_squeeze %dma_wait3A_100 : memref<1x128x16xi32, #tpu.memory_space<vmem>> -> memref<128x16xi32, #tpu.memory_space<vmem>>
      %dma_wait3A_102 = arith.constant 0 : i32
      %dma_wait3A_103 = tpu.memref_slice %arg10[%dma_wait3A_96, %dma_wait3A_102] : memref<4x128xi32, #tpu.memory_space<vmem>> -> memref<1x128xi32, #tpu.memory_space<vmem>>
      %dma_wait3A_104 = tpu.memref_squeeze %dma_wait3A_103 : memref<1x128xi32, #tpu.memory_space<vmem>> -> memref<128xi32, #tpu.memory_space<vmem>>
      %dma_wait3A_105 = arith.constant 0 : i32
      %dma_wait3A_106 = arith.constant 0 : i32
      %dma_wait3A_107 = tpu.memref_slice %arg3[%dma_wait3A_105, %dma_wait3A_106] : memref<566312x16xi32, #tpu.memory_space<hbm>> -> memref<566312x16xi32, #tpu.memory_space<hbm>>
      tpu.wait_indirect_dma semaphore(%arg17 : memref<!tpu.dma_semaphore, #tpu.memory_space<semaphore_mem>>) src(%dma_wait3A_107 : memref<566312x16xi32, #tpu.memory_space<hbm>>) dst(%dma_wait3A_101 : memref<128x16xi32, #tpu.memory_space<vmem>>)
      %dma_wait3A_108 = arith.constant 3 : i32
      %dma_wait3A_109 = arith.constant 3 : i32
      %dma_wait3A_110 = arith.constant 0 : i32
      %dma_wait3A_111 = arith.constant 0 : i32
      %dma_wait3A_112 = tpu.memref_slice %arg11[%dma_wait3A_109, %dma_wait3A_110, %dma_wait3A_111] : memref<4x128x16xi32, #tpu.memory_space<vmem>> -> memref<1x128x16xi32, #tpu.memory_space<vmem>>
      %dma_wait3A_113 = tpu.memref_squeeze %dma_wait3A_112 : memref<1x128x16xi32, #tpu.memory_space<vmem>> -> memref<128x16xi32, #tpu.memory_space<vmem>>
      %dma_wait3A_114 = arith.constant 0 : i32
      %dma_wait3A_115 = tpu.memref_slice %arg10[%dma_wait3A_108, %dma_wait3A_114] : memref<4x128xi32, #tpu.memory_space<vmem>> -> memref<1x128xi32, #tpu.memory_space<vmem>>
      %dma_wait3A_116 = tpu.memref_squeeze %dma_wait3A_115 : memref<1x128xi32, #tpu.memory_space<vmem>> -> memref<128xi32, #tpu.memory_space<vmem>>
      %dma_wait3A_117 = arith.constant 0 : i32
      %dma_wait3A_118 = arith.constant 0 : i32
      %dma_wait3A_119 = tpu.memref_slice %arg3[%dma_wait3A_117, %dma_wait3A_118] : memref<566312x16xi32, #tpu.memory_space<hbm>> -> memref<566312x16xi32, #tpu.memory_space<hbm>>
      tpu.wait_indirect_dma semaphore(%arg17 : memref<!tpu.dma_semaphore, #tpu.memory_space<semaphore_mem>>) src(%dma_wait3A_119 : memref<566312x16xi32, #tpu.memory_space<hbm>>) dst(%dma_wait3A_113 : memref<128x16xi32, #tpu.memory_space<vmem>>)
      %scan3A_120 = arith.constant 0 : i32
      %scan3A_121 = arith.constant 0 : i32
      %scan3A_122 = arith.constant 4 : i32
      %scan3A_123 = arith.addi %scan3A_121, %scan3A_122 : i32
      %scan3A_124 = arith.constant 1 : i32
      scf.for %scan3A_1196 = %scan3A_121 to %scan3A_123 step %scan3A_124  : i32 {
        %scan3A_1197 = arith.constant 0 : i32
        %scan3A_1198 = arith.constant 8 : i32
        %scan3A_1199 = arith.addi %scan3A_1197, %scan3A_1198 : i32
        %scan3A_1200 = arith.constant 1 : i32
        scf.for %scan3A_1202 = %scan3A_1197 to %scan3A_1199 step %scan3A_1200  : i32 {
          %mul3A_1203 = arith.constant 16 : i32
          %mul3A_1204 = arith.muli %scan3A_1202, %mul3A_1203 : i32
          %add3A_1205 = vector.broadcast %mul3A_1204 : i32 to vector<16xi32>
          %add3A_1206 = arith.addi %iota3A, %add3A_1205 : vector<16xi32>
          %add3A_1207 = vector.broadcast %scan3A_1196 : i32 to vector<16xi32>
          %add3A_1208 = arith.addi %broadcast_in_dim3A_1, %add3A_1207 : vector<16xi32>
          %broadcast_in_dim3A_1209 = arith.constant 0 : i32
          %broadcast_in_dim3A_1210 = vector.broadcast %broadcast_in_dim3A_1209 : i32 to vector<16xi32>
          %gather3A = tpu.vector_load_idx %arg11[%add3A_1208, %add3A_1206, %broadcast_in_dim3A_1210] : memref<4x128x16xi32, #tpu.memory_space<vmem>>[vector<16xi32>, vector<16xi32>, vector<16xi32>], vector<16xi32>,
          %mul3A_1211 = arith.constant 16 : i32
          %mul3A_1212 = arith.muli %scan3A_1202, %mul3A_1211 : i32
          %swap3A = arith.constant 0 : i32
          %swap3A_1213 = arith.index_cast %swap3A : i32 to index
          %swap3A_1214 = arith.index_cast %scan3A_1196 : i32 to index
          %swap3A_1215 = arith.index_cast %mul3A_1212 : i32 to index
          %swap3A_1216 = tpu.vector_load %arg12[%swap3A_1213, %swap3A_1214, %swap3A_1215] {strides = array<i32>} : memref<3x4x128xi32, #tpu.memory_space<vmem>>, vector<16xi32>,
          tpu.vector_store %arg12[%swap3A_1213, %swap3A_1214, %swap3A_1215], %gather3A {strides = array<i32>} : memref<3x4x128xi32, #tpu.memory_space<vmem>>, vector<16xi32>,
          %broadcast_in_dim3A_1217 = arith.constant 1 : i32
          %broadcast_in_dim3A_1218 = vector.broadcast %broadcast_in_dim3A_1217 : i32 to vector<16xi32>
          %gather3A_1219 = tpu.vector_load_idx %arg11[%add3A_1208, %add3A_1206, %broadcast_in_dim3A_1218] : memref<4x128x16xi32, #tpu.memory_space<vmem>>[vector<16xi32>, vector<16xi32>, vector<16xi32>], vector<16xi32>,
          %mul3A_1220 = arith.constant 16 : i32
          %mul3A_1221 = arith.muli %scan3A_1202, %mul3A_1220 : i32
          %swap3A_1222 = arith.constant 1 : i32
          %swap3A_1223 = arith.index_cast %swap3A_1222 : i32 to index
          %swap3A_1224 = arith.index_cast %scan3A_1196 : i32 to index
          %swap3A_1225 = arith.index_cast %mul3A_1221 : i32 to index
          %swap3A_1226 = tpu.vector_load %arg12[%swap3A_1223, %swap3A_1224, %swap3A_1225] {strides = array<i32>} : memref<3x4x128xi32, #tpu.memory_space<vmem>>, vector<16xi32>,
          tpu.vector_store %arg12[%swap3A_1223, %swap3A_1224, %swap3A_1225], %gather3A_1219 {strides = array<i32>} : memref<3x4x128xi32, #tpu.memory_space<vmem>>, vector<16xi32>,
          %broadcast_in_dim3A_1227 = arith.constant 2 : i32
          %broadcast_in_dim3A_1228 = vector.broadcast %broadcast_in_dim3A_1227 : i32 to vector<16xi32>
          %gather3A_1229 = tpu.vector_load_idx %arg11[%add3A_1208, %add3A_1206, %broadcast_in_dim3A_1228] : memref<4x128x16xi32, #tpu.memory_space<vmem>>[vector<16xi32>, vector<16xi32>, vector<16xi32>], vector<16xi32>,
          %mul3A_1230 = arith.constant 16 : i32
          %mul3A_1231 = arith.muli %scan3A_1202, %mul3A_1230 : i32
          %swap3A_1232 = arith.constant 2 : i32
          %swap3A_1233 = arith.index_cast %swap3A_1232 : i32 to index
          %swap3A_1234 = arith.index_cast %scan3A_1196 : i32 to index
          %swap3A_1235 = arith.index_cast %mul3A_1231 : i32 to index
          %swap3A_1236 = tpu.vector_load %arg12[%swap3A_1233, %swap3A_1234, %swap3A_1235] {strides = array<i32>} : memref<3x4x128xi32, #tpu.memory_space<vmem>>, vector<16xi32>,
          tpu.vector_store %arg12[%swap3A_1233, %swap3A_1234, %swap3A_1235], %gather3A_1229 {strides = array<i32>} : memref<3x4x128xi32, #tpu.memory_space<vmem>>, vector<16xi32>,
        }
        %scan3A_1201 = arith.constant 8 : i32
      }
      %scan3A_125 = arith.constant 4 : i32
      %dma_start3A_126 = arith.constant 0 : i32
      %dma_start3A_127 = arith.constant 0 : i32
      %dma_start3A_128 = arith.constant 0 : i32
      %dma_start3A_129 = arith.constant 0 : i32
      %dma_start3A_130 = arith.constant 0 : i32
      %dma_start3A_131 = arith.constant 0 : i32
      %dma_start3A_132 = tpu.memref_slice %arg13[%dma_start3A_128, %dma_start3A_129, %dma_start3A_130, %dma_start3A_131] : memref<3x4x128x16xf32, #tpu.memory_space<vmem>> -> memref<1x1x128x16xf32, #tpu.memory_space<vmem>>
      %dma_start3A_133 = tpu.memref_squeeze %dma_start3A_132 : memref<1x1x128x16xf32, #tpu.memory_space<vmem>> -> memref<128x16xf32, #tpu.memory_space<vmem>>
      %dma_start3A_134 = arith.constant 0 : i32
      %dma_start3A_135 = tpu.memref_slice %arg12[%dma_start3A_126, %dma_start3A_127, %dma_start3A_134] : memref<3x4x128xi32, #tpu.memory_space<vmem>> -> memref<1x1x128xi32, #tpu.memory_space<vmem>>
      %dma_start3A_136 = tpu.memref_squeeze %dma_start3A_135 : memref<1x1x128xi32, #tpu.memory_space<vmem>> -> memref<128xi32, #tpu.memory_space<vmem>>
      %dma_start3A_137 = arith.constant 0 : i32
      %dma_start3A_138 = arith.constant 0 : i32
      %dma_start3A_139 = tpu.memref_slice %arg4[%dma_start3A_137, %dma_start3A_138] : memref<285672x16xf32, #tpu.memory_space<hbm>> -> memref<285672x16xf32, #tpu.memory_space<hbm>>
      tpu.enqueue_indirect_dma source(%dma_start3A_139 : memref<285672x16xf32, #tpu.memory_space<hbm>>) target(%dma_start3A_133 : memref<128x16xf32, #tpu.memory_space<vmem>>) offsets(%dma_start3A_136 : memref<128xi32, #tpu.memory_space<vmem>>) semaphore(%arg17 : memref<!tpu.dma_semaphore, #tpu.memory_space<semaphore_mem>>)
      %dma_start3A_140 = arith.constant 0 : i32
      %dma_start3A_141 = arith.constant 1 : i32
      %dma_start3A_142 = arith.constant 0 : i32
      %dma_start3A_143 = arith.constant 1 : i32
      %dma_start3A_144 = arith.constant 0 : i32
      %dma_start3A_145 = arith.constant 0 : i32
      %dma_start3A_146 = tpu.memref_slice %arg13[%dma_start3A_142, %dma_start3A_143, %dma_start3A_144, %dma_start3A_145] : memref<3x4x128x16xf32, #tpu.memory_space<vmem>> -> memref<1x1x128x16xf32, #tpu.memory_space<vmem>>
      %dma_start3A_147 = tpu.memref_squeeze %dma_start3A_146 : memref<1x1x128x16xf32, #tpu.memory_space<vmem>> -> memref<128x16xf32, #tpu.memory_space<vmem>>
      %dma_start3A_148 = arith.constant 0 : i32
      %dma_start3A_149 = tpu.memref_slice %arg12[%dma_start3A_140, %dma_start3A_141, %dma_start3A_148] : memref<3x4x128xi32, #tpu.memory_space<vmem>> -> memref<1x1x128xi32, #tpu.memory_space<vmem>>
      %dma_start3A_150 = tpu.memref_squeeze %dma_start3A_149 : memref<1x1x128xi32, #tpu.memory_space<vmem>> -> memref<128xi32, #tpu.memory_space<vmem>>
      %dma_start3A_151 = arith.constant 0 : i32
      %dma_start3A_152 = arith.constant 0 : i32
      %dma_start3A_153 = tpu.memref_slice %arg4[%dma_start3A_151, %dma_start3A_152] : memref<285672x16xf32, #tpu.memory_space<hbm>> -> memref<285672x16xf32, #tpu.memory_space<hbm>>
      tpu.enqueue_indirect_dma source(%dma_start3A_153 : memref<285672x16xf32, #tpu.memory_space<hbm>>) target(%dma_start3A_147 : memref<128x16xf32, #tpu.memory_space<vmem>>) offsets(%dma_start3A_150 : memref<128xi32, #tpu.memory_space<vmem>>) semaphore(%arg17 : memref<!tpu.dma_semaphore, #tpu.memory_space<semaphore_mem>>)
      %dma_start3A_154 = arith.constant 0 : i32
      %dma_start3A_155 = arith.constant 2 : i32
      %dma_start3A_156 = arith.constant 0 : i32
      %dma_start3A_157 = arith.constant 2 : i32
      %dma_start3A_158 = arith.constant 0 : i32
      %dma_start3A_159 = arith.constant 0 : i32
      %dma_start3A_160 = tpu.memref_slice %arg13[%dma_start3A_156, %dma_start3A_157, %dma_start3A_158, %dma_start3A_159] : memref<3x4x128x16xf32, #tpu.memory_space<vmem>> -> memref<1x1x128x16xf32, #tpu.memory_space<vmem>>
      %dma_start3A_161 = tpu.memref_squeeze %dma_start3A_160 : memref<1x1x128x16xf32, #tpu.memory_space<vmem>> -> memref<128x16xf32, #tpu.memory_space<vmem>>
      %dma_start3A_162 = arith.constant 0 : i32
      %dma_start3A_163 = tpu.memref_slice %arg12[%dma_start3A_154, %dma_start3A_155, %dma_start3A_162] : memref<3x4x128xi32, #tpu.memory_space<vmem>> -> memref<1x1x128xi32, #tpu.memory_space<vmem>>
      %dma_start3A_164 = tpu.memref_squeeze %dma_start3A_163 : memref<1x1x128xi32, #tpu.memory_space<vmem>> -> memref<128xi32, #tpu.memory_space<vmem>>
      %dma_start3A_165 = arith.constant 0 : i32
      %dma_start3A_166 = arith.constant 0 : i32
      %dma_start3A_167 = tpu.memref_slice %arg4[%dma_start3A_165, %dma_start3A_166] : memref<285672x16xf32, #tpu.memory_space<hbm>> -> memref<285672x16xf32, #tpu.memory_space<hbm>>
      tpu.enqueue_indirect_dma source(%dma_start3A_167 : memref<285672x16xf32, #tpu.memory_space<hbm>>) target(%dma_start3A_161 : memref<128x16xf32, #tpu.memory_space<vmem>>) offsets(%dma_start3A_164 : memref<128xi32, #tpu.memory_space<vmem>>) semaphore(%arg17 : memref<!tpu.dma_semaphore, #tpu.memory_space<semaphore_mem>>)
      %dma_start3A_168 = arith.constant 0 : i32
      %dma_start3A_169 = arith.constant 3 : i32
      %dma_start3A_170 = arith.constant 0 : i32
      %dma_start3A_171 = arith.constant 3 : i32
      %dma_start3A_172 = arith.constant 0 : i32
      %dma_start3A_173 = arith.constant 0 : i32
      %dma_start3A_174 = tpu.memref_slice %arg13[%dma_start3A_170, %dma_start3A_171, %dma_start3A_172, %dma_start3A_173] : memref<3x4x128x16xf32, #tpu.memory_space<vmem>> -> memref<1x1x128x16xf32, #tpu.memory_space<vmem>>
      %dma_start3A_175 = tpu.memref_squeeze %dma_start3A_174 : memref<1x1x128x16xf32, #tpu.memory_space<vmem>> -> memref<128x16xf32, #tpu.memory_space<vmem>>
      %dma_start3A_176 = arith.constant 0 : i32
      %dma_start3A_177 = tpu.memref_slice %arg12[%dma_start3A_168, %dma_start3A_169, %dma_start3A_176] : memref<3x4x128xi32, #tpu.memory_space<vmem>> -> memref<1x1x128xi32, #tpu.memory_space<vmem>>
      %dma_start3A_178 = tpu.memref_squeeze %dma_start3A_177 : memref<1x1x128xi32, #tpu.memory_space<vmem>> -> memref<128xi32, #tpu.memory_space<vmem>>
      %dma_start3A_179 = arith.constant 0 : i32
      %dma_start3A_180 = arith.constant 0 : i32
      %dma_start3A_181 = tpu.memref_slice %arg4[%dma_start3A_179, %dma_start3A_180] : memref<285672x16xf32, #tpu.memory_space<hbm>> -> memref<285672x16xf32, #tpu.memory_space<hbm>>
      tpu.enqueue_indirect_dma source(%dma_start3A_181 : memref<285672x16xf32, #tpu.memory_space<hbm>>) target(%dma_start3A_175 : memref<128x16xf32, #tpu.memory_space<vmem>>) offsets(%dma_start3A_178 : memref<128xi32, #tpu.memory_space<vmem>>) semaphore(%arg17 : memref<!tpu.dma_semaphore, #tpu.memory_space<semaphore_mem>>)
      %dma_start3A_182 = arith.constant 1 : i32
      %dma_start3A_183 = arith.constant 0 : i32
      %dma_start3A_184 = arith.constant 1 : i32
      %dma_start3A_185 = arith.constant 0 : i32
      %dma_start3A_186 = arith.constant 0 : i32
      %dma_start3A_187 = arith.constant 0 : i32
      %dma_start3A_188 = tpu.memref_slice %arg13[%dma_start3A_184, %dma_start3A_185, %dma_start3A_186, %dma_start3A_187] : memref<3x4x128x16xf32, #tpu.memory_space<vmem>> -> memref<1x1x128x16xf32, #tpu.memory_space<vmem>>
      %dma_start3A_189 = tpu.memref_squeeze %dma_start3A_188 : memref<1x1x128x16xf32, #tpu.memory_space<vmem>> -> memref<128x16xf32, #tpu.memory_space<vmem>>
      %dma_start3A_190 = arith.constant 0 : i32
      %dma_start3A_191 = tpu.memref_slice %arg12[%dma_start3A_182, %dma_start3A_183, %dma_start3A_190] : memref<3x4x128xi32, #tpu.memory_space<vmem>> -> memref<1x1x128xi32, #tpu.memory_space<vmem>>
      %dma_start3A_192 = tpu.memref_squeeze %dma_start3A_191 : memref<1x1x128xi32, #tpu.memory_space<vmem>> -> memref<128xi32, #tpu.memory_space<vmem>>
      %dma_start3A_193 = arith.constant 0 : i32
      %dma_start3A_194 = arith.constant 0 : i32
      %dma_start3A_195 = tpu.memref_slice %arg4[%dma_start3A_193, %dma_start3A_194] : memref<285672x16xf32, #tpu.memory_space<hbm>> -> memref<285672x16xf32, #tpu.memory_space<hbm>>
      tpu.enqueue_indirect_dma source(%dma_start3A_195 : memref<285672x16xf32, #tpu.memory_space<hbm>>) target(%dma_start3A_189 : memref<128x16xf32, #tpu.memory_space<vmem>>) offsets(%dma_start3A_192 : memref<128xi32, #tpu.memory_space<vmem>>) semaphore(%arg17 : memref<!tpu.dma_semaphore, #tpu.memory_space<semaphore_mem>>)
      %dma_start3A_196 = arith.constant 1 : i32
      %dma_start3A_197 = arith.constant 1 : i32
      %dma_start3A_198 = arith.constant 1 : i32
      %dma_start3A_199 = arith.constant 1 : i32
      %dma_start3A_200 = arith.constant 0 : i32
      %dma_start3A_201 = arith.constant 0 : i32
      %dma_start3A_202 = tpu.memref_slice %arg13[%dma_start3A_198, %dma_start3A_199, %dma_start3A_200, %dma_start3A_201] : memref<3x4x128x16xf32, #tpu.memory_space<vmem>> -> memref<1x1x128x16xf32, #tpu.memory_space<vmem>>
      %dma_start3A_203 = tpu.memref_squeeze %dma_start3A_202 : memref<1x1x128x16xf32, #tpu.memory_space<vmem>> -> memref<128x16xf32, #tpu.memory_space<vmem>>
      %dma_start3A_204 = arith.constant 0 : i32
      %dma_start3A_205 = tpu.memref_slice %arg12[%dma_start3A_196, %dma_start3A_197, %dma_start3A_204] : memref<3x4x128xi32, #tpu.memory_space<vmem>> -> memref<1x1x128xi32, #tpu.memory_space<vmem>>
      %dma_start3A_206 = tpu.memref_squeeze %dma_start3A_205 : memref<1x1x128xi32, #tpu.memory_space<vmem>> -> memref<128xi32, #tpu.memory_space<vmem>>
      %dma_start3A_207 = arith.constant 0 : i32
      %dma_start3A_208 = arith.constant 0 : i32
      %dma_start3A_209 = tpu.memref_slice %arg4[%dma_start3A_207, %dma_start3A_208] : memref<285672x16xf32, #tpu.memory_space<hbm>> -> memref<285672x16xf32, #tpu.memory_space<hbm>>
      tpu.enqueue_indirect_dma source(%dma_start3A_209 : memref<285672x16xf32, #tpu.memory_space<hbm>>) target(%dma_start3A_203 : memref<128x16xf32, #tpu.memory_space<vmem>>) offsets(%dma_start3A_206 : memref<128xi32, #tpu.memory_space<vmem>>) semaphore(%arg17 : memref<!tpu.dma_semaphore, #tpu.memory_space<semaphore_mem>>)
      %dma_start3A_210 = arith.constant 1 : i32
      %dma_start3A_211 = arith.constant 2 : i32
      %dma_start3A_212 = arith.constant 1 : i32
      %dma_start3A_213 = arith.constant 2 : i32
      %dma_start3A_214 = arith.constant 0 : i32
      %dma_start3A_215 = arith.constant 0 : i32
      %dma_start3A_216 = tpu.memref_slice %arg13[%dma_start3A_212, %dma_start3A_213, %dma_start3A_214, %dma_start3A_215] : memref<3x4x128x16xf32, #tpu.memory_space<vmem>> -> memref<1x1x128x16xf32, #tpu.memory_space<vmem>>
      %dma_start3A_217 = tpu.memref_squeeze %dma_start3A_216 : memref<1x1x128x16xf32, #tpu.memory_space<vmem>> -> memref<128x16xf32, #tpu.memory_space<vmem>>
      %dma_start3A_218 = arith.constant 0 : i32
      %dma_start3A_219 = tpu.memref_slice %arg12[%dma_start3A_210, %dma_start3A_211, %dma_start3A_218] : memref<3x4x128xi32, #tpu.memory_space<vmem>> -> memref<1x1x128xi32, #tpu.memory_space<vmem>>
      %dma_start3A_220 = tpu.memref_squeeze %dma_start3A_219 : memref<1x1x128xi32, #tpu.memory_space<vmem>> -> memref<128xi32, #tpu.memory_space<vmem>>
      %dma_start3A_221 = arith.constant 0 : i32
      %dma_start3A_222 = arith.constant 0 : i32
      %dma_start3A_223 = tpu.memref_slice %arg4[%dma_start3A_221, %dma_start3A_222] : memref<285672x16xf32, #tpu.memory_space<hbm>> -> memref<285672x16xf32, #tpu.memory_space<hbm>>
      tpu.enqueue_indirect_dma source(%dma_start3A_223 : memref<285672x16xf32, #tpu.memory_space<hbm>>) target(%dma_start3A_217 : memref<128x16xf32, #tpu.memory_space<vmem>>) offsets(%dma_start3A_220 : memref<128xi32, #tpu.memory_space<vmem>>) semaphore(%arg17 : memref<!tpu.dma_semaphore, #tpu.memory_space<semaphore_mem>>)
      %dma_start3A_224 = arith.constant 1 : i32
      %dma_start3A_225 = arith.constant 3 : i32
      %dma_start3A_226 = arith.constant 1 : i32
      %dma_start3A_227 = arith.constant 3 : i32
      %dma_start3A_228 = arith.constant 0 : i32
      %dma_start3A_229 = arith.constant 0 : i32
      %dma_start3A_230 = tpu.memref_slice %arg13[%dma_start3A_226, %dma_start3A_227, %dma_start3A_228, %dma_start3A_229] : memref<3x4x128x16xf32, #tpu.memory_space<vmem>> -> memref<1x1x128x16xf32, #tpu.memory_space<vmem>>
      %dma_start3A_231 = tpu.memref_squeeze %dma_start3A_230 : memref<1x1x128x16xf32, #tpu.memory_space<vmem>> -> memref<128x16xf32, #tpu.memory_space<vmem>>
      %dma_start3A_232 = arith.constant 0 : i32
      %dma_start3A_233 = tpu.memref_slice %arg12[%dma_start3A_224, %dma_start3A_225, %dma_start3A_232] : memref<3x4x128xi32, #tpu.memory_space<vmem>> -> memref<1x1x128xi32, #tpu.memory_space<vmem>>
      %dma_start3A_234 = tpu.memref_squeeze %dma_start3A_233 : memref<1x1x128xi32, #tpu.memory_space<vmem>> -> memref<128xi32, #tpu.memory_space<vmem>>
      %dma_start3A_235 = arith.constant 0 : i32
      %dma_start3A_236 = arith.constant 0 : i32
      %dma_start3A_237 = tpu.memref_slice %arg4[%dma_start3A_235, %dma_start3A_236] : memref<285672x16xf32, #tpu.memory_space<hbm>> -> memref<285672x16xf32, #tpu.memory_space<hbm>>
      tpu.enqueue_indirect_dma source(%dma_start3A_237 : memref<285672x16xf32, #tpu.memory_space<hbm>>) target(%dma_start3A_231 : memref<128x16xf32, #tpu.memory_space<vmem>>) offsets(%dma_start3A_234 : memref<128xi32, #tpu.memory_space<vmem>>) semaphore(%arg17 : memref<!tpu.dma_semaphore, #tpu.memory_space<semaphore_mem>>)
      %dma_start3A_238 = arith.constant 2 : i32
      %dma_start3A_239 = arith.constant 0 : i32
      %dma_start3A_240 = arith.constant 2 : i32
      %dma_start3A_241 = arith.constant 0 : i32
      %dma_start3A_242 = arith.constant 0 : i32
      %dma_start3A_243 = arith.constant 0 : i32
      %dma_start3A_244 = tpu.memref_slice %arg13[%dma_start3A_240, %dma_start3A_241, %dma_start3A_242, %dma_start3A_243] : memref<3x4x128x16xf32, #tpu.memory_space<vmem>> -> memref<1x1x128x16xf32, #tpu.memory_space<vmem>>
      %dma_start3A_245 = tpu.memref_squeeze %dma_start3A_244 : memref<1x1x128x16xf32, #tpu.memory_space<vmem>> -> memref<128x16xf32, #tpu.memory_space<vmem>>
      %dma_start3A_246 = arith.constant 0 : i32
      %dma_start3A_247 = tpu.memref_slice %arg12[%dma_start3A_238, %dma_start3A_239, %dma_start3A_246] : memref<3x4x128xi32, #tpu.memory_space<vmem>> -> memref<1x1x128xi32, #tpu.memory_space<vmem>>
      %dma_start3A_248 = tpu.memref_squeeze %dma_start3A_247 : memref<1x1x128xi32, #tpu.memory_space<vmem>> -> memref<128xi32, #tpu.memory_space<vmem>>
      %dma_start3A_249 = arith.constant 0 : i32
      %dma_start3A_250 = arith.constant 0 : i32
      %dma_start3A_251 = tpu.memref_slice %arg4[%dma_start3A_249, %dma_start3A_250] : memref<285672x16xf32, #tpu.memory_space<hbm>> -> memref<285672x16xf32, #tpu.memory_space<hbm>>
      tpu.enqueue_indirect_dma source(%dma_start3A_251 : memref<285672x16xf32, #tpu.memory_space<hbm>>) target(%dma_start3A_245 : memref<128x16xf32, #tpu.memory_space<vmem>>) offsets(%dma_start3A_248 : memref<128xi32, #tpu.memory_space<vmem>>) semaphore(%arg17 : memref<!tpu.dma_semaphore, #tpu.memory_space<semaphore_mem>>)
      %dma_start3A_252 = arith.constant 2 : i32
      %dma_start3A_253 = arith.constant 1 : i32
      %dma_start3A_254 = arith.constant 2 : i32
      %dma_start3A_255 = arith.constant 1 : i32
      %dma_start3A_256 = arith.constant 0 : i32
      %dma_start3A_257 = arith.constant 0 : i32
      %dma_start3A_258 = tpu.memref_slice %arg13[%dma_start3A_254, %dma_start3A_255, %dma_start3A_256, %dma_start3A_257] : memref<3x4x128x16xf32, #tpu.memory_space<vmem>> -> memref<1x1x128x16xf32, #tpu.memory_space<vmem>>
      %dma_start3A_259 = tpu.memref_squeeze %dma_start3A_258 : memref<1x1x128x16xf32, #tpu.memory_space<vmem>> -> memref<128x16xf32, #tpu.memory_space<vmem>>
      %dma_start3A_260 = arith.constant 0 : i32
      %dma_start3A_261 = tpu.memref_slice %arg12[%dma_start3A_252, %dma_start3A_253, %dma_start3A_260] : memref<3x4x128xi32, #tpu.memory_space<vmem>> -> memref<1x1x128xi32, #tpu.memory_space<vmem>>
      %dma_start3A_262 = tpu.memref_squeeze %dma_start3A_261 : memref<1x1x128xi32, #tpu.memory_space<vmem>> -> memref<128xi32, #tpu.memory_space<vmem>>
      %dma_start3A_263 = arith.constant 0 : i32
      %dma_start3A_264 = arith.constant 0 : i32
      %dma_start3A_265 = tpu.memref_slice %arg4[%dma_start3A_263, %dma_start3A_264] : memref<285672x16xf32, #tpu.memory_space<hbm>> -> memref<285672x16xf32, #tpu.memory_space<hbm>>
      tpu.enqueue_indirect_dma source(%dma_start3A_265 : memref<285672x16xf32, #tpu.memory_space<hbm>>) target(%dma_start3A_259 : memref<128x16xf32, #tpu.memory_space<vmem>>) offsets(%dma_start3A_262 : memref<128xi32, #tpu.memory_space<vmem>>) semaphore(%arg17 : memref<!tpu.dma_semaphore, #tpu.memory_space<semaphore_mem>>)
      %dma_start3A_266 = arith.constant 2 : i32
      %dma_start3A_267 = arith.constant 2 : i32
      %dma_start3A_268 = arith.constant 2 : i32
      %dma_start3A_269 = arith.constant 2 : i32
      %dma_start3A_270 = arith.constant 0 : i32
      %dma_start3A_271 = arith.constant 0 : i32
      %dma_start3A_272 = tpu.memref_slice %arg13[%dma_start3A_268, %dma_start3A_269, %dma_start3A_270, %dma_start3A_271] : memref<3x4x128x16xf32, #tpu.memory_space<vmem>> -> memref<1x1x128x16xf32, #tpu.memory_space<vmem>>
      %dma_start3A_273 = tpu.memref_squeeze %dma_start3A_272 : memref<1x1x128x16xf32, #tpu.memory_space<vmem>> -> memref<128x16xf32, #tpu.memory_space<vmem>>
      %dma_start3A_274 = arith.constant 0 : i32
      %dma_start3A_275 = tpu.memref_slice %arg12[%dma_start3A_266, %dma_start3A_267, %dma_start3A_274] : memref<3x4x128xi32, #tpu.memory_space<vmem>> -> memref<1x1x128xi32, #tpu.memory_space<vmem>>
      %dma_start3A_276 = tpu.memref_squeeze %dma_start3A_275 : memref<1x1x128xi32, #tpu.memory_space<vmem>> -> memref<128xi32, #tpu.memory_space<vmem>>
      %dma_start3A_277 = arith.constant 0 : i32
      %dma_start3A_278 = arith.constant 0 : i32
      %dma_start3A_279 = tpu.memref_slice %arg4[%dma_start3A_277, %dma_start3A_278] : memref<285672x16xf32, #tpu.memory_space<hbm>> -> memref<285672x16xf32, #tpu.memory_space<hbm>>
      tpu.enqueue_indirect_dma source(%dma_start3A_279 : memref<285672x16xf32, #tpu.memory_space<hbm>>) target(%dma_start3A_273 : memref<128x16xf32, #tpu.memory_space<vmem>>) offsets(%dma_start3A_276 : memref<128xi32, #tpu.memory_space<vmem>>) semaphore(%arg17 : memref<!tpu.dma_semaphore, #tpu.memory_space<semaphore_mem>>)
      %dma_start3A_280 = arith.constant 2 : i32
      %dma_start3A_281 = arith.constant 3 : i32
      %dma_start3A_282 = arith.constant 2 : i32
      %dma_start3A_283 = arith.constant 3 : i32
      %dma_start3A_284 = arith.constant 0 : i32
      %dma_start3A_285 = arith.constant 0 : i32
      %dma_start3A_286 = tpu.memref_slice %arg13[%dma_start3A_282, %dma_start3A_283, %dma_start3A_284, %dma_start3A_285] : memref<3x4x128x16xf32, #tpu.memory_space<vmem>> -> memref<1x1x128x16xf32, #tpu.memory_space<vmem>>
      %dma_start3A_287 = tpu.memref_squeeze %dma_start3A_286 : memref<1x1x128x16xf32, #tpu.memory_space<vmem>> -> memref<128x16xf32, #tpu.memory_space<vmem>>
      %dma_start3A_288 = arith.constant 0 : i32
      %dma_start3A_289 = tpu.memref_slice %arg12[%dma_start3A_280, %dma_start3A_281, %dma_start3A_288] : memref<3x4x128xi32, #tpu.memory_space<vmem>> -> memref<1x1x128xi32, #tpu.memory_space<vmem>>
      %dma_start3A_290 = tpu.memref_squeeze %dma_start3A_289 : memref<1x1x128xi32, #tpu.memory_space<vmem>> -> memref<128xi32, #tpu.memory_space<vmem>>
      %dma_start3A_291 = arith.constant 0 : i32
      %dma_start3A_292 = arith.constant 0 : i32
      %dma_start3A_293 = tpu.memref_slice %arg4[%dma_start3A_291, %dma_start3A_292] : memref<285672x16xf32, #tpu.memory_space<hbm>> -> memref<285672x16xf32, #tpu.memory_space<hbm>>
      tpu.enqueue_indirect_dma source(%dma_start3A_293 : memref<285672x16xf32, #tpu.memory_space<hbm>>) target(%dma_start3A_287 : memref<128x16xf32, #tpu.memory_space<vmem>>) offsets(%dma_start3A_290 : memref<128xi32, #tpu.memory_space<vmem>>) semaphore(%arg17 : memref<!tpu.dma_semaphore, #tpu.memory_space<semaphore_mem>>)
      %dma_wait3A_294 = arith.constant 0 : i32
      %dma_wait3A_295 = arith.constant 0 : i32
      %dma_wait3A_296 = arith.constant 0 : i32
      %dma_wait3A_297 = arith.constant 0 : i32
      %dma_wait3A_298 = arith.constant 0 : i32
      %dma_wait3A_299 = arith.constant 0 : i32
      %dma_wait3A_300 = tpu.memref_slice %arg13[%dma_wait3A_296, %dma_wait3A_297, %dma_wait3A_298, %dma_wait3A_299] : memref<3x4x128x16xf32, #tpu.memory_space<vmem>> -> memref<1x1x128x16xf32, #tpu.memory_space<vmem>>
      %dma_wait3A_301 = tpu.memref_squeeze %dma_wait3A_300 : memref<1x1x128x16xf32, #tpu.memory_space<vmem>> -> memref<128x16xf32, #tpu.memory_space<vmem>>
      %dma_wait3A_302 = arith.constant 0 : i32
      %dma_wait3A_303 = tpu.memref_slice %arg12[%dma_wait3A_294, %dma_wait3A_295, %dma_wait3A_302] : memref<3x4x128xi32, #tpu.memory_space<vmem>> -> memref<1x1x128xi32, #tpu.memory_space<vmem>>
      %dma_wait3A_304 = tpu.memref_squeeze %dma_wait3A_303 : memref<1x1x128xi32, #tpu.memory_space<vmem>> -> memref<128xi32, #tpu.memory_space<vmem>>
      %dma_wait3A_305 = arith.constant 0 : i32
      %dma_wait3A_306 = arith.constant 0 : i32
      %dma_wait3A_307 = tpu.memref_slice %arg4[%dma_wait3A_305, %dma_wait3A_306] : memref<285672x16xf32, #tpu.memory_space<hbm>> -> memref<285672x16xf32, #tpu.memory_space<hbm>>
      tpu.wait_indirect_dma semaphore(%arg17 : memref<!tpu.dma_semaphore, #tpu.memory_space<semaphore_mem>>) src(%dma_wait3A_307 : memref<285672x16xf32, #tpu.memory_space<hbm>>) dst(%dma_wait3A_301 : memref<128x16xf32, #tpu.memory_space<vmem>>)
      %dma_wait3A_308 = arith.constant 0 : i32
      %dma_wait3A_309 = arith.constant 1 : i32
      %dma_wait3A_310 = arith.constant 0 : i32
      %dma_wait3A_311 = arith.constant 1 : i32
      %dma_wait3A_312 = arith.constant 0 : i32
      %dma_wait3A_313 = arith.constant 0 : i32
      %dma_wait3A_314 = tpu.memref_slice %arg13[%dma_wait3A_310, %dma_wait3A_311, %dma_wait3A_312, %dma_wait3A_313] : memref<3x4x128x16xf32, #tpu.memory_space<vmem>> -> memref<1x1x128x16xf32, #tpu.memory_space<vmem>>
      %dma_wait3A_315 = tpu.memref_squeeze %dma_wait3A_314 : memref<1x1x128x16xf32, #tpu.memory_space<vmem>> -> memref<128x16xf32, #tpu.memory_space<vmem>>
      %dma_wait3A_316 = arith.constant 0 : i32
      %dma_wait3A_317 = tpu.memref_slice %arg12[%dma_wait3A_308, %dma_wait3A_309, %dma_wait3A_316] : memref<3x4x128xi32, #tpu.memory_space<vmem>> -> memref<1x1x128xi32, #tpu.memory_space<vmem>>
      %dma_wait3A_318 = tpu.memref_squeeze %dma_wait3A_317 : memref<1x1x128xi32, #tpu.memory_space<vmem>> -> memref<128xi32, #tpu.memory_space<vmem>>
      %dma_wait3A_319 = arith.constant 0 : i32
      %dma_wait3A_320 = arith.constant 0 : i32
      %dma_wait3A_321 = tpu.memref_slice %arg4[%dma_wait3A_319, %dma_wait3A_320] : memref<285672x16xf32, #tpu.memory_space<hbm>> -> memref<285672x16xf32, #tpu.memory_space<hbm>>
      tpu.wait_indirect_dma semaphore(%arg17 : memref<!tpu.dma_semaphore, #tpu.memory_space<semaphore_mem>>) src(%dma_wait3A_321 : memref<285672x16xf32, #tpu.memory_space<hbm>>) dst(%dma_wait3A_315 : memref<128x16xf32, #tpu.memory_space<vmem>>)
      %dma_wait3A_322 = arith.constant 0 : i32
      %dma_wait3A_323 = arith.constant 2 : i32
      %dma_wait3A_324 = arith.constant 0 : i32
      %dma_wait3A_325 = arith.constant 2 : i32
      %dma_wait3A_326 = arith.constant 0 : i32
      %dma_wait3A_327 = arith.constant 0 : i32
      %dma_wait3A_328 = tpu.memref_slice %arg13[%dma_wait3A_324, %dma_wait3A_325, %dma_wait3A_326, %dma_wait3A_327] : memref<3x4x128x16xf32, #tpu.memory_space<vmem>> -> memref<1x1x128x16xf32, #tpu.memory_space<vmem>>
      %dma_wait3A_329 = tpu.memref_squeeze %dma_wait3A_328 : memref<1x1x128x16xf32, #tpu.memory_space<vmem>> -> memref<128x16xf32, #tpu.memory_space<vmem>>
      %dma_wait3A_330 = arith.constant 0 : i32
      %dma_wait3A_331 = tpu.memref_slice %arg12[%dma_wait3A_322, %dma_wait3A_323, %dma_wait3A_330] : memref<3x4x128xi32, #tpu.memory_space<vmem>> -> memref<1x1x128xi32, #tpu.memory_space<vmem>>
      %dma_wait3A_332 = tpu.memref_squeeze %dma_wait3A_331 : memref<1x1x128xi32, #tpu.memory_space<vmem>> -> memref<128xi32, #tpu.memory_space<vmem>>
      %dma_wait3A_333 = arith.constant 0 : i32
      %dma_wait3A_334 = arith.constant 0 : i32
      %dma_wait3A_335 = tpu.memref_slice %arg4[%dma_wait3A_333, %dma_wait3A_334] : memref<285672x16xf32, #tpu.memory_space<hbm>> -> memref<285672x16xf32, #tpu.memory_space<hbm>>
      tpu.wait_indirect_dma semaphore(%arg17 : memref<!tpu.dma_semaphore, #tpu.memory_space<semaphore_mem>>) src(%dma_wait3A_335 : memref<285672x16xf32, #tpu.memory_space<hbm>>) dst(%dma_wait3A_329 : memref<128x16xf32, #tpu.memory_space<vmem>>)
      %dma_wait3A_336 = arith.constant 0 : i32
      %dma_wait3A_337 = arith.constant 3 : i32
      %dma_wait3A_338 = arith.constant 0 : i32
      %dma_wait3A_339 = arith.constant 3 : i32
      %dma_wait3A_340 = arith.constant 0 : i32
      %dma_wait3A_341 = arith.constant 0 : i32
      %dma_wait3A_342 = tpu.memref_slice %arg13[%dma_wait3A_338, %dma_wait3A_339, %dma_wait3A_340, %dma_wait3A_341] : memref<3x4x128x16xf32, #tpu.memory_space<vmem>> -> memref<1x1x128x16xf32, #tpu.memory_space<vmem>>
      %dma_wait3A_343 = tpu.memref_squeeze %dma_wait3A_342 : memref<1x1x128x16xf32, #tpu.memory_space<vmem>> -> memref<128x16xf32, #tpu.memory_space<vmem>>
      %dma_wait3A_344 = arith.constant 0 : i32
      %dma_wait3A_345 = tpu.memref_slice %arg12[%dma_wait3A_336, %dma_wait3A_337, %dma_wait3A_344] : memref<3x4x128xi32, #tpu.memory_space<vmem>> -> memref<1x1x128xi32, #tpu.memory_space<vmem>>
      %dma_wait3A_346 = tpu.memref_squeeze %dma_wait3A_345 : memref<1x1x128xi32, #tpu.memory_space<vmem>> -> memref<128xi32, #tpu.memory_space<vmem>>
      %dma_wait3A_347 = arith.constant 0 : i32
      %dma_wait3A_348 = arith.constant 0 : i32
      %dma_wait3A_349 = tpu.memref_slice %arg4[%dma_wait3A_347, %dma_wait3A_348] : memref<285672x16xf32, #tpu.memory_space<hbm>> -> memref<285672x16xf32, #tpu.memory_space<hbm>>
      tpu.wait_indirect_dma semaphore(%arg17 : memref<!tpu.dma_semaphore, #tpu.memory_space<semaphore_mem>>) src(%dma_wait3A_349 : memref<285672x16xf32, #tpu.memory_space<hbm>>) dst(%dma_wait3A_343 : memref<128x16xf32, #tpu.memory_space<vmem>>)
      %dma_wait3A_350 = arith.constant 1 : i32
      %dma_wait3A_351 = arith.constant 0 : i32
      %dma_wait3A_352 = arith.constant 1 : i32
      %dma_wait3A_353 = arith.constant 0 : i32
      %dma_wait3A_354 = arith.constant 0 : i32
      %dma_wait3A_355 = arith.constant 0 : i32
      %dma_wait3A_356 = tpu.memref_slice %arg13[%dma_wait3A_352, %dma_wait3A_353, %dma_wait3A_354, %dma_wait3A_355] : memref<3x4x128x16xf32, #tpu.memory_space<vmem>> -> memref<1x1x128x16xf32, #tpu.memory_space<vmem>>
      %dma_wait3A_357 = tpu.memref_squeeze %dma_wait3A_356 : memref<1x1x128x16xf32, #tpu.memory_space<vmem>> -> memref<128x16xf32, #tpu.memory_space<vmem>>
      %dma_wait3A_358 = arith.constant 0 : i32
      %dma_wait3A_359 = tpu.memref_slice %arg12[%dma_wait3A_350, %dma_wait3A_351, %dma_wait3A_358] : memref<3x4x128xi32, #tpu.memory_space<vmem>> -> memref<1x1x128xi32, #tpu.memory_space<vmem>>
      %dma_wait3A_360 = tpu.memref_squeeze %dma_wait3A_359 : memref<1x1x128xi32, #tpu.memory_space<vmem>> -> memref<128xi32, #tpu.memory_space<vmem>>
      %dma_wait3A_361 = arith.constant 0 : i32
      %dma_wait3A_362 = arith.constant 0 : i32
      %dma_wait3A_363 = tpu.memref_slice %arg4[%dma_wait3A_361, %dma_wait3A_362] : memref<285672x16xf32, #tpu.memory_space<hbm>> -> memref<285672x16xf32, #tpu.memory_space<hbm>>
      tpu.wait_indirect_dma semaphore(%arg17 : memref<!tpu.dma_semaphore, #tpu.memory_space<semaphore_mem>>) src(%dma_wait3A_363 : memref<285672x16xf32, #tpu.memory_space<hbm>>) dst(%dma_wait3A_357 : memref<128x16xf32, #tpu.memory_space<vmem>>)
      %dma_wait3A_364 = arith.constant 1 : i32
      %dma_wait3A_365 = arith.constant 1 : i32
      %dma_wait3A_366 = arith.constant 1 : i32
      %dma_wait3A_367 = arith.constant 1 : i32
      %dma_wait3A_368 = arith.constant 0 : i32
      %dma_wait3A_369 = arith.constant 0 : i32
      %dma_wait3A_370 = tpu.memref_slice %arg13[%dma_wait3A_366, %dma_wait3A_367, %dma_wait3A_368, %dma_wait3A_369] : memref<3x4x128x16xf32, #tpu.memory_space<vmem>> -> memref<1x1x128x16xf32, #tpu.memory_space<vmem>>
      %dma_wait3A_371 = tpu.memref_squeeze %dma_wait3A_370 : memref<1x1x128x16xf32, #tpu.memory_space<vmem>> -> memref<128x16xf32, #tpu.memory_space<vmem>>
      %dma_wait3A_372 = arith.constant 0 : i32
      %dma_wait3A_373 = tpu.memref_slice %arg12[%dma_wait3A_364, %dma_wait3A_365, %dma_wait3A_372] : memref<3x4x128xi32, #tpu.memory_space<vmem>> -> memref<1x1x128xi32, #tpu.memory_space<vmem>>
      %dma_wait3A_374 = tpu.memref_squeeze %dma_wait3A_373 : memref<1x1x128xi32, #tpu.memory_space<vmem>> -> memref<128xi32, #tpu.memory_space<vmem>>
      %dma_wait3A_375 = arith.constant 0 : i32
      %dma_wait3A_376 = arith.constant 0 : i32
      %dma_wait3A_377 = tpu.memref_slice %arg4[%dma_wait3A_375, %dma_wait3A_376] : memref<285672x16xf32, #tpu.memory_space<hbm>> -> memref<285672x16xf32, #tpu.memory_space<hbm>>
      tpu.wait_indirect_dma semaphore(%arg17 : memref<!tpu.dma_semaphore, #tpu.memory_space<semaphore_mem>>) src(%dma_wait3A_377 : memref<285672x16xf32, #tpu.memory_space<hbm>>) dst(%dma_wait3A_371 : memref<128x16xf32, #tpu.memory_space<vmem>>)
      %dma_wait3A_378 = arith.constant 1 : i32
      %dma_wait3A_379 = arith.constant 2 : i32
      %dma_wait3A_380 = arith.constant 1 : i32
      %dma_wait3A_381 = arith.constant 2 : i32
      %dma_wait3A_382 = arith.constant 0 : i32
      %dma_wait3A_383 = arith.constant 0 : i32
      %dma_wait3A_384 = tpu.memref_slice %arg13[%dma_wait3A_380, %dma_wait3A_381, %dma_wait3A_382, %dma_wait3A_383] : memref<3x4x128x16xf32, #tpu.memory_space<vmem>> -> memref<1x1x128x16xf32, #tpu.memory_space<vmem>>
      %dma_wait3A_385 = tpu.memref_squeeze %dma_wait3A_384 : memref<1x1x128x16xf32, #tpu.memory_space<vmem>> -> memref<128x16xf32, #tpu.memory_space<vmem>>
      %dma_wait3A_386 = arith.constant 0 : i32
      %dma_wait3A_387 = tpu.memref_slice %arg12[%dma_wait3A_378, %dma_wait3A_379, %dma_wait3A_386] : memref<3x4x128xi32, #tpu.memory_space<vmem>> -> memref<1x1x128xi32, #tpu.memory_space<vmem>>
      %dma_wait3A_388 = tpu.memref_squeeze %dma_wait3A_387 : memref<1x1x128xi32, #tpu.memory_space<vmem>> -> memref<128xi32, #tpu.memory_space<vmem>>
      %dma_wait3A_389 = arith.constant 0 : i32
      %dma_wait3A_390 = arith.constant 0 : i32
      %dma_wait3A_391 = tpu.memref_slice %arg4[%dma_wait3A_389, %dma_wait3A_390] : memref<285672x16xf32, #tpu.memory_space<hbm>> -> memref<285672x16xf32, #tpu.memory_space<hbm>>
      tpu.wait_indirect_dma semaphore(%arg17 : memref<!tpu.dma_semaphore, #tpu.memory_space<semaphore_mem>>) src(%dma_wait3A_391 : memref<285672x16xf32, #tpu.memory_space<hbm>>) dst(%dma_wait3A_385 : memref<128x16xf32, #tpu.memory_space<vmem>>)
      %dma_wait3A_392 = arith.constant 1 : i32
      %dma_wait3A_393 = arith.constant 3 : i32
      %dma_wait3A_394 = arith.constant 1 : i32
      %dma_wait3A_395 = arith.constant 3 : i32
      %dma_wait3A_396 = arith.constant 0 : i32
      %dma_wait3A_397 = arith.constant 0 : i32
      %dma_wait3A_398 = tpu.memref_slice %arg13[%dma_wait3A_394, %dma_wait3A_395, %dma_wait3A_396, %dma_wait3A_397] : memref<3x4x128x16xf32, #tpu.memory_space<vmem>> -> memref<1x1x128x16xf32, #tpu.memory_space<vmem>>
      %dma_wait3A_399 = tpu.memref_squeeze %dma_wait3A_398 : memref<1x1x128x16xf32, #tpu.memory_space<vmem>> -> memref<128x16xf32, #tpu.memory_space<vmem>>
      %dma_wait3A_400 = arith.constant 0 : i32
      %dma_wait3A_401 = tpu.memref_slice %arg12[%dma_wait3A_392, %dma_wait3A_393, %dma_wait3A_400] : memref<3x4x128xi32, #tpu.memory_space<vmem>> -> memref<1x1x128xi32, #tpu.memory_space<vmem>>
      %dma_wait3A_402 = tpu.memref_squeeze %dma_wait3A_401 : memref<1x1x128xi32, #tpu.memory_space<vmem>> -> memref<128xi32, #tpu.memory_space<vmem>>
      %dma_wait3A_403 = arith.constant 0 : i32
      %dma_wait3A_404 = arith.constant 0 : i32
      %dma_wait3A_405 = tpu.memref_slice %arg4[%dma_wait3A_403, %dma_wait3A_404] : memref<285672x16xf32, #tpu.memory_space<hbm>> -> memref<285672x16xf32, #tpu.memory_space<hbm>>
      tpu.wait_indirect_dma semaphore(%arg17 : memref<!tpu.dma_semaphore, #tpu.memory_space<semaphore_mem>>) src(%dma_wait3A_405 : memref<285672x16xf32, #tpu.memory_space<hbm>>) dst(%dma_wait3A_399 : memref<128x16xf32, #tpu.memory_space<vmem>>)
      %dma_wait3A_406 = arith.constant 2 : i32
      %dma_wait3A_407 = arith.constant 0 : i32
      %dma_wait3A_408 = arith.constant 2 : i32
      %dma_wait3A_409 = arith.constant 0 : i32
      %dma_wait3A_410 = arith.constant 0 : i32
      %dma_wait3A_411 = arith.constant 0 : i32
      %dma_wait3A_412 = tpu.memref_slice %arg13[%dma_wait3A_408, %dma_wait3A_409, %dma_wait3A_410, %dma_wait3A_411] : memref<3x4x128x16xf32, #tpu.memory_space<vmem>> -> memref<1x1x128x16xf32, #tpu.memory_space<vmem>>
      %dma_wait3A_413 = tpu.memref_squeeze %dma_wait3A_412 : memref<1x1x128x16xf32, #tpu.memory_space<vmem>> -> memref<128x16xf32, #tpu.memory_space<vmem>>
      %dma_wait3A_414 = arith.constant 0 : i32
      %dma_wait3A_415 = tpu.memref_slice %arg12[%dma_wait3A_406, %dma_wait3A_407, %dma_wait3A_414] : memref<3x4x128xi32, #tpu.memory_space<vmem>> -> memref<1x1x128xi32, #tpu.memory_space<vmem>>
      %dma_wait3A_416 = tpu.memref_squeeze %dma_wait3A_415 : memref<1x1x128xi32, #tpu.memory_space<vmem>> -> memref<128xi32, #tpu.memory_space<vmem>>
      %dma_wait3A_417 = arith.constant 0 : i32
      %dma_wait3A_418 = arith.constant 0 : i32
      %dma_wait3A_419 = tpu.memref_slice %arg4[%dma_wait3A_417, %dma_wait3A_418] : memref<285672x16xf32, #tpu.memory_space<hbm>> -> memref<285672x16xf32, #tpu.memory_space<hbm>>
      tpu.wait_indirect_dma semaphore(%arg17 : memref<!tpu.dma_semaphore, #tpu.memory_space<semaphore_mem>>) src(%dma_wait3A_419 : memref<285672x16xf32, #tpu.memory_space<hbm>>) dst(%dma_wait3A_413 : memref<128x16xf32, #tpu.memory_space<vmem>>)
      %dma_wait3A_420 = arith.constant 2 : i32
      %dma_wait3A_421 = arith.constant 1 : i32
      %dma_wait3A_422 = arith.constant 2 : i32
      %dma_wait3A_423 = arith.constant 1 : i32
      %dma_wait3A_424 = arith.constant 0 : i32
      %dma_wait3A_425 = arith.constant 0 : i32
      %dma_wait3A_426 = tpu.memref_slice %arg13[%dma_wait3A_422, %dma_wait3A_423, %dma_wait3A_424, %dma_wait3A_425] : memref<3x4x128x16xf32, #tpu.memory_space<vmem>> -> memref<1x1x128x16xf32, #tpu.memory_space<vmem>>
      %dma_wait3A_427 = tpu.memref_squeeze %dma_wait3A_426 : memref<1x1x128x16xf32, #tpu.memory_space<vmem>> -> memref<128x16xf32, #tpu.memory_space<vmem>>
      %dma_wait3A_428 = arith.constant 0 : i32
      %dma_wait3A_429 = tpu.memref_slice %arg12[%dma_wait3A_420, %dma_wait3A_421, %dma_wait3A_428] : memref<3x4x128xi32, #tpu.memory_space<vmem>> -> memref<1x1x128xi32, #tpu.memory_space<vmem>>
      %dma_wait3A_430 = tpu.memref_squeeze %dma_wait3A_429 : memref<1x1x128xi32, #tpu.memory_space<vmem>> -> memref<128xi32, #tpu.memory_space<vmem>>
      %dma_wait3A_431 = arith.constant 0 : i32
      %dma_wait3A_432 = arith.constant 0 : i32
      %dma_wait3A_433 = tpu.memref_slice %arg4[%dma_wait3A_431, %dma_wait3A_432] : memref<285672x16xf32, #tpu.memory_space<hbm>> -> memref<285672x16xf32, #tpu.memory_space<hbm>>
      tpu.wait_indirect_dma semaphore(%arg17 : memref<!tpu.dma_semaphore, #tpu.memory_space<semaphore_mem>>) src(%dma_wait3A_433 : memref<285672x16xf32, #tpu.memory_space<hbm>>) dst(%dma_wait3A_427 : memref<128x16xf32, #tpu.memory_space<vmem>>)
      %dma_wait3A_434 = arith.constant 2 : i32
      %dma_wait3A_435 = arith.constant 2 : i32
      %dma_wait3A_436 = arith.constant 2 : i32
      %dma_wait3A_437 = arith.constant 2 : i32
      %dma_wait3A_438 = arith.constant 0 : i32
      %dma_wait3A_439 = arith.constant 0 : i32
      %dma_wait3A_440 = tpu.memref_slice %arg13[%dma_wait3A_436, %dma_wait3A_437, %dma_wait3A_438, %dma_wait3A_439] : memref<3x4x128x16xf32, #tpu.memory_space<vmem>> -> memref<1x1x128x16xf32, #tpu.memory_space<vmem>>
      %dma_wait3A_441 = tpu.memref_squeeze %dma_wait3A_440 : memref<1x1x128x16xf32, #tpu.memory_space<vmem>> -> memref<128x16xf32, #tpu.memory_space<vmem>>
      %dma_wait3A_442 = arith.constant 0 : i32
      %dma_wait3A_443 = tpu.memref_slice %arg12[%dma_wait3A_434, %dma_wait3A_435, %dma_wait3A_442] : memref<3x4x128xi32, #tpu.memory_space<vmem>> -> memref<1x1x128xi32, #tpu.memory_space<vmem>>
      %dma_wait3A_444 = tpu.memref_squeeze %dma_wait3A_443 : memref<1x1x128xi32, #tpu.memory_space<vmem>> -> memref<128xi32, #tpu.memory_space<vmem>>
      %dma_wait3A_445 = arith.constant 0 : i32
      %dma_wait3A_446 = arith.constant 0 : i32
      %dma_wait3A_447 = tpu.memref_slice %arg4[%dma_wait3A_445, %dma_wait3A_446] : memref<285672x16xf32, #tpu.memory_space<hbm>> -> memref<285672x16xf32, #tpu.memory_space<hbm>>
      tpu.wait_indirect_dma semaphore(%arg17 : memref<!tpu.dma_semaphore, #tpu.memory_space<semaphore_mem>>) src(%dma_wait3A_447 : memref<285672x16xf32, #tpu.memory_space<hbm>>) dst(%dma_wait3A_441 : memref<128x16xf32, #tpu.memory_space<vmem>>)
      %dma_wait3A_448 = arith.constant 2 : i32
      %dma_wait3A_449 = arith.constant 3 : i32
      %dma_wait3A_450 = arith.constant 2 : i32
      %dma_wait3A_451 = arith.constant 3 : i32
      %dma_wait3A_452 = arith.constant 0 : i32
      %dma_wait3A_453 = arith.constant 0 : i32
      %dma_wait3A_454 = tpu.memref_slice %arg13[%dma_wait3A_450, %dma_wait3A_451, %dma_wait3A_452, %dma_wait3A_453] : memref<3x4x128x16xf32, #tpu.memory_space<vmem>> -> memref<1x1x128x16xf32, #tpu.memory_space<vmem>>
      %dma_wait3A_455 = tpu.memref_squeeze %dma_wait3A_454 : memref<1x1x128x16xf32, #tpu.memory_space<vmem>> -> memref<128x16xf32, #tpu.memory_space<vmem>>
      %dma_wait3A_456 = arith.constant 0 : i32
      %dma_wait3A_457 = tpu.memref_slice %arg12[%dma_wait3A_448, %dma_wait3A_449, %dma_wait3A_456] : memref<3x4x128xi32, #tpu.memory_space<vmem>> -> memref<1x1x128xi32, #tpu.memory_space<vmem>>
      %dma_wait3A_458 = tpu.memref_squeeze %dma_wait3A_457 : memref<1x1x128xi32, #tpu.memory_space<vmem>> -> memref<128xi32, #tpu.memory_space<vmem>>
      %dma_wait3A_459 = arith.constant 0 : i32
      %dma_wait3A_460 = arith.constant 0 : i32
      %dma_wait3A_461 = tpu.memref_slice %arg4[%dma_wait3A_459, %dma_wait3A_460] : memref<285672x16xf32, #tpu.memory_space<hbm>> -> memref<285672x16xf32, #tpu.memory_space<hbm>>
      tpu.wait_indirect_dma semaphore(%arg17 : memref<!tpu.dma_semaphore, #tpu.memory_space<semaphore_mem>>) src(%dma_wait3A_461 : memref<285672x16xf32, #tpu.memory_space<hbm>>) dst(%dma_wait3A_455 : memref<128x16xf32, #tpu.memory_space<vmem>>)
      %dma_start3A_462 = arith.constant 0 : i32
      %dma_start3A_463 = arith.constant 0 : i32
      %dma_start3A_464 = arith.constant 0 : i32
      %dma_start3A_465 = arith.constant 0 : i32
      %dma_start3A_466 = arith.constant 0 : i32
      %dma_start3A_467 = arith.constant 0 : i32
      %dma_start3A_468 = tpu.memref_slice %arg15[%dma_start3A_464, %dma_start3A_465, %dma_start3A_466, %dma_start3A_467] : memref<3x4x128x16xf32, #tpu.memory_space<vmem>> -> memref<1x1x128x16xf32, #tpu.memory_space<vmem>>
      %dma_start3A_469 = tpu.memref_squeeze %dma_start3A_468 : memref<1x1x128x16xf32, #tpu.memory_space<vmem>> -> memref<128x16xf32, #tpu.memory_space<vmem>>
      %dma_start3A_470 = arith.constant 0 : i32
      %dma_start3A_471 = tpu.memref_slice %arg12[%dma_start3A_462, %dma_start3A_463, %dma_start3A_470] : memref<3x4x128xi32, #tpu.memory_space<vmem>> -> memref<1x1x128xi32, #tpu.memory_space<vmem>>
      %dma_start3A_472 = tpu.memref_squeeze %dma_start3A_471 : memref<1x1x128xi32, #tpu.memory_space<vmem>> -> memref<128xi32, #tpu.memory_space<vmem>>
      %dma_start3A_473 = arith.constant 0 : i32
      %dma_start3A_474 = arith.constant 0 : i32
      %dma_start3A_475 = tpu.memref_slice %arg2[%dma_start3A_473, %dma_start3A_474] : memref<285672x16xf32, #tpu.memory_space<hbm>> -> memref<285672x16xf32, #tpu.memory_space<hbm>>
      tpu.enqueue_indirect_dma source(%dma_start3A_475 : memref<285672x16xf32, #tpu.memory_space<hbm>>) target(%dma_start3A_469 : memref<128x16xf32, #tpu.memory_space<vmem>>) offsets(%dma_start3A_472 : memref<128xi32, #tpu.memory_space<vmem>>) semaphore(%arg17 : memref<!tpu.dma_semaphore, #tpu.memory_space<semaphore_mem>>)
      %dma_start3A_476 = arith.constant 0 : i32
      %dma_start3A_477 = arith.constant 1 : i32
      %dma_start3A_478 = arith.constant 0 : i32
      %dma_start3A_479 = arith.constant 1 : i32
      %dma_start3A_480 = arith.constant 0 : i32
      %dma_start3A_481 = arith.constant 0 : i32
      %dma_start3A_482 = tpu.memref_slice %arg15[%dma_start3A_478, %dma_start3A_479, %dma_start3A_480, %dma_start3A_481] : memref<3x4x128x16xf32, #tpu.memory_space<vmem>> -> memref<1x1x128x16xf32, #tpu.memory_space<vmem>>
      %dma_start3A_483 = tpu.memref_squeeze %dma_start3A_482 : memref<1x1x128x16xf32, #tpu.memory_space<vmem>> -> memref<128x16xf32, #tpu.memory_space<vmem>>
      %dma_start3A_484 = arith.constant 0 : i32
      %dma_start3A_485 = tpu.memref_slice %arg12[%dma_start3A_476, %dma_start3A_477, %dma_start3A_484] : memref<3x4x128xi32, #tpu.memory_space<vmem>> -> memref<1x1x128xi32, #tpu.memory_space<vmem>>
      %dma_start3A_486 = tpu.memref_squeeze %dma_start3A_485 : memref<1x1x128xi32, #tpu.memory_space<vmem>> -> memref<128xi32, #tpu.memory_space<vmem>>
      %dma_start3A_487 = arith.constant 0 : i32
      %dma_start3A_488 = arith.constant 0 : i32
      %dma_start3A_489 = tpu.memref_slice %arg2[%dma_start3A_487, %dma_start3A_488] : memref<285672x16xf32, #tpu.memory_space<hbm>> -> memref<285672x16xf32, #tpu.memory_space<hbm>>
      tpu.enqueue_indirect_dma source(%dma_start3A_489 : memref<285672x16xf32, #tpu.memory_space<hbm>>) target(%dma_start3A_483 : memref<128x16xf32, #tpu.memory_space<vmem>>) offsets(%dma_start3A_486 : memref<128xi32, #tpu.memory_space<vmem>>) semaphore(%arg17 : memref<!tpu.dma_semaphore, #tpu.memory_space<semaphore_mem>>)
      %dma_start3A_490 = arith.constant 0 : i32
      %dma_start3A_491 = arith.constant 2 : i32
      %dma_start3A_492 = arith.constant 0 : i32
      %dma_start3A_493 = arith.constant 2 : i32
      %dma_start3A_494 = arith.constant 0 : i32
      %dma_start3A_495 = arith.constant 0 : i32
      %dma_start3A_496 = tpu.memref_slice %arg15[%dma_start3A_492, %dma_start3A_493, %dma_start3A_494, %dma_start3A_495] : memref<3x4x128x16xf32, #tpu.memory_space<vmem>> -> memref<1x1x128x16xf32, #tpu.memory_space<vmem>>
      %dma_start3A_497 = tpu.memref_squeeze %dma_start3A_496 : memref<1x1x128x16xf32, #tpu.memory_space<vmem>> -> memref<128x16xf32, #tpu.memory_space<vmem>>
      %dma_start3A_498 = arith.constant 0 : i32
      %dma_start3A_499 = tpu.memref_slice %arg12[%dma_start3A_490, %dma_start3A_491, %dma_start3A_498] : memref<3x4x128xi32, #tpu.memory_space<vmem>> -> memref<1x1x128xi32, #tpu.memory_space<vmem>>
      %dma_start3A_500 = tpu.memref_squeeze %dma_start3A_499 : memref<1x1x128xi32, #tpu.memory_space<vmem>> -> memref<128xi32, #tpu.memory_space<vmem>>
      %dma_start3A_501 = arith.constant 0 : i32
      %dma_start3A_502 = arith.constant 0 : i32
      %dma_start3A_503 = tpu.memref_slice %arg2[%dma_start3A_501, %dma_start3A_502] : memref<285672x16xf32, #tpu.memory_space<hbm>> -> memref<285672x16xf32, #tpu.memory_space<hbm>>
      tpu.enqueue_indirect_dma source(%dma_start3A_503 : memref<285672x16xf32, #tpu.memory_space<hbm>>) target(%dma_start3A_497 : memref<128x16xf32, #tpu.memory_space<vmem>>) offsets(%dma_start3A_500 : memref<128xi32, #tpu.memory_space<vmem>>) semaphore(%arg17 : memref<!tpu.dma_semaphore, #tpu.memory_space<semaphore_mem>>)
      %dma_start3A_504 = arith.constant 0 : i32
      %dma_start3A_505 = arith.constant 3 : i32
      %dma_start3A_506 = arith.constant 0 : i32
      %dma_start3A_507 = arith.constant 3 : i32
      %dma_start3A_508 = arith.constant 0 : i32
      %dma_start3A_509 = arith.constant 0 : i32
      %dma_start3A_510 = tpu.memref_slice %arg15[%dma_start3A_506, %dma_start3A_507, %dma_start3A_508, %dma_start3A_509] : memref<3x4x128x16xf32, #tpu.memory_space<vmem>> -> memref<1x1x128x16xf32, #tpu.memory_space<vmem>>
      %dma_start3A_511 = tpu.memref_squeeze %dma_start3A_510 : memref<1x1x128x16xf32, #tpu.memory_space<vmem>> -> memref<128x16xf32, #tpu.memory_space<vmem>>
      %dma_start3A_512 = arith.constant 0 : i32
      %dma_start3A_513 = tpu.memref_slice %arg12[%dma_start3A_504, %dma_start3A_505, %dma_start3A_512] : memref<3x4x128xi32, #tpu.memory_space<vmem>> -> memref<1x1x128xi32, #tpu.memory_space<vmem>>
      %dma_start3A_514 = tpu.memref_squeeze %dma_start3A_513 : memref<1x1x128xi32, #tpu.memory_space<vmem>> -> memref<128xi32, #tpu.memory_space<vmem>>
      %dma_start3A_515 = arith.constant 0 : i32
      %dma_start3A_516 = arith.constant 0 : i32
      %dma_start3A_517 = tpu.memref_slice %arg2[%dma_start3A_515, %dma_start3A_516] : memref<285672x16xf32, #tpu.memory_space<hbm>> -> memref<285672x16xf32, #tpu.memory_space<hbm>>
      tpu.enqueue_indirect_dma source(%dma_start3A_517 : memref<285672x16xf32, #tpu.memory_space<hbm>>) target(%dma_start3A_511 : memref<128x16xf32, #tpu.memory_space<vmem>>) offsets(%dma_start3A_514 : memref<128xi32, #tpu.memory_space<vmem>>) semaphore(%arg17 : memref<!tpu.dma_semaphore, #tpu.memory_space<semaphore_mem>>)
      %dma_start3A_518 = arith.constant 1 : i32
      %dma_start3A_519 = arith.constant 0 : i32
      %dma_start3A_520 = arith.constant 1 : i32
      %dma_start3A_521 = arith.constant 0 : i32
      %dma_start3A_522 = arith.constant 0 : i32
      %dma_start3A_523 = arith.constant 0 : i32
      %dma_start3A_524 = tpu.memref_slice %arg15[%dma_start3A_520, %dma_start3A_521, %dma_start3A_522, %dma_start3A_523] : memref<3x4x128x16xf32, #tpu.memory_space<vmem>> -> memref<1x1x128x16xf32, #tpu.memory_space<vmem>>
      %dma_start3A_525 = tpu.memref_squeeze %dma_start3A_524 : memref<1x1x128x16xf32, #tpu.memory_space<vmem>> -> memref<128x16xf32, #tpu.memory_space<vmem>>
      %dma_start3A_526 = arith.constant 0 : i32
      %dma_start3A_527 = tpu.memref_slice %arg12[%dma_start3A_518, %dma_start3A_519, %dma_start3A_526] : memref<3x4x128xi32, #tpu.memory_space<vmem>> -> memref<1x1x128xi32, #tpu.memory_space<vmem>>
      %dma_start3A_528 = tpu.memref_squeeze %dma_start3A_527 : memref<1x1x128xi32, #tpu.memory_space<vmem>> -> memref<128xi32, #tpu.memory_space<vmem>>
      %dma_start3A_529 = arith.constant 0 : i32
      %dma_start3A_530 = arith.constant 0 : i32
      %dma_start3A_531 = tpu.memref_slice %arg2[%dma_start3A_529, %dma_start3A_530] : memref<285672x16xf32, #tpu.memory_space<hbm>> -> memref<285672x16xf32, #tpu.memory_space<hbm>>
      tpu.enqueue_indirect_dma source(%dma_start3A_531 : memref<285672x16xf32, #tpu.memory_space<hbm>>) target(%dma_start3A_525 : memref<128x16xf32, #tpu.memory_space<vmem>>) offsets(%dma_start3A_528 : memref<128xi32, #tpu.memory_space<vmem>>) semaphore(%arg17 : memref<!tpu.dma_semaphore, #tpu.memory_space<semaphore_mem>>)
      %dma_start3A_532 = arith.constant 1 : i32
      %dma_start3A_533 = arith.constant 1 : i32
      %dma_start3A_534 = arith.constant 1 : i32
      %dma_start3A_535 = arith.constant 1 : i32
      %dma_start3A_536 = arith.constant 0 : i32
      %dma_start3A_537 = arith.constant 0 : i32
      %dma_start3A_538 = tpu.memref_slice %arg15[%dma_start3A_534, %dma_start3A_535, %dma_start3A_536, %dma_start3A_537] : memref<3x4x128x16xf32, #tpu.memory_space<vmem>> -> memref<1x1x128x16xf32, #tpu.memory_space<vmem>>
      %dma_start3A_539 = tpu.memref_squeeze %dma_start3A_538 : memref<1x1x128x16xf32, #tpu.memory_space<vmem>> -> memref<128x16xf32, #tpu.memory_space<vmem>>
      %dma_start3A_540 = arith.constant 0 : i32
      %dma_start3A_541 = tpu.memref_slice %arg12[%dma_start3A_532, %dma_start3A_533, %dma_start3A_540] : memref<3x4x128xi32, #tpu.memory_space<vmem>> -> memref<1x1x128xi32, #tpu.memory_space<vmem>>
      %dma_start3A_542 = tpu.memref_squeeze %dma_start3A_541 : memref<1x1x128xi32, #tpu.memory_space<vmem>> -> memref<128xi32, #tpu.memory_space<vmem>>
      %dma_start3A_543 = arith.constant 0 : i32
      %dma_start3A_544 = arith.constant 0 : i32
      %dma_start3A_545 = tpu.memref_slice %arg2[%dma_start3A_543, %dma_start3A_544] : memref<285672x16xf32, #tpu.memory_space<hbm>> -> memref<285672x16xf32, #tpu.memory_space<hbm>>
      tpu.enqueue_indirect_dma source(%dma_start3A_545 : memref<285672x16xf32, #tpu.memory_space<hbm>>) target(%dma_start3A_539 : memref<128x16xf32, #tpu.memory_space<vmem>>) offsets(%dma_start3A_542 : memref<128xi32, #tpu.memory_space<vmem>>) semaphore(%arg17 : memref<!tpu.dma_semaphore, #tpu.memory_space<semaphore_mem>>)
      %dma_start3A_546 = arith.constant 1 : i32
      %dma_start3A_547 = arith.constant 2 : i32
      %dma_start3A_548 = arith.constant 1 : i32
      %dma_start3A_549 = arith.constant 2 : i32
      %dma_start3A_550 = arith.constant 0 : i32
      %dma_start3A_551 = arith.constant 0 : i32
      %dma_start3A_552 = tpu.memref_slice %arg15[%dma_start3A_548, %dma_start3A_549, %dma_start3A_550, %dma_start3A_551] : memref<3x4x128x16xf32, #tpu.memory_space<vmem>> -> memref<1x1x128x16xf32, #tpu.memory_space<vmem>>
      %dma_start3A_553 = tpu.memref_squeeze %dma_start3A_552 : memref<1x1x128x16xf32, #tpu.memory_space<vmem>> -> memref<128x16xf32, #tpu.memory_space<vmem>>
      %dma_start3A_554 = arith.constant 0 : i32
      %dma_start3A_555 = tpu.memref_slice %arg12[%dma_start3A_546, %dma_start3A_547, %dma_start3A_554] : memref<3x4x128xi32, #tpu.memory_space<vmem>> -> memref<1x1x128xi32, #tpu.memory_space<vmem>>
      %dma_start3A_556 = tpu.memref_squeeze %dma_start3A_555 : memref<1x1x128xi32, #tpu.memory_space<vmem>> -> memref<128xi32, #tpu.memory_space<vmem>>
      %dma_start3A_557 = arith.constant 0 : i32
      %dma_start3A_558 = arith.constant 0 : i32
      %dma_start3A_559 = tpu.memref_slice %arg2[%dma_start3A_557, %dma_start3A_558] : memref<285672x16xf32, #tpu.memory_space<hbm>> -> memref<285672x16xf32, #tpu.memory_space<hbm>>
      tpu.enqueue_indirect_dma source(%dma_start3A_559 : memref<285672x16xf32, #tpu.memory_space<hbm>>) target(%dma_start3A_553 : memref<128x16xf32, #tpu.memory_space<vmem>>) offsets(%dma_start3A_556 : memref<128xi32, #tpu.memory_space<vmem>>) semaphore(%arg17 : memref<!tpu.dma_semaphore, #tpu.memory_space<semaphore_mem>>)
      %dma_start3A_560 = arith.constant 1 : i32
      %dma_start3A_561 = arith.constant 3 : i32
      %dma_start3A_562 = arith.constant 1 : i32
      %dma_start3A_563 = arith.constant 3 : i32
      %dma_start3A_564 = arith.constant 0 : i32
      %dma_start3A_565 = arith.constant 0 : i32
      %dma_start3A_566 = tpu.memref_slice %arg15[%dma_start3A_562, %dma_start3A_563, %dma_start3A_564, %dma_start3A_565] : memref<3x4x128x16xf32, #tpu.memory_space<vmem>> -> memref<1x1x128x16xf32, #tpu.memory_space<vmem>>
      %dma_start3A_567 = tpu.memref_squeeze %dma_start3A_566 : memref<1x1x128x16xf32, #tpu.memory_space<vmem>> -> memref<128x16xf32, #tpu.memory_space<vmem>>
      %dma_start3A_568 = arith.constant 0 : i32
      %dma_start3A_569 = tpu.memref_slice %arg12[%dma_start3A_560, %dma_start3A_561, %dma_start3A_568] : memref<3x4x128xi32, #tpu.memory_space<vmem>> -> memref<1x1x128xi32, #tpu.memory_space<vmem>>
      %dma_start3A_570 = tpu.memref_squeeze %dma_start3A_569 : memref<1x1x128xi32, #tpu.memory_space<vmem>> -> memref<128xi32, #tpu.memory_space<vmem>>
      %dma_start3A_571 = arith.constant 0 : i32
      %dma_start3A_572 = arith.constant 0 : i32
      %dma_start3A_573 = tpu.memref_slice %arg2[%dma_start3A_571, %dma_start3A_572] : memref<285672x16xf32, #tpu.memory_space<hbm>> -> memref<285672x16xf32, #tpu.memory_space<hbm>>
      tpu.enqueue_indirect_dma source(%dma_start3A_573 : memref<285672x16xf32, #tpu.memory_space<hbm>>) target(%dma_start3A_567 : memref<128x16xf32, #tpu.memory_space<vmem>>) offsets(%dma_start3A_570 : memref<128xi32, #tpu.memory_space<vmem>>) semaphore(%arg17 : memref<!tpu.dma_semaphore, #tpu.memory_space<semaphore_mem>>)
      %dma_start3A_574 = arith.constant 2 : i32
      %dma_start3A_575 = arith.constant 0 : i32
      %dma_start3A_576 = arith.constant 2 : i32
      %dma_start3A_577 = arith.constant 0 : i32
      %dma_start3A_578 = arith.constant 0 : i32
      %dma_start3A_579 = arith.constant 0 : i32
      %dma_start3A_580 = tpu.memref_slice %arg15[%dma_start3A_576, %dma_start3A_577, %dma_start3A_578, %dma_start3A_579] : memref<3x4x128x16xf32, #tpu.memory_space<vmem>> -> memref<1x1x128x16xf32, #tpu.memory_space<vmem>>
      %dma_start3A_581 = tpu.memref_squeeze %dma_start3A_580 : memref<1x1x128x16xf32, #tpu.memory_space<vmem>> -> memref<128x16xf32, #tpu.memory_space<vmem>>
      %dma_start3A_582 = arith.constant 0 : i32
      %dma_start3A_583 = tpu.memref_slice %arg12[%dma_start3A_574, %dma_start3A_575, %dma_start3A_582] : memref<3x4x128xi32, #tpu.memory_space<vmem>> -> memref<1x1x128xi32, #tpu.memory_space<vmem>>
      %dma_start3A_584 = tpu.memref_squeeze %dma_start3A_583 : memref<1x1x128xi32, #tpu.memory_space<vmem>> -> memref<128xi32, #tpu.memory_space<vmem>>
      %dma_start3A_585 = arith.constant 0 : i32
      %dma_start3A_586 = arith.constant 0 : i32
      %dma_start3A_587 = tpu.memref_slice %arg2[%dma_start3A_585, %dma_start3A_586] : memref<285672x16xf32, #tpu.memory_space<hbm>> -> memref<285672x16xf32, #tpu.memory_space<hbm>>
      tpu.enqueue_indirect_dma source(%dma_start3A_587 : memref<285672x16xf32, #tpu.memory_space<hbm>>) target(%dma_start3A_581 : memref<128x16xf32, #tpu.memory_space<vmem>>) offsets(%dma_start3A_584 : memref<128xi32, #tpu.memory_space<vmem>>) semaphore(%arg17 : memref<!tpu.dma_semaphore, #tpu.memory_space<semaphore_mem>>)
      %dma_start3A_588 = arith.constant 2 : i32
      %dma_start3A_589 = arith.constant 1 : i32
      %dma_start3A_590 = arith.constant 2 : i32
      %dma_start3A_591 = arith.constant 1 : i32
      %dma_start3A_592 = arith.constant 0 : i32
      %dma_start3A_593 = arith.constant 0 : i32
      %dma_start3A_594 = tpu.memref_slice %arg15[%dma_start3A_590, %dma_start3A_591, %dma_start3A_592, %dma_start3A_593] : memref<3x4x128x16xf32, #tpu.memory_space<vmem>> -> memref<1x1x128x16xf32, #tpu.memory_space<vmem>>
      %dma_start3A_595 = tpu.memref_squeeze %dma_start3A_594 : memref<1x1x128x16xf32, #tpu.memory_space<vmem>> -> memref<128x16xf32, #tpu.memory_space<vmem>>
      %dma_start3A_596 = arith.constant 0 : i32
      %dma_start3A_597 = tpu.memref_slice %arg12[%dma_start3A_588, %dma_start3A_589, %dma_start3A_596] : memref<3x4x128xi32, #tpu.memory_space<vmem>> -> memref<1x1x128xi32, #tpu.memory_space<vmem>>
      %dma_start3A_598 = tpu.memref_squeeze %dma_start3A_597 : memref<1x1x128xi32, #tpu.memory_space<vmem>> -> memref<128xi32, #tpu.memory_space<vmem>>
      %dma_start3A_599 = arith.constant 0 : i32
      %dma_start3A_600 = arith.constant 0 : i32
      %dma_start3A_601 = tpu.memref_slice %arg2[%dma_start3A_599, %dma_start3A_600] : memref<285672x16xf32, #tpu.memory_space<hbm>> -> memref<285672x16xf32, #tpu.memory_space<hbm>>
      tpu.enqueue_indirect_dma source(%dma_start3A_601 : memref<285672x16xf32, #tpu.memory_space<hbm>>) target(%dma_start3A_595 : memref<128x16xf32, #tpu.memory_space<vmem>>) offsets(%dma_start3A_598 : memref<128xi32, #tpu.memory_space<vmem>>) semaphore(%arg17 : memref<!tpu.dma_semaphore, #tpu.memory_space<semaphore_mem>>)
      %dma_start3A_602 = arith.constant 2 : i32
      %dma_start3A_603 = arith.constant 2 : i32
      %dma_start3A_604 = arith.constant 2 : i32
      %dma_start3A_605 = arith.constant 2 : i32
      %dma_start3A_606 = arith.constant 0 : i32
      %dma_start3A_607 = arith.constant 0 : i32
      %dma_start3A_608 = tpu.memref_slice %arg15[%dma_start3A_604, %dma_start3A_605, %dma_start3A_606, %dma_start3A_607] : memref<3x4x128x16xf32, #tpu.memory_space<vmem>> -> memref<1x1x128x16xf32, #tpu.memory_space<vmem>>
      %dma_start3A_609 = tpu.memref_squeeze %dma_start3A_608 : memref<1x1x128x16xf32, #tpu.memory_space<vmem>> -> memref<128x16xf32, #tpu.memory_space<vmem>>
      %dma_start3A_610 = arith.constant 0 : i32
      %dma_start3A_611 = tpu.memref_slice %arg12[%dma_start3A_602, %dma_start3A_603, %dma_start3A_610] : memref<3x4x128xi32, #tpu.memory_space<vmem>> -> memref<1x1x128xi32, #tpu.memory_space<vmem>>
      %dma_start3A_612 = tpu.memref_squeeze %dma_start3A_611 : memref<1x1x128xi32, #tpu.memory_space<vmem>> -> memref<128xi32, #tpu.memory_space<vmem>>
      %dma_start3A_613 = arith.constant 0 : i32
      %dma_start3A_614 = arith.constant 0 : i32
      %dma_start3A_615 = tpu.memref_slice %arg2[%dma_start3A_613, %dma_start3A_614] : memref<285672x16xf32, #tpu.memory_space<hbm>> -> memref<285672x16xf32, #tpu.memory_space<hbm>>
      tpu.enqueue_indirect_dma source(%dma_start3A_615 : memref<285672x16xf32, #tpu.memory_space<hbm>>) target(%dma_start3A_609 : memref<128x16xf32, #tpu.memory_space<vmem>>) offsets(%dma_start3A_612 : memref<128xi32, #tpu.memory_space<vmem>>) semaphore(%arg17 : memref<!tpu.dma_semaphore, #tpu.memory_space<semaphore_mem>>)
      %dma_start3A_616 = arith.constant 2 : i32
      %dma_start3A_617 = arith.constant 3 : i32
      %dma_start3A_618 = arith.constant 2 : i32
      %dma_start3A_619 = arith.constant 3 : i32
      %dma_start3A_620 = arith.constant 0 : i32
      %dma_start3A_621 = arith.constant 0 : i32
      %dma_start3A_622 = tpu.memref_slice %arg15[%dma_start3A_618, %dma_start3A_619, %dma_start3A_620, %dma_start3A_621] : memref<3x4x128x16xf32, #tpu.memory_space<vmem>> -> memref<1x1x128x16xf32, #tpu.memory_space<vmem>>
      %dma_start3A_623 = tpu.memref_squeeze %dma_start3A_622 : memref<1x1x128x16xf32, #tpu.memory_space<vmem>> -> memref<128x16xf32, #tpu.memory_space<vmem>>
      %dma_start3A_624 = arith.constant 0 : i32
      %dma_start3A_625 = tpu.memref_slice %arg12[%dma_start3A_616, %dma_start3A_617, %dma_start3A_624] : memref<3x4x128xi32, #tpu.memory_space<vmem>> -> memref<1x1x128xi32, #tpu.memory_space<vmem>>
      %dma_start3A_626 = tpu.memref_squeeze %dma_start3A_625 : memref<1x1x128xi32, #tpu.memory_space<vmem>> -> memref<128xi32, #tpu.memory_space<vmem>>
      %dma_start3A_627 = arith.constant 0 : i32
      %dma_start3A_628 = arith.constant 0 : i32
      %dma_start3A_629 = tpu.memref_slice %arg2[%dma_start3A_627, %dma_start3A_628] : memref<285672x16xf32, #tpu.memory_space<hbm>> -> memref<285672x16xf32, #tpu.memory_space<hbm>>
      tpu.enqueue_indirect_dma source(%dma_start3A_629 : memref<285672x16xf32, #tpu.memory_space<hbm>>) target(%dma_start3A_623 : memref<128x16xf32, #tpu.memory_space<vmem>>) offsets(%dma_start3A_626 : memref<128xi32, #tpu.memory_space<vmem>>) semaphore(%arg17 : memref<!tpu.dma_semaphore, #tpu.memory_space<semaphore_mem>>)
      %scan3A_630 = arith.constant 0 : i32
      %scan3A_631 = arith.constant 0 : i32
      %scan3A_632 = arith.constant 4 : i32
      %scan3A_633 = arith.addi %scan3A_631, %scan3A_632 : i32
      %scan3A_634 = arith.constant 1 : i32
      scf.for %scan3A_1196 = %scan3A_631 to %scan3A_633 step %scan3A_634  : i32 {
        %scan3A_1197 = arith.constant 0 : i32
        %scan3A_1198 = arith.constant 8 : i32
        %scan3A_1199 = arith.addi %scan3A_1197, %scan3A_1198 : i32
        %scan3A_1200 = arith.constant 1 : i32
        scf.for %scan3A_1202 = %scan3A_1197 to %scan3A_1199 step %scan3A_1200  : i32 {
          %mul3A_1203 = arith.constant 16 : i32
          %mul3A_1204 = arith.muli %scan3A_1202, %mul3A_1203 : i32
          %add3A_1205 = vector.broadcast %mul3A_1204 : i32 to vector<16xi32>
          %add3A_1206 = arith.addi %iota3A, %add3A_1205 : vector<16xi32>
          %add3A_1207 = vector.broadcast %scan3A_1196 : i32 to vector<16xi32>
          %add3A_1208 = arith.addi %broadcast_in_dim3A_1, %add3A_1207 : vector<16xi32>
          %broadcast_in_dim3A_1209 = arith.constant 2 : i32
          %broadcast_in_dim3A_1210 = vector.broadcast %broadcast_in_dim3A_1209 : i32 to vector<16xi32>
          %gather3A = tpu.vector_load_idx %arg13[%broadcast_in_dim3A_1, %add3A_1208, %add3A_1206, %broadcast_in_dim3A_1] : memref<3x4x128x16xf32, #tpu.memory_space<vmem>>[vector<16xi32>, vector<16xi32>, vector<16xi32>, vector<16xi32>], vector<16xf32>,
          %gather3A_1211 = tpu.vector_load_idx %arg13[%broadcast_in_dim3A_1, %add3A_1208, %add3A_1206, %broadcast_in_dim3A_3] : memref<3x4x128x16xf32, #tpu.memory_space<vmem>>[vector<16xi32>, vector<16xi32>, vector<16xi32>, vector<16xi32>], vector<16xf32>,
          %gather3A_1212 = tpu.vector_load_idx %arg13[%broadcast_in_dim3A_3, %add3A_1208, %add3A_1206, %broadcast_in_dim3A_1] : memref<3x4x128x16xf32, #tpu.memory_space<vmem>>[vector<16xi32>, vector<16xi32>, vector<16xi32>, vector<16xi32>], vector<16xf32>,
          %gather3A_1213 = tpu.vector_load_idx %arg13[%broadcast_in_dim3A_3, %add3A_1208, %add3A_1206, %broadcast_in_dim3A_3] : memref<3x4x128x16xf32, #tpu.memory_space<vmem>>[vector<16xi32>, vector<16xi32>, vector<16xi32>, vector<16xi32>], vector<16xf32>,
          %gather3A_1214 = tpu.vector_load_idx %arg13[%broadcast_in_dim3A_1210, %add3A_1208, %add3A_1206, %broadcast_in_dim3A_1] : memref<3x4x128x16xf32, #tpu.memory_space<vmem>>[vector<16xi32>, vector<16xi32>, vector<16xi32>, vector<16xi32>], vector<16xf32>,
          %gather3A_1215 = tpu.vector_load_idx %arg13[%broadcast_in_dim3A_1210, %add3A_1208, %add3A_1206, %broadcast_in_dim3A_3] : memref<3x4x128x16xf32, #tpu.memory_space<vmem>>[vector<16xi32>, vector<16xi32>, vector<16xi32>, vector<16xi32>], vector<16xf32>,
          %sub3A = arith.subf %gather3A, %gather3A_1212 : vector<16xf32>
          %sub3A_1216 = arith.subf %gather3A_1215, %gather3A_1213 : vector<16xf32>
          %mul3A_1217 = arith.mulf %sub3A, %sub3A_1216 : vector<16xf32>
          %sub3A_1218 = arith.subf %gather3A_1211, %gather3A_1213 : vector<16xf32>
          %sub3A_1219 = arith.subf %gather3A_1214, %gather3A_1212 : vector<16xf32>
          %mul3A_1220 = arith.mulf %sub3A_1218, %sub3A_1219 : vector<16xf32>
          %sub3A_1221 = arith.subf %mul3A_1217, %mul3A_1220 : vector<16xf32>
          %mul3A_1222 = arith.constant 128 : i32
          %mul3A_1223 = arith.muli %scan3A_1196, %mul3A_1222 : i32
          %mul3A_1224 = arith.constant 16 : i32
          %mul3A_1225 = arith.muli %scan3A_1202, %mul3A_1224 : i32
          %add3A_1226 = arith.addi %mul3A_1223, %mul3A_1225 : i32
          %get3A = arith.index_cast %add3A_1226 : i32 to index
          %get3A_1227 = tpu.vector_load %arg8[%get3A] {strides = array<i32>} : memref<512xi32, #tpu.memory_space<vmem>>, vector<16xi32>,
          %gt3A = arith.constant 0.000000e+00 : f32
          %gt3A_1228 = vector.broadcast %gt3A : f32 to vector<16xf32>
          %gt3A_1229 = arith.cmpf ogt, %sub3A_1221, %gt3A_1228 : vector<16xf32>
          %ge3A = arith.constant 0 : i32
          %ge3A_1230 = vector.broadcast %ge3A : i32 to vector<16xi32>
          %ge3A_1231 = arith.cmpi sge, %get3A_1227, %ge3A_1230 : vector<16xi32>
          %and3A_1232 = arith.andi %gt3A_1229, %ge3A_1231 : vector<16xi1>
          %jit3A = arith.constant 1.000000e+00 : f32
          %jit3A_1233 = arith.constant 0.000000e+00 : f32
          %broadcast_in_dim3A_1234 = vector.broadcast %jit3A : f32 to vector<16xf32>
          %broadcast_in_dim3A_1235 = vector.broadcast %jit3A_1233 : f32 to vector<16xf32>
          %select_n3A = arith.select %and3A_1232, %broadcast_in_dim3A_1234, %broadcast_in_dim3A_1235 : vector<16xi1>, vector<16xf32>
          %mul3A_1236 = arith.constant 128 : i32
          %mul3A_1237 = arith.muli %scan3A_1196, %mul3A_1236 : i32
          %mul3A_1238 = arith.constant 16 : i32
          %mul3A_1239 = arith.muli %scan3A_1202, %mul3A_1238 : i32
          %add3A_1240 = arith.addi %mul3A_1237, %mul3A_1239 : i32
          %get3A_1241 = arith.constant 0 : i32
          %get3A_1242 = arith.index_cast %get3A_1241 : i32 to index
          %get3A_1243 = arith.index_cast %add3A_1240 : i32 to index
          %get3A_1244 = tpu.vector_load %arg9[%get3A_1242, %get3A_1243] {strides = array<i32>} : memref<3x512xf32, #tpu.memory_space<vmem>>, vector<16xf32>,
          %mul3A_1245 = arith.mulf %get3A_1244, %select_n3A : vector<16xf32>
          %mul3A_1246 = arith.constant 128 : i32
          %mul3A_1247 = arith.muli %scan3A_1196, %mul3A_1246 : i32
          %mul3A_1248 = arith.constant 16 : i32
          %mul3A_1249 = arith.muli %scan3A_1202, %mul3A_1248 : i32
          %add3A_1250 = arith.addi %mul3A_1247, %mul3A_1249 : i32
          %swap3A = arith.constant 0 : i32
          %swap3A_1251 = arith.index_cast %swap3A : i32 to index
          %swap3A_1252 = arith.index_cast %add3A_1250 : i32 to index
          %swap3A_1253 = tpu.vector_load %arg14[%swap3A_1251, %swap3A_1252] {strides = array<i32>} : memref<3x512xf32, #tpu.memory_space<vmem>>, vector<16xf32>,
          tpu.vector_store %arg14[%swap3A_1251, %swap3A_1252], %mul3A_1245 {strides = array<i32>} : memref<3x512xf32, #tpu.memory_space<vmem>>, vector<16xf32>,
          %mul3A_1254 = arith.constant 128 : i32
          %mul3A_1255 = arith.muli %scan3A_1196, %mul3A_1254 : i32
          %mul3A_1256 = arith.constant 16 : i32
          %mul3A_1257 = arith.muli %scan3A_1202, %mul3A_1256 : i32
          %add3A_1258 = arith.addi %mul3A_1255, %mul3A_1257 : i32
          %get3A_1259 = arith.constant 1 : i32
          %get3A_1260 = arith.index_cast %get3A_1259 : i32 to index
          %get3A_1261 = arith.index_cast %add3A_1258 : i32 to index
          %get3A_1262 = tpu.vector_load %arg9[%get3A_1260, %get3A_1261] {strides = array<i32>} : memref<3x512xf32, #tpu.memory_space<vmem>>, vector<16xf32>,
          %mul3A_1263 = arith.mulf %get3A_1262, %select_n3A : vector<16xf32>
          %mul3A_1264 = arith.constant 128 : i32
          %mul3A_1265 = arith.muli %scan3A_1196, %mul3A_1264 : i32
          %mul3A_1266 = arith.constant 16 : i32
          %mul3A_1267 = arith.muli %scan3A_1202, %mul3A_1266 : i32
          %add3A_1268 = arith.addi %mul3A_1265, %mul3A_1267 : i32
          %swap3A_1269 = arith.constant 1 : i32
          %swap3A_1270 = arith.index_cast %swap3A_1269 : i32 to index
          %swap3A_1271 = arith.index_cast %add3A_1268 : i32 to index
          %swap3A_1272 = tpu.vector_load %arg14[%swap3A_1270, %swap3A_1271] {strides = array<i32>} : memref<3x512xf32, #tpu.memory_space<vmem>>, vector<16xf32>,
          tpu.vector_store %arg14[%swap3A_1270, %swap3A_1271], %mul3A_1263 {strides = array<i32>} : memref<3x512xf32, #tpu.memory_space<vmem>>, vector<16xf32>,
          %mul3A_1273 = arith.constant 128 : i32
          %mul3A_1274 = arith.muli %scan3A_1196, %mul3A_1273 : i32
          %mul3A_1275 = arith.constant 16 : i32
          %mul3A_1276 = arith.muli %scan3A_1202, %mul3A_1275 : i32
          %add3A_1277 = arith.addi %mul3A_1274, %mul3A_1276 : i32
          %get3A_1278 = arith.constant 2 : i32
          %get3A_1279 = arith.index_cast %get3A_1278 : i32 to index
          %get3A_1280 = arith.index_cast %add3A_1277 : i32 to index
          %get3A_1281 = tpu.vector_load %arg9[%get3A_1279, %get3A_1280] {strides = array<i32>} : memref<3x512xf32, #tpu.memory_space<vmem>>, vector<16xf32>,
          %mul3A_1282 = arith.mulf %get3A_1281, %select_n3A : vector<16xf32>
          %mul3A_1283 = arith.constant 128 : i32
          %mul3A_1284 = arith.muli %scan3A_1196, %mul3A_1283 : i32
          %mul3A_1285 = arith.constant 16 : i32
          %mul3A_1286 = arith.muli %scan3A_1202, %mul3A_1285 : i32
          %add3A_1287 = arith.addi %mul3A_1284, %mul3A_1286 : i32
          %swap3A_1288 = arith.constant 2 : i32
          %swap3A_1289 = arith.index_cast %swap3A_1288 : i32 to index
          %swap3A_1290 = arith.index_cast %add3A_1287 : i32 to index
          %swap3A_1291 = tpu.vector_load %arg14[%swap3A_1289, %swap3A_1290] {strides = array<i32>} : memref<3x512xf32, #tpu.memory_space<vmem>>, vector<16xf32>,
          tpu.vector_store %arg14[%swap3A_1289, %swap3A_1290], %mul3A_1282 {strides = array<i32>} : memref<3x512xf32, #tpu.memory_space<vmem>>, vector<16xf32>,
        }
        %scan3A_1201 = arith.constant 8 : i32
      }
      %scan3A_635 = arith.constant 4 : i32
      %dma_wait3A_636 = arith.constant 0 : i32
      %dma_wait3A_637 = arith.constant 0 : i32
      %dma_wait3A_638 = arith.constant 0 : i32
      %dma_wait3A_639 = arith.constant 0 : i32
      %dma_wait3A_640 = arith.constant 0 : i32
      %dma_wait3A_641 = arith.constant 0 : i32
      %dma_wait3A_642 = tpu.memref_slice %arg15[%dma_wait3A_638, %dma_wait3A_639, %dma_wait3A_640, %dma_wait3A_641] : memref<3x4x128x16xf32, #tpu.memory_space<vmem>> -> memref<1x1x128x16xf32, #tpu.memory_space<vmem>>
      %dma_wait3A_643 = tpu.memref_squeeze %dma_wait3A_642 : memref<1x1x128x16xf32, #tpu.memory_space<vmem>> -> memref<128x16xf32, #tpu.memory_space<vmem>>
      %dma_wait3A_644 = arith.constant 0 : i32
      %dma_wait3A_645 = tpu.memref_slice %arg12[%dma_wait3A_636, %dma_wait3A_637, %dma_wait3A_644] : memref<3x4x128xi32, #tpu.memory_space<vmem>> -> memref<1x1x128xi32, #tpu.memory_space<vmem>>
      %dma_wait3A_646 = tpu.memref_squeeze %dma_wait3A_645 : memref<1x1x128xi32, #tpu.memory_space<vmem>> -> memref<128xi32, #tpu.memory_space<vmem>>
      %dma_wait3A_647 = arith.constant 0 : i32
      %dma_wait3A_648 = arith.constant 0 : i32
      %dma_wait3A_649 = tpu.memref_slice %arg2[%dma_wait3A_647, %dma_wait3A_648] : memref<285672x16xf32, #tpu.memory_space<hbm>> -> memref<285672x16xf32, #tpu.memory_space<hbm>>
      tpu.wait_indirect_dma semaphore(%arg17 : memref<!tpu.dma_semaphore, #tpu.memory_space<semaphore_mem>>) src(%dma_wait3A_649 : memref<285672x16xf32, #tpu.memory_space<hbm>>) dst(%dma_wait3A_643 : memref<128x16xf32, #tpu.memory_space<vmem>>)
      %dma_wait3A_650 = arith.constant 0 : i32
      %dma_wait3A_651 = arith.constant 1 : i32
      %dma_wait3A_652 = arith.constant 0 : i32
      %dma_wait3A_653 = arith.constant 1 : i32
      %dma_wait3A_654 = arith.constant 0 : i32
      %dma_wait3A_655 = arith.constant 0 : i32
      %dma_wait3A_656 = tpu.memref_slice %arg15[%dma_wait3A_652, %dma_wait3A_653, %dma_wait3A_654, %dma_wait3A_655] : memref<3x4x128x16xf32, #tpu.memory_space<vmem>> -> memref<1x1x128x16xf32, #tpu.memory_space<vmem>>
      %dma_wait3A_657 = tpu.memref_squeeze %dma_wait3A_656 : memref<1x1x128x16xf32, #tpu.memory_space<vmem>> -> memref<128x16xf32, #tpu.memory_space<vmem>>
      %dma_wait3A_658 = arith.constant 0 : i32
      %dma_wait3A_659 = tpu.memref_slice %arg12[%dma_wait3A_650, %dma_wait3A_651, %dma_wait3A_658] : memref<3x4x128xi32, #tpu.memory_space<vmem>> -> memref<1x1x128xi32, #tpu.memory_space<vmem>>
      %dma_wait3A_660 = tpu.memref_squeeze %dma_wait3A_659 : memref<1x1x128xi32, #tpu.memory_space<vmem>> -> memref<128xi32, #tpu.memory_space<vmem>>
      %dma_wait3A_661 = arith.constant 0 : i32
      %dma_wait3A_662 = arith.constant 0 : i32
      %dma_wait3A_663 = tpu.memref_slice %arg2[%dma_wait3A_661, %dma_wait3A_662] : memref<285672x16xf32, #tpu.memory_space<hbm>> -> memref<285672x16xf32, #tpu.memory_space<hbm>>
      tpu.wait_indirect_dma semaphore(%arg17 : memref<!tpu.dma_semaphore, #tpu.memory_space<semaphore_mem>>) src(%dma_wait3A_663 : memref<285672x16xf32, #tpu.memory_space<hbm>>) dst(%dma_wait3A_657 : memref<128x16xf32, #tpu.memory_space<vmem>>)
      %dma_wait3A_664 = arith.constant 0 : i32
      %dma_wait3A_665 = arith.constant 2 : i32
      %dma_wait3A_666 = arith.constant 0 : i32
      %dma_wait3A_667 = arith.constant 2 : i32
      %dma_wait3A_668 = arith.constant 0 : i32
      %dma_wait3A_669 = arith.constant 0 : i32
      %dma_wait3A_670 = tpu.memref_slice %arg15[%dma_wait3A_666, %dma_wait3A_667, %dma_wait3A_668, %dma_wait3A_669] : memref<3x4x128x16xf32, #tpu.memory_space<vmem>> -> memref<1x1x128x16xf32, #tpu.memory_space<vmem>>
      %dma_wait3A_671 = tpu.memref_squeeze %dma_wait3A_670 : memref<1x1x128x16xf32, #tpu.memory_space<vmem>> -> memref<128x16xf32, #tpu.memory_space<vmem>>
      %dma_wait3A_672 = arith.constant 0 : i32
      %dma_wait3A_673 = tpu.memref_slice %arg12[%dma_wait3A_664, %dma_wait3A_665, %dma_wait3A_672] : memref<3x4x128xi32, #tpu.memory_space<vmem>> -> memref<1x1x128xi32, #tpu.memory_space<vmem>>
      %dma_wait3A_674 = tpu.memref_squeeze %dma_wait3A_673 : memref<1x1x128xi32, #tpu.memory_space<vmem>> -> memref<128xi32, #tpu.memory_space<vmem>>
      %dma_wait3A_675 = arith.constant 0 : i32
      %dma_wait3A_676 = arith.constant 0 : i32
      %dma_wait3A_677 = tpu.memref_slice %arg2[%dma_wait3A_675, %dma_wait3A_676] : memref<285672x16xf32, #tpu.memory_space<hbm>> -> memref<285672x16xf32, #tpu.memory_space<hbm>>
      tpu.wait_indirect_dma semaphore(%arg17 : memref<!tpu.dma_semaphore, #tpu.memory_space<semaphore_mem>>) src(%dma_wait3A_677 : memref<285672x16xf32, #tpu.memory_space<hbm>>) dst(%dma_wait3A_671 : memref<128x16xf32, #tpu.memory_space<vmem>>)
      %dma_wait3A_678 = arith.constant 0 : i32
      %dma_wait3A_679 = arith.constant 3 : i32
      %dma_wait3A_680 = arith.constant 0 : i32
      %dma_wait3A_681 = arith.constant 3 : i32
      %dma_wait3A_682 = arith.constant 0 : i32
      %dma_wait3A_683 = arith.constant 0 : i32
      %dma_wait3A_684 = tpu.memref_slice %arg15[%dma_wait3A_680, %dma_wait3A_681, %dma_wait3A_682, %dma_wait3A_683] : memref<3x4x128x16xf32, #tpu.memory_space<vmem>> -> memref<1x1x128x16xf32, #tpu.memory_space<vmem>>
      %dma_wait3A_685 = tpu.memref_squeeze %dma_wait3A_684 : memref<1x1x128x16xf32, #tpu.memory_space<vmem>> -> memref<128x16xf32, #tpu.memory_space<vmem>>
      %dma_wait3A_686 = arith.constant 0 : i32
      %dma_wait3A_687 = tpu.memref_slice %arg12[%dma_wait3A_678, %dma_wait3A_679, %dma_wait3A_686] : memref<3x4x128xi32, #tpu.memory_space<vmem>> -> memref<1x1x128xi32, #tpu.memory_space<vmem>>
      %dma_wait3A_688 = tpu.memref_squeeze %dma_wait3A_687 : memref<1x1x128xi32, #tpu.memory_space<vmem>> -> memref<128xi32, #tpu.memory_space<vmem>>
      %dma_wait3A_689 = arith.constant 0 : i32
      %dma_wait3A_690 = arith.constant 0 : i32
      %dma_wait3A_691 = tpu.memref_slice %arg2[%dma_wait3A_689, %dma_wait3A_690] : memref<285672x16xf32, #tpu.memory_space<hbm>> -> memref<285672x16xf32, #tpu.memory_space<hbm>>
      tpu.wait_indirect_dma semaphore(%arg17 : memref<!tpu.dma_semaphore, #tpu.memory_space<semaphore_mem>>) src(%dma_wait3A_691 : memref<285672x16xf32, #tpu.memory_space<hbm>>) dst(%dma_wait3A_685 : memref<128x16xf32, #tpu.memory_space<vmem>>)
      %dma_wait3A_692 = arith.constant 1 : i32
      %dma_wait3A_693 = arith.constant 0 : i32
      %dma_wait3A_694 = arith.constant 1 : i32
      %dma_wait3A_695 = arith.constant 0 : i32
      %dma_wait3A_696 = arith.constant 0 : i32
      %dma_wait3A_697 = arith.constant 0 : i32
      %dma_wait3A_698 = tpu.memref_slice %arg15[%dma_wait3A_694, %dma_wait3A_695, %dma_wait3A_696, %dma_wait3A_697] : memref<3x4x128x16xf32, #tpu.memory_space<vmem>> -> memref<1x1x128x16xf32, #tpu.memory_space<vmem>>
      %dma_wait3A_699 = tpu.memref_squeeze %dma_wait3A_698 : memref<1x1x128x16xf32, #tpu.memory_space<vmem>> -> memref<128x16xf32, #tpu.memory_space<vmem>>
      %dma_wait3A_700 = arith.constant 0 : i32
      %dma_wait3A_701 = tpu.memref_slice %arg12[%dma_wait3A_692, %dma_wait3A_693, %dma_wait3A_700] : memref<3x4x128xi32, #tpu.memory_space<vmem>> -> memref<1x1x128xi32, #tpu.memory_space<vmem>>
      %dma_wait3A_702 = tpu.memref_squeeze %dma_wait3A_701 : memref<1x1x128xi32, #tpu.memory_space<vmem>> -> memref<128xi32, #tpu.memory_space<vmem>>
      %dma_wait3A_703 = arith.constant 0 : i32
      %dma_wait3A_704 = arith.constant 0 : i32
      %dma_wait3A_705 = tpu.memref_slice %arg2[%dma_wait3A_703, %dma_wait3A_704] : memref<285672x16xf32, #tpu.memory_space<hbm>> -> memref<285672x16xf32, #tpu.memory_space<hbm>>
      tpu.wait_indirect_dma semaphore(%arg17 : memref<!tpu.dma_semaphore, #tpu.memory_space<semaphore_mem>>) src(%dma_wait3A_705 : memref<285672x16xf32, #tpu.memory_space<hbm>>) dst(%dma_wait3A_699 : memref<128x16xf32, #tpu.memory_space<vmem>>)
      %dma_wait3A_706 = arith.constant 1 : i32
      %dma_wait3A_707 = arith.constant 1 : i32
      %dma_wait3A_708 = arith.constant 1 : i32
      %dma_wait3A_709 = arith.constant 1 : i32
      %dma_wait3A_710 = arith.constant 0 : i32
      %dma_wait3A_711 = arith.constant 0 : i32
      %dma_wait3A_712 = tpu.memref_slice %arg15[%dma_wait3A_708, %dma_wait3A_709, %dma_wait3A_710, %dma_wait3A_711] : memref<3x4x128x16xf32, #tpu.memory_space<vmem>> -> memref<1x1x128x16xf32, #tpu.memory_space<vmem>>
      %dma_wait3A_713 = tpu.memref_squeeze %dma_wait3A_712 : memref<1x1x128x16xf32, #tpu.memory_space<vmem>> -> memref<128x16xf32, #tpu.memory_space<vmem>>
      %dma_wait3A_714 = arith.constant 0 : i32
      %dma_wait3A_715 = tpu.memref_slice %arg12[%dma_wait3A_706, %dma_wait3A_707, %dma_wait3A_714] : memref<3x4x128xi32, #tpu.memory_space<vmem>> -> memref<1x1x128xi32, #tpu.memory_space<vmem>>
      %dma_wait3A_716 = tpu.memref_squeeze %dma_wait3A_715 : memref<1x1x128xi32, #tpu.memory_space<vmem>> -> memref<128xi32, #tpu.memory_space<vmem>>
      %dma_wait3A_717 = arith.constant 0 : i32
      %dma_wait3A_718 = arith.constant 0 : i32
      %dma_wait3A_719 = tpu.memref_slice %arg2[%dma_wait3A_717, %dma_wait3A_718] : memref<285672x16xf32, #tpu.memory_space<hbm>> -> memref<285672x16xf32, #tpu.memory_space<hbm>>
      tpu.wait_indirect_dma semaphore(%arg17 : memref<!tpu.dma_semaphore, #tpu.memory_space<semaphore_mem>>) src(%dma_wait3A_719 : memref<285672x16xf32, #tpu.memory_space<hbm>>) dst(%dma_wait3A_713 : memref<128x16xf32, #tpu.memory_space<vmem>>)
      %dma_wait3A_720 = arith.constant 1 : i32
      %dma_wait3A_721 = arith.constant 2 : i32
      %dma_wait3A_722 = arith.constant 1 : i32
      %dma_wait3A_723 = arith.constant 2 : i32
      %dma_wait3A_724 = arith.constant 0 : i32
      %dma_wait3A_725 = arith.constant 0 : i32
      %dma_wait3A_726 = tpu.memref_slice %arg15[%dma_wait3A_722, %dma_wait3A_723, %dma_wait3A_724, %dma_wait3A_725] : memref<3x4x128x16xf32, #tpu.memory_space<vmem>> -> memref<1x1x128x16xf32, #tpu.memory_space<vmem>>
      %dma_wait3A_727 = tpu.memref_squeeze %dma_wait3A_726 : memref<1x1x128x16xf32, #tpu.memory_space<vmem>> -> memref<128x16xf32, #tpu.memory_space<vmem>>
      %dma_wait3A_728 = arith.constant 0 : i32
      %dma_wait3A_729 = tpu.memref_slice %arg12[%dma_wait3A_720, %dma_wait3A_721, %dma_wait3A_728] : memref<3x4x128xi32, #tpu.memory_space<vmem>> -> memref<1x1x128xi32, #tpu.memory_space<vmem>>
      %dma_wait3A_730 = tpu.memref_squeeze %dma_wait3A_729 : memref<1x1x128xi32, #tpu.memory_space<vmem>> -> memref<128xi32, #tpu.memory_space<vmem>>
      %dma_wait3A_731 = arith.constant 0 : i32
      %dma_wait3A_732 = arith.constant 0 : i32
      %dma_wait3A_733 = tpu.memref_slice %arg2[%dma_wait3A_731, %dma_wait3A_732] : memref<285672x16xf32, #tpu.memory_space<hbm>> -> memref<285672x16xf32, #tpu.memory_space<hbm>>
      tpu.wait_indirect_dma semaphore(%arg17 : memref<!tpu.dma_semaphore, #tpu.memory_space<semaphore_mem>>) src(%dma_wait3A_733 : memref<285672x16xf32, #tpu.memory_space<hbm>>) dst(%dma_wait3A_727 : memref<128x16xf32, #tpu.memory_space<vmem>>)
      %dma_wait3A_734 = arith.constant 1 : i32
      %dma_wait3A_735 = arith.constant 3 : i32
      %dma_wait3A_736 = arith.constant 1 : i32
      %dma_wait3A_737 = arith.constant 3 : i32
      %dma_wait3A_738 = arith.constant 0 : i32
      %dma_wait3A_739 = arith.constant 0 : i32
      %dma_wait3A_740 = tpu.memref_slice %arg15[%dma_wait3A_736, %dma_wait3A_737, %dma_wait3A_738, %dma_wait3A_739] : memref<3x4x128x16xf32, #tpu.memory_space<vmem>> -> memref<1x1x128x16xf32, #tpu.memory_space<vmem>>
      %dma_wait3A_741 = tpu.memref_squeeze %dma_wait3A_740 : memref<1x1x128x16xf32, #tpu.memory_space<vmem>> -> memref<128x16xf32, #tpu.memory_space<vmem>>
      %dma_wait3A_742 = arith.constant 0 : i32
      %dma_wait3A_743 = tpu.memref_slice %arg12[%dma_wait3A_734, %dma_wait3A_735, %dma_wait3A_742] : memref<3x4x128xi32, #tpu.memory_space<vmem>> -> memref<1x1x128xi32, #tpu.memory_space<vmem>>
      %dma_wait3A_744 = tpu.memref_squeeze %dma_wait3A_743 : memref<1x1x128xi32, #tpu.memory_space<vmem>> -> memref<128xi32, #tpu.memory_space<vmem>>
      %dma_wait3A_745 = arith.constant 0 : i32
      %dma_wait3A_746 = arith.constant 0 : i32
      %dma_wait3A_747 = tpu.memref_slice %arg2[%dma_wait3A_745, %dma_wait3A_746] : memref<285672x16xf32, #tpu.memory_space<hbm>> -> memref<285672x16xf32, #tpu.memory_space<hbm>>
      tpu.wait_indirect_dma semaphore(%arg17 : memref<!tpu.dma_semaphore, #tpu.memory_space<semaphore_mem>>) src(%dma_wait3A_747 : memref<285672x16xf32, #tpu.memory_space<hbm>>) dst(%dma_wait3A_741 : memref<128x16xf32, #tpu.memory_space<vmem>>)
      %dma_wait3A_748 = arith.constant 2 : i32
      %dma_wait3A_749 = arith.constant 0 : i32
      %dma_wait3A_750 = arith.constant 2 : i32
      %dma_wait3A_751 = arith.constant 0 : i32
      %dma_wait3A_752 = arith.constant 0 : i32
      %dma_wait3A_753 = arith.constant 0 : i32
      %dma_wait3A_754 = tpu.memref_slice %arg15[%dma_wait3A_750, %dma_wait3A_751, %dma_wait3A_752, %dma_wait3A_753] : memref<3x4x128x16xf32, #tpu.memory_space<vmem>> -> memref<1x1x128x16xf32, #tpu.memory_space<vmem>>
      %dma_wait3A_755 = tpu.memref_squeeze %dma_wait3A_754 : memref<1x1x128x16xf32, #tpu.memory_space<vmem>> -> memref<128x16xf32, #tpu.memory_space<vmem>>
      %dma_wait3A_756 = arith.constant 0 : i32
      %dma_wait3A_757 = tpu.memref_slice %arg12[%dma_wait3A_748, %dma_wait3A_749, %dma_wait3A_756] : memref<3x4x128xi32, #tpu.memory_space<vmem>> -> memref<1x1x128xi32, #tpu.memory_space<vmem>>
      %dma_wait3A_758 = tpu.memref_squeeze %dma_wait3A_757 : memref<1x1x128xi32, #tpu.memory_space<vmem>> -> memref<128xi32, #tpu.memory_space<vmem>>
      %dma_wait3A_759 = arith.constant 0 : i32
      %dma_wait3A_760 = arith.constant 0 : i32
      %dma_wait3A_761 = tpu.memref_slice %arg2[%dma_wait3A_759, %dma_wait3A_760] : memref<285672x16xf32, #tpu.memory_space<hbm>> -> memref<285672x16xf32, #tpu.memory_space<hbm>>
      tpu.wait_indirect_dma semaphore(%arg17 : memref<!tpu.dma_semaphore, #tpu.memory_space<semaphore_mem>>) src(%dma_wait3A_761 : memref<285672x16xf32, #tpu.memory_space<hbm>>) dst(%dma_wait3A_755 : memref<128x16xf32, #tpu.memory_space<vmem>>)
      %dma_wait3A_762 = arith.constant 2 : i32
      %dma_wait3A_763 = arith.constant 1 : i32
      %dma_wait3A_764 = arith.constant 2 : i32
      %dma_wait3A_765 = arith.constant 1 : i32
      %dma_wait3A_766 = arith.constant 0 : i32
      %dma_wait3A_767 = arith.constant 0 : i32
      %dma_wait3A_768 = tpu.memref_slice %arg15[%dma_wait3A_764, %dma_wait3A_765, %dma_wait3A_766, %dma_wait3A_767] : memref<3x4x128x16xf32, #tpu.memory_space<vmem>> -> memref<1x1x128x16xf32, #tpu.memory_space<vmem>>
      %dma_wait3A_769 = tpu.memref_squeeze %dma_wait3A_768 : memref<1x1x128x16xf32, #tpu.memory_space<vmem>> -> memref<128x16xf32, #tpu.memory_space<vmem>>
      %dma_wait3A_770 = arith.constant 0 : i32
      %dma_wait3A_771 = tpu.memref_slice %arg12[%dma_wait3A_762, %dma_wait3A_763, %dma_wait3A_770] : memref<3x4x128xi32, #tpu.memory_space<vmem>> -> memref<1x1x128xi32, #tpu.memory_space<vmem>>
      %dma_wait3A_772 = tpu.memref_squeeze %dma_wait3A_771 : memref<1x1x128xi32, #tpu.memory_space<vmem>> -> memref<128xi32, #tpu.memory_space<vmem>>
      %dma_wait3A_773 = arith.constant 0 : i32
      %dma_wait3A_774 = arith.constant 0 : i32
      %dma_wait3A_775 = tpu.memref_slice %arg2[%dma_wait3A_773, %dma_wait3A_774] : memref<285672x16xf32, #tpu.memory_space<hbm>> -> memref<285672x16xf32, #tpu.memory_space<hbm>>
      tpu.wait_indirect_dma semaphore(%arg17 : memref<!tpu.dma_semaphore, #tpu.memory_space<semaphore_mem>>) src(%dma_wait3A_775 : memref<285672x16xf32, #tpu.memory_space<hbm>>) dst(%dma_wait3A_769 : memref<128x16xf32, #tpu.memory_space<vmem>>)
      %dma_wait3A_776 = arith.constant 2 : i32
      %dma_wait3A_777 = arith.constant 2 : i32
      %dma_wait3A_778 = arith.constant 2 : i32
      %dma_wait3A_779 = arith.constant 2 : i32
      %dma_wait3A_780 = arith.constant 0 : i32
      %dma_wait3A_781 = arith.constant 0 : i32
      %dma_wait3A_782 = tpu.memref_slice %arg15[%dma_wait3A_778, %dma_wait3A_779, %dma_wait3A_780, %dma_wait3A_781] : memref<3x4x128x16xf32, #tpu.memory_space<vmem>> -> memref<1x1x128x16xf32, #tpu.memory_space<vmem>>
      %dma_wait3A_783 = tpu.memref_squeeze %dma_wait3A_782 : memref<1x1x128x16xf32, #tpu.memory_space<vmem>> -> memref<128x16xf32, #tpu.memory_space<vmem>>
      %dma_wait3A_784 = arith.constant 0 : i32
      %dma_wait3A_785 = tpu.memref_slice %arg12[%dma_wait3A_776, %dma_wait3A_777, %dma_wait3A_784] : memref<3x4x128xi32, #tpu.memory_space<vmem>> -> memref<1x1x128xi32, #tpu.memory_space<vmem>>
      %dma_wait3A_786 = tpu.memref_squeeze %dma_wait3A_785 : memref<1x1x128xi32, #tpu.memory_space<vmem>> -> memref<128xi32, #tpu.memory_space<vmem>>
      %dma_wait3A_787 = arith.constant 0 : i32
      %dma_wait3A_788 = arith.constant 0 : i32
      %dma_wait3A_789 = tpu.memref_slice %arg2[%dma_wait3A_787, %dma_wait3A_788] : memref<285672x16xf32, #tpu.memory_space<hbm>> -> memref<285672x16xf32, #tpu.memory_space<hbm>>
      tpu.wait_indirect_dma semaphore(%arg17 : memref<!tpu.dma_semaphore, #tpu.memory_space<semaphore_mem>>) src(%dma_wait3A_789 : memref<285672x16xf32, #tpu.memory_space<hbm>>) dst(%dma_wait3A_783 : memref<128x16xf32, #tpu.memory_space<vmem>>)
      %dma_wait3A_790 = arith.constant 2 : i32
      %dma_wait3A_791 = arith.constant 3 : i32
      %dma_wait3A_792 = arith.constant 2 : i32
      %dma_wait3A_793 = arith.constant 3 : i32
      %dma_wait3A_794 = arith.constant 0 : i32
      %dma_wait3A_795 = arith.constant 0 : i32
      %dma_wait3A_796 = tpu.memref_slice %arg15[%dma_wait3A_792, %dma_wait3A_793, %dma_wait3A_794, %dma_wait3A_795] : memref<3x4x128x16xf32, #tpu.memory_space<vmem>> -> memref<1x1x128x16xf32, #tpu.memory_space<vmem>>
      %dma_wait3A_797 = tpu.memref_squeeze %dma_wait3A_796 : memref<1x1x128x16xf32, #tpu.memory_space<vmem>> -> memref<128x16xf32, #tpu.memory_space<vmem>>
      %dma_wait3A_798 = arith.constant 0 : i32
      %dma_wait3A_799 = tpu.memref_slice %arg12[%dma_wait3A_790, %dma_wait3A_791, %dma_wait3A_798] : memref<3x4x128xi32, #tpu.memory_space<vmem>> -> memref<1x1x128xi32, #tpu.memory_space<vmem>>
      %dma_wait3A_800 = tpu.memref_squeeze %dma_wait3A_799 : memref<1x1x128xi32, #tpu.memory_space<vmem>> -> memref<128xi32, #tpu.memory_space<vmem>>
      %dma_wait3A_801 = arith.constant 0 : i32
      %dma_wait3A_802 = arith.constant 0 : i32
      %dma_wait3A_803 = tpu.memref_slice %arg2[%dma_wait3A_801, %dma_wait3A_802] : memref<285672x16xf32, #tpu.memory_space<hbm>> -> memref<285672x16xf32, #tpu.memory_space<hbm>>
      tpu.wait_indirect_dma semaphore(%arg17 : memref<!tpu.dma_semaphore, #tpu.memory_space<semaphore_mem>>) src(%dma_wait3A_803 : memref<285672x16xf32, #tpu.memory_space<hbm>>) dst(%dma_wait3A_797 : memref<128x16xf32, #tpu.memory_space<vmem>>)
      %scan3A_804 = arith.constant 0 : i32
      %scan3A_805 = arith.constant 0 : i32
      %scan3A_806 = arith.constant 4 : i32
      %scan3A_807 = arith.addi %scan3A_805, %scan3A_806 : i32
      %scan3A_808 = arith.constant 1 : i32
      scf.for %scan3A_1196 = %scan3A_805 to %scan3A_807 step %scan3A_808  : i32 {
        %scan3A_1197 = arith.constant 0 : i32
        %scan3A_1198 = arith.constant 8 : i32
        %scan3A_1199 = arith.addi %scan3A_1197, %scan3A_1198 : i32
        %scan3A_1200 = arith.constant 1 : i32
        scf.for %scan3A_1202 = %scan3A_1197 to %scan3A_1199 step %scan3A_1200  : i32 {
          %mul3A_1203 = arith.constant 128 : i32
          %mul3A_1204 = arith.muli %scan3A_1196, %mul3A_1203 : i32
          %mul3A_1205 = arith.constant 16 : i32
          %mul3A_1206 = arith.muli %scan3A_1202, %mul3A_1205 : i32
          %add3A_1207 = arith.addi %mul3A_1204, %mul3A_1206 : i32
          %get3A = arith.constant 0 : i32
          %get3A_1208 = arith.index_cast %get3A : i32 to index
          %get3A_1209 = arith.index_cast %add3A_1207 : i32 to index
          %get3A_1210 = tpu.vector_load %arg14[%get3A_1208, %get3A_1209] {strides = array<i32>} : memref<3x512xf32, #tpu.memory_space<vmem>>, vector<16xf32>,
          %mul3A_1211 = arith.constant 128 : i32
          %mul3A_1212 = arith.muli %scan3A_1196, %mul3A_1211 : i32
          %mul3A_1213 = arith.constant 16 : i32
          %mul3A_1214 = arith.muli %scan3A_1202, %mul3A_1213 : i32
          %add3A_1215 = arith.addi %mul3A_1212, %mul3A_1214 : i32
          %get3A_1216 = arith.constant 1 : i32
          %get3A_1217 = arith.index_cast %get3A_1216 : i32 to index
          %get3A_1218 = arith.index_cast %add3A_1215 : i32 to index
          %get3A_1219 = tpu.vector_load %arg14[%get3A_1217, %get3A_1218] {strides = array<i32>} : memref<3x512xf32, #tpu.memory_space<vmem>>, vector<16xf32>,
          %mul3A_1220 = arith.constant 128 : i32
          %mul3A_1221 = arith.muli %scan3A_1196, %mul3A_1220 : i32
          %mul3A_1222 = arith.constant 16 : i32
          %mul3A_1223 = arith.muli %scan3A_1202, %mul3A_1222 : i32
          %add3A_1224 = arith.addi %mul3A_1221, %mul3A_1223 : i32
          %get3A_1225 = arith.constant 2 : i32
          %get3A_1226 = arith.index_cast %get3A_1225 : i32 to index
          %get3A_1227 = arith.index_cast %add3A_1224 : i32 to index
          %get3A_1228 = tpu.vector_load %arg14[%get3A_1226, %get3A_1227] {strides = array<i32>} : memref<3x512xf32, #tpu.memory_space<vmem>>, vector<16xf32>,
          %mul3A_1229 = arith.constant 16 : i32
          %mul3A_1230 = arith.muli %scan3A_1202, %mul3A_1229 : i32
          %add3A_1231 = arith.constant 0 : i32
          %add3A_1232 = arith.addi %mul3A_1230, %add3A_1231 : i32
          %get3A_1233 = arith.constant 0 : i32
          %get3A_1234 = arith.index_cast %get3A_1233 : i32 to index
          %get3A_1235 = arith.index_cast %scan3A_1196 : i32 to index
          %get3A_1236 = arith.index_cast %add3A_1232 : i32 to index
          %get3A_1237 = arith.constant 0 : index
          %get3A_1238 = tpu.vector_load %arg15[%get3A_1234, %get3A_1235, %get3A_1236, %get3A_1237] {strides = array<i32>} : memref<3x4x128x16xf32, #tpu.memory_space<vmem>>, vector<16xf32>,
          %get3A_1239 = arith.constant 1 : i32
          %get3A_1240 = arith.index_cast %get3A_1239 : i32 to index
          %get3A_1241 = arith.index_cast %scan3A_1196 : i32 to index
          %get3A_1242 = arith.index_cast %add3A_1232 : i32 to index
          %get3A_1243 = arith.constant 0 : index
          %get3A_1244 = tpu.vector_load %arg15[%get3A_1240, %get3A_1241, %get3A_1242, %get3A_1243] {strides = array<i32>} : memref<3x4x128x16xf32, #tpu.memory_space<vmem>>, vector<16xf32>,
          %get3A_1245 = arith.constant 2 : i32
          %get3A_1246 = arith.index_cast %get3A_1245 : i32 to index
          %get3A_1247 = arith.index_cast %scan3A_1196 : i32 to index
          %get3A_1248 = arith.index_cast %add3A_1232 : i32 to index
          %get3A_1249 = arith.constant 0 : index
          %get3A_1250 = tpu.vector_load %arg15[%get3A_1246, %get3A_1247, %get3A_1248, %get3A_1249] {strides = array<i32>} : memref<3x4x128x16xf32, #tpu.memory_space<vmem>>, vector<16xf32>,
          %slice3A = vector.extract_strided_slice %get3A_1210 {offsets = [0], sizes = [1], strides = [1]} : vector<16xf32> to vector<1xf32>
          %squeeze3A = vector.extract %slice3A[0] : f32 from vector<1xf32>
          %mul3A_1251 = vector.broadcast %squeeze3A : f32 to vector<16xf32>
          %mul3A_1252 = arith.mulf %get3A_1238, %mul3A_1251 : vector<16xf32>
          %slice3A_1253 = vector.extract_strided_slice %get3A_1219 {offsets = [0], sizes = [1], strides = [1]} : vector<16xf32> to vector<1xf32>
          %squeeze3A_1254 = vector.extract %slice3A_1253[0] : f32 from vector<1xf32>
          %mul3A_1255 = vector.broadcast %squeeze3A_1254 : f32 to vector<16xf32>
          %mul3A_1256 = arith.mulf %get3A_1244, %mul3A_1255 : vector<16xf32>
          %add3A_1257 = arith.addf %mul3A_1252, %mul3A_1256 : vector<16xf32>
          %slice3A_1258 = vector.extract_strided_slice %get3A_1228 {offsets = [0], sizes = [1], strides = [1]} : vector<16xf32> to vector<1xf32>
          %squeeze3A_1259 = vector.extract %slice3A_1258[0] : f32 from vector<1xf32>
          %mul3A_1260 = vector.broadcast %squeeze3A_1259 : f32 to vector<16xf32>
          %mul3A_1261 = arith.mulf %get3A_1250, %mul3A_1260 : vector<16xf32>
          %add3A_1262 = arith.addf %add3A_1257, %mul3A_1261 : vector<16xf32>
          %mul3A_1263 = arith.constant 128 : i32
          %mul3A_1264 = arith.muli %scan3A_1196, %mul3A_1263 : i32
          %add3A_1265 = arith.addi %mul3A_1264, %add3A_1232 : i32
          %add3A_1266 = vector.broadcast %add3A_1265 : i32 to vector<16xi32>
          %add3A_1267 = arith.addi %broadcast_in_dim3A_1, %add3A_1266 : vector<16xi32>
          tpu.vector_store_idx %arg16[%iota3A, %add3A_1267], %add3A_1262 : memref<16x513xf32, #tpu.memory_space<vmem>>[vector<16xi32>, vector<16xi32>], vector<16xf32>,
          %mul3A_1268 = arith.constant 16 : i32
          %mul3A_1269 = arith.muli %scan3A_1202, %mul3A_1268 : i32
          %add3A_1270 = arith.constant 1 : i32
          %add3A_1271 = arith.addi %mul3A_1269, %add3A_1270 : i32
          %get3A_1272 = arith.constant 0 : i32
          %get3A_1273 = arith.index_cast %get3A_1272 : i32 to index
          %get3A_1274 = arith.index_cast %scan3A_1196 : i32 to index
          %get3A_1275 = arith.index_cast %add3A_1271 : i32 to index
          %get3A_1276 = arith.constant 0 : index
          %get3A_1277 = tpu.vector_load %arg15[%get3A_1273, %get3A_1274, %get3A_1275, %get3A_1276] {strides = array<i32>} : memref<3x4x128x16xf32, #tpu.memory_space<vmem>>, vector<16xf32>,
          %get3A_1278 = arith.constant 1 : i32
          %get3A_1279 = arith.index_cast %get3A_1278 : i32 to index
          %get3A_1280 = arith.index_cast %scan3A_1196 : i32 to index
          %get3A_1281 = arith.index_cast %add3A_1271 : i32 to index
          %get3A_1282 = arith.constant 0 : index
          %get3A_1283 = tpu.vector_load %arg15[%get3A_1279, %get3A_1280, %get3A_1281, %get3A_1282] {strides = array<i32>} : memref<3x4x128x16xf32, #tpu.memory_space<vmem>>, vector<16xf32>,
          %get3A_1284 = arith.constant 2 : i32
          %get3A_1285 = arith.index_cast %get3A_1284 : i32 to index
          %get3A_1286 = arith.index_cast %scan3A_1196 : i32 to index
          %get3A_1287 = arith.index_cast %add3A_1271 : i32 to index
          %get3A_1288 = arith.constant 0 : index
          %get3A_1289 = tpu.vector_load %arg15[%get3A_1285, %get3A_1286, %get3A_1287, %get3A_1288] {strides = array<i32>} : memref<3x4x128x16xf32, #tpu.memory_space<vmem>>, vector<16xf32>,
          %slice3A_1290 = vector.extract_strided_slice %get3A_1210 {offsets = [1], sizes = [1], strides = [1]} : vector<16xf32> to vector<1xf32>
          %squeeze3A_1291 = vector.extract %slice3A_1290[0] : f32 from vector<1xf32>
          %mul3A_1292 = vector.broadcast %squeeze3A_1291 : f32 to vector<16xf32>
          %mul3A_1293 = arith.mulf %get3A_1277, %mul3A_1292 : vector<16xf32>
          %slice3A_1294 = vector.extract_strided_slice %get3A_1219 {offsets = [1], sizes = [1], strides = [1]} : vector<16xf32> to vector<1xf32>
          %squeeze3A_1295 = vector.extract %slice3A_1294[0] : f32 from vector<1xf32>
          %mul3A_1296 = vector.broadcast %squeeze3A_1295 : f32 to vector<16xf32>
          %mul3A_1297 = arith.mulf %get3A_1283, %mul3A_1296 : vector<16xf32>
          %add3A_1298 = arith.addf %mul3A_1293, %mul3A_1297 : vector<16xf32>
          %slice3A_1299 = vector.extract_strided_slice %get3A_1228 {offsets = [1], sizes = [1], strides = [1]} : vector<16xf32> to vector<1xf32>
          %squeeze3A_1300 = vector.extract %slice3A_1299[0] : f32 from vector<1xf32>
          %mul3A_1301 = vector.broadcast %squeeze3A_1300 : f32 to vector<16xf32>
          %mul3A_1302 = arith.mulf %get3A_1289, %mul3A_1301 : vector<16xf32>
          %add3A_1303 = arith.addf %add3A_1298, %mul3A_1302 : vector<16xf32>
          %mul3A_1304 = arith.constant 128 : i32
          %mul3A_1305 = arith.muli %scan3A_1196, %mul3A_1304 : i32
          %add3A_1306 = arith.addi %mul3A_1305, %add3A_1271 : i32
          %add3A_1307 = vector.broadcast %add3A_1306 : i32 to vector<16xi32>
          %add3A_1308 = arith.addi %broadcast_in_dim3A_1, %add3A_1307 : vector<16xi32>
          tpu.vector_store_idx %arg16[%iota3A, %add3A_1308], %add3A_1303 : memref<16x513xf32, #tpu.memory_space<vmem>>[vector<16xi32>, vector<16xi32>], vector<16xf32>,
          %mul3A_1309 = arith.constant 16 : i32
          %mul3A_1310 = arith.muli %scan3A_1202, %mul3A_1309 : i32
          %add3A_1311 = arith.constant 2 : i32
          %add3A_1312 = arith.addi %mul3A_1310, %add3A_1311 : i32
          %get3A_1313 = arith.constant 0 : i32
          %get3A_1314 = arith.index_cast %get3A_1313 : i32 to index
          %get3A_1315 = arith.index_cast %scan3A_1196 : i32 to index
          %get3A_1316 = arith.index_cast %add3A_1312 : i32 to index
          %get3A_1317 = arith.constant 0 : index
          %get3A_1318 = tpu.vector_load %arg15[%get3A_1314, %get3A_1315, %get3A_1316, %get3A_1317] {strides = array<i32>} : memref<3x4x128x16xf32, #tpu.memory_space<vmem>>, vector<16xf32>,
          %get3A_1319 = arith.constant 1 : i32
          %get3A_1320 = arith.index_cast %get3A_1319 : i32 to index
          %get3A_1321 = arith.index_cast %scan3A_1196 : i32 to index
          %get3A_1322 = arith.index_cast %add3A_1312 : i32 to index
          %get3A_1323 = arith.constant 0 : index
          %get3A_1324 = tpu.vector_load %arg15[%get3A_1320, %get3A_1321, %get3A_1322, %get3A_1323] {strides = array<i32>} : memref<3x4x128x16xf32, #tpu.memory_space<vmem>>, vector<16xf32>,
          %get3A_1325 = arith.constant 2 : i32
          %get3A_1326 = arith.index_cast %get3A_1325 : i32 to index
          %get3A_1327 = arith.index_cast %scan3A_1196 : i32 to index
          %get3A_1328 = arith.index_cast %add3A_1312 : i32 to index
          %get3A_1329 = arith.constant 0 : index
          %get3A_1330 = tpu.vector_load %arg15[%get3A_1326, %get3A_1327, %get3A_1328, %get3A_1329] {strides = array<i32>} : memref<3x4x128x16xf32, #tpu.memory_space<vmem>>, vector<16xf32>,
          %slice3A_1331 = vector.extract_strided_slice %get3A_1210 {offsets = [2], sizes = [1], strides = [1]} : vector<16xf32> to vector<1xf32>
          %squeeze3A_1332 = vector.extract %slice3A_1331[0] : f32 from vector<1xf32>
          %mul3A_1333 = vector.broadcast %squeeze3A_1332 : f32 to vector<16xf32>
          %mul3A_1334 = arith.mulf %get3A_1318, %mul3A_1333 : vector<16xf32>
          %slice3A_1335 = vector.extract_strided_slice %get3A_1219 {offsets = [2], sizes = [1], strides = [1]} : vector<16xf32> to vector<1xf32>
          %squeeze3A_1336 = vector.extract %slice3A_1335[0] : f32 from vector<1xf32>
          %mul3A_1337 = vector.broadcast %squeeze3A_1336 : f32 to vector<16xf32>
          %mul3A_1338 = arith.mulf %get3A_1324, %mul3A_1337 : vector<16xf32>
          %add3A_1339 = arith.addf %mul3A_1334, %mul3A_1338 : vector<16xf32>
          %slice3A_1340 = vector.extract_strided_slice %get3A_1228 {offsets = [2], sizes = [1], strides = [1]} : vector<16xf32> to vector<1xf32>
          %squeeze3A_1341 = vector.extract %slice3A_1340[0] : f32 from vector<1xf32>
          %mul3A_1342 = vector.broadcast %squeeze3A_1341 : f32 to vector<16xf32>
          %mul3A_1343 = arith.mulf %get3A_1330, %mul3A_1342 : vector<16xf32>
          %add3A_1344 = arith.addf %add3A_1339, %mul3A_1343 : vector<16xf32>
          %mul3A_1345 = arith.constant 128 : i32
          %mul3A_1346 = arith.muli %scan3A_1196, %mul3A_1345 : i32
          %add3A_1347 = arith.addi %mul3A_1346, %add3A_1312 : i32
          %add3A_1348 = vector.broadcast %add3A_1347 : i32 to vector<16xi32>
          %add3A_1349 = arith.addi %broadcast_in_dim3A_1, %add3A_1348 : vector<16xi32>
          tpu.vector_store_idx %arg16[%iota3A, %add3A_1349], %add3A_1344 : memref<16x513xf32, #tpu.memory_space<vmem>>[vector<16xi32>, vector<16xi32>], vector<16xf32>,
          %mul3A_1350 = arith.constant 16 : i32
          %mul3A_1351 = arith.muli %scan3A_1202, %mul3A_1350 : i32
          %add3A_1352 = arith.constant 3 : i32
          %add3A_1353 = arith.addi %mul3A_1351, %add3A_1352 : i32
          %get3A_1354 = arith.constant 0 : i32
          %get3A_1355 = arith.index_cast %get3A_1354 : i32 to index
          %get3A_1356 = arith.index_cast %scan3A_1196 : i32 to index
          %get3A_1357 = arith.index_cast %add3A_1353 : i32 to index
          %get3A_1358 = arith.constant 0 : index
          %get3A_1359 = tpu.vector_load %arg15[%get3A_1355, %get3A_1356, %get3A_1357, %get3A_1358] {strides = array<i32>} : memref<3x4x128x16xf32, #tpu.memory_space<vmem>>, vector<16xf32>,
          %get3A_1360 = arith.constant 1 : i32
          %get3A_1361 = arith.index_cast %get3A_1360 : i32 to index
          %get3A_1362 = arith.index_cast %scan3A_1196 : i32 to index
          %get3A_1363 = arith.index_cast %add3A_1353 : i32 to index
          %get3A_1364 = arith.constant 0 : index
          %get3A_1365 = tpu.vector_load %arg15[%get3A_1361, %get3A_1362, %get3A_1363, %get3A_1364] {strides = array<i32>} : memref<3x4x128x16xf32, #tpu.memory_space<vmem>>, vector<16xf32>,
          %get3A_1366 = arith.constant 2 : i32
          %get3A_1367 = arith.index_cast %get3A_1366 : i32 to index
          %get3A_1368 = arith.index_cast %scan3A_1196 : i32 to index
          %get3A_1369 = arith.index_cast %add3A_1353 : i32 to index
          %get3A_1370 = arith.constant 0 : index
          %get3A_1371 = tpu.vector_load %arg15[%get3A_1367, %get3A_1368, %get3A_1369, %get3A_1370] {strides = array<i32>} : memref<3x4x128x16xf32, #tpu.memory_space<vmem>>, vector<16xf32>,
          %slice3A_1372 = vector.extract_strided_slice %get3A_1210 {offsets = [3], sizes = [1], strides = [1]} : vector<16xf32> to vector<1xf32>
          %squeeze3A_1373 = vector.extract %slice3A_1372[0] : f32 from vector<1xf32>
          %mul3A_1374 = vector.broadcast %squeeze3A_1373 : f32 to vector<16xf32>
          %mul3A_1375 = arith.mulf %get3A_1359, %mul3A_1374 : vector<16xf32>
          %slice3A_1376 = vector.extract_strided_slice %get3A_1219 {offsets = [3], sizes = [1], strides = [1]} : vector<16xf32> to vector<1xf32>
          %squeeze3A_1377 = vector.extract %slice3A_1376[0] : f32 from vector<1xf32>
          %mul3A_1378 = vector.broadcast %squeeze3A_1377 : f32 to vector<16xf32>
          %mul3A_1379 = arith.mulf %get3A_1365, %mul3A_1378 : vector<16xf32>
          %add3A_1380 = arith.addf %mul3A_1375, %mul3A_1379 : vector<16xf32>
          %slice3A_1381 = vector.extract_strided_slice %get3A_1228 {offsets = [3], sizes = [1], strides = [1]} : vector<16xf32> to vector<1xf32>
          %squeeze3A_1382 = vector.extract %slice3A_1381[0] : f32 from vector<1xf32>
          %mul3A_1383 = vector.broadcast %squeeze3A_1382 : f32 to vector<16xf32>
          %mul3A_1384 = arith.mulf %get3A_1371, %mul3A_1383 : vector<16xf32>
          %add3A_1385 = arith.addf %add3A_1380, %mul3A_1384 : vector<16xf32>
          %mul3A_1386 = arith.constant 128 : i32
          %mul3A_1387 = arith.muli %scan3A_1196, %mul3A_1386 : i32
          %add3A_1388 = arith.addi %mul3A_1387, %add3A_1353 : i32
          %add3A_1389 = vector.broadcast %add3A_1388 : i32 to vector<16xi32>
          %add3A_1390 = arith.addi %broadcast_in_dim3A_1, %add3A_1389 : vector<16xi32>
          tpu.vector_store_idx %arg16[%iota3A, %add3A_1390], %add3A_1385 : memref<16x513xf32, #tpu.memory_space<vmem>>[vector<16xi32>, vector<16xi32>], vector<16xf32>,
          %mul3A_1391 = arith.constant 16 : i32
          %mul3A_1392 = arith.muli %scan3A_1202, %mul3A_1391 : i32
          %add3A_1393 = arith.constant 4 : i32
          %add3A_1394 = arith.addi %mul3A_1392, %add3A_1393 : i32
          %get3A_1395 = arith.constant 0 : i32
          %get3A_1396 = arith.index_cast %get3A_1395 : i32 to index
          %get3A_1397 = arith.index_cast %scan3A_1196 : i32 to index
          %get3A_1398 = arith.index_cast %add3A_1394 : i32 to index
          %get3A_1399 = arith.constant 0 : index
          %get3A_1400 = tpu.vector_load %arg15[%get3A_1396, %get3A_1397, %get3A_1398, %get3A_1399] {strides = array<i32>} : memref<3x4x128x16xf32, #tpu.memory_space<vmem>>, vector<16xf32>,
          %get3A_1401 = arith.constant 1 : i32
          %get3A_1402 = arith.index_cast %get3A_1401 : i32 to index
          %get3A_1403 = arith.index_cast %scan3A_1196 : i32 to index
          %get3A_1404 = arith.index_cast %add3A_1394 : i32 to index
          %get3A_1405 = arith.constant 0 : index
          %get3A_1406 = tpu.vector_load %arg15[%get3A_1402, %get3A_1403, %get3A_1404, %get3A_1405] {strides = array<i32>} : memref<3x4x128x16xf32, #tpu.memory_space<vmem>>, vector<16xf32>,
          %get3A_1407 = arith.constant 2 : i32
          %get3A_1408 = arith.index_cast %get3A_1407 : i32 to index
          %get3A_1409 = arith.index_cast %scan3A_1196 : i32 to index
          %get3A_1410 = arith.index_cast %add3A_1394 : i32 to index
          %get3A_1411 = arith.constant 0 : index
          %get3A_1412 = tpu.vector_load %arg15[%get3A_1408, %get3A_1409, %get3A_1410, %get3A_1411] {strides = array<i32>} : memref<3x4x128x16xf32, #tpu.memory_space<vmem>>, vector<16xf32>,
          %slice3A_1413 = vector.extract_strided_slice %get3A_1210 {offsets = [4], sizes = [1], strides = [1]} : vector<16xf32> to vector<1xf32>
          %squeeze3A_1414 = vector.extract %slice3A_1413[0] : f32 from vector<1xf32>
          %mul3A_1415 = vector.broadcast %squeeze3A_1414 : f32 to vector<16xf32>
          %mul3A_1416 = arith.mulf %get3A_1400, %mul3A_1415 : vector<16xf32>
          %slice3A_1417 = vector.extract_strided_slice %get3A_1219 {offsets = [4], sizes = [1], strides = [1]} : vector<16xf32> to vector<1xf32>
          %squeeze3A_1418 = vector.extract %slice3A_1417[0] : f32 from vector<1xf32>
          %mul3A_1419 = vector.broadcast %squeeze3A_1418 : f32 to vector<16xf32>
          %mul3A_1420 = arith.mulf %get3A_1406, %mul3A_1419 : vector<16xf32>
          %add3A_1421 = arith.addf %mul3A_1416, %mul3A_1420 : vector<16xf32>
          %slice3A_1422 = vector.extract_strided_slice %get3A_1228 {offsets = [4], sizes = [1], strides = [1]} : vector<16xf32> to vector<1xf32>
          %squeeze3A_1423 = vector.extract %slice3A_1422[0] : f32 from vector<1xf32>
          %mul3A_1424 = vector.broadcast %squeeze3A_1423 : f32 to vector<16xf32>
          %mul3A_1425 = arith.mulf %get3A_1412, %mul3A_1424 : vector<16xf32>
          %add3A_1426 = arith.addf %add3A_1421, %mul3A_1425 : vector<16xf32>
          %mul3A_1427 = arith.constant 128 : i32
          %mul3A_1428 = arith.muli %scan3A_1196, %mul3A_1427 : i32
          %add3A_1429 = arith.addi %mul3A_1428, %add3A_1394 : i32
          %add3A_1430 = vector.broadcast %add3A_1429 : i32 to vector<16xi32>
          %add3A_1431 = arith.addi %broadcast_in_dim3A_1, %add3A_1430 : vector<16xi32>
          tpu.vector_store_idx %arg16[%iota3A, %add3A_1431], %add3A_1426 : memref<16x513xf32, #tpu.memory_space<vmem>>[vector<16xi32>, vector<16xi32>], vector<16xf32>,
          %mul3A_1432 = arith.constant 16 : i32
          %mul3A_1433 = arith.muli %scan3A_1202, %mul3A_1432 : i32
          %add3A_1434 = arith.constant 5 : i32
          %add3A_1435 = arith.addi %mul3A_1433, %add3A_1434 : i32
          %get3A_1436 = arith.constant 0 : i32
          %get3A_1437 = arith.index_cast %get3A_1436 : i32 to index
          %get3A_1438 = arith.index_cast %scan3A_1196 : i32 to index
          %get3A_1439 = arith.index_cast %add3A_1435 : i32 to index
          %get3A_1440 = arith.constant 0 : index
          %get3A_1441 = tpu.vector_load %arg15[%get3A_1437, %get3A_1438, %get3A_1439, %get3A_1440] {strides = array<i32>} : memref<3x4x128x16xf32, #tpu.memory_space<vmem>>, vector<16xf32>,
          %get3A_1442 = arith.constant 1 : i32
          %get3A_1443 = arith.index_cast %get3A_1442 : i32 to index
          %get3A_1444 = arith.index_cast %scan3A_1196 : i32 to index
          %get3A_1445 = arith.index_cast %add3A_1435 : i32 to index
          %get3A_1446 = arith.constant 0 : index
          %get3A_1447 = tpu.vector_load %arg15[%get3A_1443, %get3A_1444, %get3A_1445, %get3A_1446] {strides = array<i32>} : memref<3x4x128x16xf32, #tpu.memory_space<vmem>>, vector<16xf32>,
          %get3A_1448 = arith.constant 2 : i32
          %get3A_1449 = arith.index_cast %get3A_1448 : i32 to index
          %get3A_1450 = arith.index_cast %scan3A_1196 : i32 to index
          %get3A_1451 = arith.index_cast %add3A_1435 : i32 to index
          %get3A_1452 = arith.constant 0 : index
          %get3A_1453 = tpu.vector_load %arg15[%get3A_1449, %get3A_1450, %get3A_1451, %get3A_1452] {strides = array<i32>} : memref<3x4x128x16xf32, #tpu.memory_space<vmem>>, vector<16xf32>,
          %slice3A_1454 = vector.extract_strided_slice %get3A_1210 {offsets = [5], sizes = [1], strides = [1]} : vector<16xf32> to vector<1xf32>
          %squeeze3A_1455 = vector.extract %slice3A_1454[0] : f32 from vector<1xf32>
          %mul3A_1456 = vector.broadcast %squeeze3A_1455 : f32 to vector<16xf32>
          %mul3A_1457 = arith.mulf %get3A_1441, %mul3A_1456 : vector<16xf32>
          %slice3A_1458 = vector.extract_strided_slice %get3A_1219 {offsets = [5], sizes = [1], strides = [1]} : vector<16xf32> to vector<1xf32>
          %squeeze3A_1459 = vector.extract %slice3A_1458[0] : f32 from vector<1xf32>
          %mul3A_1460 = vector.broadcast %squeeze3A_1459 : f32 to vector<16xf32>
          %mul3A_1461 = arith.mulf %get3A_1447, %mul3A_1460 : vector<16xf32>
          %add3A_1462 = arith.addf %mul3A_1457, %mul3A_1461 : vector<16xf32>
          %slice3A_1463 = vector.extract_strided_slice %get3A_1228 {offsets = [5], sizes = [1], strides = [1]} : vector<16xf32> to vector<1xf32>
          %squeeze3A_1464 = vector.extract %slice3A_1463[0] : f32 from vector<1xf32>
          %mul3A_1465 = vector.broadcast %squeeze3A_1464 : f32 to vector<16xf32>
          %mul3A_1466 = arith.mulf %get3A_1453, %mul3A_1465 : vector<16xf32>
          %add3A_1467 = arith.addf %add3A_1462, %mul3A_1466 : vector<16xf32>
          %mul3A_1468 = arith.constant 128 : i32
          %mul3A_1469 = arith.muli %scan3A_1196, %mul3A_1468 : i32
          %add3A_1470 = arith.addi %mul3A_1469, %add3A_1435 : i32
          %add3A_1471 = vector.broadcast %add3A_1470 : i32 to vector<16xi32>
          %add3A_1472 = arith.addi %broadcast_in_dim3A_1, %add3A_1471 : vector<16xi32>
          tpu.vector_store_idx %arg16[%iota3A, %add3A_1472], %add3A_1467 : memref<16x513xf32, #tpu.memory_space<vmem>>[vector<16xi32>, vector<16xi32>], vector<16xf32>,
          %mul3A_1473 = arith.constant 16 : i32
          %mul3A_1474 = arith.muli %scan3A_1202, %mul3A_1473 : i32
          %add3A_1475 = arith.constant 6 : i32
          %add3A_1476 = arith.addi %mul3A_1474, %add3A_1475 : i32
          %get3A_1477 = arith.constant 0 : i32
          %get3A_1478 = arith.index_cast %get3A_1477 : i32 to index
          %get3A_1479 = arith.index_cast %scan3A_1196 : i32 to index
          %get3A_1480 = arith.index_cast %add3A_1476 : i32 to index
          %get3A_1481 = arith.constant 0 : index
          %get3A_1482 = tpu.vector_load %arg15[%get3A_1478, %get3A_1479, %get3A_1480, %get3A_1481] {strides = array<i32>} : memref<3x4x128x16xf32, #tpu.memory_space<vmem>>, vector<16xf32>,
          %get3A_1483 = arith.constant 1 : i32
          %get3A_1484 = arith.index_cast %get3A_1483 : i32 to index
          %get3A_1485 = arith.index_cast %scan3A_1196 : i32 to index
          %get3A_1486 = arith.index_cast %add3A_1476 : i32 to index
          %get3A_1487 = arith.constant 0 : index
          %get3A_1488 = tpu.vector_load %arg15[%get3A_1484, %get3A_1485, %get3A_1486, %get3A_1487] {strides = array<i32>} : memref<3x4x128x16xf32, #tpu.memory_space<vmem>>, vector<16xf32>,
          %get3A_1489 = arith.constant 2 : i32
          %get3A_1490 = arith.index_cast %get3A_1489 : i32 to index
          %get3A_1491 = arith.index_cast %scan3A_1196 : i32 to index
          %get3A_1492 = arith.index_cast %add3A_1476 : i32 to index
          %get3A_1493 = arith.constant 0 : index
          %get3A_1494 = tpu.vector_load %arg15[%get3A_1490, %get3A_1491, %get3A_1492, %get3A_1493] {strides = array<i32>} : memref<3x4x128x16xf32, #tpu.memory_space<vmem>>, vector<16xf32>,
          %slice3A_1495 = vector.extract_strided_slice %get3A_1210 {offsets = [6], sizes = [1], strides = [1]} : vector<16xf32> to vector<1xf32>
          %squeeze3A_1496 = vector.extract %slice3A_1495[0] : f32 from vector<1xf32>
          %mul3A_1497 = vector.broadcast %squeeze3A_1496 : f32 to vector<16xf32>
          %mul3A_1498 = arith.mulf %get3A_1482, %mul3A_1497 : vector<16xf32>
          %slice3A_1499 = vector.extract_strided_slice %get3A_1219 {offsets = [6], sizes = [1], strides = [1]} : vector<16xf32> to vector<1xf32>
          %squeeze3A_1500 = vector.extract %slice3A_1499[0] : f32 from vector<1xf32>
          %mul3A_1501 = vector.broadcast %squeeze3A_1500 : f32 to vector<16xf32>
          %mul3A_1502 = arith.mulf %get3A_1488, %mul3A_1501 : vector<16xf32>
          %add3A_1503 = arith.addf %mul3A_1498, %mul3A_1502 : vector<16xf32>
          %slice3A_1504 = vector.extract_strided_slice %get3A_1228 {offsets = [6], sizes = [1], strides = [1]} : vector<16xf32> to vector<1xf32>
          %squeeze3A_1505 = vector.extract %slice3A_1504[0] : f32 from vector<1xf32>
          %mul3A_1506 = vector.broadcast %squeeze3A_1505 : f32 to vector<16xf32>
          %mul3A_1507 = arith.mulf %get3A_1494, %mul3A_1506 : vector<16xf32>
          %add3A_1508 = arith.addf %add3A_1503, %mul3A_1507 : vector<16xf32>
          %mul3A_1509 = arith.constant 128 : i32
          %mul3A_1510 = arith.muli %scan3A_1196, %mul3A_1509 : i32
          %add3A_1511 = arith.addi %mul3A_1510, %add3A_1476 : i32
          %add3A_1512 = vector.broadcast %add3A_1511 : i32 to vector<16xi32>
          %add3A_1513 = arith.addi %broadcast_in_dim3A_1, %add3A_1512 : vector<16xi32>
          tpu.vector_store_idx %arg16[%iota3A, %add3A_1513], %add3A_1508 : memref<16x513xf32, #tpu.memory_space<vmem>>[vector<16xi32>, vector<16xi32>], vector<16xf32>,
          %mul3A_1514 = arith.constant 16 : i32
          %mul3A_1515 = arith.muli %scan3A_1202, %mul3A_1514 : i32
          %add3A_1516 = arith.constant 7 : i32
          %add3A_1517 = arith.addi %mul3A_1515, %add3A_1516 : i32
          %get3A_1518 = arith.constant 0 : i32
          %get3A_1519 = arith.index_cast %get3A_1518 : i32 to index
          %get3A_1520 = arith.index_cast %scan3A_1196 : i32 to index
          %get3A_1521 = arith.index_cast %add3A_1517 : i32 to index
          %get3A_1522 = arith.constant 0 : index
          %get3A_1523 = tpu.vector_load %arg15[%get3A_1519, %get3A_1520, %get3A_1521, %get3A_1522] {strides = array<i32>} : memref<3x4x128x16xf32, #tpu.memory_space<vmem>>, vector<16xf32>,
          %get3A_1524 = arith.constant 1 : i32
          %get3A_1525 = arith.index_cast %get3A_1524 : i32 to index
          %get3A_1526 = arith.index_cast %scan3A_1196 : i32 to index
          %get3A_1527 = arith.index_cast %add3A_1517 : i32 to index
          %get3A_1528 = arith.constant 0 : index
          %get3A_1529 = tpu.vector_load %arg15[%get3A_1525, %get3A_1526, %get3A_1527, %get3A_1528] {strides = array<i32>} : memref<3x4x128x16xf32, #tpu.memory_space<vmem>>, vector<16xf32>,
          %get3A_1530 = arith.constant 2 : i32
          %get3A_1531 = arith.index_cast %get3A_1530 : i32 to index
          %get3A_1532 = arith.index_cast %scan3A_1196 : i32 to index
          %get3A_1533 = arith.index_cast %add3A_1517 : i32 to index
          %get3A_1534 = arith.constant 0 : index
          %get3A_1535 = tpu.vector_load %arg15[%get3A_1531, %get3A_1532, %get3A_1533, %get3A_1534] {strides = array<i32>} : memref<3x4x128x16xf32, #tpu.memory_space<vmem>>, vector<16xf32>,
          %slice3A_1536 = vector.extract_strided_slice %get3A_1210 {offsets = [7], sizes = [1], strides = [1]} : vector<16xf32> to vector<1xf32>
          %squeeze3A_1537 = vector.extract %slice3A_1536[0] : f32 from vector<1xf32>
          %mul3A_1538 = vector.broadcast %squeeze3A_1537 : f32 to vector<16xf32>
          %mul3A_1539 = arith.mulf %get3A_1523, %mul3A_1538 : vector<16xf32>
          %slice3A_1540 = vector.extract_strided_slice %get3A_1219 {offsets = [7], sizes = [1], strides = [1]} : vector<16xf32> to vector<1xf32>
          %squeeze3A_1541 = vector.extract %slice3A_1540[0] : f32 from vector<1xf32>
          %mul3A_1542 = vector.broadcast %squeeze3A_1541 : f32 to vector<16xf32>
          %mul3A_1543 = arith.mulf %get3A_1529, %mul3A_1542 : vector<16xf32>
          %add3A_1544 = arith.addf %mul3A_1539, %mul3A_1543 : vector<16xf32>
          %slice3A_1545 = vector.extract_strided_slice %get3A_1228 {offsets = [7], sizes = [1], strides = [1]} : vector<16xf32> to vector<1xf32>
          %squeeze3A_1546 = vector.extract %slice3A_1545[0] : f32 from vector<1xf32>
          %mul3A_1547 = vector.broadcast %squeeze3A_1546 : f32 to vector<16xf32>
          %mul3A_1548 = arith.mulf %get3A_1535, %mul3A_1547 : vector<16xf32>
          %add3A_1549 = arith.addf %add3A_1544, %mul3A_1548 : vector<16xf32>
          %mul3A_1550 = arith.constant 128 : i32
          %mul3A_1551 = arith.muli %scan3A_1196, %mul3A_1550 : i32
          %add3A_1552 = arith.addi %mul3A_1551, %add3A_1517 : i32
          %add3A_1553 = vector.broadcast %add3A_1552 : i32 to vector<16xi32>
          %add3A_1554 = arith.addi %broadcast_in_dim3A_1, %add3A_1553 : vector<16xi32>
          tpu.vector_store_idx %arg16[%iota3A, %add3A_1554], %add3A_1549 : memref<16x513xf32, #tpu.memory_space<vmem>>[vector<16xi32>, vector<16xi32>], vector<16xf32>,
          %mul3A_1555 = arith.constant 16 : i32
          %mul3A_1556 = arith.muli %scan3A_1202, %mul3A_1555 : i32
          %add3A_1557 = arith.constant 8 : i32
          %add3A_1558 = arith.addi %mul3A_1556, %add3A_1557 : i32
          %get3A_1559 = arith.constant 0 : i32
          %get3A_1560 = arith.index_cast %get3A_1559 : i32 to index
          %get3A_1561 = arith.index_cast %scan3A_1196 : i32 to index
          %get3A_1562 = arith.index_cast %add3A_1558 : i32 to index
          %get3A_1563 = arith.constant 0 : index
          %get3A_1564 = tpu.vector_load %arg15[%get3A_1560, %get3A_1561, %get3A_1562, %get3A_1563] {strides = array<i32>} : memref<3x4x128x16xf32, #tpu.memory_space<vmem>>, vector<16xf32>,
          %get3A_1565 = arith.constant 1 : i32
          %get3A_1566 = arith.index_cast %get3A_1565 : i32 to index
          %get3A_1567 = arith.index_cast %scan3A_1196 : i32 to index
          %get3A_1568 = arith.index_cast %add3A_1558 : i32 to index
          %get3A_1569 = arith.constant 0 : index
          %get3A_1570 = tpu.vector_load %arg15[%get3A_1566, %get3A_1567, %get3A_1568, %get3A_1569] {strides = array<i32>} : memref<3x4x128x16xf32, #tpu.memory_space<vmem>>, vector<16xf32>,
          %get3A_1571 = arith.constant 2 : i32
          %get3A_1572 = arith.index_cast %get3A_1571 : i32 to index
          %get3A_1573 = arith.index_cast %scan3A_1196 : i32 to index
          %get3A_1574 = arith.index_cast %add3A_1558 : i32 to index
          %get3A_1575 = arith.constant 0 : index
          %get3A_1576 = tpu.vector_load %arg15[%get3A_1572, %get3A_1573, %get3A_1574, %get3A_1575] {strides = array<i32>} : memref<3x4x128x16xf32, #tpu.memory_space<vmem>>, vector<16xf32>,
          %slice3A_1577 = vector.extract_strided_slice %get3A_1210 {offsets = [8], sizes = [1], strides = [1]} : vector<16xf32> to vector<1xf32>
          %squeeze3A_1578 = vector.extract %slice3A_1577[0] : f32 from vector<1xf32>
          %mul3A_1579 = vector.broadcast %squeeze3A_1578 : f32 to vector<16xf32>
          %mul3A_1580 = arith.mulf %get3A_1564, %mul3A_1579 : vector<16xf32>
          %slice3A_1581 = vector.extract_strided_slice %get3A_1219 {offsets = [8], sizes = [1], strides = [1]} : vector<16xf32> to vector<1xf32>
          %squeeze3A_1582 = vector.extract %slice3A_1581[0] : f32 from vector<1xf32>
          %mul3A_1583 = vector.broadcast %squeeze3A_1582 : f32 to vector<16xf32>
          %mul3A_1584 = arith.mulf %get3A_1570, %mul3A_1583 : vector<16xf32>
          %add3A_1585 = arith.addf %mul3A_1580, %mul3A_1584 : vector<16xf32>
          %slice3A_1586 = vector.extract_strided_slice %get3A_1228 {offsets = [8], sizes = [1], strides = [1]} : vector<16xf32> to vector<1xf32>
          %squeeze3A_1587 = vector.extract %slice3A_1586[0] : f32 from vector<1xf32>
          %mul3A_1588 = vector.broadcast %squeeze3A_1587 : f32 to vector<16xf32>
          %mul3A_1589 = arith.mulf %get3A_1576, %mul3A_1588 : vector<16xf32>
          %add3A_1590 = arith.addf %add3A_1585, %mul3A_1589 : vector<16xf32>
          %mul3A_1591 = arith.constant 128 : i32
          %mul3A_1592 = arith.muli %scan3A_1196, %mul3A_1591 : i32
          %add3A_1593 = arith.addi %mul3A_1592, %add3A_1558 : i32
          %add3A_1594 = vector.broadcast %add3A_1593 : i32 to vector<16xi32>
          %add3A_1595 = arith.addi %broadcast_in_dim3A_1, %add3A_1594 : vector<16xi32>
          tpu.vector_store_idx %arg16[%iota3A, %add3A_1595], %add3A_1590 : memref<16x513xf32, #tpu.memory_space<vmem>>[vector<16xi32>, vector<16xi32>], vector<16xf32>,
          %mul3A_1596 = arith.constant 16 : i32
          %mul3A_1597 = arith.muli %scan3A_1202, %mul3A_1596 : i32
          %add3A_1598 = arith.constant 9 : i32
          %add3A_1599 = arith.addi %mul3A_1597, %add3A_1598 : i32
          %get3A_1600 = arith.constant 0 : i32
          %get3A_1601 = arith.index_cast %get3A_1600 : i32 to index
          %get3A_1602 = arith.index_cast %scan3A_1196 : i32 to index
          %get3A_1603 = arith.index_cast %add3A_1599 : i32 to index
          %get3A_1604 = arith.constant 0 : index
          %get3A_1605 = tpu.vector_load %arg15[%get3A_1601, %get3A_1602, %get3A_1603, %get3A_1604] {strides = array<i32>} : memref<3x4x128x16xf32, #tpu.memory_space<vmem>>, vector<16xf32>,
          %get3A_1606 = arith.constant 1 : i32
          %get3A_1607 = arith.index_cast %get3A_1606 : i32 to index
          %get3A_1608 = arith.index_cast %scan3A_1196 : i32 to index
          %get3A_1609 = arith.index_cast %add3A_1599 : i32 to index
          %get3A_1610 = arith.constant 0 : index
          %get3A_1611 = tpu.vector_load %arg15[%get3A_1607, %get3A_1608, %get3A_1609, %get3A_1610] {strides = array<i32>} : memref<3x4x128x16xf32, #tpu.memory_space<vmem>>, vector<16xf32>,
          %get3A_1612 = arith.constant 2 : i32
          %get3A_1613 = arith.index_cast %get3A_1612 : i32 to index
          %get3A_1614 = arith.index_cast %scan3A_1196 : i32 to index
          %get3A_1615 = arith.index_cast %add3A_1599 : i32 to index
          %get3A_1616 = arith.constant 0 : index
          %get3A_1617 = tpu.vector_load %arg15[%get3A_1613, %get3A_1614, %get3A_1615, %get3A_1616] {strides = array<i32>} : memref<3x4x128x16xf32, #tpu.memory_space<vmem>>, vector<16xf32>,
          %slice3A_1618 = vector.extract_strided_slice %get3A_1210 {offsets = [9], sizes = [1], strides = [1]} : vector<16xf32> to vector<1xf32>
          %squeeze3A_1619 = vector.extract %slice3A_1618[0] : f32 from vector<1xf32>
          %mul3A_1620 = vector.broadcast %squeeze3A_1619 : f32 to vector<16xf32>
          %mul3A_1621 = arith.mulf %get3A_1605, %mul3A_1620 : vector<16xf32>
          %slice3A_1622 = vector.extract_strided_slice %get3A_1219 {offsets = [9], sizes = [1], strides = [1]} : vector<16xf32> to vector<1xf32>
          %squeeze3A_1623 = vector.extract %slice3A_1622[0] : f32 from vector<1xf32>
          %mul3A_1624 = vector.broadcast %squeeze3A_1623 : f32 to vector<16xf32>
          %mul3A_1625 = arith.mulf %get3A_1611, %mul3A_1624 : vector<16xf32>
          %add3A_1626 = arith.addf %mul3A_1621, %mul3A_1625 : vector<16xf32>
          %slice3A_1627 = vector.extract_strided_slice %get3A_1228 {offsets = [9], sizes = [1], strides = [1]} : vector<16xf32> to vector<1xf32>
          %squeeze3A_1628 = vector.extract %slice3A_1627[0] : f32 from vector<1xf32>
          %mul3A_1629 = vector.broadcast %squeeze3A_1628 : f32 to vector<16xf32>
          %mul3A_1630 = arith.mulf %get3A_1617, %mul3A_1629 : vector<16xf32>
          %add3A_1631 = arith.addf %add3A_1626, %mul3A_1630 : vector<16xf32>
          %mul3A_1632 = arith.constant 128 : i32
          %mul3A_1633 = arith.muli %scan3A_1196, %mul3A_1632 : i32
          %add3A_1634 = arith.addi %mul3A_1633, %add3A_1599 : i32
          %add3A_1635 = vector.broadcast %add3A_1634 : i32 to vector<16xi32>
          %add3A_1636 = arith.addi %broadcast_in_dim3A_1, %add3A_1635 : vector<16xi32>
          tpu.vector_store_idx %arg16[%iota3A, %add3A_1636], %add3A_1631 : memref<16x513xf32, #tpu.memory_space<vmem>>[vector<16xi32>, vector<16xi32>], vector<16xf32>,
          %mul3A_1637 = arith.constant 16 : i32
          %mul3A_1638 = arith.muli %scan3A_1202, %mul3A_1637 : i32
          %add3A_1639 = arith.constant 10 : i32
          %add3A_1640 = arith.addi %mul3A_1638, %add3A_1639 : i32
          %get3A_1641 = arith.constant 0 : i32
          %get3A_1642 = arith.index_cast %get3A_1641 : i32 to index
          %get3A_1643 = arith.index_cast %scan3A_1196 : i32 to index
          %get3A_1644 = arith.index_cast %add3A_1640 : i32 to index
          %get3A_1645 = arith.constant 0 : index
          %get3A_1646 = tpu.vector_load %arg15[%get3A_1642, %get3A_1643, %get3A_1644, %get3A_1645] {strides = array<i32>} : memref<3x4x128x16xf32, #tpu.memory_space<vmem>>, vector<16xf32>,
          %get3A_1647 = arith.constant 1 : i32
          %get3A_1648 = arith.index_cast %get3A_1647 : i32 to index
          %get3A_1649 = arith.index_cast %scan3A_1196 : i32 to index
          %get3A_1650 = arith.index_cast %add3A_1640 : i32 to index
          %get3A_1651 = arith.constant 0 : index
          %get3A_1652 = tpu.vector_load %arg15[%get3A_1648, %get3A_1649, %get3A_1650, %get3A_1651] {strides = array<i32>} : memref<3x4x128x16xf32, #tpu.memory_space<vmem>>, vector<16xf32>,
          %get3A_1653 = arith.constant 2 : i32
          %get3A_1654 = arith.index_cast %get3A_1653 : i32 to index
          %get3A_1655 = arith.index_cast %scan3A_1196 : i32 to index
          %get3A_1656 = arith.index_cast %add3A_1640 : i32 to index
          %get3A_1657 = arith.constant 0 : index
          %get3A_1658 = tpu.vector_load %arg15[%get3A_1654, %get3A_1655, %get3A_1656, %get3A_1657] {strides = array<i32>} : memref<3x4x128x16xf32, #tpu.memory_space<vmem>>, vector<16xf32>,
          %slice3A_1659 = vector.extract_strided_slice %get3A_1210 {offsets = [10], sizes = [1], strides = [1]} : vector<16xf32> to vector<1xf32>
          %squeeze3A_1660 = vector.extract %slice3A_1659[0] : f32 from vector<1xf32>
          %mul3A_1661 = vector.broadcast %squeeze3A_1660 : f32 to vector<16xf32>
          %mul3A_1662 = arith.mulf %get3A_1646, %mul3A_1661 : vector<16xf32>
          %slice3A_1663 = vector.extract_strided_slice %get3A_1219 {offsets = [10], sizes = [1], strides = [1]} : vector<16xf32> to vector<1xf32>
          %squeeze3A_1664 = vector.extract %slice3A_1663[0] : f32 from vector<1xf32>
          %mul3A_1665 = vector.broadcast %squeeze3A_1664 : f32 to vector<16xf32>
          %mul3A_1666 = arith.mulf %get3A_1652, %mul3A_1665 : vector<16xf32>
          %add3A_1667 = arith.addf %mul3A_1662, %mul3A_1666 : vector<16xf32>
          %slice3A_1668 = vector.extract_strided_slice %get3A_1228 {offsets = [10], sizes = [1], strides = [1]} : vector<16xf32> to vector<1xf32>
          %squeeze3A_1669 = vector.extract %slice3A_1668[0] : f32 from vector<1xf32>
          %mul3A_1670 = vector.broadcast %squeeze3A_1669 : f32 to vector<16xf32>
          %mul3A_1671 = arith.mulf %get3A_1658, %mul3A_1670 : vector<16xf32>
          %add3A_1672 = arith.addf %add3A_1667, %mul3A_1671 : vector<16xf32>
          %mul3A_1673 = arith.constant 128 : i32
          %mul3A_1674 = arith.muli %scan3A_1196, %mul3A_1673 : i32
          %add3A_1675 = arith.addi %mul3A_1674, %add3A_1640 : i32
          %add3A_1676 = vector.broadcast %add3A_1675 : i32 to vector<16xi32>
          %add3A_1677 = arith.addi %broadcast_in_dim3A_1, %add3A_1676 : vector<16xi32>
          tpu.vector_store_idx %arg16[%iota3A, %add3A_1677], %add3A_1672 : memref<16x513xf32, #tpu.memory_space<vmem>>[vector<16xi32>, vector<16xi32>], vector<16xf32>,
          %mul3A_1678 = arith.constant 16 : i32
          %mul3A_1679 = arith.muli %scan3A_1202, %mul3A_1678 : i32
          %add3A_1680 = arith.constant 11 : i32
          %add3A_1681 = arith.addi %mul3A_1679, %add3A_1680 : i32
          %get3A_1682 = arith.constant 0 : i32
          %get3A_1683 = arith.index_cast %get3A_1682 : i32 to index
          %get3A_1684 = arith.index_cast %scan3A_1196 : i32 to index
          %get3A_1685 = arith.index_cast %add3A_1681 : i32 to index
          %get3A_1686 = arith.constant 0 : index
          %get3A_1687 = tpu.vector_load %arg15[%get3A_1683, %get3A_1684, %get3A_1685, %get3A_1686] {strides = array<i32>} : memref<3x4x128x16xf32, #tpu.memory_space<vmem>>, vector<16xf32>,
          %get3A_1688 = arith.constant 1 : i32
          %get3A_1689 = arith.index_cast %get3A_1688 : i32 to index
          %get3A_1690 = arith.index_cast %scan3A_1196 : i32 to index
          %get3A_1691 = arith.index_cast %add3A_1681 : i32 to index
          %get3A_1692 = arith.constant 0 : index
          %get3A_1693 = tpu.vector_load %arg15[%get3A_1689, %get3A_1690, %get3A_1691, %get3A_1692] {strides = array<i32>} : memref<3x4x128x16xf32, #tpu.memory_space<vmem>>, vector<16xf32>,
          %get3A_1694 = arith.constant 2 : i32
          %get3A_1695 = arith.index_cast %get3A_1694 : i32 to index
          %get3A_1696 = arith.index_cast %scan3A_1196 : i32 to index
          %get3A_1697 = arith.index_cast %add3A_1681 : i32 to index
          %get3A_1698 = arith.constant 0 : index
          %get3A_1699 = tpu.vector_load %arg15[%get3A_1695, %get3A_1696, %get3A_1697, %get3A_1698] {strides = array<i32>} : memref<3x4x128x16xf32, #tpu.memory_space<vmem>>, vector<16xf32>,
          %slice3A_1700 = vector.extract_strided_slice %get3A_1210 {offsets = [11], sizes = [1], strides = [1]} : vector<16xf32> to vector<1xf32>
          %squeeze3A_1701 = vector.extract %slice3A_1700[0] : f32 from vector<1xf32>
          %mul3A_1702 = vector.broadcast %squeeze3A_1701 : f32 to vector<16xf32>
          %mul3A_1703 = arith.mulf %get3A_1687, %mul3A_1702 : vector<16xf32>
          %slice3A_1704 = vector.extract_strided_slice %get3A_1219 {offsets = [11], sizes = [1], strides = [1]} : vector<16xf32> to vector<1xf32>
          %squeeze3A_1705 = vector.extract %slice3A_1704[0] : f32 from vector<1xf32>
          %mul3A_1706 = vector.broadcast %squeeze3A_1705 : f32 to vector<16xf32>
          %mul3A_1707 = arith.mulf %get3A_1693, %mul3A_1706 : vector<16xf32>
          %add3A_1708 = arith.addf %mul3A_1703, %mul3A_1707 : vector<16xf32>
          %slice3A_1709 = vector.extract_strided_slice %get3A_1228 {offsets = [11], sizes = [1], strides = [1]} : vector<16xf32> to vector<1xf32>
          %squeeze3A_1710 = vector.extract %slice3A_1709[0] : f32 from vector<1xf32>
          %mul3A_1711 = vector.broadcast %squeeze3A_1710 : f32 to vector<16xf32>
          %mul3A_1712 = arith.mulf %get3A_1699, %mul3A_1711 : vector<16xf32>
          %add3A_1713 = arith.addf %add3A_1708, %mul3A_1712 : vector<16xf32>
          %mul3A_1714 = arith.constant 128 : i32
          %mul3A_1715 = arith.muli %scan3A_1196, %mul3A_1714 : i32
          %add3A_1716 = arith.addi %mul3A_1715, %add3A_1681 : i32
          %add3A_1717 = vector.broadcast %add3A_1716 : i32 to vector<16xi32>
          %add3A_1718 = arith.addi %broadcast_in_dim3A_1, %add3A_1717 : vector<16xi32>
          tpu.vector_store_idx %arg16[%iota3A, %add3A_1718], %add3A_1713 : memref<16x513xf32, #tpu.memory_space<vmem>>[vector<16xi32>, vector<16xi32>], vector<16xf32>,
          %mul3A_1719 = arith.constant 16 : i32
          %mul3A_1720 = arith.muli %scan3A_1202, %mul3A_1719 : i32
          %add3A_1721 = arith.constant 12 : i32
          %add3A_1722 = arith.addi %mul3A_1720, %add3A_1721 : i32
          %get3A_1723 = arith.constant 0 : i32
          %get3A_1724 = arith.index_cast %get3A_1723 : i32 to index
          %get3A_1725 = arith.index_cast %scan3A_1196 : i32 to index
          %get3A_1726 = arith.index_cast %add3A_1722 : i32 to index
          %get3A_1727 = arith.constant 0 : index
          %get3A_1728 = tpu.vector_load %arg15[%get3A_1724, %get3A_1725, %get3A_1726, %get3A_1727] {strides = array<i32>} : memref<3x4x128x16xf32, #tpu.memory_space<vmem>>, vector<16xf32>,
          %get3A_1729 = arith.constant 1 : i32
          %get3A_1730 = arith.index_cast %get3A_1729 : i32 to index
          %get3A_1731 = arith.index_cast %scan3A_1196 : i32 to index
          %get3A_1732 = arith.index_cast %add3A_1722 : i32 to index
          %get3A_1733 = arith.constant 0 : index
          %get3A_1734 = tpu.vector_load %arg15[%get3A_1730, %get3A_1731, %get3A_1732, %get3A_1733] {strides = array<i32>} : memref<3x4x128x16xf32, #tpu.memory_space<vmem>>, vector<16xf32>,
          %get3A_1735 = arith.constant 2 : i32
          %get3A_1736 = arith.index_cast %get3A_1735 : i32 to index
          %get3A_1737 = arith.index_cast %scan3A_1196 : i32 to index
          %get3A_1738 = arith.index_cast %add3A_1722 : i32 to index
          %get3A_1739 = arith.constant 0 : index
          %get3A_1740 = tpu.vector_load %arg15[%get3A_1736, %get3A_1737, %get3A_1738, %get3A_1739] {strides = array<i32>} : memref<3x4x128x16xf32, #tpu.memory_space<vmem>>, vector<16xf32>,
          %slice3A_1741 = vector.extract_strided_slice %get3A_1210 {offsets = [12], sizes = [1], strides = [1]} : vector<16xf32> to vector<1xf32>
          %squeeze3A_1742 = vector.extract %slice3A_1741[0] : f32 from vector<1xf32>
          %mul3A_1743 = vector.broadcast %squeeze3A_1742 : f32 to vector<16xf32>
          %mul3A_1744 = arith.mulf %get3A_1728, %mul3A_1743 : vector<16xf32>
          %slice3A_1745 = vector.extract_strided_slice %get3A_1219 {offsets = [12], sizes = [1], strides = [1]} : vector<16xf32> to vector<1xf32>
          %squeeze3A_1746 = vector.extract %slice3A_1745[0] : f32 from vector<1xf32>
          %mul3A_1747 = vector.broadcast %squeeze3A_1746 : f32 to vector<16xf32>
          %mul3A_1748 = arith.mulf %get3A_1734, %mul3A_1747 : vector<16xf32>
          %add3A_1749 = arith.addf %mul3A_1744, %mul3A_1748 : vector<16xf32>
          %slice3A_1750 = vector.extract_strided_slice %get3A_1228 {offsets = [12], sizes = [1], strides = [1]} : vector<16xf32> to vector<1xf32>
          %squeeze3A_1751 = vector.extract %slice3A_1750[0] : f32 from vector<1xf32>
          %mul3A_1752 = vector.broadcast %squeeze3A_1751 : f32 to vector<16xf32>
          %mul3A_1753 = arith.mulf %get3A_1740, %mul3A_1752 : vector<16xf32>
          %add3A_1754 = arith.addf %add3A_1749, %mul3A_1753 : vector<16xf32>
          %mul3A_1755 = arith.constant 128 : i32
          %mul3A_1756 = arith.muli %scan3A_1196, %mul3A_1755 : i32
          %add3A_1757 = arith.addi %mul3A_1756, %add3A_1722 : i32
          %add3A_1758 = vector.broadcast %add3A_1757 : i32 to vector<16xi32>
          %add3A_1759 = arith.addi %broadcast_in_dim3A_1, %add3A_1758 : vector<16xi32>
          tpu.vector_store_idx %arg16[%iota3A, %add3A_1759], %add3A_1754 : memref<16x513xf32, #tpu.memory_space<vmem>>[vector<16xi32>, vector<16xi32>], vector<16xf32>,
          %mul3A_1760 = arith.constant 16 : i32
          %mul3A_1761 = arith.muli %scan3A_1202, %mul3A_1760 : i32
          %add3A_1762 = arith.constant 13 : i32
          %add3A_1763 = arith.addi %mul3A_1761, %add3A_1762 : i32
          %get3A_1764 = arith.constant 0 : i32
          %get3A_1765 = arith.index_cast %get3A_1764 : i32 to index
          %get3A_1766 = arith.index_cast %scan3A_1196 : i32 to index
          %get3A_1767 = arith.index_cast %add3A_1763 : i32 to index
          %get3A_1768 = arith.constant 0 : index
          %get3A_1769 = tpu.vector_load %arg15[%get3A_1765, %get3A_1766, %get3A_1767, %get3A_1768] {strides = array<i32>} : memref<3x4x128x16xf32, #tpu.memory_space<vmem>>, vector<16xf32>,
          %get3A_1770 = arith.constant 1 : i32
          %get3A_1771 = arith.index_cast %get3A_1770 : i32 to index
          %get3A_1772 = arith.index_cast %scan3A_1196 : i32 to index
          %get3A_1773 = arith.index_cast %add3A_1763 : i32 to index
          %get3A_1774 = arith.constant 0 : index
          %get3A_1775 = tpu.vector_load %arg15[%get3A_1771, %get3A_1772, %get3A_1773, %get3A_1774] {strides = array<i32>} : memref<3x4x128x16xf32, #tpu.memory_space<vmem>>, vector<16xf32>,
          %get3A_1776 = arith.constant 2 : i32
          %get3A_1777 = arith.index_cast %get3A_1776 : i32 to index
          %get3A_1778 = arith.index_cast %scan3A_1196 : i32 to index
          %get3A_1779 = arith.index_cast %add3A_1763 : i32 to index
          %get3A_1780 = arith.constant 0 : index
          %get3A_1781 = tpu.vector_load %arg15[%get3A_1777, %get3A_1778, %get3A_1779, %get3A_1780] {strides = array<i32>} : memref<3x4x128x16xf32, #tpu.memory_space<vmem>>, vector<16xf32>,
          %slice3A_1782 = vector.extract_strided_slice %get3A_1210 {offsets = [13], sizes = [1], strides = [1]} : vector<16xf32> to vector<1xf32>
          %squeeze3A_1783 = vector.extract %slice3A_1782[0] : f32 from vector<1xf32>
          %mul3A_1784 = vector.broadcast %squeeze3A_1783 : f32 to vector<16xf32>
          %mul3A_1785 = arith.mulf %get3A_1769, %mul3A_1784 : vector<16xf32>
          %slice3A_1786 = vector.extract_strided_slice %get3A_1219 {offsets = [13], sizes = [1], strides = [1]} : vector<16xf32> to vector<1xf32>
          %squeeze3A_1787 = vector.extract %slice3A_1786[0] : f32 from vector<1xf32>
          %mul3A_1788 = vector.broadcast %squeeze3A_1787 : f32 to vector<16xf32>
          %mul3A_1789 = arith.mulf %get3A_1775, %mul3A_1788 : vector<16xf32>
          %add3A_1790 = arith.addf %mul3A_1785, %mul3A_1789 : vector<16xf32>
          %slice3A_1791 = vector.extract_strided_slice %get3A_1228 {offsets = [13], sizes = [1], strides = [1]} : vector<16xf32> to vector<1xf32>
          %squeeze3A_1792 = vector.extract %slice3A_1791[0] : f32 from vector<1xf32>
          %mul3A_1793 = vector.broadcast %squeeze3A_1792 : f32 to vector<16xf32>
          %mul3A_1794 = arith.mulf %get3A_1781, %mul3A_1793 : vector<16xf32>
          %add3A_1795 = arith.addf %add3A_1790, %mul3A_1794 : vector<16xf32>
          %mul3A_1796 = arith.constant 128 : i32
          %mul3A_1797 = arith.muli %scan3A_1196, %mul3A_1796 : i32
          %add3A_1798 = arith.addi %mul3A_1797, %add3A_1763 : i32
          %add3A_1799 = vector.broadcast %add3A_1798 : i32 to vector<16xi32>
          %add3A_1800 = arith.addi %broadcast_in_dim3A_1, %add3A_1799 : vector<16xi32>
          tpu.vector_store_idx %arg16[%iota3A, %add3A_1800], %add3A_1795 : memref<16x513xf32, #tpu.memory_space<vmem>>[vector<16xi32>, vector<16xi32>], vector<16xf32>,
          %mul3A_1801 = arith.constant 16 : i32
          %mul3A_1802 = arith.muli %scan3A_1202, %mul3A_1801 : i32
          %add3A_1803 = arith.constant 14 : i32
          %add3A_1804 = arith.addi %mul3A_1802, %add3A_1803 : i32
          %get3A_1805 = arith.constant 0 : i32
          %get3A_1806 = arith.index_cast %get3A_1805 : i32 to index
          %get3A_1807 = arith.index_cast %scan3A_1196 : i32 to index
          %get3A_1808 = arith.index_cast %add3A_1804 : i32 to index
          %get3A_1809 = arith.constant 0 : index
          %get3A_1810 = tpu.vector_load %arg15[%get3A_1806, %get3A_1807, %get3A_1808, %get3A_1809] {strides = array<i32>} : memref<3x4x128x16xf32, #tpu.memory_space<vmem>>, vector<16xf32>,
          %get3A_1811 = arith.constant 1 : i32
          %get3A_1812 = arith.index_cast %get3A_1811 : i32 to index
          %get3A_1813 = arith.index_cast %scan3A_1196 : i32 to index
          %get3A_1814 = arith.index_cast %add3A_1804 : i32 to index
          %get3A_1815 = arith.constant 0 : index
          %get3A_1816 = tpu.vector_load %arg15[%get3A_1812, %get3A_1813, %get3A_1814, %get3A_1815] {strides = array<i32>} : memref<3x4x128x16xf32, #tpu.memory_space<vmem>>, vector<16xf32>,
          %get3A_1817 = arith.constant 2 : i32
          %get3A_1818 = arith.index_cast %get3A_1817 : i32 to index
          %get3A_1819 = arith.index_cast %scan3A_1196 : i32 to index
          %get3A_1820 = arith.index_cast %add3A_1804 : i32 to index
          %get3A_1821 = arith.constant 0 : index
          %get3A_1822 = tpu.vector_load %arg15[%get3A_1818, %get3A_1819, %get3A_1820, %get3A_1821] {strides = array<i32>} : memref<3x4x128x16xf32, #tpu.memory_space<vmem>>, vector<16xf32>,
          %slice3A_1823 = vector.extract_strided_slice %get3A_1210 {offsets = [14], sizes = [1], strides = [1]} : vector<16xf32> to vector<1xf32>
          %squeeze3A_1824 = vector.extract %slice3A_1823[0] : f32 from vector<1xf32>
          %mul3A_1825 = vector.broadcast %squeeze3A_1824 : f32 to vector<16xf32>
          %mul3A_1826 = arith.mulf %get3A_1810, %mul3A_1825 : vector<16xf32>
          %slice3A_1827 = vector.extract_strided_slice %get3A_1219 {offsets = [14], sizes = [1], strides = [1]} : vector<16xf32> to vector<1xf32>
          %squeeze3A_1828 = vector.extract %slice3A_1827[0] : f32 from vector<1xf32>
          %mul3A_1829 = vector.broadcast %squeeze3A_1828 : f32 to vector<16xf32>
          %mul3A_1830 = arith.mulf %get3A_1816, %mul3A_1829 : vector<16xf32>
          %add3A_1831 = arith.addf %mul3A_1826, %mul3A_1830 : vector<16xf32>
          %slice3A_1832 = vector.extract_strided_slice %get3A_1228 {offsets = [14], sizes = [1], strides = [1]} : vector<16xf32> to vector<1xf32>
          %squeeze3A_1833 = vector.extract %slice3A_1832[0] : f32 from vector<1xf32>
          %mul3A_1834 = vector.broadcast %squeeze3A_1833 : f32 to vector<16xf32>
          %mul3A_1835 = arith.mulf %get3A_1822, %mul3A_1834 : vector<16xf32>
          %add3A_1836 = arith.addf %add3A_1831, %mul3A_1835 : vector<16xf32>
          %mul3A_1837 = arith.constant 128 : i32
          %mul3A_1838 = arith.muli %scan3A_1196, %mul3A_1837 : i32
          %add3A_1839 = arith.addi %mul3A_1838, %add3A_1804 : i32
          %add3A_1840 = vector.broadcast %add3A_1839 : i32 to vector<16xi32>
          %add3A_1841 = arith.addi %broadcast_in_dim3A_1, %add3A_1840 : vector<16xi32>
          tpu.vector_store_idx %arg16[%iota3A, %add3A_1841], %add3A_1836 : memref<16x513xf32, #tpu.memory_space<vmem>>[vector<16xi32>, vector<16xi32>], vector<16xf32>,
          %mul3A_1842 = arith.constant 16 : i32
          %mul3A_1843 = arith.muli %scan3A_1202, %mul3A_1842 : i32
          %add3A_1844 = arith.constant 15 : i32
          %add3A_1845 = arith.addi %mul3A_1843, %add3A_1844 : i32
          %get3A_1846 = arith.constant 0 : i32
          %get3A_1847 = arith.index_cast %get3A_1846 : i32 to index
          %get3A_1848 = arith.index_cast %scan3A_1196 : i32 to index
          %get3A_1849 = arith.index_cast %add3A_1845 : i32 to index
          %get3A_1850 = arith.constant 0 : index
          %get3A_1851 = tpu.vector_load %arg15[%get3A_1847, %get3A_1848, %get3A_1849, %get3A_1850] {strides = array<i32>} : memref<3x4x128x16xf32, #tpu.memory_space<vmem>>, vector<16xf32>,
          %get3A_1852 = arith.constant 1 : i32
          %get3A_1853 = arith.index_cast %get3A_1852 : i32 to index
          %get3A_1854 = arith.index_cast %scan3A_1196 : i32 to index
          %get3A_1855 = arith.index_cast %add3A_1845 : i32 to index
          %get3A_1856 = arith.constant 0 : index
          %get3A_1857 = tpu.vector_load %arg15[%get3A_1853, %get3A_1854, %get3A_1855, %get3A_1856] {strides = array<i32>} : memref<3x4x128x16xf32, #tpu.memory_space<vmem>>, vector<16xf32>,
          %get3A_1858 = arith.constant 2 : i32
          %get3A_1859 = arith.index_cast %get3A_1858 : i32 to index
          %get3A_1860 = arith.index_cast %scan3A_1196 : i32 to index
          %get3A_1861 = arith.index_cast %add3A_1845 : i32 to index
          %get3A_1862 = arith.constant 0 : index
          %get3A_1863 = tpu.vector_load %arg15[%get3A_1859, %get3A_1860, %get3A_1861, %get3A_1862] {strides = array<i32>} : memref<3x4x128x16xf32, #tpu.memory_space<vmem>>, vector<16xf32>,
          %slice3A_1864 = vector.extract_strided_slice %get3A_1210 {offsets = [15], sizes = [1], strides = [1]} : vector<16xf32> to vector<1xf32>
          %squeeze3A_1865 = vector.extract %slice3A_1864[0] : f32 from vector<1xf32>
          %mul3A_1866 = vector.broadcast %squeeze3A_1865 : f32 to vector<16xf32>
          %mul3A_1867 = arith.mulf %get3A_1851, %mul3A_1866 : vector<16xf32>
          %slice3A_1868 = vector.extract_strided_slice %get3A_1219 {offsets = [15], sizes = [1], strides = [1]} : vector<16xf32> to vector<1xf32>
          %squeeze3A_1869 = vector.extract %slice3A_1868[0] : f32 from vector<1xf32>
          %mul3A_1870 = vector.broadcast %squeeze3A_1869 : f32 to vector<16xf32>
          %mul3A_1871 = arith.mulf %get3A_1857, %mul3A_1870 : vector<16xf32>
          %add3A_1872 = arith.addf %mul3A_1867, %mul3A_1871 : vector<16xf32>
          %slice3A_1873 = vector.extract_strided_slice %get3A_1228 {offsets = [15], sizes = [1], strides = [1]} : vector<16xf32> to vector<1xf32>
          %squeeze3A_1874 = vector.extract %slice3A_1873[0] : f32 from vector<1xf32>
          %mul3A_1875 = vector.broadcast %squeeze3A_1874 : f32 to vector<16xf32>
          %mul3A_1876 = arith.mulf %get3A_1863, %mul3A_1875 : vector<16xf32>
          %add3A_1877 = arith.addf %add3A_1872, %mul3A_1876 : vector<16xf32>
          %mul3A_1878 = arith.constant 128 : i32
          %mul3A_1879 = arith.muli %scan3A_1196, %mul3A_1878 : i32
          %add3A_1880 = arith.addi %mul3A_1879, %add3A_1845 : i32
          %add3A_1881 = vector.broadcast %add3A_1880 : i32 to vector<16xi32>
          %add3A_1882 = arith.addi %broadcast_in_dim3A_1, %add3A_1881 : vector<16xi32>
          tpu.vector_store_idx %arg16[%iota3A, %add3A_1882], %add3A_1877 : memref<16x513xf32, #tpu.memory_space<vmem>>[vector<16xi32>, vector<16xi32>], vector<16xf32>,
        }
        %scan3A_1201 = arith.constant 8 : i32
      }
      %scan3A_809 = arith.constant 4 : i32
      %shift_right_logical3A = arith.constant 16 : i32
      %shift_right_logical3A_810 = arith.shrui %mul3A_14, %shift_right_logical3A : i32
      %and3A = arith.constant 65535 : i32
      %and3A_811 = arith.andi %mul3A_14, %and3A : i32
      %multiple_of3A = tpu.assume_multiple %and3A_811, 512 : i32
      %dma_start3A_812 = arith.constant 0 : i32
      %dma_start3A_813 = arith.constant 0 : i32
      %dma_start3A_814 = arith.constant 0 : i32
      %dma_start3A_815 = tpu.memref_slice %arg16[%dma_start3A_812, %dma_start3A_814] : memref<16x513xf32, #tpu.memory_space<vmem>> -> memref<1x512xf32, #tpu.memory_space<vmem>>
      %dma_start3A_816 = tpu.memref_squeeze %dma_start3A_815 : memref<1x512xf32, #tpu.memory_space<vmem>> -> memref<512xf32, #tpu.memory_space<vmem>>
      %dma_start3A_817 = tpu.memref_slice %arg7[%shift_right_logical3A_810, %dma_start3A_813, %multiple_of3A] : memref<8x16x65536xf32, #tpu.memory_space<hbm>> -> memref<1x1x512xf32, #tpu.memory_space<hbm>>
      %dma_start3A_818 = tpu.memref_squeeze %dma_start3A_817 : memref<1x1x512xf32, #tpu.memory_space<hbm>> -> memref<512xf32, #tpu.memory_space<hbm>>
      %dma_start3A_819 = tpu.memref_slice %arg7[%shift_right_logical3A_810, %dma_start3A_813, %multiple_of3A] : memref<8x16x65536xf32, #tpu.memory_space<hbm>> -> memref<1x1x512xf32, #tpu.memory_space<hbm>>
      %dma_start3A_820 = tpu.memref_squeeze %dma_start3A_819 : memref<1x1x512xf32, #tpu.memory_space<hbm>> -> memref<512xf32, #tpu.memory_space<hbm>>
      %dma_start3A_821 = arith.constant 0 : i32
      %dma_start3A_822 = tpu.memref_slice %arg16[%dma_start3A_812, %dma_start3A_821] : memref<16x513xf32, #tpu.memory_space<vmem>> -> memref<1x512xf32, #tpu.memory_space<vmem>>
      %dma_start3A_823 = tpu.memref_squeeze %dma_start3A_822 : memref<1x512xf32, #tpu.memory_space<vmem>> -> memref<512xf32, #tpu.memory_space<vmem>>
      tpu.enqueue_dma source(%dma_start3A_823 : memref<512xf32, #tpu.memory_space<vmem>>) target(%dma_start3A_820 : memref<512xf32, #tpu.memory_space<hbm>>) target_semaphore(%arg17 : memref<!tpu.dma_semaphore, #tpu.memory_space<semaphore_mem>>)
      %dma_start3A_824 = arith.constant 1 : i32
      %dma_start3A_825 = arith.constant 1 : i32
      %dma_start3A_826 = arith.constant 0 : i32
      %dma_start3A_827 = tpu.memref_slice %arg16[%dma_start3A_824, %dma_start3A_826] : memref<16x513xf32, #tpu.memory_space<vmem>> -> memref<1x512xf32, #tpu.memory_space<vmem>>
      %dma_start3A_828 = tpu.memref_squeeze %dma_start3A_827 : memref<1x512xf32, #tpu.memory_space<vmem>> -> memref<512xf32, #tpu.memory_space<vmem>>
      %dma_start3A_829 = tpu.memref_slice %arg7[%shift_right_logical3A_810, %dma_start3A_825, %multiple_of3A] : memref<8x16x65536xf32, #tpu.memory_space<hbm>> -> memref<1x1x512xf32, #tpu.memory_space<hbm>>
      %dma_start3A_830 = tpu.memref_squeeze %dma_start3A_829 : memref<1x1x512xf32, #tpu.memory_space<hbm>> -> memref<512xf32, #tpu.memory_space<hbm>>
      %dma_start3A_831 = tpu.memref_slice %arg7[%shift_right_logical3A_810, %dma_start3A_825, %multiple_of3A] : memref<8x16x65536xf32, #tpu.memory_space<hbm>> -> memref<1x1x512xf32, #tpu.memory_space<hbm>>
      %dma_start3A_832 = tpu.memref_squeeze %dma_start3A_831 : memref<1x1x512xf32, #tpu.memory_space<hbm>> -> memref<512xf32, #tpu.memory_space<hbm>>
      %dma_start3A_833 = arith.constant 0 : i32
      %dma_start3A_834 = tpu.memref_slice %arg16[%dma_start3A_824, %dma_start3A_833] : memref<16x513xf32, #tpu.memory_space<vmem>> -> memref<1x512xf32, #tpu.memory_space<vmem>>
      %dma_start3A_835 = tpu.memref_squeeze %dma_start3A_834 : memref<1x512xf32, #tpu.memory_space<vmem>> -> memref<512xf32, #tpu.memory_space<vmem>>
      tpu.enqueue_dma source(%dma_start3A_835 : memref<512xf32, #tpu.memory_space<vmem>>) target(%dma_start3A_832 : memref<512xf32, #tpu.memory_space<hbm>>) target_semaphore(%arg17 : memref<!tpu.dma_semaphore, #tpu.memory_space<semaphore_mem>>)
      %dma_start3A_836 = arith.constant 2 : i32
      %dma_start3A_837 = arith.constant 2 : i32
      %dma_start3A_838 = arith.constant 0 : i32
      %dma_start3A_839 = tpu.memref_slice %arg16[%dma_start3A_836, %dma_start3A_838] : memref<16x513xf32, #tpu.memory_space<vmem>> -> memref<1x512xf32, #tpu.memory_space<vmem>>
      %dma_start3A_840 = tpu.memref_squeeze %dma_start3A_839 : memref<1x512xf32, #tpu.memory_space<vmem>> -> memref<512xf32, #tpu.memory_space<vmem>>
      %dma_start3A_841 = tpu.memref_slice %arg7[%shift_right_logical3A_810, %dma_start3A_837, %multiple_of3A] : memref<8x16x65536xf32, #tpu.memory_space<hbm>> -> memref<1x1x512xf32, #tpu.memory_space<hbm>>
      %dma_start3A_842 = tpu.memref_squeeze %dma_start3A_841 : memref<1x1x512xf32, #tpu.memory_space<hbm>> -> memref<512xf32, #tpu.memory_space<hbm>>
      %dma_start3A_843 = tpu.memref_slice %arg7[%shift_right_logical3A_810, %dma_start3A_837, %multiple_of3A] : memref<8x16x65536xf32, #tpu.memory_space<hbm>> -> memref<1x1x512xf32, #tpu.memory_space<hbm>>
      %dma_start3A_844 = tpu.memref_squeeze %dma_start3A_843 : memref<1x1x512xf32, #tpu.memory_space<hbm>> -> memref<512xf32, #tpu.memory_space<hbm>>
      %dma_start3A_845 = arith.constant 0 : i32
      %dma_start3A_846 = tpu.memref_slice %arg16[%dma_start3A_836, %dma_start3A_845] : memref<16x513xf32, #tpu.memory_space<vmem>> -> memref<1x512xf32, #tpu.memory_space<vmem>>
      %dma_start3A_847 = tpu.memref_squeeze %dma_start3A_846 : memref<1x512xf32, #tpu.memory_space<vmem>> -> memref<512xf32, #tpu.memory_space<vmem>>
      tpu.enqueue_dma source(%dma_start3A_847 : memref<512xf32, #tpu.memory_space<vmem>>) target(%dma_start3A_844 : memref<512xf32, #tpu.memory_space<hbm>>) target_semaphore(%arg17 : memref<!tpu.dma_semaphore, #tpu.memory_space<semaphore_mem>>)
      %dma_start3A_848 = arith.constant 3 : i32
      %dma_start3A_849 = arith.constant 3 : i32
      %dma_start3A_850 = arith.constant 0 : i32
      %dma_start3A_851 = tpu.memref_slice %arg16[%dma_start3A_848, %dma_start3A_850] : memref<16x513xf32, #tpu.memory_space<vmem>> -> memref<1x512xf32, #tpu.memory_space<vmem>>
      %dma_start3A_852 = tpu.memref_squeeze %dma_start3A_851 : memref<1x512xf32, #tpu.memory_space<vmem>> -> memref<512xf32, #tpu.memory_space<vmem>>
      %dma_start3A_853 = tpu.memref_slice %arg7[%shift_right_logical3A_810, %dma_start3A_849, %multiple_of3A] : memref<8x16x65536xf32, #tpu.memory_space<hbm>> -> memref<1x1x512xf32, #tpu.memory_space<hbm>>
      %dma_start3A_854 = tpu.memref_squeeze %dma_start3A_853 : memref<1x1x512xf32, #tpu.memory_space<hbm>> -> memref<512xf32, #tpu.memory_space<hbm>>
      %dma_start3A_855 = tpu.memref_slice %arg7[%shift_right_logical3A_810, %dma_start3A_849, %multiple_of3A] : memref<8x16x65536xf32, #tpu.memory_space<hbm>> -> memref<1x1x512xf32, #tpu.memory_space<hbm>>
      %dma_start3A_856 = tpu.memref_squeeze %dma_start3A_855 : memref<1x1x512xf32, #tpu.memory_space<hbm>> -> memref<512xf32, #tpu.memory_space<hbm>>
      %dma_start3A_857 = arith.constant 0 : i32
      %dma_start3A_858 = tpu.memref_slice %arg16[%dma_start3A_848, %dma_start3A_857] : memref<16x513xf32, #tpu.memory_space<vmem>> -> memref<1x512xf32, #tpu.memory_space<vmem>>
      %dma_start3A_859 = tpu.memref_squeeze %dma_start3A_858 : memref<1x512xf32, #tpu.memory_space<vmem>> -> memref<512xf32, #tpu.memory_space<vmem>>
      tpu.enqueue_dma source(%dma_start3A_859 : memref<512xf32, #tpu.memory_space<vmem>>) target(%dma_start3A_856 : memref<512xf32, #tpu.memory_space<hbm>>) target_semaphore(%arg17 : memref<!tpu.dma_semaphore, #tpu.memory_space<semaphore_mem>>)
      %dma_start3A_860 = arith.constant 4 : i32
      %dma_start3A_861 = arith.constant 4 : i32
      %dma_start3A_862 = arith.constant 0 : i32
      %dma_start3A_863 = tpu.memref_slice %arg16[%dma_start3A_860, %dma_start3A_862] : memref<16x513xf32, #tpu.memory_space<vmem>> -> memref<1x512xf32, #tpu.memory_space<vmem>>
      %dma_start3A_864 = tpu.memref_squeeze %dma_start3A_863 : memref<1x512xf32, #tpu.memory_space<vmem>> -> memref<512xf32, #tpu.memory_space<vmem>>
      %dma_start3A_865 = tpu.memref_slice %arg7[%shift_right_logical3A_810, %dma_start3A_861, %multiple_of3A] : memref<8x16x65536xf32, #tpu.memory_space<hbm>> -> memref<1x1x512xf32, #tpu.memory_space<hbm>>
      %dma_start3A_866 = tpu.memref_squeeze %dma_start3A_865 : memref<1x1x512xf32, #tpu.memory_space<hbm>> -> memref<512xf32, #tpu.memory_space<hbm>>
      %dma_start3A_867 = tpu.memref_slice %arg7[%shift_right_logical3A_810, %dma_start3A_861, %multiple_of3A] : memref<8x16x65536xf32, #tpu.memory_space<hbm>> -> memref<1x1x512xf32, #tpu.memory_space<hbm>>
      %dma_start3A_868 = tpu.memref_squeeze %dma_start3A_867 : memref<1x1x512xf32, #tpu.memory_space<hbm>> -> memref<512xf32, #tpu.memory_space<hbm>>
      %dma_start3A_869 = arith.constant 0 : i32
      %dma_start3A_870 = tpu.memref_slice %arg16[%dma_start3A_860, %dma_start3A_869] : memref<16x513xf32, #tpu.memory_space<vmem>> -> memref<1x512xf32, #tpu.memory_space<vmem>>
      %dma_start3A_871 = tpu.memref_squeeze %dma_start3A_870 : memref<1x512xf32, #tpu.memory_space<vmem>> -> memref<512xf32, #tpu.memory_space<vmem>>
      tpu.enqueue_dma source(%dma_start3A_871 : memref<512xf32, #tpu.memory_space<vmem>>) target(%dma_start3A_868 : memref<512xf32, #tpu.memory_space<hbm>>) target_semaphore(%arg17 : memref<!tpu.dma_semaphore, #tpu.memory_space<semaphore_mem>>)
      %dma_start3A_872 = arith.constant 5 : i32
      %dma_start3A_873 = arith.constant 5 : i32
      %dma_start3A_874 = arith.constant 0 : i32
      %dma_start3A_875 = tpu.memref_slice %arg16[%dma_start3A_872, %dma_start3A_874] : memref<16x513xf32, #tpu.memory_space<vmem>> -> memref<1x512xf32, #tpu.memory_space<vmem>>
      %dma_start3A_876 = tpu.memref_squeeze %dma_start3A_875 : memref<1x512xf32, #tpu.memory_space<vmem>> -> memref<512xf32, #tpu.memory_space<vmem>>
      %dma_start3A_877 = tpu.memref_slice %arg7[%shift_right_logical3A_810, %dma_start3A_873, %multiple_of3A] : memref<8x16x65536xf32, #tpu.memory_space<hbm>> -> memref<1x1x512xf32, #tpu.memory_space<hbm>>
      %dma_start3A_878 = tpu.memref_squeeze %dma_start3A_877 : memref<1x1x512xf32, #tpu.memory_space<hbm>> -> memref<512xf32, #tpu.memory_space<hbm>>
      %dma_start3A_879 = tpu.memref_slice %arg7[%shift_right_logical3A_810, %dma_start3A_873, %multiple_of3A] : memref<8x16x65536xf32, #tpu.memory_space<hbm>> -> memref<1x1x512xf32, #tpu.memory_space<hbm>>
      %dma_start3A_880 = tpu.memref_squeeze %dma_start3A_879 : memref<1x1x512xf32, #tpu.memory_space<hbm>> -> memref<512xf32, #tpu.memory_space<hbm>>
      %dma_start3A_881 = arith.constant 0 : i32
      %dma_start3A_882 = tpu.memref_slice %arg16[%dma_start3A_872, %dma_start3A_881] : memref<16x513xf32, #tpu.memory_space<vmem>> -> memref<1x512xf32, #tpu.memory_space<vmem>>
      %dma_start3A_883 = tpu.memref_squeeze %dma_start3A_882 : memref<1x512xf32, #tpu.memory_space<vmem>> -> memref<512xf32, #tpu.memory_space<vmem>>
      tpu.enqueue_dma source(%dma_start3A_883 : memref<512xf32, #tpu.memory_space<vmem>>) target(%dma_start3A_880 : memref<512xf32, #tpu.memory_space<hbm>>) target_semaphore(%arg17 : memref<!tpu.dma_semaphore, #tpu.memory_space<semaphore_mem>>)
      %dma_start3A_884 = arith.constant 6 : i32
      %dma_start3A_885 = arith.constant 6 : i32
      %dma_start3A_886 = arith.constant 0 : i32
      %dma_start3A_887 = tpu.memref_slice %arg16[%dma_start3A_884, %dma_start3A_886] : memref<16x513xf32, #tpu.memory_space<vmem>> -> memref<1x512xf32, #tpu.memory_space<vmem>>
      %dma_start3A_888 = tpu.memref_squeeze %dma_start3A_887 : memref<1x512xf32, #tpu.memory_space<vmem>> -> memref<512xf32, #tpu.memory_space<vmem>>
      %dma_start3A_889 = tpu.memref_slice %arg7[%shift_right_logical3A_810, %dma_start3A_885, %multiple_of3A] : memref<8x16x65536xf32, #tpu.memory_space<hbm>> -> memref<1x1x512xf32, #tpu.memory_space<hbm>>
      %dma_start3A_890 = tpu.memref_squeeze %dma_start3A_889 : memref<1x1x512xf32, #tpu.memory_space<hbm>> -> memref<512xf32, #tpu.memory_space<hbm>>
      %dma_start3A_891 = tpu.memref_slice %arg7[%shift_right_logical3A_810, %dma_start3A_885, %multiple_of3A] : memref<8x16x65536xf32, #tpu.memory_space<hbm>> -> memref<1x1x512xf32, #tpu.memory_space<hbm>>
      %dma_start3A_892 = tpu.memref_squeeze %dma_start3A_891 : memref<1x1x512xf32, #tpu.memory_space<hbm>> -> memref<512xf32, #tpu.memory_space<hbm>>
      %dma_start3A_893 = arith.constant 0 : i32
      %dma_start3A_894 = tpu.memref_slice %arg16[%dma_start3A_884, %dma_start3A_893] : memref<16x513xf32, #tpu.memory_space<vmem>> -> memref<1x512xf32, #tpu.memory_space<vmem>>
      %dma_start3A_895 = tpu.memref_squeeze %dma_start3A_894 : memref<1x512xf32, #tpu.memory_space<vmem>> -> memref<512xf32, #tpu.memory_space<vmem>>
      tpu.enqueue_dma source(%dma_start3A_895 : memref<512xf32, #tpu.memory_space<vmem>>) target(%dma_start3A_892 : memref<512xf32, #tpu.memory_space<hbm>>) target_semaphore(%arg17 : memref<!tpu.dma_semaphore, #tpu.memory_space<semaphore_mem>>)
      %dma_start3A_896 = arith.constant 7 : i32
      %dma_start3A_897 = arith.constant 7 : i32
      %dma_start3A_898 = arith.constant 0 : i32
      %dma_start3A_899 = tpu.memref_slice %arg16[%dma_start3A_896, %dma_start3A_898] : memref<16x513xf32, #tpu.memory_space<vmem>> -> memref<1x512xf32, #tpu.memory_space<vmem>>
      %dma_start3A_900 = tpu.memref_squeeze %dma_start3A_899 : memref<1x512xf32, #tpu.memory_space<vmem>> -> memref<512xf32, #tpu.memory_space<vmem>>
      %dma_start3A_901 = tpu.memref_slice %arg7[%shift_right_logical3A_810, %dma_start3A_897, %multiple_of3A] : memref<8x16x65536xf32, #tpu.memory_space<hbm>> -> memref<1x1x512xf32, #tpu.memory_space<hbm>>
      %dma_start3A_902 = tpu.memref_squeeze %dma_start3A_901 : memref<1x1x512xf32, #tpu.memory_space<hbm>> -> memref<512xf32, #tpu.memory_space<hbm>>
      %dma_start3A_903 = tpu.memref_slice %arg7[%shift_right_logical3A_810, %dma_start3A_897, %multiple_of3A] : memref<8x16x65536xf32, #tpu.memory_space<hbm>> -> memref<1x1x512xf32, #tpu.memory_space<hbm>>
      %dma_start3A_904 = tpu.memref_squeeze %dma_start3A_903 : memref<1x1x512xf32, #tpu.memory_space<hbm>> -> memref<512xf32, #tpu.memory_space<hbm>>
      %dma_start3A_905 = arith.constant 0 : i32
      %dma_start3A_906 = tpu.memref_slice %arg16[%dma_start3A_896, %dma_start3A_905] : memref<16x513xf32, #tpu.memory_space<vmem>> -> memref<1x512xf32, #tpu.memory_space<vmem>>
      %dma_start3A_907 = tpu.memref_squeeze %dma_start3A_906 : memref<1x512xf32, #tpu.memory_space<vmem>> -> memref<512xf32, #tpu.memory_space<vmem>>
      tpu.enqueue_dma source(%dma_start3A_907 : memref<512xf32, #tpu.memory_space<vmem>>) target(%dma_start3A_904 : memref<512xf32, #tpu.memory_space<hbm>>) target_semaphore(%arg17 : memref<!tpu.dma_semaphore, #tpu.memory_space<semaphore_mem>>)
      %dma_start3A_908 = arith.constant 8 : i32
      %dma_start3A_909 = arith.constant 8 : i32
      %dma_start3A_910 = arith.constant 0 : i32
      %dma_start3A_911 = tpu.memref_slice %arg16[%dma_start3A_908, %dma_start3A_910] : memref<16x513xf32, #tpu.memory_space<vmem>> -> memref<1x512xf32, #tpu.memory_space<vmem>>
      %dma_start3A_912 = tpu.memref_squeeze %dma_start3A_911 : memref<1x512xf32, #tpu.memory_space<vmem>> -> memref<512xf32, #tpu.memory_space<vmem>>
      %dma_start3A_913 = tpu.memref_slice %arg7[%shift_right_logical3A_810, %dma_start3A_909, %multiple_of3A] : memref<8x16x65536xf32, #tpu.memory_space<hbm>> -> memref<1x1x512xf32, #tpu.memory_space<hbm>>
      %dma_start3A_914 = tpu.memref_squeeze %dma_start3A_913 : memref<1x1x512xf32, #tpu.memory_space<hbm>> -> memref<512xf32, #tpu.memory_space<hbm>>
      %dma_start3A_915 = tpu.memref_slice %arg7[%shift_right_logical3A_810, %dma_start3A_909, %multiple_of3A] : memref<8x16x65536xf32, #tpu.memory_space<hbm>> -> memref<1x1x512xf32, #tpu.memory_space<hbm>>
      %dma_start3A_916 = tpu.memref_squeeze %dma_start3A_915 : memref<1x1x512xf32, #tpu.memory_space<hbm>> -> memref<512xf32, #tpu.memory_space<hbm>>
      %dma_start3A_917 = arith.constant 0 : i32
      %dma_start3A_918 = tpu.memref_slice %arg16[%dma_start3A_908, %dma_start3A_917] : memref<16x513xf32, #tpu.memory_space<vmem>> -> memref<1x512xf32, #tpu.memory_space<vmem>>
      %dma_start3A_919 = tpu.memref_squeeze %dma_start3A_918 : memref<1x512xf32, #tpu.memory_space<vmem>> -> memref<512xf32, #tpu.memory_space<vmem>>
      tpu.enqueue_dma source(%dma_start3A_919 : memref<512xf32, #tpu.memory_space<vmem>>) target(%dma_start3A_916 : memref<512xf32, #tpu.memory_space<hbm>>) target_semaphore(%arg17 : memref<!tpu.dma_semaphore, #tpu.memory_space<semaphore_mem>>)
      %dma_start3A_920 = arith.constant 9 : i32
      %dma_start3A_921 = arith.constant 9 : i32
      %dma_start3A_922 = arith.constant 0 : i32
      %dma_start3A_923 = tpu.memref_slice %arg16[%dma_start3A_920, %dma_start3A_922] : memref<16x513xf32, #tpu.memory_space<vmem>> -> memref<1x512xf32, #tpu.memory_space<vmem>>
      %dma_start3A_924 = tpu.memref_squeeze %dma_start3A_923 : memref<1x512xf32, #tpu.memory_space<vmem>> -> memref<512xf32, #tpu.memory_space<vmem>>
      %dma_start3A_925 = tpu.memref_slice %arg7[%shift_right_logical3A_810, %dma_start3A_921, %multiple_of3A] : memref<8x16x65536xf32, #tpu.memory_space<hbm>> -> memref<1x1x512xf32, #tpu.memory_space<hbm>>
      %dma_start3A_926 = tpu.memref_squeeze %dma_start3A_925 : memref<1x1x512xf32, #tpu.memory_space<hbm>> -> memref<512xf32, #tpu.memory_space<hbm>>
      %dma_start3A_927 = tpu.memref_slice %arg7[%shift_right_logical3A_810, %dma_start3A_921, %multiple_of3A] : memref<8x16x65536xf32, #tpu.memory_space<hbm>> -> memref<1x1x512xf32, #tpu.memory_space<hbm>>
      %dma_start3A_928 = tpu.memref_squeeze %dma_start3A_927 : memref<1x1x512xf32, #tpu.memory_space<hbm>> -> memref<512xf32, #tpu.memory_space<hbm>>
      %dma_start3A_929 = arith.constant 0 : i32
      %dma_start3A_930 = tpu.memref_slice %arg16[%dma_start3A_920, %dma_start3A_929] : memref<16x513xf32, #tpu.memory_space<vmem>> -> memref<1x512xf32, #tpu.memory_space<vmem>>
      %dma_start3A_931 = tpu.memref_squeeze %dma_start3A_930 : memref<1x512xf32, #tpu.memory_space<vmem>> -> memref<512xf32, #tpu.memory_space<vmem>>
      tpu.enqueue_dma source(%dma_start3A_931 : memref<512xf32, #tpu.memory_space<vmem>>) target(%dma_start3A_928 : memref<512xf32, #tpu.memory_space<hbm>>) target_semaphore(%arg17 : memref<!tpu.dma_semaphore, #tpu.memory_space<semaphore_mem>>)
      %dma_start3A_932 = arith.constant 10 : i32
      %dma_start3A_933 = arith.constant 10 : i32
      %dma_start3A_934 = arith.constant 0 : i32
      %dma_start3A_935 = tpu.memref_slice %arg16[%dma_start3A_932, %dma_start3A_934] : memref<16x513xf32, #tpu.memory_space<vmem>> -> memref<1x512xf32, #tpu.memory_space<vmem>>
      %dma_start3A_936 = tpu.memref_squeeze %dma_start3A_935 : memref<1x512xf32, #tpu.memory_space<vmem>> -> memref<512xf32, #tpu.memory_space<vmem>>
      %dma_start3A_937 = tpu.memref_slice %arg7[%shift_right_logical3A_810, %dma_start3A_933, %multiple_of3A] : memref<8x16x65536xf32, #tpu.memory_space<hbm>> -> memref<1x1x512xf32, #tpu.memory_space<hbm>>
      %dma_start3A_938 = tpu.memref_squeeze %dma_start3A_937 : memref<1x1x512xf32, #tpu.memory_space<hbm>> -> memref<512xf32, #tpu.memory_space<hbm>>
      %dma_start3A_939 = tpu.memref_slice %arg7[%shift_right_logical3A_810, %dma_start3A_933, %multiple_of3A] : memref<8x16x65536xf32, #tpu.memory_space<hbm>> -> memref<1x1x512xf32, #tpu.memory_space<hbm>>
      %dma_start3A_940 = tpu.memref_squeeze %dma_start3A_939 : memref<1x1x512xf32, #tpu.memory_space<hbm>> -> memref<512xf32, #tpu.memory_space<hbm>>
      %dma_start3A_941 = arith.constant 0 : i32
      %dma_start3A_942 = tpu.memref_slice %arg16[%dma_start3A_932, %dma_start3A_941] : memref<16x513xf32, #tpu.memory_space<vmem>> -> memref<1x512xf32, #tpu.memory_space<vmem>>
      %dma_start3A_943 = tpu.memref_squeeze %dma_start3A_942 : memref<1x512xf32, #tpu.memory_space<vmem>> -> memref<512xf32, #tpu.memory_space<vmem>>
      tpu.enqueue_dma source(%dma_start3A_943 : memref<512xf32, #tpu.memory_space<vmem>>) target(%dma_start3A_940 : memref<512xf32, #tpu.memory_space<hbm>>) target_semaphore(%arg17 : memref<!tpu.dma_semaphore, #tpu.memory_space<semaphore_mem>>)
      %dma_start3A_944 = arith.constant 11 : i32
      %dma_start3A_945 = arith.constant 11 : i32
      %dma_start3A_946 = arith.constant 0 : i32
      %dma_start3A_947 = tpu.memref_slice %arg16[%dma_start3A_944, %dma_start3A_946] : memref<16x513xf32, #tpu.memory_space<vmem>> -> memref<1x512xf32, #tpu.memory_space<vmem>>
      %dma_start3A_948 = tpu.memref_squeeze %dma_start3A_947 : memref<1x512xf32, #tpu.memory_space<vmem>> -> memref<512xf32, #tpu.memory_space<vmem>>
      %dma_start3A_949 = tpu.memref_slice %arg7[%shift_right_logical3A_810, %dma_start3A_945, %multiple_of3A] : memref<8x16x65536xf32, #tpu.memory_space<hbm>> -> memref<1x1x512xf32, #tpu.memory_space<hbm>>
      %dma_start3A_950 = tpu.memref_squeeze %dma_start3A_949 : memref<1x1x512xf32, #tpu.memory_space<hbm>> -> memref<512xf32, #tpu.memory_space<hbm>>
      %dma_start3A_951 = tpu.memref_slice %arg7[%shift_right_logical3A_810, %dma_start3A_945, %multiple_of3A] : memref<8x16x65536xf32, #tpu.memory_space<hbm>> -> memref<1x1x512xf32, #tpu.memory_space<hbm>>
      %dma_start3A_952 = tpu.memref_squeeze %dma_start3A_951 : memref<1x1x512xf32, #tpu.memory_space<hbm>> -> memref<512xf32, #tpu.memory_space<hbm>>
      %dma_start3A_953 = arith.constant 0 : i32
      %dma_start3A_954 = tpu.memref_slice %arg16[%dma_start3A_944, %dma_start3A_953] : memref<16x513xf32, #tpu.memory_space<vmem>> -> memref<1x512xf32, #tpu.memory_space<vmem>>
      %dma_start3A_955 = tpu.memref_squeeze %dma_start3A_954 : memref<1x512xf32, #tpu.memory_space<vmem>> -> memref<512xf32, #tpu.memory_space<vmem>>
      tpu.enqueue_dma source(%dma_start3A_955 : memref<512xf32, #tpu.memory_space<vmem>>) target(%dma_start3A_952 : memref<512xf32, #tpu.memory_space<hbm>>) target_semaphore(%arg17 : memref<!tpu.dma_semaphore, #tpu.memory_space<semaphore_mem>>)
      %dma_start3A_956 = arith.constant 12 : i32
      %dma_start3A_957 = arith.constant 12 : i32
      %dma_start3A_958 = arith.constant 0 : i32
      %dma_start3A_959 = tpu.memref_slice %arg16[%dma_start3A_956, %dma_start3A_958] : memref<16x513xf32, #tpu.memory_space<vmem>> -> memref<1x512xf32, #tpu.memory_space<vmem>>
      %dma_start3A_960 = tpu.memref_squeeze %dma_start3A_959 : memref<1x512xf32, #tpu.memory_space<vmem>> -> memref<512xf32, #tpu.memory_space<vmem>>
      %dma_start3A_961 = tpu.memref_slice %arg7[%shift_right_logical3A_810, %dma_start3A_957, %multiple_of3A] : memref<8x16x65536xf32, #tpu.memory_space<hbm>> -> memref<1x1x512xf32, #tpu.memory_space<hbm>>
      %dma_start3A_962 = tpu.memref_squeeze %dma_start3A_961 : memref<1x1x512xf32, #tpu.memory_space<hbm>> -> memref<512xf32, #tpu.memory_space<hbm>>
      %dma_start3A_963 = tpu.memref_slice %arg7[%shift_right_logical3A_810, %dma_start3A_957, %multiple_of3A] : memref<8x16x65536xf32, #tpu.memory_space<hbm>> -> memref<1x1x512xf32, #tpu.memory_space<hbm>>
      %dma_start3A_964 = tpu.memref_squeeze %dma_start3A_963 : memref<1x1x512xf32, #tpu.memory_space<hbm>> -> memref<512xf32, #tpu.memory_space<hbm>>
      %dma_start3A_965 = arith.constant 0 : i32
      %dma_start3A_966 = tpu.memref_slice %arg16[%dma_start3A_956, %dma_start3A_965] : memref<16x513xf32, #tpu.memory_space<vmem>> -> memref<1x512xf32, #tpu.memory_space<vmem>>
      %dma_start3A_967 = tpu.memref_squeeze %dma_start3A_966 : memref<1x512xf32, #tpu.memory_space<vmem>> -> memref<512xf32, #tpu.memory_space<vmem>>
      tpu.enqueue_dma source(%dma_start3A_967 : memref<512xf32, #tpu.memory_space<vmem>>) target(%dma_start3A_964 : memref<512xf32, #tpu.memory_space<hbm>>) target_semaphore(%arg17 : memref<!tpu.dma_semaphore, #tpu.memory_space<semaphore_mem>>)
      %dma_start3A_968 = arith.constant 13 : i32
      %dma_start3A_969 = arith.constant 13 : i32
      %dma_start3A_970 = arith.constant 0 : i32
      %dma_start3A_971 = tpu.memref_slice %arg16[%dma_start3A_968, %dma_start3A_970] : memref<16x513xf32, #tpu.memory_space<vmem>> -> memref<1x512xf32, #tpu.memory_space<vmem>>
      %dma_start3A_972 = tpu.memref_squeeze %dma_start3A_971 : memref<1x512xf32, #tpu.memory_space<vmem>> -> memref<512xf32, #tpu.memory_space<vmem>>
      %dma_start3A_973 = tpu.memref_slice %arg7[%shift_right_logical3A_810, %dma_start3A_969, %multiple_of3A] : memref<8x16x65536xf32, #tpu.memory_space<hbm>> -> memref<1x1x512xf32, #tpu.memory_space<hbm>>
      %dma_start3A_974 = tpu.memref_squeeze %dma_start3A_973 : memref<1x1x512xf32, #tpu.memory_space<hbm>> -> memref<512xf32, #tpu.memory_space<hbm>>
      %dma_start3A_975 = tpu.memref_slice %arg7[%shift_right_logical3A_810, %dma_start3A_969, %multiple_of3A] : memref<8x16x65536xf32, #tpu.memory_space<hbm>> -> memref<1x1x512xf32, #tpu.memory_space<hbm>>
      %dma_start3A_976 = tpu.memref_squeeze %dma_start3A_975 : memref<1x1x512xf32, #tpu.memory_space<hbm>> -> memref<512xf32, #tpu.memory_space<hbm>>
      %dma_start3A_977 = arith.constant 0 : i32
      %dma_start3A_978 = tpu.memref_slice %arg16[%dma_start3A_968, %dma_start3A_977] : memref<16x513xf32, #tpu.memory_space<vmem>> -> memref<1x512xf32, #tpu.memory_space<vmem>>
      %dma_start3A_979 = tpu.memref_squeeze %dma_start3A_978 : memref<1x512xf32, #tpu.memory_space<vmem>> -> memref<512xf32, #tpu.memory_space<vmem>>
      tpu.enqueue_dma source(%dma_start3A_979 : memref<512xf32, #tpu.memory_space<vmem>>) target(%dma_start3A_976 : memref<512xf32, #tpu.memory_space<hbm>>) target_semaphore(%arg17 : memref<!tpu.dma_semaphore, #tpu.memory_space<semaphore_mem>>)
      %dma_start3A_980 = arith.constant 14 : i32
      %dma_start3A_981 = arith.constant 14 : i32
      %dma_start3A_982 = arith.constant 0 : i32
      %dma_start3A_983 = tpu.memref_slice %arg16[%dma_start3A_980, %dma_start3A_982] : memref<16x513xf32, #tpu.memory_space<vmem>> -> memref<1x512xf32, #tpu.memory_space<vmem>>
      %dma_start3A_984 = tpu.memref_squeeze %dma_start3A_983 : memref<1x512xf32, #tpu.memory_space<vmem>> -> memref<512xf32, #tpu.memory_space<vmem>>
      %dma_start3A_985 = tpu.memref_slice %arg7[%shift_right_logical3A_810, %dma_start3A_981, %multiple_of3A] : memref<8x16x65536xf32, #tpu.memory_space<hbm>> -> memref<1x1x512xf32, #tpu.memory_space<hbm>>
      %dma_start3A_986 = tpu.memref_squeeze %dma_start3A_985 : memref<1x1x512xf32, #tpu.memory_space<hbm>> -> memref<512xf32, #tpu.memory_space<hbm>>
      %dma_start3A_987 = tpu.memref_slice %arg7[%shift_right_logical3A_810, %dma_start3A_981, %multiple_of3A] : memref<8x16x65536xf32, #tpu.memory_space<hbm>> -> memref<1x1x512xf32, #tpu.memory_space<hbm>>
      %dma_start3A_988 = tpu.memref_squeeze %dma_start3A_987 : memref<1x1x512xf32, #tpu.memory_space<hbm>> -> memref<512xf32, #tpu.memory_space<hbm>>
      %dma_start3A_989 = arith.constant 0 : i32
      %dma_start3A_990 = tpu.memref_slice %arg16[%dma_start3A_980, %dma_start3A_989] : memref<16x513xf32, #tpu.memory_space<vmem>> -> memref<1x512xf32, #tpu.memory_space<vmem>>
      %dma_start3A_991 = tpu.memref_squeeze %dma_start3A_990 : memref<1x512xf32, #tpu.memory_space<vmem>> -> memref<512xf32, #tpu.memory_space<vmem>>
      tpu.enqueue_dma source(%dma_start3A_991 : memref<512xf32, #tpu.memory_space<vmem>>) target(%dma_start3A_988 : memref<512xf32, #tpu.memory_space<hbm>>) target_semaphore(%arg17 : memref<!tpu.dma_semaphore, #tpu.memory_space<semaphore_mem>>)
      %dma_start3A_992 = arith.constant 15 : i32
      %dma_start3A_993 = arith.constant 15 : i32
      %dma_start3A_994 = arith.constant 0 : i32
      %dma_start3A_995 = tpu.memref_slice %arg16[%dma_start3A_992, %dma_start3A_994] : memref<16x513xf32, #tpu.memory_space<vmem>> -> memref<1x512xf32, #tpu.memory_space<vmem>>
      %dma_start3A_996 = tpu.memref_squeeze %dma_start3A_995 : memref<1x512xf32, #tpu.memory_space<vmem>> -> memref<512xf32, #tpu.memory_space<vmem>>
      %dma_start3A_997 = tpu.memref_slice %arg7[%shift_right_logical3A_810, %dma_start3A_993, %multiple_of3A] : memref<8x16x65536xf32, #tpu.memory_space<hbm>> -> memref<1x1x512xf32, #tpu.memory_space<hbm>>
      %dma_start3A_998 = tpu.memref_squeeze %dma_start3A_997 : memref<1x1x512xf32, #tpu.memory_space<hbm>> -> memref<512xf32, #tpu.memory_space<hbm>>
      %dma_start3A_999 = tpu.memref_slice %arg7[%shift_right_logical3A_810, %dma_start3A_993, %multiple_of3A] : memref<8x16x65536xf32, #tpu.memory_space<hbm>> -> memref<1x1x512xf32, #tpu.memory_space<hbm>>
      %dma_start3A_1000 = tpu.memref_squeeze %dma_start3A_999 : memref<1x1x512xf32, #tpu.memory_space<hbm>> -> memref<512xf32, #tpu.memory_space<hbm>>
      %dma_start3A_1001 = arith.constant 0 : i32
      %dma_start3A_1002 = tpu.memref_slice %arg16[%dma_start3A_992, %dma_start3A_1001] : memref<16x513xf32, #tpu.memory_space<vmem>> -> memref<1x512xf32, #tpu.memory_space<vmem>>
      %dma_start3A_1003 = tpu.memref_squeeze %dma_start3A_1002 : memref<1x512xf32, #tpu.memory_space<vmem>> -> memref<512xf32, #tpu.memory_space<vmem>>
      tpu.enqueue_dma source(%dma_start3A_1003 : memref<512xf32, #tpu.memory_space<vmem>>) target(%dma_start3A_1000 : memref<512xf32, #tpu.memory_space<hbm>>) target_semaphore(%arg17 : memref<!tpu.dma_semaphore, #tpu.memory_space<semaphore_mem>>)
      %dma_wait3A_1004 = arith.constant 0 : i32
      %dma_wait3A_1005 = arith.constant 0 : i32
      %dma_wait3A_1006 = arith.constant 0 : i32
      %dma_wait3A_1007 = tpu.memref_slice %arg16[%dma_wait3A_1004, %dma_wait3A_1006] : memref<16x513xf32, #tpu.memory_space<vmem>> -> memref<1x512xf32, #tpu.memory_space<vmem>>
      %dma_wait3A_1008 = tpu.memref_squeeze %dma_wait3A_1007 : memref<1x512xf32, #tpu.memory_space<vmem>> -> memref<512xf32, #tpu.memory_space<vmem>>
      %dma_wait3A_1009 = tpu.memref_slice %arg7[%shift_right_logical3A_810, %dma_wait3A_1005, %multiple_of3A] : memref<8x16x65536xf32, #tpu.memory_space<hbm>> -> memref<1x1x512xf32, #tpu.memory_space<hbm>>
      %dma_wait3A_1010 = tpu.memref_squeeze %dma_wait3A_1009 : memref<1x1x512xf32, #tpu.memory_space<hbm>> -> memref<512xf32, #tpu.memory_space<hbm>>
      %dma_wait3A_1011 = tpu.memref_slice %arg7[%shift_right_logical3A_810, %dma_wait3A_1005, %multiple_of3A] : memref<8x16x65536xf32, #tpu.memory_space<hbm>> -> memref<1x1x512xf32, #tpu.memory_space<hbm>>
      %dma_wait3A_1012 = tpu.memref_squeeze %dma_wait3A_1011 : memref<1x1x512xf32, #tpu.memory_space<hbm>> -> memref<512xf32, #tpu.memory_space<hbm>>
      %dma_wait3A_1013 = arith.constant 0 : i32
      %dma_wait3A_1014 = tpu.memref_slice %arg16[%dma_wait3A_1004, %dma_wait3A_1013] : memref<16x513xf32, #tpu.memory_space<vmem>> -> memref<1x512xf32, #tpu.memory_space<vmem>>
      %dma_wait3A_1015 = tpu.memref_squeeze %dma_wait3A_1014 : memref<1x512xf32, #tpu.memory_space<vmem>> -> memref<512xf32, #tpu.memory_space<vmem>>
      tpu.wait_dma2 semaphore(%arg17 : memref<!tpu.dma_semaphore, #tpu.memory_space<semaphore_mem>>) src(%dma_wait3A_1015 : memref<512xf32, #tpu.memory_space<vmem>>) dst(%dma_wait3A_1012 : memref<512xf32, #tpu.memory_space<hbm>>)
      %dma_wait3A_1016 = arith.constant 1 : i32
      %dma_wait3A_1017 = arith.constant 1 : i32
      %dma_wait3A_1018 = arith.constant 0 : i32
      %dma_wait3A_1019 = tpu.memref_slice %arg16[%dma_wait3A_1016, %dma_wait3A_1018] : memref<16x513xf32, #tpu.memory_space<vmem>> -> memref<1x512xf32, #tpu.memory_space<vmem>>
      %dma_wait3A_1020 = tpu.memref_squeeze %dma_wait3A_1019 : memref<1x512xf32, #tpu.memory_space<vmem>> -> memref<512xf32, #tpu.memory_space<vmem>>
      %dma_wait3A_1021 = tpu.memref_slice %arg7[%shift_right_logical3A_810, %dma_wait3A_1017, %multiple_of3A] : memref<8x16x65536xf32, #tpu.memory_space<hbm>> -> memref<1x1x512xf32, #tpu.memory_space<hbm>>
      %dma_wait3A_1022 = tpu.memref_squeeze %dma_wait3A_1021 : memref<1x1x512xf32, #tpu.memory_space<hbm>> -> memref<512xf32, #tpu.memory_space<hbm>>
      %dma_wait3A_1023 = tpu.memref_slice %arg7[%shift_right_logical3A_810, %dma_wait3A_1017, %multiple_of3A] : memref<8x16x65536xf32, #tpu.memory_space<hbm>> -> memref<1x1x512xf32, #tpu.memory_space<hbm>>
      %dma_wait3A_1024 = tpu.memref_squeeze %dma_wait3A_1023 : memref<1x1x512xf32, #tpu.memory_space<hbm>> -> memref<512xf32, #tpu.memory_space<hbm>>
      %dma_wait3A_1025 = arith.constant 0 : i32
      %dma_wait3A_1026 = tpu.memref_slice %arg16[%dma_wait3A_1016, %dma_wait3A_1025] : memref<16x513xf32, #tpu.memory_space<vmem>> -> memref<1x512xf32, #tpu.memory_space<vmem>>
      %dma_wait3A_1027 = tpu.memref_squeeze %dma_wait3A_1026 : memref<1x512xf32, #tpu.memory_space<vmem>> -> memref<512xf32, #tpu.memory_space<vmem>>
      tpu.wait_dma2 semaphore(%arg17 : memref<!tpu.dma_semaphore, #tpu.memory_space<semaphore_mem>>) src(%dma_wait3A_1027 : memref<512xf32, #tpu.memory_space<vmem>>) dst(%dma_wait3A_1024 : memref<512xf32, #tpu.memory_space<hbm>>)
      %dma_wait3A_1028 = arith.constant 2 : i32
      %dma_wait3A_1029 = arith.constant 2 : i32
      %dma_wait3A_1030 = arith.constant 0 : i32
      %dma_wait3A_1031 = tpu.memref_slice %arg16[%dma_wait3A_1028, %dma_wait3A_1030] : memref<16x513xf32, #tpu.memory_space<vmem>> -> memref<1x512xf32, #tpu.memory_space<vmem>>
      %dma_wait3A_1032 = tpu.memref_squeeze %dma_wait3A_1031 : memref<1x512xf32, #tpu.memory_space<vmem>> -> memref<512xf32, #tpu.memory_space<vmem>>
      %dma_wait3A_1033 = tpu.memref_slice %arg7[%shift_right_logical3A_810, %dma_wait3A_1029, %multiple_of3A] : memref<8x16x65536xf32, #tpu.memory_space<hbm>> -> memref<1x1x512xf32, #tpu.memory_space<hbm>>
      %dma_wait3A_1034 = tpu.memref_squeeze %dma_wait3A_1033 : memref<1x1x512xf32, #tpu.memory_space<hbm>> -> memref<512xf32, #tpu.memory_space<hbm>>
      %dma_wait3A_1035 = tpu.memref_slice %arg7[%shift_right_logical3A_810, %dma_wait3A_1029, %multiple_of3A] : memref<8x16x65536xf32, #tpu.memory_space<hbm>> -> memref<1x1x512xf32, #tpu.memory_space<hbm>>
      %dma_wait3A_1036 = tpu.memref_squeeze %dma_wait3A_1035 : memref<1x1x512xf32, #tpu.memory_space<hbm>> -> memref<512xf32, #tpu.memory_space<hbm>>
      %dma_wait3A_1037 = arith.constant 0 : i32
      %dma_wait3A_1038 = tpu.memref_slice %arg16[%dma_wait3A_1028, %dma_wait3A_1037] : memref<16x513xf32, #tpu.memory_space<vmem>> -> memref<1x512xf32, #tpu.memory_space<vmem>>
      %dma_wait3A_1039 = tpu.memref_squeeze %dma_wait3A_1038 : memref<1x512xf32, #tpu.memory_space<vmem>> -> memref<512xf32, #tpu.memory_space<vmem>>
      tpu.wait_dma2 semaphore(%arg17 : memref<!tpu.dma_semaphore, #tpu.memory_space<semaphore_mem>>) src(%dma_wait3A_1039 : memref<512xf32, #tpu.memory_space<vmem>>) dst(%dma_wait3A_1036 : memref<512xf32, #tpu.memory_space<hbm>>)
      %dma_wait3A_1040 = arith.constant 3 : i32
      %dma_wait3A_1041 = arith.constant 3 : i32
      %dma_wait3A_1042 = arith.constant 0 : i32
      %dma_wait3A_1043 = tpu.memref_slice %arg16[%dma_wait3A_1040, %dma_wait3A_1042] : memref<16x513xf32, #tpu.memory_space<vmem>> -> memref<1x512xf32, #tpu.memory_space<vmem>>
      %dma_wait3A_1044 = tpu.memref_squeeze %dma_wait3A_1043 : memref<1x512xf32, #tpu.memory_space<vmem>> -> memref<512xf32, #tpu.memory_space<vmem>>
      %dma_wait3A_1045 = tpu.memref_slice %arg7[%shift_right_logical3A_810, %dma_wait3A_1041, %multiple_of3A] : memref<8x16x65536xf32, #tpu.memory_space<hbm>> -> memref<1x1x512xf32, #tpu.memory_space<hbm>>
      %dma_wait3A_1046 = tpu.memref_squeeze %dma_wait3A_1045 : memref<1x1x512xf32, #tpu.memory_space<hbm>> -> memref<512xf32, #tpu.memory_space<hbm>>
      %dma_wait3A_1047 = tpu.memref_slice %arg7[%shift_right_logical3A_810, %dma_wait3A_1041, %multiple_of3A] : memref<8x16x65536xf32, #tpu.memory_space<hbm>> -> memref<1x1x512xf32, #tpu.memory_space<hbm>>
      %dma_wait3A_1048 = tpu.memref_squeeze %dma_wait3A_1047 : memref<1x1x512xf32, #tpu.memory_space<hbm>> -> memref<512xf32, #tpu.memory_space<hbm>>
      %dma_wait3A_1049 = arith.constant 0 : i32
      %dma_wait3A_1050 = tpu.memref_slice %arg16[%dma_wait3A_1040, %dma_wait3A_1049] : memref<16x513xf32, #tpu.memory_space<vmem>> -> memref<1x512xf32, #tpu.memory_space<vmem>>
      %dma_wait3A_1051 = tpu.memref_squeeze %dma_wait3A_1050 : memref<1x512xf32, #tpu.memory_space<vmem>> -> memref<512xf32, #tpu.memory_space<vmem>>
      tpu.wait_dma2 semaphore(%arg17 : memref<!tpu.dma_semaphore, #tpu.memory_space<semaphore_mem>>) src(%dma_wait3A_1051 : memref<512xf32, #tpu.memory_space<vmem>>) dst(%dma_wait3A_1048 : memref<512xf32, #tpu.memory_space<hbm>>)
      %dma_wait3A_1052 = arith.constant 4 : i32
      %dma_wait3A_1053 = arith.constant 4 : i32
      %dma_wait3A_1054 = arith.constant 0 : i32
      %dma_wait3A_1055 = tpu.memref_slice %arg16[%dma_wait3A_1052, %dma_wait3A_1054] : memref<16x513xf32, #tpu.memory_space<vmem>> -> memref<1x512xf32, #tpu.memory_space<vmem>>
      %dma_wait3A_1056 = tpu.memref_squeeze %dma_wait3A_1055 : memref<1x512xf32, #tpu.memory_space<vmem>> -> memref<512xf32, #tpu.memory_space<vmem>>
      %dma_wait3A_1057 = tpu.memref_slice %arg7[%shift_right_logical3A_810, %dma_wait3A_1053, %multiple_of3A] : memref<8x16x65536xf32, #tpu.memory_space<hbm>> -> memref<1x1x512xf32, #tpu.memory_space<hbm>>
      %dma_wait3A_1058 = tpu.memref_squeeze %dma_wait3A_1057 : memref<1x1x512xf32, #tpu.memory_space<hbm>> -> memref<512xf32, #tpu.memory_space<hbm>>
      %dma_wait3A_1059 = tpu.memref_slice %arg7[%shift_right_logical3A_810, %dma_wait3A_1053, %multiple_of3A] : memref<8x16x65536xf32, #tpu.memory_space<hbm>> -> memref<1x1x512xf32, #tpu.memory_space<hbm>>
      %dma_wait3A_1060 = tpu.memref_squeeze %dma_wait3A_1059 : memref<1x1x512xf32, #tpu.memory_space<hbm>> -> memref<512xf32, #tpu.memory_space<hbm>>
      %dma_wait3A_1061 = arith.constant 0 : i32
      %dma_wait3A_1062 = tpu.memref_slice %arg16[%dma_wait3A_1052, %dma_wait3A_1061] : memref<16x513xf32, #tpu.memory_space<vmem>> -> memref<1x512xf32, #tpu.memory_space<vmem>>
      %dma_wait3A_1063 = tpu.memref_squeeze %dma_wait3A_1062 : memref<1x512xf32, #tpu.memory_space<vmem>> -> memref<512xf32, #tpu.memory_space<vmem>>
      tpu.wait_dma2 semaphore(%arg17 : memref<!tpu.dma_semaphore, #tpu.memory_space<semaphore_mem>>) src(%dma_wait3A_1063 : memref<512xf32, #tpu.memory_space<vmem>>) dst(%dma_wait3A_1060 : memref<512xf32, #tpu.memory_space<hbm>>)
      %dma_wait3A_1064 = arith.constant 5 : i32
      %dma_wait3A_1065 = arith.constant 5 : i32
      %dma_wait3A_1066 = arith.constant 0 : i32
      %dma_wait3A_1067 = tpu.memref_slice %arg16[%dma_wait3A_1064, %dma_wait3A_1066] : memref<16x513xf32, #tpu.memory_space<vmem>> -> memref<1x512xf32, #tpu.memory_space<vmem>>
      %dma_wait3A_1068 = tpu.memref_squeeze %dma_wait3A_1067 : memref<1x512xf32, #tpu.memory_space<vmem>> -> memref<512xf32, #tpu.memory_space<vmem>>
      %dma_wait3A_1069 = tpu.memref_slice %arg7[%shift_right_logical3A_810, %dma_wait3A_1065, %multiple_of3A] : memref<8x16x65536xf32, #tpu.memory_space<hbm>> -> memref<1x1x512xf32, #tpu.memory_space<hbm>>
      %dma_wait3A_1070 = tpu.memref_squeeze %dma_wait3A_1069 : memref<1x1x512xf32, #tpu.memory_space<hbm>> -> memref<512xf32, #tpu.memory_space<hbm>>
      %dma_wait3A_1071 = tpu.memref_slice %arg7[%shift_right_logical3A_810, %dma_wait3A_1065, %multiple_of3A] : memref<8x16x65536xf32, #tpu.memory_space<hbm>> -> memref<1x1x512xf32, #tpu.memory_space<hbm>>
      %dma_wait3A_1072 = tpu.memref_squeeze %dma_wait3A_1071 : memref<1x1x512xf32, #tpu.memory_space<hbm>> -> memref<512xf32, #tpu.memory_space<hbm>>
      %dma_wait3A_1073 = arith.constant 0 : i32
      %dma_wait3A_1074 = tpu.memref_slice %arg16[%dma_wait3A_1064, %dma_wait3A_1073] : memref<16x513xf32, #tpu.memory_space<vmem>> -> memref<1x512xf32, #tpu.memory_space<vmem>>
      %dma_wait3A_1075 = tpu.memref_squeeze %dma_wait3A_1074 : memref<1x512xf32, #tpu.memory_space<vmem>> -> memref<512xf32, #tpu.memory_space<vmem>>
      tpu.wait_dma2 semaphore(%arg17 : memref<!tpu.dma_semaphore, #tpu.memory_space<semaphore_mem>>) src(%dma_wait3A_1075 : memref<512xf32, #tpu.memory_space<vmem>>) dst(%dma_wait3A_1072 : memref<512xf32, #tpu.memory_space<hbm>>)
      %dma_wait3A_1076 = arith.constant 6 : i32
      %dma_wait3A_1077 = arith.constant 6 : i32
      %dma_wait3A_1078 = arith.constant 0 : i32
      %dma_wait3A_1079 = tpu.memref_slice %arg16[%dma_wait3A_1076, %dma_wait3A_1078] : memref<16x513xf32, #tpu.memory_space<vmem>> -> memref<1x512xf32, #tpu.memory_space<vmem>>
      %dma_wait3A_1080 = tpu.memref_squeeze %dma_wait3A_1079 : memref<1x512xf32, #tpu.memory_space<vmem>> -> memref<512xf32, #tpu.memory_space<vmem>>
      %dma_wait3A_1081 = tpu.memref_slice %arg7[%shift_right_logical3A_810, %dma_wait3A_1077, %multiple_of3A] : memref<8x16x65536xf32, #tpu.memory_space<hbm>> -> memref<1x1x512xf32, #tpu.memory_space<hbm>>
      %dma_wait3A_1082 = tpu.memref_squeeze %dma_wait3A_1081 : memref<1x1x512xf32, #tpu.memory_space<hbm>> -> memref<512xf32, #tpu.memory_space<hbm>>
      %dma_wait3A_1083 = tpu.memref_slice %arg7[%shift_right_logical3A_810, %dma_wait3A_1077, %multiple_of3A] : memref<8x16x65536xf32, #tpu.memory_space<hbm>> -> memref<1x1x512xf32, #tpu.memory_space<hbm>>
      %dma_wait3A_1084 = tpu.memref_squeeze %dma_wait3A_1083 : memref<1x1x512xf32, #tpu.memory_space<hbm>> -> memref<512xf32, #tpu.memory_space<hbm>>
      %dma_wait3A_1085 = arith.constant 0 : i32
      %dma_wait3A_1086 = tpu.memref_slice %arg16[%dma_wait3A_1076, %dma_wait3A_1085] : memref<16x513xf32, #tpu.memory_space<vmem>> -> memref<1x512xf32, #tpu.memory_space<vmem>>
      %dma_wait3A_1087 = tpu.memref_squeeze %dma_wait3A_1086 : memref<1x512xf32, #tpu.memory_space<vmem>> -> memref<512xf32, #tpu.memory_space<vmem>>
      tpu.wait_dma2 semaphore(%arg17 : memref<!tpu.dma_semaphore, #tpu.memory_space<semaphore_mem>>) src(%dma_wait3A_1087 : memref<512xf32, #tpu.memory_space<vmem>>) dst(%dma_wait3A_1084 : memref<512xf32, #tpu.memory_space<hbm>>)
      %dma_wait3A_1088 = arith.constant 7 : i32
      %dma_wait3A_1089 = arith.constant 7 : i32
      %dma_wait3A_1090 = arith.constant 0 : i32
      %dma_wait3A_1091 = tpu.memref_slice %arg16[%dma_wait3A_1088, %dma_wait3A_1090] : memref<16x513xf32, #tpu.memory_space<vmem>> -> memref<1x512xf32, #tpu.memory_space<vmem>>
      %dma_wait3A_1092 = tpu.memref_squeeze %dma_wait3A_1091 : memref<1x512xf32, #tpu.memory_space<vmem>> -> memref<512xf32, #tpu.memory_space<vmem>>
      %dma_wait3A_1093 = tpu.memref_slice %arg7[%shift_right_logical3A_810, %dma_wait3A_1089, %multiple_of3A] : memref<8x16x65536xf32, #tpu.memory_space<hbm>> -> memref<1x1x512xf32, #tpu.memory_space<hbm>>
      %dma_wait3A_1094 = tpu.memref_squeeze %dma_wait3A_1093 : memref<1x1x512xf32, #tpu.memory_space<hbm>> -> memref<512xf32, #tpu.memory_space<hbm>>
      %dma_wait3A_1095 = tpu.memref_slice %arg7[%shift_right_logical3A_810, %dma_wait3A_1089, %multiple_of3A] : memref<8x16x65536xf32, #tpu.memory_space<hbm>> -> memref<1x1x512xf32, #tpu.memory_space<hbm>>
      %dma_wait3A_1096 = tpu.memref_squeeze %dma_wait3A_1095 : memref<1x1x512xf32, #tpu.memory_space<hbm>> -> memref<512xf32, #tpu.memory_space<hbm>>
      %dma_wait3A_1097 = arith.constant 0 : i32
      %dma_wait3A_1098 = tpu.memref_slice %arg16[%dma_wait3A_1088, %dma_wait3A_1097] : memref<16x513xf32, #tpu.memory_space<vmem>> -> memref<1x512xf32, #tpu.memory_space<vmem>>
      %dma_wait3A_1099 = tpu.memref_squeeze %dma_wait3A_1098 : memref<1x512xf32, #tpu.memory_space<vmem>> -> memref<512xf32, #tpu.memory_space<vmem>>
      tpu.wait_dma2 semaphore(%arg17 : memref<!tpu.dma_semaphore, #tpu.memory_space<semaphore_mem>>) src(%dma_wait3A_1099 : memref<512xf32, #tpu.memory_space<vmem>>) dst(%dma_wait3A_1096 : memref<512xf32, #tpu.memory_space<hbm>>)
      %dma_wait3A_1100 = arith.constant 8 : i32
      %dma_wait3A_1101 = arith.constant 8 : i32
      %dma_wait3A_1102 = arith.constant 0 : i32
      %dma_wait3A_1103 = tpu.memref_slice %arg16[%dma_wait3A_1100, %dma_wait3A_1102] : memref<16x513xf32, #tpu.memory_space<vmem>> -> memref<1x512xf32, #tpu.memory_space<vmem>>
      %dma_wait3A_1104 = tpu.memref_squeeze %dma_wait3A_1103 : memref<1x512xf32, #tpu.memory_space<vmem>> -> memref<512xf32, #tpu.memory_space<vmem>>
      %dma_wait3A_1105 = tpu.memref_slice %arg7[%shift_right_logical3A_810, %dma_wait3A_1101, %multiple_of3A] : memref<8x16x65536xf32, #tpu.memory_space<hbm>> -> memref<1x1x512xf32, #tpu.memory_space<hbm>>
      %dma_wait3A_1106 = tpu.memref_squeeze %dma_wait3A_1105 : memref<1x1x512xf32, #tpu.memory_space<hbm>> -> memref<512xf32, #tpu.memory_space<hbm>>
      %dma_wait3A_1107 = tpu.memref_slice %arg7[%shift_right_logical3A_810, %dma_wait3A_1101, %multiple_of3A] : memref<8x16x65536xf32, #tpu.memory_space<hbm>> -> memref<1x1x512xf32, #tpu.memory_space<hbm>>
      %dma_wait3A_1108 = tpu.memref_squeeze %dma_wait3A_1107 : memref<1x1x512xf32, #tpu.memory_space<hbm>> -> memref<512xf32, #tpu.memory_space<hbm>>
      %dma_wait3A_1109 = arith.constant 0 : i32
      %dma_wait3A_1110 = tpu.memref_slice %arg16[%dma_wait3A_1100, %dma_wait3A_1109] : memref<16x513xf32, #tpu.memory_space<vmem>> -> memref<1x512xf32, #tpu.memory_space<vmem>>
      %dma_wait3A_1111 = tpu.memref_squeeze %dma_wait3A_1110 : memref<1x512xf32, #tpu.memory_space<vmem>> -> memref<512xf32, #tpu.memory_space<vmem>>
      tpu.wait_dma2 semaphore(%arg17 : memref<!tpu.dma_semaphore, #tpu.memory_space<semaphore_mem>>) src(%dma_wait3A_1111 : memref<512xf32, #tpu.memory_space<vmem>>) dst(%dma_wait3A_1108 : memref<512xf32, #tpu.memory_space<hbm>>)
      %dma_wait3A_1112 = arith.constant 9 : i32
      %dma_wait3A_1113 = arith.constant 9 : i32
      %dma_wait3A_1114 = arith.constant 0 : i32
      %dma_wait3A_1115 = tpu.memref_slice %arg16[%dma_wait3A_1112, %dma_wait3A_1114] : memref<16x513xf32, #tpu.memory_space<vmem>> -> memref<1x512xf32, #tpu.memory_space<vmem>>
      %dma_wait3A_1116 = tpu.memref_squeeze %dma_wait3A_1115 : memref<1x512xf32, #tpu.memory_space<vmem>> -> memref<512xf32, #tpu.memory_space<vmem>>
      %dma_wait3A_1117 = tpu.memref_slice %arg7[%shift_right_logical3A_810, %dma_wait3A_1113, %multiple_of3A] : memref<8x16x65536xf32, #tpu.memory_space<hbm>> -> memref<1x1x512xf32, #tpu.memory_space<hbm>>
      %dma_wait3A_1118 = tpu.memref_squeeze %dma_wait3A_1117 : memref<1x1x512xf32, #tpu.memory_space<hbm>> -> memref<512xf32, #tpu.memory_space<hbm>>
      %dma_wait3A_1119 = tpu.memref_slice %arg7[%shift_right_logical3A_810, %dma_wait3A_1113, %multiple_of3A] : memref<8x16x65536xf32, #tpu.memory_space<hbm>> -> memref<1x1x512xf32, #tpu.memory_space<hbm>>
      %dma_wait3A_1120 = tpu.memref_squeeze %dma_wait3A_1119 : memref<1x1x512xf32, #tpu.memory_space<hbm>> -> memref<512xf32, #tpu.memory_space<hbm>>
      %dma_wait3A_1121 = arith.constant 0 : i32
      %dma_wait3A_1122 = tpu.memref_slice %arg16[%dma_wait3A_1112, %dma_wait3A_1121] : memref<16x513xf32, #tpu.memory_space<vmem>> -> memref<1x512xf32, #tpu.memory_space<vmem>>
      %dma_wait3A_1123 = tpu.memref_squeeze %dma_wait3A_1122 : memref<1x512xf32, #tpu.memory_space<vmem>> -> memref<512xf32, #tpu.memory_space<vmem>>
      tpu.wait_dma2 semaphore(%arg17 : memref<!tpu.dma_semaphore, #tpu.memory_space<semaphore_mem>>) src(%dma_wait3A_1123 : memref<512xf32, #tpu.memory_space<vmem>>) dst(%dma_wait3A_1120 : memref<512xf32, #tpu.memory_space<hbm>>)
      %dma_wait3A_1124 = arith.constant 10 : i32
      %dma_wait3A_1125 = arith.constant 10 : i32
      %dma_wait3A_1126 = arith.constant 0 : i32
      %dma_wait3A_1127 = tpu.memref_slice %arg16[%dma_wait3A_1124, %dma_wait3A_1126] : memref<16x513xf32, #tpu.memory_space<vmem>> -> memref<1x512xf32, #tpu.memory_space<vmem>>
      %dma_wait3A_1128 = tpu.memref_squeeze %dma_wait3A_1127 : memref<1x512xf32, #tpu.memory_space<vmem>> -> memref<512xf32, #tpu.memory_space<vmem>>
      %dma_wait3A_1129 = tpu.memref_slice %arg7[%shift_right_logical3A_810, %dma_wait3A_1125, %multiple_of3A] : memref<8x16x65536xf32, #tpu.memory_space<hbm>> -> memref<1x1x512xf32, #tpu.memory_space<hbm>>
      %dma_wait3A_1130 = tpu.memref_squeeze %dma_wait3A_1129 : memref<1x1x512xf32, #tpu.memory_space<hbm>> -> memref<512xf32, #tpu.memory_space<hbm>>
      %dma_wait3A_1131 = tpu.memref_slice %arg7[%shift_right_logical3A_810, %dma_wait3A_1125, %multiple_of3A] : memref<8x16x65536xf32, #tpu.memory_space<hbm>> -> memref<1x1x512xf32, #tpu.memory_space<hbm>>
      %dma_wait3A_1132 = tpu.memref_squeeze %dma_wait3A_1131 : memref<1x1x512xf32, #tpu.memory_space<hbm>> -> memref<512xf32, #tpu.memory_space<hbm>>
      %dma_wait3A_1133 = arith.constant 0 : i32
      %dma_wait3A_1134 = tpu.memref_slice %arg16[%dma_wait3A_1124, %dma_wait3A_1133] : memref<16x513xf32, #tpu.memory_space<vmem>> -> memref<1x512xf32, #tpu.memory_space<vmem>>
      %dma_wait3A_1135 = tpu.memref_squeeze %dma_wait3A_1134 : memref<1x512xf32, #tpu.memory_space<vmem>> -> memref<512xf32, #tpu.memory_space<vmem>>
      tpu.wait_dma2 semaphore(%arg17 : memref<!tpu.dma_semaphore, #tpu.memory_space<semaphore_mem>>) src(%dma_wait3A_1135 : memref<512xf32, #tpu.memory_space<vmem>>) dst(%dma_wait3A_1132 : memref<512xf32, #tpu.memory_space<hbm>>)
      %dma_wait3A_1136 = arith.constant 11 : i32
      %dma_wait3A_1137 = arith.constant 11 : i32
      %dma_wait3A_1138 = arith.constant 0 : i32
      %dma_wait3A_1139 = tpu.memref_slice %arg16[%dma_wait3A_1136, %dma_wait3A_1138] : memref<16x513xf32, #tpu.memory_space<vmem>> -> memref<1x512xf32, #tpu.memory_space<vmem>>
      %dma_wait3A_1140 = tpu.memref_squeeze %dma_wait3A_1139 : memref<1x512xf32, #tpu.memory_space<vmem>> -> memref<512xf32, #tpu.memory_space<vmem>>
      %dma_wait3A_1141 = tpu.memref_slice %arg7[%shift_right_logical3A_810, %dma_wait3A_1137, %multiple_of3A] : memref<8x16x65536xf32, #tpu.memory_space<hbm>> -> memref<1x1x512xf32, #tpu.memory_space<hbm>>
      %dma_wait3A_1142 = tpu.memref_squeeze %dma_wait3A_1141 : memref<1x1x512xf32, #tpu.memory_space<hbm>> -> memref<512xf32, #tpu.memory_space<hbm>>
      %dma_wait3A_1143 = tpu.memref_slice %arg7[%shift_right_logical3A_810, %dma_wait3A_1137, %multiple_of3A] : memref<8x16x65536xf32, #tpu.memory_space<hbm>> -> memref<1x1x512xf32, #tpu.memory_space<hbm>>
      %dma_wait3A_1144 = tpu.memref_squeeze %dma_wait3A_1143 : memref<1x1x512xf32, #tpu.memory_space<hbm>> -> memref<512xf32, #tpu.memory_space<hbm>>
      %dma_wait3A_1145 = arith.constant 0 : i32
      %dma_wait3A_1146 = tpu.memref_slice %arg16[%dma_wait3A_1136, %dma_wait3A_1145] : memref<16x513xf32, #tpu.memory_space<vmem>> -> memref<1x512xf32, #tpu.memory_space<vmem>>
      %dma_wait3A_1147 = tpu.memref_squeeze %dma_wait3A_1146 : memref<1x512xf32, #tpu.memory_space<vmem>> -> memref<512xf32, #tpu.memory_space<vmem>>
      tpu.wait_dma2 semaphore(%arg17 : memref<!tpu.dma_semaphore, #tpu.memory_space<semaphore_mem>>) src(%dma_wait3A_1147 : memref<512xf32, #tpu.memory_space<vmem>>) dst(%dma_wait3A_1144 : memref<512xf32, #tpu.memory_space<hbm>>)
      %dma_wait3A_1148 = arith.constant 12 : i32
      %dma_wait3A_1149 = arith.constant 12 : i32
      %dma_wait3A_1150 = arith.constant 0 : i32
      %dma_wait3A_1151 = tpu.memref_slice %arg16[%dma_wait3A_1148, %dma_wait3A_1150] : memref<16x513xf32, #tpu.memory_space<vmem>> -> memref<1x512xf32, #tpu.memory_space<vmem>>
      %dma_wait3A_1152 = tpu.memref_squeeze %dma_wait3A_1151 : memref<1x512xf32, #tpu.memory_space<vmem>> -> memref<512xf32, #tpu.memory_space<vmem>>
      %dma_wait3A_1153 = tpu.memref_slice %arg7[%shift_right_logical3A_810, %dma_wait3A_1149, %multiple_of3A] : memref<8x16x65536xf32, #tpu.memory_space<hbm>> -> memref<1x1x512xf32, #tpu.memory_space<hbm>>
      %dma_wait3A_1154 = tpu.memref_squeeze %dma_wait3A_1153 : memref<1x1x512xf32, #tpu.memory_space<hbm>> -> memref<512xf32, #tpu.memory_space<hbm>>
      %dma_wait3A_1155 = tpu.memref_slice %arg7[%shift_right_logical3A_810, %dma_wait3A_1149, %multiple_of3A] : memref<8x16x65536xf32, #tpu.memory_space<hbm>> -> memref<1x1x512xf32, #tpu.memory_space<hbm>>
      %dma_wait3A_1156 = tpu.memref_squeeze %dma_wait3A_1155 : memref<1x1x512xf32, #tpu.memory_space<hbm>> -> memref<512xf32, #tpu.memory_space<hbm>>
      %dma_wait3A_1157 = arith.constant 0 : i32
      %dma_wait3A_1158 = tpu.memref_slice %arg16[%dma_wait3A_1148, %dma_wait3A_1157] : memref<16x513xf32, #tpu.memory_space<vmem>> -> memref<1x512xf32, #tpu.memory_space<vmem>>
      %dma_wait3A_1159 = tpu.memref_squeeze %dma_wait3A_1158 : memref<1x512xf32, #tpu.memory_space<vmem>> -> memref<512xf32, #tpu.memory_space<vmem>>
      tpu.wait_dma2 semaphore(%arg17 : memref<!tpu.dma_semaphore, #tpu.memory_space<semaphore_mem>>) src(%dma_wait3A_1159 : memref<512xf32, #tpu.memory_space<vmem>>) dst(%dma_wait3A_1156 : memref<512xf32, #tpu.memory_space<hbm>>)
      %dma_wait3A_1160 = arith.constant 13 : i32
      %dma_wait3A_1161 = arith.constant 13 : i32
      %dma_wait3A_1162 = arith.constant 0 : i32
      %dma_wait3A_1163 = tpu.memref_slice %arg16[%dma_wait3A_1160, %dma_wait3A_1162] : memref<16x513xf32, #tpu.memory_space<vmem>> -> memref<1x512xf32, #tpu.memory_space<vmem>>
      %dma_wait3A_1164 = tpu.memref_squeeze %dma_wait3A_1163 : memref<1x512xf32, #tpu.memory_space<vmem>> -> memref<512xf32, #tpu.memory_space<vmem>>
      %dma_wait3A_1165 = tpu.memref_slice %arg7[%shift_right_logical3A_810, %dma_wait3A_1161, %multiple_of3A] : memref<8x16x65536xf32, #tpu.memory_space<hbm>> -> memref<1x1x512xf32, #tpu.memory_space<hbm>>
      %dma_wait3A_1166 = tpu.memref_squeeze %dma_wait3A_1165 : memref<1x1x512xf32, #tpu.memory_space<hbm>> -> memref<512xf32, #tpu.memory_space<hbm>>
      %dma_wait3A_1167 = tpu.memref_slice %arg7[%shift_right_logical3A_810, %dma_wait3A_1161, %multiple_of3A] : memref<8x16x65536xf32, #tpu.memory_space<hbm>> -> memref<1x1x512xf32, #tpu.memory_space<hbm>>
      %dma_wait3A_1168 = tpu.memref_squeeze %dma_wait3A_1167 : memref<1x1x512xf32, #tpu.memory_space<hbm>> -> memref<512xf32, #tpu.memory_space<hbm>>
      %dma_wait3A_1169 = arith.constant 0 : i32
      %dma_wait3A_1170 = tpu.memref_slice %arg16[%dma_wait3A_1160, %dma_wait3A_1169] : memref<16x513xf32, #tpu.memory_space<vmem>> -> memref<1x512xf32, #tpu.memory_space<vmem>>
      %dma_wait3A_1171 = tpu.memref_squeeze %dma_wait3A_1170 : memref<1x512xf32, #tpu.memory_space<vmem>> -> memref<512xf32, #tpu.memory_space<vmem>>
      tpu.wait_dma2 semaphore(%arg17 : memref<!tpu.dma_semaphore, #tpu.memory_space<semaphore_mem>>) src(%dma_wait3A_1171 : memref<512xf32, #tpu.memory_space<vmem>>) dst(%dma_wait3A_1168 : memref<512xf32, #tpu.memory_space<hbm>>)
      %dma_wait3A_1172 = arith.constant 14 : i32
      %dma_wait3A_1173 = arith.constant 14 : i32
      %dma_wait3A_1174 = arith.constant 0 : i32
      %dma_wait3A_1175 = tpu.memref_slice %arg16[%dma_wait3A_1172, %dma_wait3A_1174] : memref<16x513xf32, #tpu.memory_space<vmem>> -> memref<1x512xf32, #tpu.memory_space<vmem>>
      %dma_wait3A_1176 = tpu.memref_squeeze %dma_wait3A_1175 : memref<1x512xf32, #tpu.memory_space<vmem>> -> memref<512xf32, #tpu.memory_space<vmem>>
      %dma_wait3A_1177 = tpu.memref_slice %arg7[%shift_right_logical3A_810, %dma_wait3A_1173, %multiple_of3A] : memref<8x16x65536xf32, #tpu.memory_space<hbm>> -> memref<1x1x512xf32, #tpu.memory_space<hbm>>
      %dma_wait3A_1178 = tpu.memref_squeeze %dma_wait3A_1177 : memref<1x1x512xf32, #tpu.memory_space<hbm>> -> memref<512xf32, #tpu.memory_space<hbm>>
      %dma_wait3A_1179 = tpu.memref_slice %arg7[%shift_right_logical3A_810, %dma_wait3A_1173, %multiple_of3A] : memref<8x16x65536xf32, #tpu.memory_space<hbm>> -> memref<1x1x512xf32, #tpu.memory_space<hbm>>
      %dma_wait3A_1180 = tpu.memref_squeeze %dma_wait3A_1179 : memref<1x1x512xf32, #tpu.memory_space<hbm>> -> memref<512xf32, #tpu.memory_space<hbm>>
      %dma_wait3A_1181 = arith.constant 0 : i32
      %dma_wait3A_1182 = tpu.memref_slice %arg16[%dma_wait3A_1172, %dma_wait3A_1181] : memref<16x513xf32, #tpu.memory_space<vmem>> -> memref<1x512xf32, #tpu.memory_space<vmem>>
      %dma_wait3A_1183 = tpu.memref_squeeze %dma_wait3A_1182 : memref<1x512xf32, #tpu.memory_space<vmem>> -> memref<512xf32, #tpu.memory_space<vmem>>
      tpu.wait_dma2 semaphore(%arg17 : memref<!tpu.dma_semaphore, #tpu.memory_space<semaphore_mem>>) src(%dma_wait3A_1183 : memref<512xf32, #tpu.memory_space<vmem>>) dst(%dma_wait3A_1180 : memref<512xf32, #tpu.memory_space<hbm>>)
      %dma_wait3A_1184 = arith.constant 15 : i32
      %dma_wait3A_1185 = arith.constant 15 : i32
      %dma_wait3A_1186 = arith.constant 0 : i32
      %dma_wait3A_1187 = tpu.memref_slice %arg16[%dma_wait3A_1184, %dma_wait3A_1186] : memref<16x513xf32, #tpu.memory_space<vmem>> -> memref<1x512xf32, #tpu.memory_space<vmem>>
      %dma_wait3A_1188 = tpu.memref_squeeze %dma_wait3A_1187 : memref<1x512xf32, #tpu.memory_space<vmem>> -> memref<512xf32, #tpu.memory_space<vmem>>
      %dma_wait3A_1189 = tpu.memref_slice %arg7[%shift_right_logical3A_810, %dma_wait3A_1185, %multiple_of3A] : memref<8x16x65536xf32, #tpu.memory_space<hbm>> -> memref<1x1x512xf32, #tpu.memory_space<hbm>>
      %dma_wait3A_1190 = tpu.memref_squeeze %dma_wait3A_1189 : memref<1x1x512xf32, #tpu.memory_space<hbm>> -> memref<512xf32, #tpu.memory_space<hbm>>
      %dma_wait3A_1191 = tpu.memref_slice %arg7[%shift_right_logical3A_810, %dma_wait3A_1185, %multiple_of3A] : memref<8x16x65536xf32, #tpu.memory_space<hbm>> -> memref<1x1x512xf32, #tpu.memory_space<hbm>>
      %dma_wait3A_1192 = tpu.memref_squeeze %dma_wait3A_1191 : memref<1x1x512xf32, #tpu.memory_space<hbm>> -> memref<512xf32, #tpu.memory_space<hbm>>
      %dma_wait3A_1193 = arith.constant 0 : i32
      %dma_wait3A_1194 = tpu.memref_slice %arg16[%dma_wait3A_1184, %dma_wait3A_1193] : memref<16x513xf32, #tpu.memory_space<vmem>> -> memref<1x512xf32, #tpu.memory_space<vmem>>
      %dma_wait3A_1195 = tpu.memref_squeeze %dma_wait3A_1194 : memref<1x512xf32, #tpu.memory_space<vmem>> -> memref<512xf32, #tpu.memory_space<vmem>>
      tpu.wait_dma2 semaphore(%arg17 : memref<!tpu.dma_semaphore, #tpu.memory_space<semaphore_mem>>) src(%dma_wait3A_1195 : memref<512xf32, #tpu.memory_space<vmem>>) dst(%dma_wait3A_1192 : memref<512xf32, #tpu.memory_space<hbm>>)
    }
    %scan3A_8 = arith.constant 32 : i32
    return
  }
}

</mosaic_0001>

<sc_bundles>
// kernel: kernel.4.cloned.1.call-start
scs
__scs_entry_jumppad:
0x0: {  	(pc) =	sbr.rel $0x88, $3  }
0x1: {  	(tag) =	ssettag $0x0;
	lr =	simm.s32 $0x1  }
0x2: {  	[smem:$0x3F9C] =	sst lr;
	_ =	strace $0xD0000000  }
0x3: {  	_ = 	snop  }
0x4: {  	_ = 	snop  }
0x5: {  	_ = 	snop  }
0x6: {  	_ = 	snop  }
0x7: {  	_ = 	snop  }
__scs_overlays_trampoline_lowered:
0x8: {  	[smem:$0x3FAB] =	sst s0  }
0x9: {  	[smem:$0x3FAC] =	sst s1  }
0xa: {  	[smem:$0x3FAD] =	sst s2  }
0xb: {  	[smem:$0x3FAE] =	sst s3  }
0xc: {  	[smem:$0x3FAF] =	sst s4  }
0xd: {  	[smem:$0x3FB0] =	sst s5  }
0xe: {  	[smem:$0x3FB1] =	sst s6  }
0xf: {  	[smem:$0x3FB2] =	sst s7  }
0x10: {  	[smem:$0x3FB3] =	sst s8  }
0x11: {  	[smem:$0x3FB4] =	sst s9;
	s0 =	simm.s32 @!p0 $0x0  }
0x12: {  	s1 =	sld [smem:$0x3F9A];
	s0 =	simm.s32 @p0 $0x1  }
0x13: {  	[smem:$0x3FB5] =	sst s0;
	s0 =	simm.s32 @!p1 $0x0  }
0x14: {  	s2 =	sld [smem:$0x3F99];
	s0 =	simm.s32 @p1 $0x1  }
0x15: {  	[smem:$0x3FB6] =	sst s0;
	s0 =	simm.s32 @!p2 $0x0  }
0x16: {  	s3 =	sld [smem:$0x3FDB];
	s0 =	simm.s32 @p2 $0x1  }
0x17: {  	s4 =	simm.s32 $0x1BF5;
	[smem:$0x3FB8] =	sst s0  }
0x18: {  	s0 =	sld [smem:$0x3F9B];
	_ =	swait.ge [sflag:s4], $0x0  }
0x19: {  	s7 =	sld [smem:$0x3F9C]  }
0x1a: {  	s8 =	sadd.s32 $0xFFFFE003, lr  }
0x1b: {  	s9 =	sadd.s32 $0xFFFFFEF7, lr;
	s5 =	simm.s32 $0xFFFFFFFF;
	p2 =	slt.u32 s8, $0xFFFFF086  }
0x1c: {  	p1 =	slt.u32 s9, $0xF7A;
	s5 =	simm.s32 @!p2 $0x0  }
0x1d: {  	s5 =	simm.s32 @p1 $0x1;
	p0 =	seq.s32 s7, s2  }
0x1e: {  	s7 =	smul.u32 @!p0 $0xF7A, s2;
	p2 =	seq.s32 @!p0 s5, $0x0  }
0x1f: {  	s9 =	smul.u32 $0xF7A, s1;
	s8 =	simm.s32 @!p0 $0x1BF5;
	p2 =	por !p2, p0  }
0x20: {  	[sflag:s8] =	ssyncset.s32 @!p0 $0xFFFFF086;
	s6 =	sadd.s32 @!p0 s3, s7;
	s7 =	simm.s32 @!p0 $0x108  }
0x21: {  	s3 =	sadd.s32 s3, s9;
	s6 =	sadd.s32 @!p0 $0x88, s6;
	s7 =	simm.s32 @p2 $0x1082  }
0x22: {  	[simem:s7], [sflag:s8] =	dma.local @!p0 [hbm:s6], $0xF7A  }
0x23: {  	s9 =	sor.u32 $0xD0000000, s2;
	s6 =	simm.s32 $0x108;
	_ =	swait.ge @!p0 [sflag:s8], $0x0  }
0x24: {  	s3 =	sadd.s32 $0x88, s3;
	s6 =	simm.s32 @!p1 $0x1082;
	[sflag:s4] =	ssyncset.s32 $0xFFFFF086  }
0x25: {  	[simem:s6], [sflag:s4] =	dma.local [hbm:s3], $0xF7A  }
0x26: {  	[smem:$0x3F9C] =	sst s1;
	(tag) =	ssettag s2;
	_ =	strace s9  }
0x27: {  	s1 =	sld [smem:$0x3FAC]  }
0x28: {  	s2 =	sld [smem:$0x3FAD]  }
0x29: {  	s4 =	sld [smem:$0x3FAF]  }
0x2a: {  	p0 =	seq.s32 s5, $0x0;
	s5 =	sld [smem:$0x3FB0]  }
0x2b: {  	s6 =	sld [smem:$0x3FB1]  }
0x2c: {  	s7 =	sld [smem:$0x3FB2]  }
0x2d: {  	s3 =	simm.s32 $0x108;
	s8 =	sld [smem:$0x3FB3]  }
0x2e: {  	s3 =	simm.s32 @!p0 $0x1082;
	s9 =	sld [smem:$0x3FB4]  }
0x2f: {  	lr =	sadd.s32 s0, s3;
	s0 =	sld [smem:$0x3FAB]  }
0x30: {  	s3 =	sld [smem:$0x3FAE]  }
0x31: {  	[smem:$0x3FB7] =	sst s10  }
0x32: {  	s10 =	sld [smem:$0x3FB5];
	_ =	sdelay $0x3  }
0x33: {  	p0 =	seq.s32 s10, $0x1;
	s10 =	sld [smem:$0x3FB7];
	_ =	sdelay $0x3  }
0x34: {  	[smem:$0x3FB7] =	sst s10  }
0x35: {  	s10 =	sld [smem:$0x3FB6];
	_ =	sdelay $0x3  }
0x36: {  	p1 =	seq.s32 s10, $0x1;
	s10 =	sld [smem:$0x3FB7];
	_ =	sdelay $0x3  }
0x37: {  	[smem:$0x3FB7] =	sst s10  }
0x38: {  	s10 =	sld [smem:$0x3FB8]  }
0x39: {  	_ = 	snop;
	(pc) =	sbr.ind lr, $3  }
0x3a: {  	_ = 	snop  }
0x3b: {  	_ = 	snop  }
0x3c: {  	p2 =	seq.s32 s10, $0x1;
	s10 =	sld [smem:$0x3FB7]  }
0x3d: {  	_ =	shalt  }
0x3e: {  	_ =	shalt  }
0x3f: {  	_ =	shalt  }
0x40: {  	_ =	shalt  }
0x41: {  	_ =	shalt  }
0x42: {  	_ =	shalt  }
0x43: {  	_ =	shalt  }
0x44: {  	_ =	shalt  }
0x45: {  	_ =	shalt  }
0x46: {  	_ =	shalt  }
0x47: {  	_ =	shalt  }
0x48: {  	_ =	shalt  }
0x49: {  	_ =	shalt  }
0x4a: {  	_ =	shalt  }
0x4b: {  	_ =	shalt  }
0x4c: {  	_ =	shalt  }
0x4d: {  	_ =	shalt  }
0x4e: {  	_ =	shalt  }
0x4f: {  	_ =	shalt  }
0x50: {  	_ =	shalt  }
0x51: {  	_ =	shalt  }
0x52: {  	_ =	shalt  }
0x53: {  	_ =	shalt  }
0x54: {  	_ =	shalt  }
0x55: {  	_ =	shalt  }
0x56: {  	_ =	shalt  }
0x57: {  	_ =	shalt  }
0x58: {  	_ =	shalt  }
0x59: {  	_ =	shalt  }
0x5a: {  	_ =	shalt  }
0x5b: {  	_ =	shalt  }
0x5c: {  	_ =	shalt  }
0x5d: {  	_ =	shalt  }
0x5e: {  	_ =	shalt  }
0x5f: {  	_ =	shalt  }
0x60: {  	_ =	shalt  }
0x61: {  	_ =	shalt  }
0x62: {  	_ =	shalt  }
0x63: {  	_ =	shalt  }
0x64: {  	_ =	shalt  }
0x65: {  	_ =	shalt  }
0x66: {  	_ =	shalt  }
0x67: {  	_ =	shalt  }
0x68: {  	_ =	shalt  }
0x69: {  	_ =	shalt  }
0x6a: {  	_ =	shalt  }
0x6b: {  	_ =	shalt  }
0x6c: {  	_ =	shalt  }
0x6d: {  	_ =	shalt  }
0x6e: {  	_ =	shalt  }
0x6f: {  	_ =	shalt  }
0x70: {  	_ =	shalt  }
0x71: {  	_ =	shalt  }
0x72: {  	_ =	shalt  }
0x73: {  	_ =	shalt  }
0x74: {  	_ =	shalt  }
0x75: {  	_ =	shalt  }
0x76: {  	_ =	shalt  }
0x77: {  	_ =	shalt  }
0x78: {  	_ =	shalt  }
0x79: {  	_ =	shalt  }
0x7a: {  	_ =	shalt  }
0x7b: {  	_ =	shalt  }
0x7c: {  	_ =	shalt  }
0x7d: {  	_ =	shalt  }
0x7e: {  	_ =	shalt  }
0x7f: {  	_ =	shalt  }
0x80: {  	_ =	shalt  }
0x81: {  	_ =	shalt  }
0x82: {  	_ =	shalt  }
0x83: {  	_ =	shalt  }
0x84: {  	_ =	shalt  }
0x85: {  	_ =	shalt  }
0x86: {  	_ =	shalt  }
0x87: {  	_ =	shalt  }
.Lfunc_end0:
.L_simem_size_0:
called_computation_lowered:
.L_overlay_start_0:
0x88: {  	s2 =	sld [smem:$0x3FD9]  }
0x89: {  	s3 =	sld [smem:$0x3FFE];
	_ =	sdelay $0x1  }
0x8a: {  	s1 =	srdreg.scid  }
0x8b: {  	s0 =	sand.u32 $0x1, s1  }
0x8c: {  	s17 =	sshll.u32 s0, $0xA;
	s2 =	sadd.s32 s3, s2  }
0x8d: {  	s2 =	sadd.s32 s2, s17  }
0x8e: {  	[smem:$0x3FC3] =	sst s2  }
0x8f: {  	_ = 	snop  }
0x90: {  	s2 =	sld [smem:$0x3FD0];
	(tm) =	ssettm $0x1  }
0x91: {  	s18 =	sld [smem:$0x3FFB];
	_ =	sdelay $0x3  }
0x92: {  	_ =	strace s18  }
0x93: {  	s3 =	sld [smem:$0x3FFC];
	_ =	sdelay $0x3  }
0x94: {  	_ =	strace s3  }
0x95: {  	s3 =	sld [smem:$0x3FFD];
	_ =	sdelay $0x3  }
0x96: {  	_ =	strace s3  }
0x97: {  	_ =	strace $0x8FFFFFFF  }
0x98: {  	s19 =	sld [smem:$0x3FDB];
	_ =	sdelay $0x1  }
0x99: {  	s4 =	simm.s32 $_scs_section_size  }
0x9a: {  	s5 =	simm.s32 $_size__tile_overlayer_lowered;
	s6 =	simm.s32 $_tile_overlayer_lowered  }
0x9b: {  	s22 =	simm.s32 $0x1BFF;
	s21 =	sshll.u32 s6, $0x1;
	s3 =	sadd.s32 s4, s19  }
0x9c: {  	s7 =	simm.s32 $0x0;
	s20 =	sshll.u32 s5, $0x1;
	s5 =	sadd.s32 s21, s3  }
0x9d: {  	[timem:s7], [sflag:s22] =	dma.local [hbm:s5], s20  }
0x9e: {  	_ =	swait.ge [sflag:s22], s20  }
0x9f: {  	s4 =	ssub.s32 $0x0, s20;
	[sflag:s22] =	ssyncset.done $0x0  }
0xa0: {  	[sflag:s22] =	ssyncadd.s32 s4;
	_ =	sdelay $0x1  }
0xa1: {  	s23 =	simm.s32 $0x1B8B  }
0xa2: {  	_ =	swait.ge [sflag:s23], $0x1  }
0xa3: {  	[sflag:s23] =	ssyncset.done $0x0  }
0xa4: {  	s25 =	simm.s32 $0x1B8E;
	s24 =	sld [smem:$0x3FFE];
	[sflag:s23] =	ssyncadd.s32 $0xFFFFFFFF  }
0xa5: {  	s26 =	simm.s32 $execute0_lowered;
	[smem:$0x3FD2] =	sst s25  }
0xa6: {  	s5 =	sshll.u32 s26, $0x1;
	_ =	strace $0x80000046;
	[dreg:$0x1] =	wrdreg $0xFFFFFFFF  }
0xa7: {  	s28 =	simm.s32 $_size_execute0_lowered;
	s3 =	sadd.s32 s3, s5;
	[dreg:$0x0] =	wrdreg $0x0  }
0xa8: {  	s5 =	sshll.u32 s28, $0x1;
	[dreg:$0x2] =	wrdreg s3  }
0xa9: {  	[dreg:$0x3] =	wrdreg s5  }
0xaa: {  	[dreg:$0x4] =	wrdreg $0xC0  }
0xab: {  	_ =	task [dreg:s7], $0x5FFFF  }
0xac: {  	[dreg:$0x1] =	wrdreg $0xFFFFFFFF  }
0xad: {  	[dreg:$0x0] =	wrdreg $0x60  }
0xae: {  	[dreg:$0x2] =	wrdreg s24  }
0xaf: {  	[dreg:$0x3] =	wrdreg s2  }
0xb0: {  	[dreg:$0x4] =	wrdreg $0x9  }
0xb1: {  	_ =	task.clear_ibuf [dreg:s7], $0x5FFFF;
	_ =	strace $0x90000046  }
0xb2: {  	s29 =	simm.s32 $0x9;
	_ =	strace $0x80000048  }
0xb3: {  	_ =	swait.ge [sflag:s29], $0x1  }
0xb4: {  	[sflag:s29] =	ssyncadd.s32 $0xFFFFFFFF  }
0xb5: {  	_ =	strace $0x90000048  }
0xb6: {  	_ =	sfence  }
0xb7: {  	s30 =	sld [smem:$0x0];
	_ =	sdelay $0x2  }
0xb8: {  	s31 =	sshll.u32 s1, $0xD;
	s1 =	sshrl.u32 s1, $0x2  }
0xb9: {  	s3 =	sand.u32 $0x4000, s31;
	s1 =	sadd.s32 s1, s30  }
0xba: {  	s0 =	sor.u32 s3, s0;
	s1 =	sshll.u32 s1, $0x11  }
0xbb: {  	s0 =	sor.u32 s1, s0  }
0xbc: {  	s0 =	sadd.s32 $0x8F2B, s0  }
0xbd: {  	[sflag:s0] =	ssyncadd.remote.s32 $0x1  }
0xbe: {  	_ =	sfence.sel $0xFFFF  }
0xbf: {  	[dreg:$0x0] =	wrdreg $0xFFFFFFFF;
	(pc) =	sbr.abs _section_cstart, $3  }
0xc0: {  	[dreg:$0x1] =	wrdreg $0xFFFFFFFF  }
0xc1: {  	_ =	task.clear_ibuf [dreg:s7], $0x2FFFF;
	_ =	strace $0x9FFFFFFF  }
0xc2: {  	(tm) =	ssettm $0x7FFFFFFF  }
0xc3: {  	_ =	shalt  }
tec
execute0_lowered:
.L_overlay_start_1:
0x0: {  	(tag) =	ssettag $0x1  }
0x1: {  	s0 =	rddreg [dreg:$0x0];
	s2 =	simm.s32 $0x0;
	s1 =	srdreg.scid  }
0x2: {  	s10 =	stileid.u32;
	s11 =	simm.s32 $0x3;
	s13 =	simm.s32 $0x1400  }
0x3: {  	s14 =	simm.s32 $0x2;
	s16 =	simm.s32 $0x5400;
	s17 =	simm.s32 $0x9400  }
0x4: {  	s22 =	simm.s32 $0xA828;
	s23 =	simm.s32 $0xAC30;
	s24 =	simm.s32 $0xB038  }
0x5: {  	s28 =	simm.s32 $0xBC50;
	s29 =	simm.s32 $0xC058;
	s30 =	simm.s32 $0xC460  }
0x6: {  	s31 =	simm.s32 $0xC868;
	s15 =	simm.s32 $0x0;
	[smem:$0x7FF] =	sst s2  }
0x7: {  	s3 =	sadd.s32 $0x9E800, s0;
	s1 =	sand.u32 $0x1, s1;
	s5 =	sadd.s32 $0x8D000, s0  }
0x8: {  	s6 =	sadd.s32 $0x1600, s0;
	s7 =	sadd.s32 $0xD2600, s0;
	s8 =	sadd.s32 $0x1E7000, s0  }
.Ltmp0:
0x9: {  	s26 =	sshll.u32 s10, $0x1;
	s4 =	ssub.s32 $0x2, s1;
	(pc) =	sbr.rel .LBB2_1-.Ltmp0, $4  }
0xa: {  	s10 =	simm.s32 $0x1;
	_ =	strace $0x80000047;
	s9 =	sshrl.u32 s4, $0x1  }
0xb: {  	s25 =	ssub.s32 s4, s9;
	s9 =	sor.u32 s1, s26;
	s26 =	simm.s32 $0xB848  }
0xc: {  	v1 =	vlaneseq.u32;
	s4 =	simm.s32 $0xD078;
	s1 =	simm.s32 $0xD480;
	s0 =	smax.u32 s25, $0x1  }
0xd: {  	v0 =	vmul.u32 $0x10, v1;
	v1 =	vmul.u32 $0x408, v1;
	s25 =	simm.s32 $0xB440;
	[dreg:$0x3] =	wrdreg s0;
	s0 =	simm.s32 $0xCC70  }
.LBB2_19:
0xe: {  	s15 =	rddreg [dreg:$0x4]  }
0xf: {  	s12 =	rddreg [dreg:$0x3];
	s15 =	sadd.s32 $0x1, s15  }
0x10: {  	p0 =	sne.s32 s15, s12  }
.Ltmp1:
0x11: {  	_ = 	snop;
	(pc) =	sbr.rel @!p0 .LBB2_20-.Ltmp1, $1  }
0x12: {  	_ =	sdelay $0x3  }
.LBB2_1:
.Ltmp2:
0x13: {  	(pc) =	sbr.rel .LBB2_2-.Ltmp2, $2  }
0x14: {  	_ =	sdelay $0x2  }
0x15: {  	[dreg:$0x4] =	wrdreg s15;
	s12 =	simm.s32 $0x0  }
.LBB2_6:
0x16: {  	s12 =	sadd.s32 $0x1, s12  }
0x17: {  	p0 =	sne.s32 s12, $0x12  }
.Ltmp3:
0x18: {  	_ = 	snop;
	(pc) =	sbr.rel @!p0 .LBB2_7-.Ltmp3, $1  }
0x19: {  	_ =	sdelay $0x3  }
.LBB2_2:
0x1a: {  	s15 =	sshll.u32 s12, $0x5  }
0x1b: {  	s15 =	sor.u32 s9, s15  }
0x1c: {  	p0 =	sgt.u32 s15, $0x229  }
.Ltmp4:
0x1d: {  	_ = 	snop;
	(pc) =	sbr.rel @p0 .LBB2_6-.Ltmp4, $1  }
0x1e: {  	_ =	sdelay $0x3  }
0x1f: {  	s15 =	sshll.u32 s15, $0xA  }
0x20: {  	s15 =	smin.u32 s15, $0x8A028  }
0x21: {  	s18 =	sshrl.u32 s15, $0x3  }
0x22: {  	s19 =	simm.s32 $0x0;
	s18 =	sadd.s32 s3, s18  }
0x23: {  	[tilespmem:s19], [sflag:$0x3] =	stream.linear.gather [hbm4b:s18+s19], $0x400, $0x38;
	[tilespmem:$0x11480] =	vst v63  }
0x24: {  	s20 =	sadd.s32 $0x8A428, s15;
	_ =	swait.ge [sflag:s11], $0x400  }
0x25: {  	s20 =	sshrl.u32 s20, $0x3;
	[sflag:s11] =	ssyncset.done $0x0  }
0x26: {  	s21 =	simm.s32 $0x400;
	s20 =	sadd.s32 s3, s20;
	[sflag:s11] =	ssyncadd.s32 $0xFFFFFC00  }
0x27: {  	[tilespmem:s21], [sflag:$0x3] =	stream.linear.gather [hbm4b:s20+s19], $0x400, $0x38;
	[tilespmem:$0x11480] =	vst v63  }
0x28: {  	_ =	swait.ge [sflag:s11], $0x400  }
0x29: {  	[sflag:s11] =	ssyncset.done $0x0  }
0x2a: {  	s21 =	sadd.s32 $0x2290A, s18;
	s18 =	simm.s32 $0x800;
	[sflag:s11] =	ssyncadd.s32 $0xFFFFFC00  }
0x2b: {  	[tilespmem:s18], [sflag:$0x3] =	stream.linear.gather [hbm4b:s21+s19], $0x400, $0x38;
	[tilespmem:$0x11480] =	vst v63  }
0x2c: {  	_ =	swait.ge [sflag:s11], $0x400  }
0x2d: {  	v2 =	vmov s19;
	[sflag:s11] =	ssyncset.done $0x0  }
0x2e: {  	v2 =	vshll.u32 v2, $0x4;
	[sflag:s11] =	ssyncadd.s32 $0xFFFFFC00  }
0x2f: {  	v4 =	vor.u32 v0, v2;
	v3 =	vld [tilespmem:s18+$0xFFFFF800];
	_ =	sdelay $0x2  }
0x30: {  	v6 =	vor.u32 $0x1, v4;
	v5 =	vld [tilespmem:s18+$0xFFFFFC00];
	_ =	sdelay $0x1  }
0x31: {  	v2 =	vld [tilespmem:s18+$0x0];
	[tilespmem:v4+s13+$0x0] =	vst.idx.msk $0xffff, v3;
	v3 =	vor.u32 $0x2, v4;
	_ =	sdelay $0x1  }
0x32: {  	s21 =	simm.s32 $0x10  }
0x33: {  	s19 =	simm.s32 $0x20;
	v4 =	vmov s21;
	[tilespmem:v6+s13+$0x0] =	vst.idx.msk $0xffff, v5  }
.LBB2_4:
0x34: {  	p0 =	sne.s32 s19, $0x3F0  }
0x35: {  	v4 =	vshll.u32 v4, $0x4;
	[tilespmem:v3+s13+$0x0] =	vst.idx.msk $0xffff, v2;
	s18 =	sadd.s32 $0x10, s18;
	s20 =	smov.u32 s19;
	s19 =	sadd.s32 $0x10, s19  }
0x36: {  	v5 =	vld [tilespmem:s18+$0xFFFFF800];
	v4 =	vor.u32 v0, v4  }
0x37: {  	v6 =	vld [tilespmem:s18+$0xFFFFFC00];
	v7 =	vor.u32 $0x1, v4  }
.Ltmp5:
0x38: {  	v3 =	vor.u32 $0x2, v4;
	v2 =	vld [tilespmem:s18+$0x0];
	(pc) =	sbr.rel @p0 .LBB2_4-.Ltmp5, $3  }
0x39: {  	_ =	sdelay $0x1  }
0x3a: {  	[tilespmem:v4+s13+$0x0] =	vst.idx.msk $0xffff, v5  }
0x3b: {  	v4 =	vmov s20;
	[tilespmem:v7+s13+$0x0] =	vst.idx.msk $0xffff, v6  }
0x3c: {  	_ =	sdelay $0x3  }
0x3d: {  	v4 =	vshll.u32 v4, $0x4;
	[tilespmem:v3+s13+$0x0] =	vst.idx.msk $0xffff, v2;
	s18 =	sadd.s32 $0x10, s18  }
0x3e: {  	v2 =	vld [tilespmem:s18+$0xFFFFF800];
	v3 =	vor.u32 v0, v4  }
0x3f: {  	v63 =	vld [tilespmem:s18+$0xFFFFFC00];
	v5 =	vor.u32 $0x1, v3  }
0x40: {  	v6 =	vld [tilespmem:s18+$0x0];
	v7 =	vor.u32 $0x2, v3;
	_ =	sdelay $0x2  }
0x41: {  	[tilespmem:v3+s13+$0x0] =	vst.idx.msk $0xffff, v2  }
0x42: {  	s15 =	sshll.u32 s15, $0x1;
	[tilespmem:v5+s13+$0x0] =	vst.idx.msk $0xffff, v63  }
.Ltmp6:
0x43: {  	s15 =	sadd.s32 s7, s15;
	[tilespmem:v7+s13+$0x0] =	vst.idx.msk $0xffff, v6;
	(pc) =	sbr.rel .LBB2_6-.Ltmp6, $4  }
0x44: {  	[hbm4b:s15+s2] =	stream.linear.scatter [tilespmem:s13], [sflag:$0x2], $0x4000, $0x38;
	[tilespmem:$0x11480] =	vst v63  }
0x45: {  	_ =	swait.ge [sflag:s14], $0x4000  }
0x46: {  	[sflag:s14] =	ssyncset.done $0x0  }
0x47: {  	[sflag:s14] =	ssyncadd.s32 $0xFFFFC000  }
.LBB2_7:
.Ltmp7:
0x48: {  	(pc) =	sbr.rel .LBB2_8-.Ltmp7, $2  }
0x49: {  	_ =	sdelay $0x2  }
0x4a: {  	s12 =	simm.s32 $0x0  }
.LBB2_12:
0x4b: {  	s12 =	sadd.s32 $0x1, s12  }
0x4c: {  	p0 =	sne.s32 s12, $0x9  }
.Ltmp8:
0x4d: {  	_ = 	snop;
	(pc) =	sbr.rel @!p0 .LBB2_13-.Ltmp8, $1  }
0x4e: {  	_ =	sdelay $0x3  }
.LBB2_8:
0x4f: {  	s15 =	sshll.u32 s12, $0x5  }
0x50: {  	s15 =	sor.u32 s9, s15  }
0x51: {  	p0 =	sgt.u32 s15, $0x116  }
.Ltmp9:
0x52: {  	_ = 	snop;
	(pc) =	sbr.rel @p0 .LBB2_12-.Ltmp9, $1  }
0x53: {  	_ =	sdelay $0x3  }
0x54: {  	s15 =	sshll.u32 s15, $0xA  }
0x55: {  	s15 =	smin.u32 s15, $0x457E8  }
0x56: {  	s18 =	sshrl.u32 s15, $0x3  }
0x57: {  	s19 =	simm.s32 $0x0;
	s20 =	simm.s32 $0xC00;
	s18 =	sadd.s32 s5, s18  }
0x58: {  	[tilespmem:s20], [sflag:$0x3] =	stream.linear.gather [hbm4b:s18+s19], $0x400, $0x38;
	[tilespmem:$0x11480] =	vst v63  }
0x59: {  	s20 =	sadd.s32 $0x45BE8, s15;
	_ =	swait.ge [sflag:s11], $0x400  }
0x5a: {  	s18 =	sshrl.u32 s20, $0x3;
	[sflag:s11] =	ssyncset.done $0x0  }
0x5b: {  	s21 =	sadd.s32 s5, s18;
	s18 =	simm.s32 $0x1000;
	[sflag:s11] =	ssyncadd.s32 $0xFFFFFC00  }
0x5c: {  	[tilespmem:s18], [sflag:$0x3] =	stream.linear.gather [hbm4b:s21+s19], $0x400, $0x38;
	[tilespmem:$0x11480] =	vst v63  }
0x5d: {  	_ =	swait.ge [sflag:s11], $0x400  }
0x5e: {  	v2 =	vmov s19;
	[sflag:s11] =	ssyncset.done $0x0  }
0x5f: {  	v2 =	vshll.u32 v2, $0x4;
	[sflag:s11] =	ssyncadd.s32 $0xFFFFFC00  }
0x60: {  	v6 =	vor.u32 v0, v2;
	v5 =	vld [tilespmem:s18+$0xFFFFFC00]  }
0x61: {  	v3 =	vor.u32 $0x1, v6;
	v2 =	vld [tilespmem:s18+$0x0];
	_ =	sdelay $0x2  }
0x62: {  	s21 =	simm.s32 $0x10  }
0x63: {  	s19 =	simm.s32 $0x20;
	v4 =	vmov s21;
	[tilespmem:v6+s16+$0x0] =	vst.idx.msk $0xffff, v5  }
.LBB2_10:
0x64: {  	p0 =	sne.s32 s19, $0x3F0;
	v4 =	vshll.u32 v4, $0x4;
	[tilespmem:v3+s16+$0x0] =	vst.idx.msk $0xffff, v2;
	s18 =	sadd.s32 $0x10, s18  }
0x65: {  	v5 =	vld [tilespmem:s18+$0xFFFFFC00];
	v6 =	vor.u32 v0, v4  }
.Ltmp10:
0x66: {  	v2 =	vld [tilespmem:s18+$0x0];
	v3 =	vor.u32 $0x1, v6;
	(pc) =	sbr.rel @p0 .LBB2_10-.Ltmp10, $2  }
0x67: {  	_ =	sdelay $0x2  }
0x68: {  	v4 =	vmov s19;
	s19 =	sadd.s32 $0x10, s19;
	[tilespmem:v6+s16+$0x0] =	vst.idx.msk $0xffff, v5  }
0x69: {  	_ =	sdelay $0x3  }
0x6a: {  	v4 =	vshll.u32 v4, $0x4;
	[tilespmem:v3+s16+$0x0] =	vst.idx.msk $0xffff, v2;
	s18 =	sadd.s32 $0x10, s18  }
0x6b: {  	v2 =	vld [tilespmem:s18+$0xFFFFFC00];
	v3 =	vor.u32 v0, v4  }
0x6c: {  	v63 =	vld [tilespmem:s18+$0x0];
	v5 =	vor.u32 $0x1, v3;
	_ =	sdelay $0x3  }
0x6d: {  	s15 =	sshll.u32 s15, $0x1;
	s21 =	rddreg [dreg:$0x1];
	[tilespmem:v3+s16+$0x0] =	vst.idx.msk $0xffff, v2  }
.Ltmp11:
0x6e: {  	s15 =	sadd.s32 s21, s15;
	[tilespmem:v5+s16+$0x0] =	vst.idx.msk $0xffff, v63;
	(pc) =	sbr.rel .LBB2_12-.Ltmp11, $4  }
0x6f: {  	[hbm4b:s15+s2] =	stream.linear.scatter [tilespmem:s16], [sflag:$0x2], $0x4000, $0x38;
	[tilespmem:$0x11480] =	vst v63  }
0x70: {  	_ =	swait.ge [sflag:s14], $0x4000  }
0x71: {  	[sflag:s14] =	ssyncset.done $0x0  }
0x72: {  	[sflag:s14] =	ssyncadd.s32 $0xFFFFC000  }
.LBB2_13:
.Ltmp12:
0x73: {  	(pc) =	sbr.rel .LBB2_14-.Ltmp12, $2  }
0x74: {  	_ =	sdelay $0x2  }
0x75: {  	s12 =	simm.s32 $0x0  }
.LBB2_18:
0x76: {  	s12 =	sadd.s32 $0x1, s12  }
0x77: {  	p0 =	sne.s32 s12, $0x9  }
.Ltmp13:
0x78: {  	_ = 	snop;
	(pc) =	sbr.rel @!p0 .LBB2_19-.Ltmp13, $1  }
0x79: {  	_ =	sdelay $0x3  }
.LBB2_14:
0x7a: {  	s15 =	sshll.u32 s12, $0x5  }
0x7b: {  	s15 =	sor.u32 s9, s15  }
0x7c: {  	p0 =	sgt.u32 s15, $0x116  }
.Ltmp14:
0x7d: {  	_ = 	snop;
	(pc) =	sbr.rel @p0 .LBB2_18-.Ltmp14, $1  }
0x7e: {  	_ =	sdelay $0x3  }
0x7f: {  	s15 =	sshll.u32 s15, $0xA  }
0x80: {  	s15 =	smin.u32 s15, $0x457E8  }
0x81: {  	s18 =	sshrl.u32 s15, $0x3;
	s20 =	sadd.s32 $0x45BE8, s15  }
0x82: {  	s19 =	sadd.s32 s6, s18;
	s18 =	simm.s32 $0x0;
	s20 =	sshrl.u32 s20, $0x3  }
0x83: {  	[tilespmem:s17], [sflag:$0x1] =	stream.linear.gather [hbm4b:s19+s18], $0x400, $0x38;
	[tilespmem:$0x11480] =	vst v63  }
0x84: {  	s21 =	simm.s32 $0x9808;
	s20 =	sadd.s32 s6, s20  }
0x85: {  	[tilespmem:s21], [sflag:$0x1] =	stream.linear.gather [hbm4b:s20+s18], $0x400, $0x38;
	[tilespmem:$0x11480] =	vst v63  }
0x86: {  	s20 =	sadd.s32 $0x116FA, s19;
	s21 =	simm.s32 $0x9C10  }
0x87: {  	[tilespmem:s21], [sflag:$0x1] =	stream.linear.gather [hbm4b:s20+s18], $0x400, $0x38;
	[tilespmem:$0x11480] =	vst v63  }
0x88: {  	s21 =	sadd.s32 $0xD13B8, s15  }
0x89: {  	s20 =	sshrl.u32 s21, $0x3  }
0x8a: {  	s21 =	simm.s32 $0xA018;
	s20 =	sadd.s32 s6, s20  }
0x8b: {  	[tilespmem:s21], [sflag:$0x1] =	stream.linear.gather [hbm4b:s20+s18], $0x400, $0x38;
	[tilespmem:$0x11480] =	vst v63  }
0x8c: {  	s20 =	sadd.s32 $0x22DF4, s19;
	s21 =	simm.s32 $0xA420  }
0x8d: {  	[tilespmem:s21], [sflag:$0x1] =	stream.linear.gather [hbm4b:s20+s18], $0x400, $0x38;
	[tilespmem:$0x11480] =	vst v63  }
0x8e: {  	s21 =	sadd.s32 $0x15CB88, s15  }
0x8f: {  	s20 =	sshrl.u32 s21, $0x3  }
0x90: {  	s20 =	sadd.s32 s6, s20  }
0x91: {  	[tilespmem:s22], [sflag:$0x1] =	stream.linear.gather [hbm4b:s20+s18], $0x400, $0x38;
	[tilespmem:$0x11480] =	vst v63  }
0x92: {  	s21 =	sadd.s32 $0x344EE, s19  }
0x93: {  	[tilespmem:s23], [sflag:$0x1] =	stream.linear.gather [hbm4b:s21+s18], $0x400, $0x38;
	[tilespmem:$0x11480] =	vst v63  }
0x94: {  	s21 =	sadd.s32 $0x1E8358, s15  }
0x95: {  	s20 =	sshrl.u32 s21, $0x3  }
0x96: {  	s20 =	sadd.s32 s6, s20  }
0x97: {  	[tilespmem:s24], [sflag:$0x1] =	stream.linear.gather [hbm4b:s20+s18], $0x400, $0x38;
	[tilespmem:$0x11480] =	vst v63  }
0x98: {  	s21 =	sadd.s32 $0x45BE8, s19  }
0x99: {  	[tilespmem:s25], [sflag:$0x1] =	stream.linear.gather [hbm4b:s21+s18], $0x400, $0x38;
	[tilespmem:$0x11480] =	vst v63  }
0x9a: {  	s21 =	sadd.s32 $0x273B28, s15  }
0x9b: {  	s20 =	sshrl.u32 s21, $0x3  }
0x9c: {  	s20 =	sadd.s32 s6, s20  }
0x9d: {  	[tilespmem:s26], [sflag:$0x1] =	stream.linear.gather [hbm4b:s20+s18], $0x400, $0x38;
	[tilespmem:$0x11480] =	vst v63  }
0x9e: {  	s21 =	sadd.s32 $0x572E2, s19  }
0x9f: {  	[tilespmem:s28], [sflag:$0x1] =	stream.linear.gather [hbm4b:s21+s18], $0x400, $0x38;
	[tilespmem:$0x11480] =	vst v63  }
0xa0: {  	s21 =	sadd.s32 $0x2FF2F8, s15  }
0xa1: {  	s20 =	sshrl.u32 s21, $0x3  }
0xa2: {  	s20 =	sadd.s32 s6, s20  }
0xa3: {  	[tilespmem:s29], [sflag:$0x1] =	stream.linear.gather [hbm4b:s20+s18], $0x400, $0x38;
	[tilespmem:$0x11480] =	vst v63  }
0xa4: {  	s21 =	sadd.s32 $0x689DC, s19  }
0xa5: {  	[tilespmem:s30], [sflag:$0x1] =	stream.linear.gather [hbm4b:s21+s18], $0x400, $0x38;
	[tilespmem:$0x11480] =	vst v63  }
0xa6: {  	s21 =	sadd.s32 $0x38AAC8, s15  }
0xa7: {  	s20 =	sshrl.u32 s21, $0x3  }
0xa8: {  	s20 =	sadd.s32 s6, s20  }
0xa9: {  	[tilespmem:s31], [sflag:$0x1] =	stream.linear.gather [hbm4b:s20+s18], $0x400, $0x38;
	[tilespmem:$0x11480] =	vst v63  }
0xaa: {  	s19 =	sadd.s32 $0x7A0D6, s19;
	s21 =	sadd.s32 $0x416298, s15  }
0xab: {  	[tilespmem:s0], [sflag:$0x1] =	stream.linear.gather [hbm4b:s19+s18], $0x400, $0x38;
	[tilespmem:$0x11480] =	vst v63  }
0xac: {  	s19 =	sshrl.u32 s21, $0x3  }
0xad: {  	s19 =	sadd.s32 s6, s19  }
0xae: {  	[tilespmem:s4], [sflag:$0x1] =	stream.linear.gather [hbm4b:s19+s18], $0x400, $0x38;
	[tilespmem:$0x11480] =	vst v63  }
0xaf: {  	_ =	swait.ge [sflag:s10], $0x400  }
0xb0: {  	[sflag:s10] =	ssyncset.done $0x0  }
0xb1: {  	[sflag:s10] =	ssyncadd.s32 $0xFFFFFC00  }
0xb2: {  	_ =	swait.ge [sflag:s10], $0x400  }
0xb3: {  	[sflag:s10] =	ssyncset.done $0x0  }
0xb4: {  	[sflag:s10] =	ssyncadd.s32 $0xFFFFFC00  }
0xb5: {  	_ =	swait.ge [sflag:s10], $0x400  }
0xb6: {  	[sflag:s10] =	ssyncset.done $0x0  }
0xb7: {  	[sflag:s10] =	ssyncadd.s32 $0xFFFFFC00  }
0xb8: {  	_ =	swait.ge [sflag:s10], $0x400  }
0xb9: {  	[sflag:s10] =	ssyncset.done $0x0  }
0xba: {  	[sflag:s10] =	ssyncadd.s32 $0xFFFFFC00  }
0xbb: {  	_ =	swait.ge [sflag:s10], $0x400  }
0xbc: {  	[sflag:s10] =	ssyncset.done $0x0  }
0xbd: {  	[sflag:s10] =	ssyncadd.s32 $0xFFFFFC00  }
0xbe: {  	_ =	swait.ge [sflag:s10], $0x400  }
0xbf: {  	[sflag:s10] =	ssyncset.done $0x0  }
0xc0: {  	[sflag:s10] =	ssyncadd.s32 $0xFFFFFC00  }
0xc1: {  	_ =	swait.ge [sflag:s10], $0x400  }
0xc2: {  	[sflag:s10] =	ssyncset.done $0x0  }
0xc3: {  	[sflag:s10] =	ssyncadd.s32 $0xFFFFFC00  }
0xc4: {  	_ =	swait.ge [sflag:s10], $0x400  }
0xc5: {  	[sflag:s10] =	ssyncset.done $0x0  }
0xc6: {  	[sflag:s10] =	ssyncadd.s32 $0xFFFFFC00  }
0xc7: {  	_ =	swait.ge [sflag:s10], $0x400  }
0xc8: {  	[sflag:s10] =	ssyncset.done $0x0  }
0xc9: {  	[sflag:s10] =	ssyncadd.s32 $0xFFFFFC00  }
0xca: {  	_ =	swait.ge [sflag:s10], $0x400  }
0xcb: {  	[sflag:s10] =	ssyncset.done $0x0  }
0xcc: {  	[sflag:s10] =	ssyncadd.s32 $0xFFFFFC00  }
0xcd: {  	_ =	swait.ge [sflag:s10], $0x400  }
0xce: {  	[sflag:s10] =	ssyncset.done $0x0  }
0xcf: {  	[sflag:s10] =	ssyncadd.s32 $0xFFFFFC00  }
0xd0: {  	_ =	swait.ge [sflag:s10], $0x400  }
0xd1: {  	[sflag:s10] =	ssyncset.done $0x0  }
0xd2: {  	[sflag:s10] =	ssyncadd.s32 $0xFFFFFC00  }
0xd3: {  	_ =	swait.ge [sflag:s10], $0x400  }
0xd4: {  	[sflag:s10] =	ssyncset.done $0x0  }
0xd5: {  	[sflag:s10] =	ssyncadd.s32 $0xFFFFFC00  }
0xd6: {  	_ =	swait.ge [sflag:s10], $0x400  }
0xd7: {  	[sflag:s10] =	ssyncset.done $0x0  }
0xd8: {  	v2 =	vmov s18;
	[sflag:s10] =	ssyncadd.s32 $0xFFFFFC00  }
0xd9: {  	v2 =	vand.u32 $0x3FF, v2;
	_ =	swait.ge [sflag:s10], $0x400  }
0xda: {  	v2 =	vadd.s32 v1, v2;
	[sflag:s10] =	ssyncset.done $0x0  }
0xdb: {  	[sflag:s10] =	ssyncadd.s32 $0xFFFFFC00  }
0xdc: {  	_ =	swait.ge [sflag:s10], $0x400  }
0xdd: {  	s20 =	simm.s32 $0x1;
	[sflag:s10] =	ssyncset.done $0x0  }
0xde: {  	v3 =	vmov s20;
	[sflag:s10] =	ssyncadd.s32 $0xFFFFFC00  }
0xdf: {  	v3 =	vand.u32 $0x3FF, v3;
	v2 =	vld.idx.msk [tilespmem:v2+s17+$0x0], $0xffff  }
0xe0: {  	v4 =	vadd.s32 v1, v3;
	_ =	sdelay $0x2  }
0xe1: {  	s18 =	simm.s32 $0xD480  }
0xe2: {  	s21 =	simm.s32 $0x2;
	[tilespmem:s18+$0x0] =	vst v2  }
0xe3: {  	v3 =	vmov s21;
	s19 =	simm.s32 $0x3;
	v2 =	vld.idx.msk [tilespmem:v4+s17+$0x0], $0xffff  }
.LBB2_16:
0xe4: {  	p0 =	sne.s32 s19, $0x3FF;
	v3 =	vand.u32 $0x3FF, v3  }
0xe5: {  	v4 =	vadd.s32 v1, v3  }
.Ltmp15:
0xe6: {  	(pc) =	sbr.rel @p0 .LBB2_16-.Ltmp15, $4  }
0xe7: {  	_ = 	snop  }
0xe8: {  	s18 =	sadd.s32 $0x10, s18  }
0xe9: {  	[tilespmem:s18+$0x0] =	vst v2  }
0xea: {  	v3 =	vmov s19;
	s19 =	sadd.s32 $0x1, s19;
	v2 =	vld.idx.msk [tilespmem:v4+s17+$0x0], $0xffff  }
0xeb: {  	v3 =	vand.u32 $0x3FF, v3  }
0xec: {  	v3 =	vadd.s32 v1, v3;
	_ =	sdelay $0x2  }
0xed: {  	s18 =	sadd.s32 $0x10, s18  }
0xee: {  	[tilespmem:s18+$0x0] =	vst v2  }
0xef: {  	v2 =	vld.idx.msk [tilespmem:v3+s17+$0x0], $0xffff;
	_ =	sdelay $0x3  }
0xf0: {  	s15 =	sshll.u32 s15, $0x1;
	s18 =	sadd.s32 $0x10, s18  }
.Ltmp16:
0xf1: {  	s15 =	sadd.s32 s8, s15;
	[tilespmem:s18+$0x0] =	vst v2;
	(pc) =	sbr.rel .LBB2_18-.Ltmp16, $4  }
0xf2: {  	[hbm4b:s15+s2] =	stream.linear.scatter [tilespmem:s1], [sflag:$0x2], $0x4000, $0x38;
	[tilespmem:$0x11480] =	vst v63  }
0xf3: {  	_ =	swait.ge [sflag:s14], $0x4000  }
0xf4: {  	[sflag:s14] =	ssyncset.done $0x0  }
0xf5: {  	[sflag:s14] =	ssyncadd.s32 $0xFFFFC000  }
.LBB2_20:
0xf6: {  	_ =	sfence.sel $0x180000  }
0xf7: {  	[bflag:$0x0] =	sbarrier.arrive $0xFFFF  }
0xf8: {  	_ =	strace $0x90000047  }
0xf9: {  	s0 =	stileid.u32;
	[bflag:$0x2] =	sbarrier.arrive $0xFFFF  }
0xfa: {  	p0 =	sne.s32 s0, $0x0;
	s0 =	rddreg [dreg:$0x2]  }
0xfb: {  	s0 =	sadd.s32 @!p0 $0x100000, s0  }
0xfc: {  	[sflag:s0] =	ssyncadd.tile.s32 @!p0 $0x1;
	_ =	shalt  }
.Lfunc_end2:
_tile_overlayer_lowered:
.L_overlay_start_2:
0xfd: {  	(tag) =	ssettag $0x2  }
0xfe: {  	s0 =	rddreg [dreg:$0x0];
	s2 =	stileid.u32  }
0xff: {  	s1 =	rddreg [dreg:$0x1];
	p0 =	sne.s32 s2, $0x0  }
0x100: {  	s3 =	rddreg [dreg:$0x2];
	[bflag:$0x3] =	sbarrier.arrive $0xFFFF;
	s2 =	simm.s32 @!p0 $0x1C02  }
0x101: {  	[timem:s3], [sflag:s2] =	dma.local @!p0 [hbm:s0], s1  }
0x102: {  	s0 =	simm.s32 @!p0 $0x2  }
0x103: {  	_ =	swait.ge @!p0 [sflag:s0], s1  }
0x104: {  	s1 =	ssub.s32 @!p0 $0x0, s1;
	[sflag:s0] =	ssyncset.done @!p0 $0x0  }
0x105: {  	[sflag:s0] =	ssyncadd.s32 @!p0 s1  }
0x106: {  	[bflag:$0x3] =	sbarrier.arrive $0xFFFF  }
0x107: {  	_ =	shalt  }

// kernel: kernel.7.cloned.1.call-start
scs
__scs_entry_jumppad:
0x0: {  	(pc) =	sbr.rel $0x88, $3  }
0x1: {  	(tag) =	ssettag $0x0;
	lr =	simm.s32 $0x1  }
0x2: {  	[smem:$0x3F9C] =	sst lr;
	_ =	strace $0xD0000000  }
0x3: {  	_ = 	snop  }
0x4: {  	_ = 	snop  }
0x5: {  	_ = 	snop  }
0x6: {  	_ = 	snop  }
0x7: {  	_ = 	snop  }
__scs_overlays_trampoline_lowered:
0x8: {  	[smem:$0x3FAB] =	sst s0  }
0x9: {  	[smem:$0x3FAC] =	sst s1  }
0xa: {  	[smem:$0x3FAD] =	sst s2  }
0xb: {  	[smem:$0x3FAE] =	sst s3  }
0xc: {  	[smem:$0x3FAF] =	sst s4  }
0xd: {  	[smem:$0x3FB0] =	sst s5  }
0xe: {  	[smem:$0x3FB1] =	sst s6  }
0xf: {  	[smem:$0x3FB2] =	sst s7  }
0x10: {  	[smem:$0x3FB3] =	sst s8  }
0x11: {  	[smem:$0x3FB4] =	sst s9;
	s0 =	simm.s32 @!p0 $0x0  }
0x12: {  	s1 =	sld [smem:$0x3F9A];
	s0 =	simm.s32 @p0 $0x1  }
0x13: {  	[smem:$0x3FB5] =	sst s0;
	s0 =	simm.s32 @!p1 $0x0  }
0x14: {  	s2 =	sld [smem:$0x3F99];
	s0 =	simm.s32 @p1 $0x1  }
0x15: {  	[smem:$0x3FB6] =	sst s0;
	s0 =	simm.s32 @!p2 $0x0  }
0x16: {  	s3 =	sld [smem:$0x3FDB];
	s0 =	simm.s32 @p2 $0x1  }
0x17: {  	s4 =	simm.s32 $0x1BF5;
	[smem:$0x3FB8] =	sst s0  }
0x18: {  	s0 =	sld [smem:$0x3F9B];
	_ =	swait.ge [sflag:s4], $0x0  }
0x19: {  	s7 =	sld [smem:$0x3F9C]  }
0x1a: {  	s8 =	sadd.s32 $0xFFFFE003, lr  }
0x1b: {  	s9 =	sadd.s32 $0xFFFFFEF7, lr;
	s5 =	simm.s32 $0xFFFFFFFF;
	p2 =	slt.u32 s8, $0xFFFFF086  }
0x1c: {  	p1 =	slt.u32 s9, $0xF7A;
	s5 =	simm.s32 @!p2 $0x0  }
0x1d: {  	s5 =	simm.s32 @p1 $0x1;
	p0 =	seq.s32 s7, s2  }
0x1e: {  	s7 =	smul.u32 @!p0 $0xF7A, s2;
	p2 =	seq.s32 @!p0 s5, $0x0  }
0x1f: {  	s9 =	smul.u32 $0xF7A, s1;
	s8 =	simm.s32 @!p0 $0x1BF5;
	p2 =	por !p2, p0  }
0x20: {  	[sflag:s8] =	ssyncset.s32 @!p0 $0xFFFFF086;
	s6 =	sadd.s32 @!p0 s3, s7;
	s7 =	simm.s32 @!p0 $0x108  }
0x21: {  	s3 =	sadd.s32 s3, s9;
	s6 =	sadd.s32 @!p0 $0x88, s6;
	s7 =	simm.s32 @p2 $0x1082  }
0x22: {  	[simem:s7], [sflag:s8] =	dma.local @!p0 [hbm:s6], $0xF7A  }
0x23: {  	s9 =	sor.u32 $0xD0000000, s2;
	s6 =	simm.s32 $0x108;
	_ =	swait.ge @!p0 [sflag:s8], $0x0  }
0x24: {  	s3 =	sadd.s32 $0x88, s3;
	s6 =	simm.s32 @!p1 $0x1082;
	[sflag:s4] =	ssyncset.s32 $0xFFFFF086  }
0x25: {  	[simem:s6], [sflag:s4] =	dma.local [hbm:s3], $0xF7A  }
0x26: {  	[smem:$0x3F9C] =	sst s1;
	(tag) =	ssettag s2;
	_ =	strace s9  }
0x27: {  	s1 =	sld [smem:$0x3FAC]  }
0x28: {  	s2 =	sld [smem:$0x3FAD]  }
0x29: {  	s4 =	sld [smem:$0x3FAF]  }
0x2a: {  	p0 =	seq.s32 s5, $0x0;
	s5 =	sld [smem:$0x3FB0]  }
0x2b: {  	s6 =	sld [smem:$0x3FB1]  }
0x2c: {  	s7 =	sld [smem:$0x3FB2]  }
0x2d: {  	s3 =	simm.s32 $0x108;
	s8 =	sld [smem:$0x3FB3]  }
0x2e: {  	s3 =	simm.s32 @!p0 $0x1082;
	s9 =	sld [smem:$0x3FB4]  }
0x2f: {  	lr =	sadd.s32 s0, s3;
	s0 =	sld [smem:$0x3FAB]  }
0x30: {  	s3 =	sld [smem:$0x3FAE]  }
0x31: {  	[smem:$0x3FB7] =	sst s10  }
0x32: {  	s10 =	sld [smem:$0x3FB5];
	_ =	sdelay $0x3  }
0x33: {  	p0 =	seq.s32 s10, $0x1;
	s10 =	sld [smem:$0x3FB7];
	_ =	sdelay $0x3  }
0x34: {  	[smem:$0x3FB7] =	sst s10  }
0x35: {  	s10 =	sld [smem:$0x3FB6];
	_ =	sdelay $0x3  }
0x36: {  	p1 =	seq.s32 s10, $0x1;
	s10 =	sld [smem:$0x3FB7];
	_ =	sdelay $0x3  }
0x37: {  	[smem:$0x3FB7] =	sst s10  }
0x38: {  	s10 =	sld [smem:$0x3FB8]  }
0x39: {  	_ = 	snop;
	(pc) =	sbr.ind lr, $3  }
0x3a: {  	_ = 	snop  }
0x3b: {  	_ = 	snop  }
0x3c: {  	p2 =	seq.s32 s10, $0x1;
	s10 =	sld [smem:$0x3FB7]  }
0x3d: {  	_ =	shalt  }
0x3e: {  	_ =	shalt  }
0x3f: {  	_ =	shalt  }
0x40: {  	_ =	shalt  }
0x41: {  	_ =	shalt  }
0x42: {  	_ =	shalt  }
0x43: {  	_ =	shalt  }
0x44: {  	_ =	shalt  }
0x45: {  	_ =	shalt  }
0x46: {  	_ =	shalt  }
0x47: {  	_ =	shalt  }
0x48: {  	_ =	shalt  }
0x49: {  	_ =	shalt  }
0x4a: {  	_ =	shalt  }
0x4b: {  	_ =	shalt  }
0x4c: {  	_ =	shalt  }
0x4d: {  	_ =	shalt  }
0x4e: {  	_ =	shalt  }
0x4f: {  	_ =	shalt  }
0x50: {  	_ =	shalt  }
0x51: {  	_ =	shalt  }
0x52: {  	_ =	shalt  }
0x53: {  	_ =	shalt  }
0x54: {  	_ =	shalt  }
0x55: {  	_ =	shalt  }
0x56: {  	_ =	shalt  }
0x57: {  	_ =	shalt  }
0x58: {  	_ =	shalt  }
0x59: {  	_ =	shalt  }
0x5a: {  	_ =	shalt  }
0x5b: {  	_ =	shalt  }
0x5c: {  	_ =	shalt  }
0x5d: {  	_ =	shalt  }
0x5e: {  	_ =	shalt  }
0x5f: {  	_ =	shalt  }
0x60: {  	_ =	shalt  }
0x61: {  	_ =	shalt  }
0x62: {  	_ =	shalt  }
0x63: {  	_ =	shalt  }
0x64: {  	_ =	shalt  }
0x65: {  	_ =	shalt  }
0x66: {  	_ =	shalt  }
0x67: {  	_ =	shalt  }
0x68: {  	_ =	shalt  }
0x69: {  	_ =	shalt  }
0x6a: {  	_ =	shalt  }
0x6b: {  	_ =	shalt  }
0x6c: {  	_ =	shalt  }
0x6d: {  	_ =	shalt  }
0x6e: {  	_ =	shalt  }
0x6f: {  	_ =	shalt  }
0x70: {  	_ =	shalt  }
0x71: {  	_ =	shalt  }
0x72: {  	_ =	shalt  }
0x73: {  	_ =	shalt  }
0x74: {  	_ =	shalt  }
0x75: {  	_ =	shalt  }
0x76: {  	_ =	shalt  }
0x77: {  	_ =	shalt  }
0x78: {  	_ =	shalt  }
0x79: {  	_ =	shalt  }
0x7a: {  	_ =	shalt  }
0x7b: {  	_ =	shalt  }
0x7c: {  	_ =	shalt  }
0x7d: {  	_ =	shalt  }
0x7e: {  	_ =	shalt  }
0x7f: {  	_ =	shalt  }
0x80: {  	_ =	shalt  }
0x81: {  	_ =	shalt  }
0x82: {  	_ =	shalt  }
0x83: {  	_ =	shalt  }
0x84: {  	_ =	shalt  }
0x85: {  	_ =	shalt  }
0x86: {  	_ =	shalt  }
0x87: {  	_ =	shalt  }
.Lfunc_end0:
.L_simem_size_0:
called_computation.1_lowered:
.L_overlay_start_0:
0x88: {  	s2 =	sld [smem:$0x3FD9]  }
0x89: {  	s3 =	sld [smem:$0x3FFE];
	_ =	sdelay $0x1  }
0x8a: {  	s1 =	srdreg.scid  }
0x8b: {  	s0 =	sand.u32 $0x1, s1  }
0x8c: {  	s17 =	sshll.u32 s0, $0xA;
	s2 =	sadd.s32 s3, s2  }
0x8d: {  	s2 =	sadd.s32 s2, s17  }
0x8e: {  	[smem:$0x3FC3] =	sst s2  }
0x8f: {  	_ = 	snop  }
0x90: {  	s2 =	sld [smem:$0x3FC6]  }
0x91: {  	s18 =	sld [smem:$0x3FD0];
	(tm) =	ssettm $0x1  }
0x92: {  	s4 =	sld [smem:$0x3FFB];
	_ =	sdelay $0x3  }
0x93: {  	_ =	strace s4  }
0x94: {  	s4 =	sld [smem:$0x3FFC];
	_ =	sdelay $0x3  }
0x95: {  	_ =	strace s4  }
0x96: {  	s4 =	sld [smem:$0x3FFD];
	_ =	sdelay $0x3  }
0x97: {  	_ =	strace s4  }
0x98: {  	_ =	strace $0x8FFFFFFF  }
0x99: {  	s19 =	sld [smem:$0x3FDB];
	_ =	sdelay $0x1  }
0x9a: {  	s5 =	simm.s32 $_scs_section_size  }
0x9b: {  	s6 =	simm.s32 $_size__tile_overlayer_lowered;
	s7 =	simm.s32 $_tile_overlayer_lowered  }
0x9c: {  	s22 =	simm.s32 $0x1BFF;
	s21 =	sshll.u32 s7, $0x1;
	s4 =	sadd.s32 s5, s19  }
0x9d: {  	s8 =	simm.s32 $0x0;
	s20 =	sshll.u32 s6, $0x1;
	s6 =	sadd.s32 s21, s4  }
0x9e: {  	[timem:s8], [sflag:s22] =	dma.local [hbm:s6], s20  }
0x9f: {  	_ =	swait.ge [sflag:s22], s20  }
0xa0: {  	s5 =	ssub.s32 $0x0, s20;
	[sflag:s22] =	ssyncset.done $0x0  }
0xa1: {  	[sflag:s22] =	ssyncadd.s32 s5;
	_ =	sdelay $0x1  }
0xa2: {  	s23 =	simm.s32 $0x1B8B  }
0xa3: {  	_ =	swait.ge [sflag:s23], $0x1  }
0xa4: {  	[sflag:s23] =	ssyncset.done $0x0  }
0xa5: {  	s25 =	simm.s32 $0x1B8E;
	s24 =	sld [smem:$0x3FFE];
	[sflag:s23] =	ssyncadd.s32 $0xFFFFFFFF  }
0xa6: {  	s26 =	simm.s32 $execute0_lowered;
	[smem:$0x3FD2] =	sst s25  }
0xa7: {  	s6 =	sshll.u32 s26, $0x1;
	_ =	strace $0x80000049;
	[dreg:$0x1] =	wrdreg $0xFFFFFFFF  }
0xa8: {  	s28 =	simm.s32 $_size_execute0_lowered;
	s4 =	sadd.s32 s4, s6;
	[dreg:$0x0] =	wrdreg $0x0  }
0xa9: {  	s6 =	sshll.u32 s28, $0x1;
	[dreg:$0x2] =	wrdreg s4  }
0xaa: {  	[dreg:$0x3] =	wrdreg s6  }
0xab: {  	[dreg:$0x4] =	wrdreg $0xC0  }
0xac: {  	_ =	task [dreg:s8], $0x5FFFF  }
0xad: {  	[dreg:$0x1] =	wrdreg $0xFFFFFFFF  }
0xae: {  	[dreg:$0x0] =	wrdreg $0x60  }
0xaf: {  	[dreg:$0x2] =	wrdreg s24  }
0xb0: {  	[dreg:$0x3] =	wrdreg s18  }
0xb1: {  	[dreg:$0x4] =	wrdreg s2  }
0xb2: {  	[dreg:$0x5] =	wrdreg $0x9  }
0xb3: {  	_ =	task.clear_ibuf [dreg:s8], $0x6FFFF;
	_ =	strace $0x90000049  }
0xb4: {  	s29 =	simm.s32 $0x9;
	_ =	strace $0x8000004B  }
0xb5: {  	_ =	swait.ge [sflag:s29], $0x1  }
0xb6: {  	[sflag:s29] =	ssyncadd.s32 $0xFFFFFFFF  }
0xb7: {  	_ =	strace $0x9000004B  }
0xb8: {  	_ =	sfence  }
0xb9: {  	s30 =	sld [smem:$0x0];
	_ =	sdelay $0x2  }
0xba: {  	s31 =	sshll.u32 s1, $0xD;
	s1 =	sshrl.u32 s1, $0x2  }
0xbb: {  	s3 =	sand.u32 $0x4000, s31;
	s1 =	sadd.s32 s1, s30  }
0xbc: {  	s0 =	sor.u32 s3, s0;
	s1 =	sshll.u32 s1, $0x11  }
0xbd: {  	s0 =	sor.u32 s1, s0  }
0xbe: {  	s0 =	sadd.s32 $0x8F2B, s0  }
0xbf: {  	[sflag:s0] =	ssyncadd.remote.s32 $0x1  }
0xc0: {  	_ =	sfence.sel $0xFFFF  }
0xc1: {  	[dreg:$0x0] =	wrdreg $0xFFFFFFFF;
	(pc) =	sbr.abs _section_cstart, $3  }
0xc2: {  	[dreg:$0x1] =	wrdreg $0xFFFFFFFF  }
0xc3: {  	_ =	task.clear_ibuf [dreg:s8], $0x2FFFF;
	_ =	strace $0x9FFFFFFF  }
0xc4: {  	(tm) =	ssettm $0x7FFFFFFF  }
0xc5: {  	_ =	shalt  }
tec
execute0_lowered:
.L_overlay_start_1:
0x0: {  	(tag) =	ssettag $0x1  }
0x1: {  	s0 =	rddreg [dreg:$0x0]  }
0x2: {  	s1 =	rddreg [dreg:$0x1];
	s3 =	simm.s32 $0x0  }
0x3: {  	[smem:$0x7FF] =	sst s3;
	s2 =	sadd.s32 $0x272800, s0  }
0x4: {  	s4 =	sadd.s32 $0x2A2800, s0;
	_ =	strace $0x8000004A;
	[dreg:$0x4] =	wrdreg s2  }
0x5: {  	s7 =	sadd.s32 $0x282800, s0;
	[dreg:$0x5] =	wrdreg s4  }
0x6: {  	s11 =	sadd.s32 $0x2A4800, s0;
	[dreg:$0x6] =	wrdreg s7  }
0x7: {  	s12 =	sadd.s32 $0x2A6800, s0;
	[dreg:$0x9] =	wrdreg s11  }
0x8: {  	s8 =	stileid.u32;
	s14 =	sadd.s32 $0x2A8800, s0;
	[dreg:$0xa] =	wrdreg s12  }
0x9: {  	s30 =	simm.s32 $0x2;
	s15 =	sadd.s32 $0x2AA800, s0;
	[dreg:$0xb] =	wrdreg s14  }
0xa: {  	s29 =	simm.s32 $0x80;
	s17 =	sadd.s32 $0x2AE800, s0;
	[dreg:$0xc] =	wrdreg s15  }
0xb: {  	s31 =	simm.s32 $0xA00;
	s18 =	sadd.s32 $0x2B0800, s0;
	[dreg:$0xe] =	wrdreg s17  }
0xc: {  	s5 =	sadd.s32 $0x1E7000, s0;
	s19 =	sadd.s32 $0x2B2800, s0;
	[dreg:$0xf] =	wrdreg s18  }
0xd: {  	s6 =	sadd.s32 $0xD2600, s0;
	s21 =	sadd.s32 $0x2B4800, s0;
	[dreg:$0x10] =	wrdreg s19  }
0xe: {  	s9 =	sshll.u32 s8, $0x10;
	s22 =	sadd.s32 $0x2B6800, s0;
	[dreg:$0x11] =	wrdreg s21  }
0xf: {  	s20 =	sshll.u32 s8, $0x6;
	s23 =	sadd.s32 $0x2B8800, s0;
	[dreg:$0x12] =	wrdreg s22  }
0x10: {  	s24 =	sadd.s32 $0x2BA800, s0;
	s25 =	sadd.s32 $0x2BC800, s0;
	[dreg:$0x13] =	wrdreg s23  }
0x11: {  	s26 =	sadd.s32 $0x2BE800, s0;
	s4 =	srdreg.scid;
	[dreg:$0x14] =	wrdreg s24  }
0x12: {  	s7 =	sadd.s32 $0x292800, s0;
	s2 =	sand.u32 $0xE0000, s9;
	[dreg:$0x16] =	wrdreg s25  }
0x13: {  	s9 =	sadd.s32 $0x2AC800, s0;
	[dreg:$0x17] =	wrdreg s26;
	s0 =	sadd.s32 $0x2C0800, s0  }
0x14: {  	s11 =	simm.s32 $0x2C80;
	s12 =	simm.s32 $0x2D00;
	[dreg:$0x7] =	wrdreg s7  }
0x15: {  	s14 =	simm.s32 $0x2E00;
	s15 =	simm.s32 $0x2E80;
	[dreg:$0x8] =	wrdreg s2  }
0x16: {  	v1 =	vlaneseq.u32;
	s17 =	simm.s32 $0x2F80;
	s10 =	sand.u32 $0x1, s4;
	[dreg:$0xd] =	wrdreg s9  }
0x17: {  	v0 =	vmul.u32 $0x208, v1;
	s18 =	simm.s32 $0xF600;
	[dreg:$0x18] =	wrdreg s0;
	s13 =	ssub.s32 $0x2, s10  }
0x18: {  	v3 =	vimm.s32 $0x0;
	vm0 =	vcmask $0x300;
	v2 =	vimm.f32 $0.0e+00;
	s0 =	simm.s32 $0x1;
	s2 =	sshll.u32 s10, $0x5;
	s16 =	sshrl.u32 s13, $0x1  }
0x19: {  	v1 =	vmul.u32 $0x10, v1;
	v3 =	vsel vm0, $0x3, v3;
	v4 =	vor.u32 $0x1, v0;
	s7 =	simm.s32 $0x0;
	s2 =	sor.u32 s2, s20;
	s4 =	ssub.s32 s13, s16  }
0x1a: {  	v5 =	vor.u32 $0x2, v0;
	v6 =	vor.u32 $0x3, v0;
	v7 =	vor.u32 $0x4, v0;
	[dreg:$0x15] =	wrdreg s2;
	s2 =	simm.s32 $0x3000;
	s28 =	smax.u32 s4, $0x1  }
0x1b: {  	v8 =	vor.u32 $0x5, v0;
	v9 =	vor.u32 $0x6, v0;
	v10 =	vor.u32 $0x7, v0;
	s13 =	simm.s32 $0x2D80;
	s16 =	simm.s32 $0x2F00;
	[dreg:$0x19] =	wrdreg s28  }
.LBB2_1:
0x1c: {  	[dreg:$0x1a] =	wrdreg s7;
	s19 =	simm.s32 $0x0  }
.LBB2_2:
0x1d: {  	s4 =	rddreg [dreg:$0x15]  }
0x1e: {  	s4 =	sadd.s32 s4, s19  }
0x1f: {  	s24 =	rddreg [dreg:$0x2];
	s20 =	sshll.u32 s4, $0x6  }
0x20: {  	s4 =	simm.s32 $0x0;
	s7 =	sadd.s32 s24, s20  }
0x21: {  	[tilespmem:s4], [sflag:$0x2] =	stream.linear.gather [hbm4b:s7+s4], $0x200, $0x38;
	[tilespmem:$0x11680] =	vst v63  }
0x22: {  	_ =	swait.ge [sflag:s30], $0x200  }
0x23: {  	[sflag:s30] =	ssyncset.done $0x0;
	s25 =	rddreg [dreg:$0x4]  }
0x24: {  	s8 =	simm.s32 $0x200;
	[sflag:s30] =	ssyncadd.s32 $0xFFFFFE00;
	s7 =	sadd.s32 s25, s20  }
0x25: {  	[tilespmem:s8], [sflag:$0x2] =	stream.linear.gather [hbm4b:s7+s4], $0x200, $0x38;
	[tilespmem:$0x11680] =	vst v63  }
0x26: {  	_ =	swait.ge [sflag:s30], $0x200  }
0x27: {  	[sflag:s30] =	ssyncset.done $0x0;
	s26 =	rddreg [dreg:$0x6]  }
0x28: {  	s28 =	simm.s32 $0x400;
	[sflag:s30] =	ssyncadd.s32 $0xFFFFFE00;
	s7 =	sadd.s32 s20, s26  }
0x29: {  	[tilespmem:s28], [sflag:$0x2] =	stream.linear.gather [hbm4b:s7+s4], $0x200, $0x38;
	[tilespmem:$0x11680] =	vst v63  }
0x2a: {  	_ =	swait.ge [sflag:s30], $0x200  }
0x2b: {  	[sflag:s30] =	ssyncset.done $0x0;
	s9 =	rddreg [dreg:$0x7]  }
0x2c: {  	s10 =	simm.s32 $0x600;
	[sflag:s30] =	ssyncadd.s32 $0xFFFFFE00;
	s7 =	sadd.s32 s20, s9  }
0x2d: {  	[tilespmem:s10], [sflag:$0x2] =	stream.linear.gather [hbm4b:s7+s4], $0x200, $0x38;
	[tilespmem:$0x11680] =	vst v63  }
0x2e: {  	_ =	swait.ge [sflag:s30], $0x200  }
0x2f: {  	[sflag:s30] =	ssyncset.done $0x0  }
0x30: {  	[sflag:s30] =	ssyncadd.s32 $0xFFFFFE00  }
0x31: {  	v11 =	vld [tilespmem:$0x0]  }
0x32: {  	v12 =	vld [tilespmem:$0x10]  }
0x33: {  	v13 =	vld [tilespmem:$0x20]  }
0x34: {  	v14 =	vld [tilespmem:$0x30]  }
0x35: {  	v15 =	vld [tilespmem:$0x40]  }
0x36: {  	v16 =	vld [tilespmem:$0x50];
	vm0 =	vgt.s32 v11, $0x0  }
0x37: {  	v17 =	vld [tilespmem:$0x60];
	vm9 =	vgt.s32 v12, $0x0;
	v11 =	vnsel vm0, $0x0, v11  }
0x38: {  	v39 =	vld [tilespmem:$0x70];
	vm10 =	vgt.s32 v13, $0x0;
	[tilespmem:$0x800] =	vst v11;
	v11 =	vnsel vm9, $0x0, v12  }
0x39: {  	v40 =	vld [tilespmem:$0x80];
	vm11 =	vgt.s32 v14, $0x0;
	[tilespmem:$0x810] =	vst v11;
	v11 =	vnsel vm10, $0x0, v13  }
0x3a: {  	v41 =	vld [tilespmem:$0x90];
	vm12 =	vgt.s32 v15, $0x0;
	[tilespmem:$0x820] =	vst v11;
	v11 =	vnsel vm11, $0x0, v14  }
0x3b: {  	v42 =	vld [tilespmem:$0xA0];
	vm13 =	vgt.s32 v16, $0x0;
	[tilespmem:$0x830] =	vst v11;
	v11 =	vnsel vm12, $0x0, v15  }
0x3c: {  	v43 =	vld [tilespmem:$0xB0];
	vm14 =	vgt.s32 v17, $0x0;
	[tilespmem:$0x840] =	vst v11;
	v11 =	vnsel vm13, $0x0, v16  }
0x3d: {  	v44 =	vld [tilespmem:$0xC0];
	vm15 =	vgt.s32 v39, $0x0;
	[tilespmem:$0x850] =	vst v11;
	v11 =	vnsel vm14, $0x0, v17  }
0x3e: {  	v45 =	vld [tilespmem:$0xD0];
	vm4 =	vgt.s32 v40, $0x0;
	[tilespmem:$0x860] =	vst v11;
	v11 =	vnsel vm15, $0x0, v39  }
0x3f: {  	v46 =	vld [tilespmem:$0xE0];
	vm5 =	vgt.s32 v41, $0x0;
	[tilespmem:$0x870] =	vst v11;
	v11 =	vnsel vm4, $0x0, v40  }
0x40: {  	v47 =	vld [tilespmem:$0xF0];
	vm6 =	vgt.s32 v42, $0x0;
	[tilespmem:$0x880] =	vst v11;
	v11 =	vnsel vm5, $0x0, v41  }
0x41: {  	v48 =	vld [tilespmem:$0x100];
	vm7 =	vgt.s32 v43, $0x0;
	[tilespmem:$0x890] =	vst v11;
	v11 =	vnsel vm6, $0x0, v42  }
0x42: {  	v49 =	vld [tilespmem:$0x110];
	vm8 =	vgt.s32 v44, $0x0;
	[tilespmem:$0x8A0] =	vst v11;
	v11 =	vnsel vm7, $0x0, v43  }
0x43: {  	v50 =	vld [tilespmem:$0x120];
	vm9 =	vgt.s32 v45, $0x0;
	[tilespmem:$0x8B0] =	vst v11;
	v11 =	vnsel vm8, $0x0, v44  }
0x44: {  	v51 =	vld [tilespmem:$0x130];
	vm10 =	vgt.s32 v46, $0x0;
	[tilespmem:$0x8C0] =	vst v11;
	v11 =	vnsel vm9, $0x0, v45  }
0x45: {  	v52 =	vld [tilespmem:$0x140];
	vm11 =	vgt.s32 v47, $0x0;
	[tilespmem:$0x8D0] =	vst v11;
	v11 =	vnsel vm10, $0x0, v46  }
0x46: {  	v53 =	vld [tilespmem:$0x150];
	vm12 =	vgt.s32 v48, $0x0;
	[tilespmem:$0x8E0] =	vst v11;
	v11 =	vnsel vm11, $0x0, v47  }
0x47: {  	v54 =	vld [tilespmem:$0x160];
	vm13 =	vgt.s32 v49, $0x0;
	[tilespmem:$0x8F0] =	vst v11;
	v11 =	vnsel vm12, $0x0, v48  }
0x48: {  	v55 =	vld [tilespmem:$0x170];
	vm14 =	vgt.s32 v50, $0x0;
	[tilespmem:$0x900] =	vst v11;
	v11 =	vnsel vm13, $0x0, v49  }
0x49: {  	v56 =	vld [tilespmem:$0x180];
	vm15 =	vgt.s32 v51, $0x0;
	[tilespmem:$0x910] =	vst v11;
	v11 =	vnsel vm14, $0x0, v50  }
0x4a: {  	v57 =	vld [tilespmem:$0x190];
	vm4 =	vgt.s32 v52, $0x0;
	[tilespmem:$0x920] =	vst v11;
	v11 =	vnsel vm15, $0x0, v51  }
0x4b: {  	v58 =	vld [tilespmem:$0x1A0];
	vm5 =	vgt.s32 v53, $0x0;
	[tilespmem:$0x930] =	vst v11;
	v11 =	vnsel vm4, $0x0, v52  }
0x4c: {  	v59 =	vld [tilespmem:$0x1B0];
	vm6 =	vgt.s32 v54, $0x0;
	[tilespmem:$0x940] =	vst v11;
	v11 =	vnsel vm5, $0x0, v53  }
0x4d: {  	v60 =	vld [tilespmem:$0x1C0];
	vm7 =	vgt.s32 v55, $0x0;
	[tilespmem:$0x950] =	vst v11;
	v11 =	vnsel vm6, $0x0, v54  }
0x4e: {  	v61 =	vld [tilespmem:$0x1D0];
	vm8 =	vgt.s32 v56, $0x0;
	[tilespmem:$0x960] =	vst v11;
	v11 =	vnsel vm7, $0x0, v55  }
0x4f: {  	v62 =	vld [tilespmem:$0x1E0];
	vm9 =	vgt.s32 v57, $0x0;
	[tilespmem:$0x970] =	vst v11;
	v11 =	vnsel vm8, $0x0, v56  }
0x50: {  	v63 =	vld [tilespmem:$0x1F0];
	vm10 =	vgt.s32 v58, $0x0;
	[tilespmem:$0x980] =	vst v11;
	v11 =	vnsel vm9, $0x0, v57  }
0x51: {  	vm11 =	vgt.s32 v59, $0x0;
	[tilespmem:$0x990] =	vst v11;
	v11 =	vnsel vm10, $0x0, v58  }
0x52: {  	vm12 =	vgt.s32 v60, $0x0;
	[tilespmem:$0x9A0] =	vst v11;
	v11 =	vnsel vm11, $0x0, v59  }
0x53: {  	vm13 =	vgt.s32 v61, $0x0;
	[tilespmem:$0x9B0] =	vst v11;
	v11 =	vnsel vm12, $0x0, v60  }
0x54: {  	vm14 =	vgt.s32 v62, $0x0;
	[tilespmem:$0x9C0] =	vst v11;
	v11 =	vnsel vm13, $0x0, v61  }
0x55: {  	vm15 =	vgt.s32 v63, $0x0;
	[tilespmem:$0x9D0] =	vst v11;
	v11 =	vnsel vm14, $0x0, v62  }
0x56: {  	[tilespmem:$0x9E0] =	vst v11;
	v11 =	vnsel vm15, $0x0, v63  }
0x57: {  	s21 =	simm.s32 $0x800;
	[tilespmem:$0x9F0] =	vst v11  }
0x58: {  	[tilespmem:s31], [sflag:$0x1] =	stream.indirect.gather [hbm4b:s6+s29], $0x10, s21, s29, $0xb8;
	[tilespmem:$0x11680] =	vst v63  }
0x59: {  	s22 =	simm.s32 $0x880;
	s23 =	simm.s32 $0x1200  }
0x5a: {  	[tilespmem:s23], [sflag:$0x1] =	stream.indirect.gather [hbm4b:s6+s29], $0x10, s22, s29, $0xb8;
	[tilespmem:$0x11680] =	vst v63  }
0x5b: {  	s24 =	simm.s32 $0x900;
	s25 =	simm.s32 $0x1A00  }
0x5c: {  	[tilespmem:s25], [sflag:$0x1] =	stream.indirect.gather [hbm4b:s6+s29], $0x10, s24, s29, $0xb8;
	[tilespmem:$0x11680] =	vst v63  }
0x5d: {  	s26 =	simm.s32 $0x980;
	s28 =	simm.s32 $0x2200  }
0x5e: {  	[tilespmem:s28], [sflag:$0x1] =	stream.indirect.gather [hbm4b:s6+s29], $0x10, s26, s29, $0xb8;
	[tilespmem:$0x11680] =	vst v63  }
0x5f: {  	_ =	swait.ge [sflag:s0], $0x800  }
0x60: {  	[sflag:s0] =	ssyncset.done $0x0  }
0x61: {  	[sflag:s0] =	ssyncadd.s32 $0xFFFFF800  }
0x62: {  	_ =	swait.ge [sflag:s0], $0x800  }
0x63: {  	[sflag:s0] =	ssyncset.done $0x0  }
0x64: {  	[sflag:s0] =	ssyncadd.s32 $0xFFFFF800  }
0x65: {  	_ =	swait.ge [sflag:s0], $0x800  }
0x66: {  	[sflag:s0] =	ssyncset.done $0x0  }
0x67: {  	[sflag:s0] =	ssyncadd.s32 $0xFFFFF800  }
0x68: {  	_ =	swait.ge [sflag:s0], $0x800  }
0x69: {  	[sflag:s0] =	ssyncset.done $0x0  }
0x6a: {  	s7 =	simm.s32 $0x2E00;
	s21 =	simm.s32 $0x0;
	[sflag:s0] =	ssyncadd.s32 $0xFFFFF800  }
.LBB2_3:
0x6b: {  	v11 =	vmov s4  }
0x6c: {  	s8 =	sshll.u32 s21, $0xB;
	v12 =	vshll.u32 v11, $0x4  }
0x6d: {  	v11 =	vmov s8;
	v12 =	vor.u32 v1, v12  }
0x6e: {  	v12 =	vadd.s32 v11, v12;
	_ =	sdelay $0x4  }
0x6f: {  	v13 =	vld.idx.msk [tilespmem:v12+s31+$0x0], $0xffff  }
0x70: {  	v14 =	vor.u32 $0x1, v12;
	_ =	sdelay $0x3  }
0x71: {  	[tilespmem:s7+$0xFFFFFC00] =	vst v13  }
0x72: {  	v14 =	vld.idx.msk [tilespmem:v14+s31+$0x0], $0xffff  }
0x73: {  	v12 =	vor.u32 $0x2, v12;
	_ =	sdelay $0x2  }
0x74: {  	s28 =	simm.s32 $0x10  }
0x75: {  	s9 =	simm.s32 $0x20;
	s8 =	smov.u32 s7;
	v13 =	vmov s28;
	[tilespmem:s7+$0xFFFFFE00] =	vst v14  }
.LBB2_4:
0x76: {  	p0 =	sne.s32 s9, $0x70;
	v13 =	vshll.u32 v13, $0x4;
	v12 =	vld.idx.msk [tilespmem:v12+s31+$0x0], $0xffff  }
0x77: {  	v13 =	vor.u32 v1, v13  }
0x78: {  	v13 =	vadd.s32 v11, v13;
	_ =	sdelay $0x3  }
0x79: {  	[tilespmem:s8+$0x0] =	vst v12  }
0x7a: {  	v12 =	vld.idx.msk [tilespmem:v13+s31+$0x0], $0xffff;
	_ =	sdelay $0x1  }
0x7b: {  	v14 =	vor.u32 $0x1, v13;
	_ =	sdelay $0x2  }
0x7c: {  	s8 =	sadd.s32 $0x10, s8  }
0x7d: {  	[tilespmem:s8+$0xFFFFFC00] =	vst v12  }
0x7e: {  	v14 =	vld.idx.msk [tilespmem:v14+s31+$0x0], $0xffff;
	_ =	sdelay $0x1  }
.Ltmp0:
0x7f: {  	v12 =	vor.u32 $0x2, v13;
	(pc) =	sbr.rel @p0 .LBB2_4-.Ltmp0, $2  }
0x80: {  	_ =	sdelay $0x2  }
0x81: {  	v13 =	vmov s9;
	s9 =	sadd.s32 $0x10, s9;
	[tilespmem:s8+$0xFFFFFE00] =	vst v14  }
0x82: {  	_ =	sdelay $0x2  }
0x83: {  	v13 =	vshll.u32 v13, $0x4  }
0x84: {  	v12 =	vld.idx.msk [tilespmem:v12+s31+$0x0], $0xffff;
	v13 =	vor.u32 v1, v13  }
0x85: {  	v11 =	vadd.s32 v11, v13;
	_ =	sdelay $0x3  }
0x86: {  	[tilespmem:s8+$0x0] =	vst v12  }
0x87: {  	v12 =	vld.idx.msk [tilespmem:v11+s31+$0x0], $0xffff  }
0x88: {  	v13 =	vor.u32 $0x1, v11;
	_ =	sdelay $0x2  }
0x89: {  	s28 =	sadd.s32 $0x10, s8  }
0x8a: {  	[tilespmem:s28+$0xFFFFFC00] =	vst v12  }
0x8b: {  	v12 =	vld.idx.msk [tilespmem:v13+s31+$0x0], $0xffff  }
0x8c: {  	v11 =	vor.u32 $0x2, v11;
	_ =	sdelay $0x3  }
0x8d: {  	s21 =	sadd.s32 $0x1, s21;
	[tilespmem:s28+$0xFFFFFE00] =	vst v12  }
0x8e: {  	p0 =	sne.s32 s21, $0x4;
	v11 =	vld.idx.msk [tilespmem:v11+s31+$0x0], $0xffff  }
.Ltmp1:
0x8f: {  	_ = 	snop;
	(pc) =	sbr.rel @p0 .LBB2_3-.Ltmp1, $2  }
0x90: {  	_ =	sdelay $0x2  }
0x91: {  	s7 =	sadd.s32 $0x80, s7;
	[tilespmem:s28+$0x0] =	vst v11  }
0x92: {  	s4 =	simm.s32 $0x2A00  }
0x93: {  	[tilespmem:s2], [sflag:$0x1] =	stream.indirect.gather [hbm4b:s1+s29], $0x10, s4, s29, $0xb8;
	[tilespmem:$0x11680] =	vst v63  }
0x94: {  	s7 =	simm.s32 $0x2A80;
	s8 =	simm.s32 $0x3800  }
0x95: {  	[tilespmem:s8], [sflag:$0x1] =	stream.indirect.gather [hbm4b:s1+s29], $0x10, s7, s29, $0xb8;
	[tilespmem:$0x11680] =	vst v63  }
0x96: {  	s9 =	simm.s32 $0x4000;
	s8 =	simm.s32 $0x2B00  }
0x97: {  	[tilespmem:s9], [sflag:$0x1] =	stream.indirect.gather [hbm4b:s1+s29], $0x10, s8, s29, $0xb8;
	[tilespmem:$0x11680] =	vst v63  }
0x98: {  	s10 =	simm.s32 $0x4800;
	s9 =	simm.s32 $0x2B80  }
0x99: {  	[tilespmem:s10], [sflag:$0x1] =	stream.indirect.gather [hbm4b:s1+s29], $0x10, s9, s29, $0xb8;
	[tilespmem:$0x11680] =	vst v63  }
0x9a: {  	s21 =	simm.s32 $0x5000;
	s10 =	simm.s32 $0x2C00  }
0x9b: {  	[tilespmem:s21], [sflag:$0x1] =	stream.indirect.gather [hbm4b:s1+s29], $0x10, s10, s29, $0xb8;
	[tilespmem:$0x11680] =	vst v63  }
0x9c: {  	s25 =	simm.s32 $0x5800  }
0x9d: {  	[tilespmem:s25], [sflag:$0x1] =	stream.indirect.gather [hbm4b:s1+s29], $0x10, s11, s29, $0xb8;
	[tilespmem:$0x11680] =	vst v63  }
0x9e: {  	s26 =	simm.s32 $0x6000  }
0x9f: {  	[tilespmem:s26], [sflag:$0x1] =	stream.indirect.gather [hbm4b:s1+s29], $0x10, s12, s29, $0xb8;
	[tilespmem:$0x11680] =	vst v63  }
0xa0: {  	s28 =	simm.s32 $0x6800  }
0xa1: {  	[tilespmem:s28], [sflag:$0x1] =	stream.indirect.gather [hbm4b:s1+s29], $0x10, s13, s29, $0xb8;
	[tilespmem:$0x11680] =	vst v63  }
0xa2: {  	s22 =	simm.s32 $0x7000  }
0xa3: {  	[tilespmem:s22], [sflag:$0x1] =	stream.indirect.gather [hbm4b:s1+s29], $0x10, s14, s29, $0xb8;
	[tilespmem:$0x11680] =	vst v63  }
0xa4: {  	s23 =	simm.s32 $0x7800  }
0xa5: {  	[tilespmem:s23], [sflag:$0x1] =	stream.indirect.gather [hbm4b:s1+s29], $0x10, s15, s29, $0xb8;
	[tilespmem:$0x11680] =	vst v63  }
0xa6: {  	s24 =	simm.s32 $0x8000  }
0xa7: {  	[tilespmem:s24], [sflag:$0x1] =	stream.indirect.gather [hbm4b:s1+s29], $0x10, s16, s29, $0xb8;
	[tilespmem:$0x11680] =	vst v63  }
0xa8: {  	s25 =	simm.s32 $0x8800  }
0xa9: {  	[tilespmem:s25], [sflag:$0x1] =	stream.indirect.gather [hbm4b:s1+s29], $0x10, s17, s29, $0xb8;
	[tilespmem:$0x11680] =	vst v63  }
0xaa: {  	_ =	swait.ge [sflag:s0], $0x800  }
0xab: {  	[sflag:s0] =	ssyncset.done $0x0  }
0xac: {  	[sflag:s0] =	ssyncadd.s32 $0xFFFFF800  }
0xad: {  	_ =	swait.ge [sflag:s0], $0x800  }
0xae: {  	[sflag:s0] =	ssyncset.done $0x0  }
0xaf: {  	[sflag:s0] =	ssyncadd.s32 $0xFFFFF800  }
0xb0: {  	_ =	swait.ge [sflag:s0], $0x800  }
0xb1: {  	[sflag:s0] =	ssyncset.done $0x0  }
0xb2: {  	[sflag:s0] =	ssyncadd.s32 $0xFFFFF800  }
0xb3: {  	_ =	swait.ge [sflag:s0], $0x800  }
0xb4: {  	[sflag:s0] =	ssyncset.done $0x0  }
0xb5: {  	[sflag:s0] =	ssyncadd.s32 $0xFFFFF800  }
0xb6: {  	_ =	swait.ge [sflag:s0], $0x800  }
0xb7: {  	[sflag:s0] =	ssyncset.done $0x0  }
0xb8: {  	[sflag:s0] =	ssyncadd.s32 $0xFFFFF800  }
0xb9: {  	_ =	swait.ge [sflag:s0], $0x800  }
0xba: {  	[sflag:s0] =	ssyncset.done $0x0  }
0xbb: {  	[sflag:s0] =	ssyncadd.s32 $0xFFFFF800  }
0xbc: {  	_ =	swait.ge [sflag:s0], $0x800  }
0xbd: {  	[sflag:s0] =	ssyncset.done $0x0  }
0xbe: {  	[sflag:s0] =	ssyncadd.s32 $0xFFFFF800  }
0xbf: {  	_ =	swait.ge [sflag:s0], $0x800  }
0xc0: {  	[sflag:s0] =	ssyncset.done $0x0  }
0xc1: {  	[sflag:s0] =	ssyncadd.s32 $0xFFFFF800  }
0xc2: {  	_ =	swait.ge [sflag:s0], $0x800  }
0xc3: {  	[sflag:s0] =	ssyncset.done $0x0  }
0xc4: {  	[sflag:s0] =	ssyncadd.s32 $0xFFFFF800  }
0xc5: {  	_ =	swait.ge [sflag:s0], $0x800  }
0xc6: {  	[sflag:s0] =	ssyncset.done $0x0  }
0xc7: {  	[sflag:s0] =	ssyncadd.s32 $0xFFFFF800  }
0xc8: {  	_ =	swait.ge [sflag:s0], $0x800  }
0xc9: {  	[sflag:s0] =	ssyncset.done $0x0  }
0xca: {  	[sflag:s0] =	ssyncadd.s32 $0xFFFFF800  }
0xcb: {  	_ =	swait.ge [sflag:s0], $0x800  }
0xcc: {  	[sflag:s0] =	ssyncset.done $0x0  }
0xcd: {  	s26 =	simm.s32 $0x9600;
	[sflag:s0] =	ssyncadd.s32 $0xFFFFF800  }
0xce: {  	[tilespmem:s26], [sflag:$0x1] =	stream.indirect.gather [hbm4b:s5+s29], $0x10, s4, s29, $0xb8;
	[tilespmem:$0x11680] =	vst v63  }
0xcf: {  	s28 =	simm.s32 $0x9E00  }
0xd0: {  	[tilespmem:s28], [sflag:$0x1] =	stream.indirect.gather [hbm4b:s5+s29], $0x10, s7, s29, $0xb8;
	[tilespmem:$0x11680] =	vst v63  }
0xd1: {  	s7 =	simm.s32 $0xA600  }
0xd2: {  	[tilespmem:s7], [sflag:$0x1] =	stream.indirect.gather [hbm4b:s5+s29], $0x10, s8, s29, $0xb8;
	[tilespmem:$0x11680] =	vst v63  }
0xd3: {  	s8 =	simm.s32 $0xAE00  }
0xd4: {  	[tilespmem:s8], [sflag:$0x1] =	stream.indirect.gather [hbm4b:s5+s29], $0x10, s9, s29, $0xb8;
	[tilespmem:$0x11680] =	vst v63  }
0xd5: {  	s9 =	simm.s32 $0xB600  }
0xd6: {  	[tilespmem:s9], [sflag:$0x1] =	stream.indirect.gather [hbm4b:s5+s29], $0x10, s10, s29, $0xb8;
	[tilespmem:$0x11680] =	vst v63  }
0xd7: {  	s21 =	simm.s32 $0xBE00  }
0xd8: {  	[tilespmem:s21], [sflag:$0x1] =	stream.indirect.gather [hbm4b:s5+s29], $0x10, s11, s29, $0xb8;
	[tilespmem:$0x11680] =	vst v63  }
0xd9: {  	s22 =	simm.s32 $0xC600  }
0xda: {  	[tilespmem:s22], [sflag:$0x1] =	stream.indirect.gather [hbm4b:s5+s29], $0x10, s12, s29, $0xb8;
	[tilespmem:$0x11680] =	vst v63  }
0xdb: {  	s23 =	simm.s32 $0xCE00  }
0xdc: {  	[tilespmem:s23], [sflag:$0x1] =	stream.indirect.gather [hbm4b:s5+s29], $0x10, s13, s29, $0xb8;
	[tilespmem:$0x11680] =	vst v63  }
0xdd: {  	s24 =	simm.s32 $0xD600  }
0xde: {  	[tilespmem:s24], [sflag:$0x1] =	stream.indirect.gather [hbm4b:s5+s29], $0x10, s14, s29, $0xb8;
	[tilespmem:$0x11680] =	vst v63  }
0xdf: {  	s25 =	simm.s32 $0xDE00;
	s26 =	simm.s32 $0xE600  }
0xe0: {  	[tilespmem:s25], [sflag:$0x1] =	stream.indirect.gather [hbm4b:s5+s29], $0x10, s15, s29, $0xb8;
	[tilespmem:$0x11680] =	vst v63  }
0xe1: {  	s4 =	simm.s32 $0x0;
	s28 =	simm.s32 $0xEE00;
	s7 =	simm.s32 $0x9200  }
0xe2: {  	[tilespmem:s26], [sflag:$0x1] =	stream.indirect.gather [hbm4b:s5+s29], $0x10, s16, s29, $0xb8;
	[tilespmem:$0x11680] =	vst v63  }
0xe3: {  	s21 =	simm.s32 $0x400;
	s23 =	simm.s32 $0x0;
	s24 =	simm.s32 $0x0  }
0xe4: {  	[tilespmem:s28], [sflag:$0x1] =	stream.indirect.gather [hbm4b:s5+s29], $0x10, s17, s29, $0xb8;
	[tilespmem:$0x11680] =	vst v63  }
.LBB2_7:
0xe5: {  	v11 =	vmov s4  }
0xe6: {  	s8 =	sshll.u32 s24, $0xB;
	v12 =	vshll.u32 v11, $0x4  }
0xe7: {  	v11 =	vmov s8;
	v17 =	vor.u32 v1, v12  }
0xe8: {  	v12 =	vor.u32 $0x4001, v11;
	v18 =	vor.u32 v11, v17  }
0xe9: {  	v13 =	vor.u32 $0x1, v11;
	v19 =	vor.u32 v12, v17  }
0xea: {  	v14 =	vor.u32 $0x4000, v11;
	v20 =	vor.u32 v13, v17  }
0xeb: {  	v15 =	vor.u32 $0x2000, v11;
	v21 =	vor.u32 v14, v17  }
0xec: {  	v16 =	vor.u32 $0x2001, v11;
	v22 =	vor.u32 v15, v17  }
0xed: {  	v17 =	vor.u32 v16, v17;
	v18 =	vld.idx.msk [tilespmem:v18+s2+$0x0], $0xffff  }
0xee: {  	v19 =	vld.idx.msk [tilespmem:v19+s2+$0x0], $0xffff  }
0xef: {  	v20 =	vld.idx.msk [tilespmem:v20+s2+$0x0], $0xffff  }
0xf0: {  	v21 =	vld.idx.msk [tilespmem:v21+s2+$0x0], $0xffff  }
0xf1: {  	v22 =	vld.idx.msk [tilespmem:v22+s2+$0x0], $0xffff  }
0xf2: {  	v17 =	vld.idx.msk [tilespmem:v17+s2+$0x0], $0xffff;
	_ =	sdelay $0x3  }
0xf3: {  	v23 =	vld [tilespmem:s23+$0x0];
	v18 =	vsub.f32 v18, v22;
	v21 =	vsub.f32 v21, v22  }
0xf4: {  	v19 =	vsub.f32 v19, v17;
	v17 =	vsub.f32 v20, v17;
	_ =	sdelay $0x1  }
0xf5: {  	v20 =	vld [tilespmem:s21+$0xFFFFFE00];
	v18 =	vmul.f32 v19, v18;
	v17 =	vmul.f32 v21, v17;
	_ =	sdelay $0x1  }
0xf6: {  	vm0 =	vgt.s32 v23, $0xFFFFFFFF;
	vm1 =	vgt.f32 v18, v17  }
0xf7: {  	vm0 =	vmand vm0, vm1  }
0xf8: {  	v17 =	vsel vm0, $0x3F800000, v2  }
0xf9: {  	v18 =	vmul.f32 v17, v20;
	_ =	sdelay $0x1  }
0xfa: {  	[tilespmem:s7+$0xFFFFFE00] =	vst v18  }
0xfb: {  	v18 =	vld [tilespmem:s21+$0x0];
	_ =	sdelay $0x4  }
0xfc: {  	v18 =	vmul.f32 v17, v18  }
0xfd: {  	s26 =	simm.s32 $0x10  }
0xfe: {  	s25 =	sadd.s32 $0x10, s7;
	s28 =	smov.u32 s23;
	v19 =	vmov s26;
	[tilespmem:s7+$0x0] =	vst v18  }
0xff: {  	s22 =	smov.u32 s7;
	s8 =	simm.s32 $0x20;
	s26 =	smov.u32 s21;
	v19 =	vshll.u32 v19, $0x4;
	v18 =	vld [tilespmem:s21+$0x200]  }
.LBB2_8:
0x100: {  	s28 =	sadd.s32 $0x10, s28  }
0x101: {  	v19 =	vor.u32 v1, v19;
	s26 =	sadd.s32 $0x10, s26;
	s9 =	smov.u32 s8;
	s10 =	sadd.s32 $0x10, s8  }
0x102: {  	p0 =	sne.s32 s8, $0x70;
	v20 =	vor.u32 v11, v19;
	v21 =	vor.u32 v13, v19;
	v22 =	vor.u32 v12, v19  }
0x103: {  	v23 =	vor.u32 v15, v19;
	v24 =	vor.u32 v16, v19  }
0x104: {  	v19 =	vor.u32 v14, v19;
	v17 =	vmul.f32 v18, v17;
	_ =	sdelay $0x1  }
0x105: {  	[tilespmem:s22+$0x200] =	vst v17;
	s22 =	smov.u32 s25  }
0x106: {  	v17 =	vld.idx.msk [tilespmem:v20+s2+$0x0], $0xffff  }
0x107: {  	v18 =	vld.idx.msk [tilespmem:v22+s2+$0x0], $0xffff  }
0x108: {  	v20 =	vld.idx.msk [tilespmem:v21+s2+$0x0], $0xffff  }
0x109: {  	v19 =	vld.idx.msk [tilespmem:v19+s2+$0x0], $0xffff  }
0x10a: {  	v21 =	vld.idx.msk [tilespmem:v23+s2+$0x0], $0xffff  }
0x10b: {  	v22 =	vld.idx.msk [tilespmem:v24+s2+$0x0], $0xffff;
	_ =	sdelay $0x3  }
0x10c: {  	v23 =	vld [tilespmem:s28+$0x0]  }
0x10d: {  	v17 =	vsub.f32 v17, v21;
	v19 =	vsub.f32 v19, v21  }
0x10e: {  	v18 =	vsub.f32 v18, v22;
	v20 =	vsub.f32 v20, v22  }
0x10f: {  	v21 =	vld [tilespmem:s26+$0xFFFFFE00]  }
0x110: {  	v17 =	vmul.f32 v18, v17;
	v18 =	vmul.f32 v19, v20  }
0x111: {  	vm0 =	vgt.s32 v23, $0xFFFFFFFF  }
0x112: {  	vm1 =	vgt.f32 v17, v18  }
0x113: {  	vm0 =	vmand vm0, vm1  }
0x114: {  	v17 =	vsel vm0, $0x3F800000, v2  }
0x115: {  	v18 =	vmul.f32 v17, v21;
	_ =	sdelay $0x1  }
0x116: {  	[tilespmem:s25+$0xFFFFFE00] =	vst v18  }
0x117: {  	v18 =	vld [tilespmem:s26+$0x0];
	_ =	sdelay $0x4  }
.Ltmp2:
0x118: {  	v18 =	vmul.f32 v17, v18;
	(pc) =	sbr.rel @p0 .LBB2_8-.Ltmp2, $4  }
0x119: {  	_ = 	snop  }
0x11a: {  	[tilespmem:s25+$0x0] =	vst v18  }
0x11b: {  	v19 =	vmov s9;
	v18 =	vld [tilespmem:s26+$0x200]  }
0x11c: {  	s8 =	smov.u32 s10;
	v19 =	vshll.u32 v19, $0x4;
	s25 =	sadd.s32 $0x10, s25  }
0x11d: {  	v19 =	vor.u32 v1, v19  }
0x11e: {  	v11 =	vor.u32 v11, v19  }
0x11f: {  	v12 =	vor.u32 v12, v19  }
0x120: {  	v13 =	vor.u32 v13, v19;
	v17 =	vmul.f32 v18, v17  }
0x121: {  	v14 =	vor.u32 v14, v19  }
0x122: {  	v15 =	vor.u32 v15, v19;
	[tilespmem:s22+$0x200] =	vst v17  }
0x123: {  	v16 =	vor.u32 v16, v19;
	v11 =	vld.idx.msk [tilespmem:v11+s2+$0x0], $0xffff  }
0x124: {  	v12 =	vld.idx.msk [tilespmem:v12+s2+$0x0], $0xffff  }
0x125: {  	v13 =	vld.idx.msk [tilespmem:v13+s2+$0x0], $0xffff  }
0x126: {  	v14 =	vld.idx.msk [tilespmem:v14+s2+$0x0], $0xffff  }
0x127: {  	v15 =	vld.idx.msk [tilespmem:v15+s2+$0x0], $0xffff  }
0x128: {  	v16 =	vld.idx.msk [tilespmem:v16+s2+$0x0], $0xffff;
	_ =	sdelay $0x2  }
0x129: {  	s8 =	sadd.s32 $0x10, s28  }
0x12a: {  	v17 =	vld [tilespmem:s8+$0x0];
	v11 =	vsub.f32 v11, v15;
	v14 =	vsub.f32 v14, v15  }
0x12b: {  	v12 =	vsub.f32 v12, v16;
	v13 =	vsub.f32 v13, v16  }
0x12c: {  	s28 =	sadd.s32 $0x10, s26  }
0x12d: {  	v61 =	vld [tilespmem:s28+$0xFFFFFE00];
	v11 =	vmul.f32 v12, v11;
	v62 =	vmul.f32 v14, v13;
	_ =	sdelay $0x1  }
0x12e: {  	vm0 =	vgt.s32 v17, $0xFFFFFFFF;
	vm1 =	vgt.f32 v11, v62  }
0x12f: {  	vm0 =	vmand vm0, vm1  }
0x130: {  	v11 =	vsel vm0, $0x3F800000, v2  }
0x131: {  	v63 =	vmul.f32 v11, v61;
	_ =	sdelay $0x1  }
0x132: {  	[tilespmem:s25+$0xFFFFFE00] =	vst v63  }
0x133: {  	v12 =	vld [tilespmem:s28+$0x0];
	_ =	sdelay $0x4  }
0x134: {  	v12 =	vmul.f32 v11, v12;
	_ =	sdelay $0x1  }
0x135: {  	[tilespmem:s25+$0x0] =	vst v12  }
0x136: {  	v12 =	vld [tilespmem:s28+$0x200]  }
0x137: {  	s24 =	sadd.s32 $0x1, s24  }
0x138: {  	p0 =	sne.s32 s24, $0x4  }
.Ltmp3:
0x139: {  	_ = 	snop;
	(pc) =	sbr.rel @p0 .LBB2_7-.Ltmp3, $3  }
0x13a: {  	_ = 	snop  }
0x13b: {  	v11 =	vmul.f32 v12, v11;
	_ =	sdelay $0x1  }
0x13c: {  	s23 =	sadd.s32 $0x80, s23;
	s21 =	sadd.s32 $0x80, s21;
	s7 =	sadd.s32 $0x80, s7;
	[tilespmem:s25+$0x200] =	vst v11  }
0x13d: {  	_ =	swait.ge [sflag:s0], $0x800  }
0x13e: {  	[sflag:s0] =	ssyncset.done $0x0  }
0x13f: {  	[sflag:s0] =	ssyncadd.s32 $0xFFFFF800  }
0x140: {  	_ =	swait.ge [sflag:s0], $0x800  }
0x141: {  	[sflag:s0] =	ssyncset.done $0x0  }
0x142: {  	[sflag:s0] =	ssyncadd.s32 $0xFFFFF800  }
0x143: {  	_ =	swait.ge [sflag:s0], $0x800  }
0x144: {  	[sflag:s0] =	ssyncset.done $0x0  }
0x145: {  	[sflag:s0] =	ssyncadd.s32 $0xFFFFF800  }
0x146: {  	_ =	swait.ge [sflag:s0], $0x800  }
0x147: {  	[sflag:s0] =	ssyncset.done $0x0  }
0x148: {  	[sflag:s0] =	ssyncadd.s32 $0xFFFFF800  }
0x149: {  	_ =	swait.ge [sflag:s0], $0x800  }
0x14a: {  	[sflag:s0] =	ssyncset.done $0x0  }
0x14b: {  	[sflag:s0] =	ssyncadd.s32 $0xFFFFF800  }
0x14c: {  	_ =	swait.ge [sflag:s0], $0x800  }
0x14d: {  	[sflag:s0] =	ssyncset.done $0x0  }
0x14e: {  	[sflag:s0] =	ssyncadd.s32 $0xFFFFF800  }
0x14f: {  	_ =	swait.ge [sflag:s0], $0x800  }
0x150: {  	[sflag:s0] =	ssyncset.done $0x0  }
0x151: {  	[sflag:s0] =	ssyncadd.s32 $0xFFFFF800  }
0x152: {  	_ =	swait.ge [sflag:s0], $0x800  }
0x153: {  	[sflag:s0] =	ssyncset.done $0x0  }
0x154: {  	[sflag:s0] =	ssyncadd.s32 $0xFFFFF800  }
0x155: {  	_ =	swait.ge [sflag:s0], $0x800  }
0x156: {  	[sflag:s0] =	ssyncset.done $0x0  }
0x157: {  	[sflag:s0] =	ssyncadd.s32 $0xFFFFF800  }
0x158: {  	_ =	swait.ge [sflag:s0], $0x800  }
0x159: {  	[sflag:s0] =	ssyncset.done $0x0  }
0x15a: {  	[sflag:s0] =	ssyncadd.s32 $0xFFFFF800  }
0x15b: {  	_ =	swait.ge [sflag:s0], $0x800  }
0x15c: {  	[sflag:s0] =	ssyncset.done $0x0  }
0x15d: {  	[sflag:s0] =	ssyncadd.s32 $0xFFFFF800  }
0x15e: {  	_ =	swait.ge [sflag:s0], $0x800  }
0x15f: {  	s21 =	simm.s32 $0x9600;
	s28 =	simm.s32 $0x0;
	[sflag:s0] =	ssyncset.done $0x0  }
0x160: {  	s4 =	simm.s32 $0x9200;
	s24 =	simm.s32 $0x0;
	[sflag:s0] =	ssyncadd.s32 $0xFFFFF800  }
.LBB2_11:
0x161: {  	v11 =	vmov s21;
	_ =	sdelay $0x1  }
0x162: {  	v12 =	vld [tilespmem:s4+$0x200]  }
0x163: {  	v13 =	vld [tilespmem:s4+$0x0]  }
0x164: {  	v14 =	vld [tilespmem:s4+$0xFFFFFE00];
	s25 =	simm.s32 $0x0  }
0x165: {  	v15 =	vld.idx.msk [tilespmem:v11+s25+$0x2000 ss:$0x1], $0xffff  }
0x166: {  	v16 =	vld.idx.msk [tilespmem:v11+s25+$0x0 ss:$0x1], $0xffff  }
0x167: {  	v17 =	vmov s28  }
0x168: {  	v17 =	vshrl.u32 v17, $0x3;
	v18 =	vld.idx.msk [tilespmem:v11+s25+$0x4000 ss:$0x1], $0xffff;
	v19 =	vbroadcast v13, $0x0  }
0x169: {  	v17 =	vshll.u32 v17, v3;
	v20 =	vbroadcast v14, $0x0  }
0x16a: {  	v17 =	vbroadcast v17, $0x0;
	v15 =	vmul.f32 v15, v19  }
0x16b: {  	v19 =	vbroadcast v12, $0x0;
	v16 =	vmul.f32 v16, v20  }
0x16c: {  	v17 =	vadd.s32 v0, v17  }
0x16d: {  	v18 =	vmul.f32 v18, v19;
	v15 =	vadd.f32 v15, v16;
	_ =	sdelay $0x1  }
0x16e: {  	v15 =	vadd.f32 v18, v15;
	_ =	sdelay $0x1  }
0x16f: {  	[tilespmem:v17+s18+$0x0] =	vst.idx.msk $0xffff, v15  }
0x170: {  	v15 =	vld.idx.msk [tilespmem:v11+s25+$0x10 ss:$0x1], $0xffff  }
0x171: {  	s7 =	sadd.s32 $0x1, s28;
	v16 =	vld.idx.msk [tilespmem:v11+s25+$0x2010 ss:$0x1], $0xffff  }
0x172: {  	v17 =	vmov s7  }
0x173: {  	v18 =	vld.idx.msk [tilespmem:v11+s25+$0x4010 ss:$0x1], $0xffff;
	v17 =	vshrl.u32 v17, $0x3  }
0x174: {  	v20 =	vbroadcast v13, $0x1;
	v19 =	vbroadcast v14, $0x1;
	v17 =	vshll.u32 v17, v3  }
0x175: {  	v21 =	vbroadcast v12, $0x1;
	v17 =	vbroadcast v17, $0x0  }
0x176: {  	v15 =	vmul.f32 v15, v19;
	v16 =	vmul.f32 v16, v20  }
0x177: {  	v17 =	vadd.s32 v4, v17  }
0x178: {  	v18 =	vmul.f32 v18, v21;
	v15 =	vadd.f32 v16, v15;
	_ =	sdelay $0x1  }
0x179: {  	v15 =	vadd.f32 v18, v15;
	_ =	sdelay $0x1  }
0x17a: {  	[tilespmem:v17+s18+$0x0] =	vst.idx.msk $0xffff, v15  }
0x17b: {  	v15 =	vld.idx.msk [tilespmem:v11+s25+$0x20 ss:$0x1], $0xffff  }
0x17c: {  	s23 =	sadd.s32 $0x2, s28;
	v16 =	vld.idx.msk [tilespmem:v11+s25+$0x2020 ss:$0x1], $0xffff  }
0x17d: {  	v17 =	vmov s23  }
0x17e: {  	v18 =	vld.idx.msk [tilespmem:v11+s25+$0x4020 ss:$0x1], $0xffff;
	v17 =	vshrl.u32 v17, $0x3  }
0x17f: {  	v19 =	vbroadcast v14, $0x2;
	v20 =	vbroadcast v13, $0x2;
	v17 =	vshll.u32 v17, v3  }
0x180: {  	v60 =	vbroadcast v12, $0x2;
	v17 =	vbroadcast v17, $0x0  }
0x181: {  	v15 =	vmul.f32 v15, v19;
	v16 =	vmul.f32 v16, v20  }
0x182: {  	v17 =	vadd.s32 v5, v17  }
0x183: {  	v15 =	vadd.f32 v16, v15;
	v16 =	vmul.f32 v18, v60;
	_ =	sdelay $0x1  }
0x184: {  	v15 =	vadd.f32 v16, v15;
	_ =	sdelay $0x1  }
0x185: {  	[tilespmem:v17+s18+$0x0] =	vst.idx.msk $0xffff, v15  }
0x186: {  	v15 =	vld.idx.msk [tilespmem:v11+s25+$0x30 ss:$0x1], $0xffff  }
0x187: {  	s26 =	sadd.s32 $0x3, s28;
	v16 =	vld.idx.msk [tilespmem:v11+s25+$0x2030 ss:$0x1], $0xffff  }
0x188: {  	v17 =	vmov s26  }
0x189: {  	v19 =	vbroadcast v14, $0x3;
	v18 =	vld.idx.msk [tilespmem:v11+s25+$0x4030 ss:$0x1], $0xffff;
	v17 =	vshrl.u32 v17, $0x3  }
0x18a: {  	v20 =	vbroadcast v13, $0x3;
	v17 =	vshll.u32 v17, v3  }
0x18b: {  	v17 =	vbroadcast v17, $0x0;
	v15 =	vmul.f32 v15, v19  }
0x18c: {  	v16 =	vmul.f32 v16, v20;
	v19 =	vbroadcast v12, $0x3  }
0x18d: {  	v17 =	vadd.s32 v6, v17  }
0x18e: {  	v15 =	vadd.f32 v16, v15;
	v16 =	vmul.f32 v18, v19;
	_ =	sdelay $0x1  }
0x18f: {  	v15 =	vadd.f32 v16, v15;
	_ =	sdelay $0x1  }
0x190: {  	[tilespmem:v17+s18+$0x0] =	vst.idx.msk $0xffff, v15  }
0x191: {  	v15 =	vld.idx.msk [tilespmem:v11+s25+$0x40 ss:$0x1], $0xffff  }
0x192: {  	s8 =	sadd.s32 $0x4, s28;
	v16 =	vld.idx.msk [tilespmem:v11+s25+$0x2040 ss:$0x1], $0xffff  }
0x193: {  	v17 =	vmov s8  }
0x194: {  	v19 =	vbroadcast v14, $0x4;
	v18 =	vld.idx.msk [tilespmem:v11+s25+$0x4040 ss:$0x1], $0xffff;
	v17 =	vshrl.u32 v17, $0x3  }
0x195: {  	v20 =	vbroadcast v13, $0x4;
	v17 =	vshll.u32 v17, v3  }
0x196: {  	v17 =	vbroadcast v17, $0x0;
	v15 =	vmul.f32 v15, v19  }
0x197: {  	v16 =	vmul.f32 v16, v20;
	v19 =	vbroadcast v12, $0x4  }
0x198: {  	v17 =	vadd.s32 v7, v17  }
0x199: {  	v15 =	vadd.f32 v16, v15;
	v16 =	vmul.f32 v18, v19;
	_ =	sdelay $0x1  }
0x19a: {  	v15 =	vadd.f32 v16, v15;
	_ =	sdelay $0x1  }
0x19b: {  	[tilespmem:v17+s18+$0x0] =	vst.idx.msk $0xffff, v15  }
0x19c: {  	v15 =	vld.idx.msk [tilespmem:v11+s25+$0x50 ss:$0x1], $0xffff  }
0x19d: {  	s9 =	sadd.s32 $0x5, s28;
	v16 =	vld.idx.msk [tilespmem:v11+s25+$0x2050 ss:$0x1], $0xffff  }
0x19e: {  	v17 =	vmov s9  }
0x19f: {  	v19 =	vbroadcast v14, $0x5;
	v18 =	vld.idx.msk [tilespmem:v11+s25+$0x4050 ss:$0x1], $0xffff;
	v17 =	vshrl.u32 v17, $0x3  }
0x1a0: {  	v20 =	vbroadcast v13, $0x5;
	v17 =	vshll.u32 v17, v3  }
0x1a1: {  	v17 =	vbroadcast v17, $0x0;
	v15 =	vmul.f32 v15, v19  }
0x1a2: {  	v16 =	vmul.f32 v16, v20;
	v19 =	vbroadcast v12, $0x5  }
0x1a3: {  	v17 =	vadd.s32 v8, v17  }
0x1a4: {  	v15 =	vadd.f32 v16, v15;
	v16 =	vmul.f32 v18, v19;
	_ =	sdelay $0x1  }
0x1a5: {  	v15 =	vadd.f32 v16, v15;
	_ =	sdelay $0x1  }
0x1a6: {  	[tilespmem:v17+s18+$0x0] =	vst.idx.msk $0xffff, v15  }
0x1a7: {  	v15 =	vld.idx.msk [tilespmem:v11+s25+$0x60 ss:$0x1], $0xffff  }
0x1a8: {  	s10 =	sadd.s32 $0x6, s28;
	v16 =	vld.idx.msk [tilespmem:v11+s25+$0x2060 ss:$0x1], $0xffff  }
0x1a9: {  	v17 =	vmov s10  }
0x1aa: {  	v19 =	vbroadcast v14, $0x6;
	v18 =	vld.idx.msk [tilespmem:v11+s25+$0x4060 ss:$0x1], $0xffff;
	v17 =	vshrl.u32 v17, $0x3  }
0x1ab: {  	v20 =	vbroadcast v13, $0x6;
	v17 =	vshll.u32 v17, v3  }
0x1ac: {  	v17 =	vbroadcast v17, $0x0;
	v15 =	vmul.f32 v15, v19  }
0x1ad: {  	v16 =	vmul.f32 v16, v20;
	v19 =	vbroadcast v12, $0x6  }
0x1ae: {  	v17 =	vadd.s32 v9, v17  }
0x1af: {  	v15 =	vadd.f32 v16, v15;
	v16 =	vmul.f32 v18, v19;
	_ =	sdelay $0x1  }
0x1b0: {  	v15 =	vadd.f32 v16, v15;
	_ =	sdelay $0x1  }
0x1b1: {  	[tilespmem:v17+s18+$0x0] =	vst.idx.msk $0xffff, v15  }
0x1b2: {  	v15 =	vld.idx.msk [tilespmem:v11+s25+$0x70 ss:$0x1], $0xffff  }
0x1b3: {  	s22 =	sadd.s32 $0x7, s28;
	v16 =	vld.idx.msk [tilespmem:v11+s25+$0x2070 ss:$0x1], $0xffff  }
0x1b4: {  	v17 =	vmov s22  }
0x1b5: {  	v18 =	vld.idx.msk [tilespmem:v11+s25+$0x4070 ss:$0x1], $0xffff;
	v17 =	vshrl.u32 v17, $0x3  }
0x1b6: {  	v20 =	vbroadcast v13, $0x7;
	v19 =	vbroadcast v14, $0x7;
	v17 =	vshll.u32 v17, v3  }
0x1b7: {  	v61 =	vbroadcast v12, $0x7;
	v17 =	vbroadcast v17, $0x0  }
0x1b8: {  	v15 =	vmul.f32 v15, v19;
	v16 =	vmul.f32 v16, v20  }
0x1b9: {  	v17 =	vadd.s32 v10, v17  }
0x1ba: {  	v15 =	vadd.f32 v16, v15;
	v16 =	vmul.f32 v18, v61;
	_ =	sdelay $0x1  }
0x1bb: {  	v15 =	vadd.f32 v16, v15;
	_ =	sdelay $0x1  }
0x1bc: {  	[tilespmem:v17+s18+$0x0] =	vst.idx.msk $0xffff, v15  }
0x1bd: {  	v15 =	vld.idx.msk [tilespmem:v11+s25+$0x80 ss:$0x1], $0xffff  }
0x1be: {  	s23 =	sadd.s32 $0x8, s28;
	v16 =	vld.idx.msk [tilespmem:v11+s25+$0x2080 ss:$0x1], $0xffff  }
0x1bf: {  	v17 =	vmov s23  }
0x1c0: {  	v19 =	vbroadcast v14, $0x8;
	v18 =	vld.idx.msk [tilespmem:v11+s25+$0x4080 ss:$0x1], $0xffff;
	v17 =	vshrl.u32 v17, $0x3  }
0x1c1: {  	v20 =	vbroadcast v13, $0x8;
	v17 =	vshll.u32 v17, v3  }
0x1c2: {  	v17 =	vbroadcast v17, $0x0;
	v15 =	vmul.f32 v15, v19  }
0x1c3: {  	v16 =	vmul.f32 v16, v20;
	v19 =	vbroadcast v12, $0x8  }
0x1c4: {  	v17 =	vadd.s32 v0, v17  }
0x1c5: {  	v15 =	vadd.f32 v16, v15;
	v16 =	vmul.f32 v18, v19;
	_ =	sdelay $0x1  }
0x1c6: {  	v15 =	vadd.f32 v16, v15;
	_ =	sdelay $0x1  }
0x1c7: {  	[tilespmem:v17+s18+$0x0] =	vst.idx.msk $0xffff, v15  }
0x1c8: {  	v15 =	vld.idx.msk [tilespmem:v11+s25+$0x90 ss:$0x1], $0xffff  }
0x1c9: {  	s26 =	sadd.s32 $0x9, s28;
	v16 =	vld.idx.msk [tilespmem:v11+s25+$0x2090 ss:$0x1], $0xffff  }
0x1ca: {  	v17 =	vmov s26  }
0x1cb: {  	v19 =	vbroadcast v14, $0x9;
	v18 =	vld.idx.msk [tilespmem:v11+s25+$0x4090 ss:$0x1], $0xffff;
	v17 =	vshrl.u32 v17, $0x3  }
0x1cc: {  	v20 =	vbroadcast v13, $0x9;
	v17 =	vshll.u32 v17, v3  }
0x1cd: {  	v17 =	vbroadcast v17, $0x0;
	v15 =	vmul.f32 v15, v19  }
0x1ce: {  	v16 =	vmul.f32 v16, v20;
	v19 =	vbroadcast v12, $0x9  }
0x1cf: {  	v17 =	vadd.s32 v4, v17  }
0x1d0: {  	v15 =	vadd.f32 v16, v15;
	v16 =	vmul.f32 v18, v19;
	_ =	sdelay $0x1  }
0x1d1: {  	v15 =	vadd.f32 v16, v15;
	_ =	sdelay $0x1  }
0x1d2: {  	[tilespmem:v17+s18+$0x0] =	vst.idx.msk $0xffff, v15  }
0x1d3: {  	v15 =	vld.idx.msk [tilespmem:v11+s25+$0x20A0 ss:$0x1], $0xffff  }
0x1d4: {  	s8 =	sadd.s32 $0xA, s28;
	v16 =	vld.idx.msk [tilespmem:v11+s25+$0xA0 ss:$0x1], $0xffff  }
0x1d5: {  	v17 =	vmov s8  }
0x1d6: {  	v19 =	vbroadcast v13, $0xA;
	v18 =	vld.idx.msk [tilespmem:v11+s25+$0x40A0 ss:$0x1], $0xffff;
	v17 =	vshrl.u32 v17, $0x3  }
0x1d7: {  	v20 =	vbroadcast v14, $0xA;
	v17 =	vshll.u32 v17, v3  }
0x1d8: {  	v17 =	vbroadcast v17, $0x0;
	v15 =	vmul.f32 v15, v19  }
0x1d9: {  	v16 =	vmul.f32 v16, v20;
	v19 =	vbroadcast v12, $0xA  }
0x1da: {  	v17 =	vadd.s32 v5, v17  }
0x1db: {  	v15 =	vadd.f32 v15, v16;
	v16 =	vmul.f32 v18, v19;
	_ =	sdelay $0x1  }
0x1dc: {  	v15 =	vadd.f32 v16, v15;
	_ =	sdelay $0x1  }
0x1dd: {  	[tilespmem:v17+s18+$0x0] =	vst.idx.msk $0xffff, v15  }
0x1de: {  	v15 =	vld.idx.msk [tilespmem:v11+s25+$0xB0 ss:$0x1], $0xffff  }
0x1df: {  	s9 =	sadd.s32 $0xB, s28;
	v16 =	vld.idx.msk [tilespmem:v11+s25+$0x20B0 ss:$0x1], $0xffff  }
0x1e0: {  	v17 =	vmov s9  }
0x1e1: {  	v19 =	vbroadcast v14, $0xB;
	v18 =	vld.idx.msk [tilespmem:v11+s25+$0x40B0 ss:$0x1], $0xffff;
	v17 =	vshrl.u32 v17, $0x3  }
0x1e2: {  	v20 =	vbroadcast v13, $0xB;
	v17 =	vshll.u32 v17, v3  }
0x1e3: {  	v17 =	vbroadcast v17, $0x0;
	v15 =	vmul.f32 v15, v19  }
0x1e4: {  	v16 =	vmul.f32 v16, v20;
	v19 =	vbroadcast v12, $0xB  }
0x1e5: {  	v17 =	vadd.s32 v6, v17  }
0x1e6: {  	v15 =	vadd.f32 v16, v15;
	v16 =	vmul.f32 v18, v19;
	_ =	sdelay $0x1  }
0x1e7: {  	v15 =	vadd.f32 v16, v15;
	_ =	sdelay $0x1  }
0x1e8: {  	[tilespmem:v17+s18+$0x0] =	vst.idx.msk $0xffff, v15  }
0x1e9: {  	v15 =	vld.idx.msk [tilespmem:v11+s25+$0xC0 ss:$0x1], $0xffff  }
0x1ea: {  	s10 =	sadd.s32 $0xC, s28;
	v16 =	vld.idx.msk [tilespmem:v11+s25+$0x20C0 ss:$0x1], $0xffff  }
0x1eb: {  	v17 =	vmov s10  }
0x1ec: {  	v19 =	vbroadcast v14, $0xC;
	v18 =	vld.idx.msk [tilespmem:v11+s25+$0x40C0 ss:$0x1], $0xffff;
	v17 =	vshrl.u32 v17, $0x3  }
0x1ed: {  	v20 =	vbroadcast v13, $0xC;
	v17 =	vshll.u32 v17, v3  }
0x1ee: {  	v17 =	vbroadcast v17, $0x0;
	v15 =	vmul.f32 v15, v19  }
0x1ef: {  	v16 =	vmul.f32 v16, v20;
	v19 =	vbroadcast v12, $0xC  }
0x1f0: {  	v17 =	vadd.s32 v7, v17  }
0x1f1: {  	v15 =	vadd.f32 v16, v15;
	v16 =	vmul.f32 v18, v19;
	_ =	sdelay $0x1  }
0x1f2: {  	v15 =	vadd.f32 v16, v15;
	_ =	sdelay $0x1  }
0x1f3: {  	[tilespmem:v17+s18+$0x0] =	vst.idx.msk $0xffff, v15  }
0x1f4: {  	v15 =	vld.idx.msk [tilespmem:v11+s25+$0xD0 ss:$0x1], $0xffff  }
0x1f5: {  	s22 =	sadd.s32 $0xD, s28;
	v16 =	vld.idx.msk [tilespmem:v11+s25+$0x20D0 ss:$0x1], $0xffff  }
0x1f6: {  	v17 =	vmov s22  }
0x1f7: {  	v19 =	vbroadcast v14, $0xD;
	v18 =	vld.idx.msk [tilespmem:v11+s25+$0x40D0 ss:$0x1], $0xffff;
	v17 =	vshrl.u32 v17, $0x3  }
0x1f8: {  	v20 =	vbroadcast v13, $0xD;
	v17 =	vshll.u32 v17, v3  }
0x1f9: {  	v17 =	vbroadcast v17, $0x0;
	v15 =	vmul.f32 v15, v19  }
0x1fa: {  	v16 =	vmul.f32 v16, v20;
	v19 =	vbroadcast v12, $0xD  }
0x1fb: {  	v17 =	vadd.s32 v8, v17  }
0x1fc: {  	v15 =	vadd.f32 v16, v15;
	v16 =	vmul.f32 v18, v19;
	_ =	sdelay $0x1  }
0x1fd: {  	v15 =	vadd.f32 v16, v15;
	_ =	sdelay $0x1  }
0x1fe: {  	[tilespmem:v17+s18+$0x0] =	vst.idx.msk $0xffff, v15  }
0x1ff: {  	v15 =	vld.idx.msk [tilespmem:v11+s25+$0xE0 ss:$0x1], $0xffff  }
0x200: {  	s23 =	sadd.s32 $0xE, s28;
	v16 =	vld.idx.msk [tilespmem:v11+s25+$0x20E0 ss:$0x1], $0xffff  }
0x201: {  	v17 =	vmov s23  }
0x202: {  	v62 =	vbroadcast v13, $0xE;
	s26 =	sadd.s32 $0xF, s28;
	v18 =	vld.idx.msk [tilespmem:v11+s25+$0x40E0 ss:$0x1], $0xffff;
	v17 =	vshrl.u32 v17, $0x3  }
0x203: {  	v20 =	vmov s26;
	v19 =	vbroadcast v14, $0xE;
	v17 =	vshll.u32 v17, v3  }
0x204: {  	v63 =	vbroadcast v12, $0xE;
	v20 =	vshrl.u32 v20, $0x3;
	v17 =	vbroadcast v17, $0x0  }
0x205: {  	v19 =	vmul.f32 v15, v19;
	v15 =	vshll.u32 v20, v3;
	v20 =	vmul.f32 v16, v62  }
0x206: {  	v16 =	vadd.s32 v9, v17  }
0x207: {  	s22 =	smov.u32 s28;
	s26 =	simm.s32 $0x400;
	s23 =	smov.u32 s4;
	v18 =	vmul.f32 v18, v63;
	v15 =	vbroadcast v15, $0x0;
	v17 =	vadd.f32 v20, v19  }
.LBB2_12:
0x208: {  	p0 =	sne.s32 s26, $0x1C00;
	s22 =	sadd.s32 $0x10, s22;
	s23 =	sadd.s32 $0x10, s23  }
0x209: {  	s8 =	smov.u32 s26;
	s26 =	sadd.s32 $0x400, s26;
	s7 =	sadd.s32 $0xF, s22;
	v17 =	vadd.f32 v18, v17  }
0x20a: {  	v18 =	vmov s7  }
0x20b: {  	v18 =	vshrl.u32 v18, $0x3;
	[tilespmem:v16+s18+$0x0] =	vst.idx.msk $0xffff, v17  }
0x20c: {  	v16 =	vshll.u32 v18, v3;
	v17 =	vld.idx.msk [tilespmem:v11+s25+$0xF0 ss:$0x1], $0xffff  }
0x20d: {  	v16 =	vbroadcast v16, $0x0;
	v18 =	vld.idx.msk [tilespmem:v11+s25+$0x20F0 ss:$0x1], $0xffff  }
0x20e: {  	v19 =	vld.idx.msk [tilespmem:v11+s25+$0x40F0 ss:$0x1], $0xffff;
	_ =	sdelay $0x1  }
0x20f: {  	v14 =	vbroadcast v14, $0xF;
	v13 =	vbroadcast v13, $0xF;
	_ =	sdelay $0x1  }
0x210: {  	v12 =	vbroadcast v12, $0xF;
	v14 =	vmul.f32 v17, v14  }
0x211: {  	v17 =	vadd.s32 v10, v15;
	v15 =	vmov v16;
	v13 =	vmul.f32 v18, v13  }
0x212: {  	v12 =	vmul.f32 v19, v12  }
0x213: {  	v13 =	vadd.f32 v13, v14;
	_ =	sdelay $0x1  }
0x214: {  	v12 =	vadd.f32 v12, v13;
	_ =	sdelay $0x1  }
0x215: {  	[tilespmem:v17+s18+$0x0] =	vst.idx.msk $0xffff, v12  }
0x216: {  	v12 =	vld [tilespmem:s23+$0x200]  }
0x217: {  	v14 =	vld [tilespmem:s23+$0xFFFFFE00]  }
0x218: {  	s25 =	sshra.s32 s8, $0x2;
	v13 =	vld [tilespmem:s23+$0x0]  }
0x219: {  	v16 =	vld.idx.msk [tilespmem:v11+s25+$0x2000 ss:$0x1], $0xffff  }
0x21a: {  	v17 =	vld.idx.msk [tilespmem:v11+s25+$0x0 ss:$0x1], $0xffff  }
0x21b: {  	v19 =	vmov s22;
	v18 =	vld.idx.msk [tilespmem:v11+s25+$0x4000 ss:$0x1], $0xffff  }
0x21c: {  	v19 =	vshrl.u32 v19, $0x3  }
0x21d: {  	v19 =	vshll.u32 v19, v3;
	v20 =	vbroadcast v14, $0x0;
	v21 =	vbroadcast v13, $0x0  }
0x21e: {  	v19 =	vbroadcast v19, $0x0  }
0x21f: {  	v16 =	vmul.f32 v16, v21;
	v21 =	vbroadcast v12, $0x0  }
0x220: {  	v19 =	vadd.s32 v0, v19;
	v17 =	vmul.f32 v17, v20  }
0x221: {  	v18 =	vmul.f32 v18, v21  }
0x222: {  	v16 =	vadd.f32 v16, v17;
	_ =	sdelay $0x1  }
0x223: {  	v16 =	vadd.f32 v18, v16;
	_ =	sdelay $0x1  }
0x224: {  	[tilespmem:v19+s18+$0x0] =	vst.idx.msk $0xffff, v16  }
0x225: {  	v16 =	vld.idx.msk [tilespmem:v11+s25+$0x4010 ss:$0x1], $0xffff  }
0x226: {  	v17 =	vld.idx.msk [tilespmem:v11+s25+$0x10 ss:$0x1], $0xffff  }
0x227: {  	v18 =	vld.idx.msk [tilespmem:v11+s25+$0x2010 ss:$0x1], $0xffff  }
0x228: {  	s7 =	sadd.s32 $0x1, s22  }
0x229: {  	v19 =	vmov s7  }
0x22a: {  	v20 =	vbroadcast v12, $0x1;
	v19 =	vshrl.u32 v19, $0x3  }
0x22b: {  	v22 =	vbroadcast v13, $0x1;
	v21 =	vbroadcast v14, $0x1;
	v19 =	vshll.u32 v19, v3  }
0x22c: {  	v19 =	vbroadcast v19, $0x0;
	v16 =	vmul.f32 v16, v20  }
0x22d: {  	v17 =	vmul.f32 v17, v21;
	v18 =	vmul.f32 v18, v22  }
0x22e: {  	v19 =	vadd.s32 v4, v19  }
0x22f: {  	v17 =	vadd.f32 v18, v17;
	_ =	sdelay $0x1  }
0x230: {  	v16 =	vadd.f32 v16, v17;
	_ =	sdelay $0x1  }
0x231: {  	[tilespmem:v19+s18+$0x0] =	vst.idx.msk $0xffff, v16  }
0x232: {  	v16 =	vld.idx.msk [tilespmem:v11+s25+$0x20 ss:$0x1], $0xffff  }
0x233: {  	v17 =	vld.idx.msk [tilespmem:v11+s25+$0x2020 ss:$0x1], $0xffff  }
0x234: {  	s7 =	sadd.s32 $0x2, s22  }
0x235: {  	v19 =	vmov s7;
	v18 =	vld.idx.msk [tilespmem:v11+s25+$0x4020 ss:$0x1], $0xffff  }
0x236: {  	v19 =	vshrl.u32 v19, $0x3  }
0x237: {  	v20 =	vbroadcast v14, $0x2;
	v21 =	vbroadcast v13, $0x2;
	v19 =	vshll.u32 v19, v3  }
0x238: {  	v22 =	vbroadcast v12, $0x2;
	v19 =	vbroadcast v19, $0x0  }
0x239: {  	v16 =	vmul.f32 v16, v20;
	v17 =	vmul.f32 v17, v21  }
0x23a: {  	v19 =	vadd.s32 v5, v19  }
0x23b: {  	v16 =	vadd.f32 v17, v16;
	v17 =	vmul.f32 v18, v22;
	_ =	sdelay $0x1  }
0x23c: {  	v16 =	vadd.f32 v17, v16;
	_ =	sdelay $0x1  }
0x23d: {  	[tilespmem:v19+s18+$0x0] =	vst.idx.msk $0xffff, v16  }
0x23e: {  	v16 =	vld.idx.msk [tilespmem:v11+s25+$0x30 ss:$0x1], $0xffff  }
0x23f: {  	v17 =	vld.idx.msk [tilespmem:v11+s25+$0x2030 ss:$0x1], $0xffff  }
0x240: {  	s7 =	sadd.s32 $0x3, s22  }
0x241: {  	v19 =	vmov s7;
	v18 =	vld.idx.msk [tilespmem:v11+s25+$0x4030 ss:$0x1], $0xffff  }
0x242: {  	v20 =	vbroadcast v14, $0x3;
	v19 =	vshrl.u32 v19, $0x3  }
0x243: {  	v21 =	vbroadcast v13, $0x3;
	v19 =	vshll.u32 v19, v3  }
0x244: {  	v19 =	vbroadcast v19, $0x0;
	v16 =	vmul.f32 v16, v20  }
0x245: {  	v20 =	vbroadcast v12, $0x3;
	v17 =	vmul.f32 v17, v21  }
0x246: {  	v19 =	vadd.s32 v6, v19  }
0x247: {  	v16 =	vadd.f32 v17, v16;
	v17 =	vmul.f32 v18, v20;
	_ =	sdelay $0x1  }
0x248: {  	v16 =	vadd.f32 v17, v16;
	_ =	sdelay $0x1  }
0x249: {  	[tilespmem:v19+s18+$0x0] =	vst.idx.msk $0xffff, v16  }
0x24a: {  	v16 =	vld.idx.msk [tilespmem:v11+s25+$0x40 ss:$0x1], $0xffff  }
0x24b: {  	v17 =	vld.idx.msk [tilespmem:v11+s25+$0x2040 ss:$0x1], $0xffff  }
0x24c: {  	s7 =	sadd.s32 $0x4, s22;
	v18 =	vld.idx.msk [tilespmem:v11+s25+$0x4040 ss:$0x1], $0xffff  }
0x24d: {  	v19 =	vmov s7  }
0x24e: {  	v20 =	vbroadcast v14, $0x4;
	v19 =	vshrl.u32 v19, $0x3  }
0x24f: {  	v21 =	vbroadcast v13, $0x4;
	v19 =	vshll.u32 v19, v3  }
0x250: {  	v19 =	vbroadcast v19, $0x0;
	v16 =	vmul.f32 v16, v20  }
0x251: {  	v20 =	vbroadcast v12, $0x4;
	v17 =	vmul.f32 v17, v21  }
0x252: {  	v19 =	vadd.s32 v7, v19  }
0x253: {  	v16 =	vadd.f32 v17, v16;
	v17 =	vmul.f32 v18, v20;
	_ =	sdelay $0x1  }
0x254: {  	v16 =	vadd.f32 v17, v16;
	_ =	sdelay $0x1  }
0x255: {  	[tilespmem:v19+s18+$0x0] =	vst.idx.msk $0xffff, v16  }
0x256: {  	v16 =	vld.idx.msk [tilespmem:v11+s25+$0x50 ss:$0x1], $0xffff  }
0x257: {  	v17 =	vld.idx.msk [tilespmem:v11+s25+$0x2050 ss:$0x1], $0xffff  }
0x258: {  	s7 =	sadd.s32 $0x5, s22;
	v18 =	vld.idx.msk [tilespmem:v11+s25+$0x4050 ss:$0x1], $0xffff  }
0x259: {  	v19 =	vmov s7  }
0x25a: {  	v20 =	vbroadcast v14, $0x5;
	v19 =	vshrl.u32 v19, $0x3  }
0x25b: {  	v21 =	vbroadcast v13, $0x5;
	v19 =	vshll.u32 v19, v3  }
0x25c: {  	v19 =	vbroadcast v19, $0x0;
	v16 =	vmul.f32 v16, v20  }
0x25d: {  	v20 =	vbroadcast v12, $0x5;
	v17 =	vmul.f32 v17, v21  }
0x25e: {  	v19 =	vadd.s32 v8, v19  }
0x25f: {  	v16 =	vadd.f32 v17, v16;
	v17 =	vmul.f32 v18, v20;
	_ =	sdelay $0x1  }
0x260: {  	v16 =	vadd.f32 v17, v16;
	_ =	sdelay $0x1  }
0x261: {  	[tilespmem:v19+s18+$0x0] =	vst.idx.msk $0xffff, v16  }
0x262: {  	v16 =	vld.idx.msk [tilespmem:v11+s25+$0x60 ss:$0x1], $0xffff  }
0x263: {  	v17 =	vld.idx.msk [tilespmem:v11+s25+$0x2060 ss:$0x1], $0xffff  }
0x264: {  	s7 =	sadd.s32 $0x6, s22;
	v18 =	vld.idx.msk [tilespmem:v11+s25+$0x4060 ss:$0x1], $0xffff  }
0x265: {  	v19 =	vmov s7  }
0x266: {  	v20 =	vbroadcast v14, $0x6;
	v19 =	vshrl.u32 v19, $0x3  }
0x267: {  	v21 =	vbroadcast v13, $0x6;
	v19 =	vshll.u32 v19, v3  }
0x268: {  	v19 =	vbroadcast v19, $0x0;
	v16 =	vmul.f32 v16, v20  }
0x269: {  	v20 =	vbroadcast v12, $0x6;
	v17 =	vmul.f32 v17, v21  }
0x26a: {  	v19 =	vadd.s32 v9, v19  }
0x26b: {  	v16 =	vadd.f32 v17, v16;
	v17 =	vmul.f32 v18, v20;
	_ =	sdelay $0x1  }
0x26c: {  	v16 =	vadd.f32 v17, v16;
	_ =	sdelay $0x1  }
0x26d: {  	[tilespmem:v19+s18+$0x0] =	vst.idx.msk $0xffff, v16  }
0x26e: {  	v16 =	vld.idx.msk [tilespmem:v11+s25+$0x70 ss:$0x1], $0xffff  }
0x26f: {  	v17 =	vld.idx.msk [tilespmem:v11+s25+$0x2070 ss:$0x1], $0xffff  }
0x270: {  	s7 =	sadd.s32 $0x7, s22;
	v18 =	vld.idx.msk [tilespmem:v11+s25+$0x4070 ss:$0x1], $0xffff  }
0x271: {  	v19 =	vmov s7  }
0x272: {  	v19 =	vshrl.u32 v19, $0x3  }
0x273: {  	v21 =	vbroadcast v13, $0x7;
	v20 =	vbroadcast v14, $0x7;
	v19 =	vshll.u32 v19, v3  }
0x274: {  	v22 =	vbroadcast v12, $0x7;
	v19 =	vbroadcast v19, $0x0  }
0x275: {  	v16 =	vmul.f32 v16, v20;
	v17 =	vmul.f32 v17, v21  }
0x276: {  	v19 =	vadd.s32 v10, v19  }
0x277: {  	v16 =	vadd.f32 v17, v16;
	v17 =	vmul.f32 v18, v22;
	_ =	sdelay $0x1  }
0x278: {  	v16 =	vadd.f32 v17, v16;
	_ =	sdelay $0x1  }
0x279: {  	[tilespmem:v19+s18+$0x0] =	vst.idx.msk $0xffff, v16  }
0x27a: {  	v16 =	vld.idx.msk [tilespmem:v11+s25+$0x80 ss:$0x1], $0xffff  }
0x27b: {  	v17 =	vld.idx.msk [tilespmem:v11+s25+$0x2080 ss:$0x1], $0xffff  }
0x27c: {  	s7 =	sadd.s32 $0x8, s22;
	v18 =	vld.idx.msk [tilespmem:v11+s25+$0x4080 ss:$0x1], $0xffff  }
0x27d: {  	v19 =	vmov s7  }
0x27e: {  	v20 =	vbroadcast v14, $0x8;
	v19 =	vshrl.u32 v19, $0x3  }
0x27f: {  	v21 =	vbroadcast v13, $0x8;
	v19 =	vshll.u32 v19, v3  }
0x280: {  	v19 =	vbroadcast v19, $0x0;
	v16 =	vmul.f32 v16, v20  }
0x281: {  	v20 =	vbroadcast v12, $0x8;
	v17 =	vmul.f32 v17, v21  }
0x282: {  	v19 =	vadd.s32 v0, v19  }
0x283: {  	v16 =	vadd.f32 v17, v16;
	v17 =	vmul.f32 v18, v20;
	_ =	sdelay $0x1  }
0x284: {  	v16 =	vadd.f32 v17, v16;
	_ =	sdelay $0x1  }
0x285: {  	[tilespmem:v19+s18+$0x0] =	vst.idx.msk $0xffff, v16  }
0x286: {  	v16 =	vld.idx.msk [tilespmem:v11+s25+$0x90 ss:$0x1], $0xffff  }
0x287: {  	v17 =	vld.idx.msk [tilespmem:v11+s25+$0x2090 ss:$0x1], $0xffff  }
0x288: {  	s7 =	sadd.s32 $0x9, s22;
	v18 =	vld.idx.msk [tilespmem:v11+s25+$0x4090 ss:$0x1], $0xffff  }
0x289: {  	v19 =	vmov s7  }
0x28a: {  	v20 =	vbroadcast v14, $0x9;
	v19 =	vshrl.u32 v19, $0x3  }
0x28b: {  	v21 =	vbroadcast v13, $0x9;
	v19 =	vshll.u32 v19, v3  }
0x28c: {  	v19 =	vbroadcast v19, $0x0;
	v16 =	vmul.f32 v16, v20  }
0x28d: {  	v20 =	vbroadcast v12, $0x9;
	v17 =	vmul.f32 v17, v21  }
0x28e: {  	v19 =	vadd.s32 v4, v19  }
0x28f: {  	v16 =	vadd.f32 v17, v16;
	v17 =	vmul.f32 v18, v20;
	_ =	sdelay $0x1  }
0x290: {  	v16 =	vadd.f32 v17, v16;
	_ =	sdelay $0x1  }
0x291: {  	[tilespmem:v19+s18+$0x0] =	vst.idx.msk $0xffff, v16  }
0x292: {  	v16 =	vld.idx.msk [tilespmem:v11+s25+$0x20A0 ss:$0x1], $0xffff  }
0x293: {  	v17 =	vld.idx.msk [tilespmem:v11+s25+$0xA0 ss:$0x1], $0xffff  }
0x294: {  	s7 =	sadd.s32 $0xA, s22;
	v18 =	vld.idx.msk [tilespmem:v11+s25+$0x40A0 ss:$0x1], $0xffff  }
0x295: {  	v19 =	vmov s7  }
0x296: {  	v20 =	vbroadcast v13, $0xA;
	v19 =	vshrl.u32 v19, $0x3  }
0x297: {  	v21 =	vbroadcast v14, $0xA;
	v19 =	vshll.u32 v19, v3  }
0x298: {  	v19 =	vbroadcast v19, $0x0;
	v16 =	vmul.f32 v16, v20  }
0x299: {  	v20 =	vbroadcast v12, $0xA;
	v17 =	vmul.f32 v17, v21  }
0x29a: {  	v19 =	vadd.s32 v5, v19  }
0x29b: {  	v16 =	vadd.f32 v16, v17;
	v17 =	vmul.f32 v18, v20;
	_ =	sdelay $0x1  }
0x29c: {  	v16 =	vadd.f32 v17, v16;
	_ =	sdelay $0x1  }
0x29d: {  	[tilespmem:v19+s18+$0x0] =	vst.idx.msk $0xffff, v16  }
0x29e: {  	v16 =	vld.idx.msk [tilespmem:v11+s25+$0xB0 ss:$0x1], $0xffff  }
0x29f: {  	v17 =	vld.idx.msk [tilespmem:v11+s25+$0x20B0 ss:$0x1], $0xffff  }
0x2a0: {  	s7 =	sadd.s32 $0xB, s22;
	v18 =	vld.idx.msk [tilespmem:v11+s25+$0x40B0 ss:$0x1], $0xffff  }
0x2a1: {  	v19 =	vmov s7  }
0x2a2: {  	v20 =	vbroadcast v14, $0xB;
	v19 =	vshrl.u32 v19, $0x3  }
0x2a3: {  	v21 =	vbroadcast v13, $0xB;
	v19 =	vshll.u32 v19, v3  }
0x2a4: {  	v19 =	vbroadcast v19, $0x0;
	v16 =	vmul.f32 v16, v20  }
0x2a5: {  	v20 =	vbroadcast v12, $0xB;
	v17 =	vmul.f32 v17, v21  }
0x2a6: {  	v19 =	vadd.s32 v6, v19  }
0x2a7: {  	v16 =	vadd.f32 v17, v16;
	v17 =	vmul.f32 v18, v20;
	_ =	sdelay $0x1  }
0x2a8: {  	v16 =	vadd.f32 v17, v16;
	_ =	sdelay $0x1  }
0x2a9: {  	[tilespmem:v19+s18+$0x0] =	vst.idx.msk $0xffff, v16  }
0x2aa: {  	v16 =	vld.idx.msk [tilespmem:v11+s25+$0xC0 ss:$0x1], $0xffff  }
0x2ab: {  	v17 =	vld.idx.msk [tilespmem:v11+s25+$0x20C0 ss:$0x1], $0xffff  }
0x2ac: {  	s7 =	sadd.s32 $0xC, s22;
	v18 =	vld.idx.msk [tilespmem:v11+s25+$0x40C0 ss:$0x1], $0xffff  }
0x2ad: {  	v19 =	vmov s7  }
0x2ae: {  	v20 =	vbroadcast v14, $0xC;
	v19 =	vshrl.u32 v19, $0x3  }
0x2af: {  	v21 =	vbroadcast v13, $0xC;
	v19 =	vshll.u32 v19, v3  }
0x2b0: {  	v19 =	vbroadcast v19, $0x0;
	v16 =	vmul.f32 v16, v20  }
0x2b1: {  	v20 =	vbroadcast v12, $0xC;
	v17 =	vmul.f32 v17, v21  }
0x2b2: {  	v19 =	vadd.s32 v7, v19  }
0x2b3: {  	v16 =	vadd.f32 v17, v16;
	v17 =	vmul.f32 v18, v20;
	_ =	sdelay $0x1  }
0x2b4: {  	v16 =	vadd.f32 v17, v16;
	_ =	sdelay $0x1  }
0x2b5: {  	[tilespmem:v19+s18+$0x0] =	vst.idx.msk $0xffff, v16  }
0x2b6: {  	v16 =	vld.idx.msk [tilespmem:v11+s25+$0xD0 ss:$0x1], $0xffff  }
0x2b7: {  	v17 =	vld.idx.msk [tilespmem:v11+s25+$0x20D0 ss:$0x1], $0xffff  }
0x2b8: {  	s7 =	sadd.s32 $0xD, s22;
	v18 =	vld.idx.msk [tilespmem:v11+s25+$0x40D0 ss:$0x1], $0xffff  }
0x2b9: {  	v19 =	vmov s7  }
0x2ba: {  	v20 =	vbroadcast v14, $0xD;
	v19 =	vshrl.u32 v19, $0x3  }
0x2bb: {  	v21 =	vbroadcast v13, $0xD;
	v19 =	vshll.u32 v19, v3  }
0x2bc: {  	v19 =	vbroadcast v19, $0x0;
	v16 =	vmul.f32 v16, v20  }
0x2bd: {  	v20 =	vbroadcast v12, $0xD;
	v17 =	vmul.f32 v17, v21  }
0x2be: {  	v19 =	vadd.s32 v8, v19  }
0x2bf: {  	v16 =	vadd.f32 v17, v16;
	v17 =	vmul.f32 v18, v20;
	_ =	sdelay $0x1  }
0x2c0: {  	v16 =	vadd.f32 v17, v16;
	_ =	sdelay $0x1  }
0x2c1: {  	[tilespmem:v19+s18+$0x0] =	vst.idx.msk $0xffff, v16  }
0x2c2: {  	v16 =	vld.idx.msk [tilespmem:v11+s25+$0xE0 ss:$0x1], $0xffff  }
0x2c3: {  	v17 =	vld.idx.msk [tilespmem:v11+s25+$0x20E0 ss:$0x1], $0xffff  }
0x2c4: {  	s7 =	sadd.s32 $0xE, s22;
	v18 =	vld.idx.msk [tilespmem:v11+s25+$0x40E0 ss:$0x1], $0xffff  }
0x2c5: {  	v19 =	vmov s7  }
0x2c6: {  	v20 =	vbroadcast v14, $0xE;
	v19 =	vshrl.u32 v19, $0x3  }
.Ltmp4:
0x2c7: {  	v21 =	vbroadcast v13, $0xE;
	v19 =	vshll.u32 v19, v3;
	(pc) =	sbr.rel @p0 .LBB2_12-.Ltmp4, $4  }
0x2c8: {  	v20 =	vmul.f32 v16, v20;
	v16 =	vbroadcast v19, $0x0  }
0x2c9: {  	v19 =	vbroadcast v12, $0xE;
	v17 =	vmul.f32 v17, v21  }
0x2ca: {  	v16 =	vadd.s32 v9, v16  }
0x2cb: {  	v18 =	vmul.f32 v18, v19;
	v17 =	vadd.f32 v17, v20  }
0x2cc: {  	_ =	sdelay $0x1  }
0x2cd: {  	v17 =	vadd.f32 v18, v17;
	_ =	sdelay $0x1  }
0x2ce: {  	[tilespmem:v16+s18+$0x0] =	vst.idx.msk $0xffff, v17  }
0x2cf: {  	v16 =	vld.idx.msk [tilespmem:v11+s25+$0xF0 ss:$0x1], $0xffff  }
0x2d0: {  	v17 =	vld.idx.msk [tilespmem:v11+s25+$0x20F0 ss:$0x1], $0xffff;
	_ =	sdelay $0x1  }
0x2d1: {  	v11 =	vld.idx.msk [tilespmem:v11+s25+$0x40F0 ss:$0x1], $0xffff  }
0x2d2: {  	v14 =	vbroadcast v14, $0xF;
	v13 =	vbroadcast v13, $0xF  }
0x2d3: {  	v12 =	vbroadcast v12, $0xF  }
0x2d4: {  	s24 =	sadd.s32 $0x1, s24;
	v14 =	vmul.f32 v16, v14;
	v13 =	vmul.f32 v17, v13  }
0x2d5: {  	v15 =	vadd.s32 v10, v15;
	p0 =	sne.s32 s24, $0x4  }
.Ltmp5:
0x2d6: {  	v11 =	vmul.f32 v11, v12;
	v63 =	vadd.f32 v13, v14;
	(pc) =	sbr.rel @p0 .LBB2_11-.Ltmp5, $3  }
0x2d7: {  	_ = 	snop  }
0x2d8: {  	v11 =	vadd.f32 v11, v63;
	_ =	sdelay $0x1  }
0x2d9: {  	s21 =	sadd.s32 $0x800, s21;
	s28 =	sadd.s32 $0x80, s28;
	s4 =	sadd.s32 $0x80, s4;
	[tilespmem:v15+s18+$0x0] =	vst.idx.msk $0xffff, v11  }
0x2da: {  	s4 =	sand.u32 $0x1FC0, s20;
	s7 =	rddreg [dreg:$0x8]  }
0x2db: {  	s9 =	rddreg [dreg:$0x5];
	s4 =	sor.u32 s7, s4  }
0x2dc: {  	s10 =	rddreg [dreg:$0x9];
	s7 =	sadd.s32 s9, s4  }
0x2dd: {  	[hbm4b:s7+s3] =	stream.linear.scatter [tilespmem:s18], [sflag:$0x1], $0x200, $0x38;
	[tilespmem:$0x11680] =	vst v63  }
0x2de: {  	s8 =	simm.s32 $0xF808;
	s20 =	rddreg [dreg:$0xa];
	s7 =	sadd.s32 s4, s10  }
0x2df: {  	[hbm4b:s7+s3] =	stream.linear.scatter [tilespmem:s8], [sflag:$0x1], $0x200, $0x38;
	[tilespmem:$0x11680] =	vst v63  }
0x2e0: {  	s21 =	simm.s32 $0xFA10;
	s22 =	rddreg [dreg:$0xb];
	s7 =	sadd.s32 s4, s20  }
0x2e1: {  	[hbm4b:s7+s3] =	stream.linear.scatter [tilespmem:s21], [sflag:$0x1], $0x200, $0x38;
	[tilespmem:$0x11680] =	vst v63  }
0x2e2: {  	s23 =	simm.s32 $0xFC18;
	s24 =	rddreg [dreg:$0xc];
	s7 =	sadd.s32 s4, s22  }
0x2e3: {  	[hbm4b:s7+s3] =	stream.linear.scatter [tilespmem:s23], [sflag:$0x1], $0x200, $0x38;
	[tilespmem:$0x11680] =	vst v63  }
0x2e4: {  	s25 =	simm.s32 $0xFE20;
	s26 =	rddreg [dreg:$0xd];
	s7 =	sadd.s32 s4, s24  }
0x2e5: {  	[hbm4b:s7+s3] =	stream.linear.scatter [tilespmem:s25], [sflag:$0x1], $0x200, $0x38;
	[tilespmem:$0x11680] =	vst v63  }
0x2e6: {  	s28 =	simm.s32 $0x10028;
	s9 =	rddreg [dreg:$0xe];
	s7 =	sadd.s32 s4, s26  }
0x2e7: {  	[hbm4b:s7+s3] =	stream.linear.scatter [tilespmem:s28], [sflag:$0x1], $0x200, $0x38;
	[tilespmem:$0x11680] =	vst v63  }
0x2e8: {  	s10 =	simm.s32 $0x10230;
	s20 =	rddreg [dreg:$0xf];
	s7 =	sadd.s32 s4, s9  }
0x2e9: {  	[hbm4b:s7+s3] =	stream.linear.scatter [tilespmem:s10], [sflag:$0x1], $0x200, $0x38;
	[tilespmem:$0x11680] =	vst v63  }
0x2ea: {  	s21 =	simm.s32 $0x10438;
	s22 =	rddreg [dreg:$0x10];
	s7 =	sadd.s32 s4, s20  }
0x2eb: {  	[hbm4b:s7+s3] =	stream.linear.scatter [tilespmem:s21], [sflag:$0x1], $0x200, $0x38;
	[tilespmem:$0x11680] =	vst v63  }
0x2ec: {  	s23 =	simm.s32 $0x10640;
	s24 =	rddreg [dreg:$0x11];
	s7 =	sadd.s32 s4, s22  }
0x2ed: {  	[hbm4b:s7+s3] =	stream.linear.scatter [tilespmem:s23], [sflag:$0x1], $0x200, $0x38;
	[tilespmem:$0x11680] =	vst v63  }
0x2ee: {  	s25 =	simm.s32 $0x10848;
	s26 =	rddreg [dreg:$0x12];
	s7 =	sadd.s32 s4, s24  }
0x2ef: {  	[hbm4b:s7+s3] =	stream.linear.scatter [tilespmem:s25], [sflag:$0x1], $0x200, $0x38;
	[tilespmem:$0x11680] =	vst v63  }
0x2f0: {  	s28 =	simm.s32 $0x10A50;
	s9 =	rddreg [dreg:$0x13];
	s7 =	sadd.s32 s4, s26  }
0x2f1: {  	[hbm4b:s7+s3] =	stream.linear.scatter [tilespmem:s28], [sflag:$0x1], $0x200, $0x38;
	[tilespmem:$0x11680] =	vst v63  }
0x2f2: {  	s10 =	simm.s32 $0x10C58;
	s20 =	rddreg [dreg:$0x14];
	s7 =	sadd.s32 s4, s9  }
0x2f3: {  	[hbm4b:s7+s3] =	stream.linear.scatter [tilespmem:s10], [sflag:$0x1], $0x200, $0x38;
	[tilespmem:$0x11680] =	vst v63  }
0x2f4: {  	s21 =	simm.s32 $0x10E60;
	s22 =	rddreg [dreg:$0x16];
	s7 =	sadd.s32 s4, s20  }
0x2f5: {  	[hbm4b:s7+s3] =	stream.linear.scatter [tilespmem:s21], [sflag:$0x1], $0x200, $0x38;
	[tilespmem:$0x11680] =	vst v63  }
0x2f6: {  	s23 =	simm.s32 $0x11068;
	s24 =	rddreg [dreg:$0x17];
	s7 =	sadd.s32 s4, s22  }
0x2f7: {  	[hbm4b:s7+s3] =	stream.linear.scatter [tilespmem:s23], [sflag:$0x1], $0x200, $0x38;
	[tilespmem:$0x11680] =	vst v63  }
0x2f8: {  	s25 =	simm.s32 $0x11270;
	s26 =	rddreg [dreg:$0x18];
	s7 =	sadd.s32 s4, s24  }
0x2f9: {  	[hbm4b:s7+s3] =	stream.linear.scatter [tilespmem:s25], [sflag:$0x1], $0x200, $0x38;
	[tilespmem:$0x11680] =	vst v63  }
0x2fa: {  	s28 =	simm.s32 $0x11478;
	s4 =	sadd.s32 s4, s26  }
0x2fb: {  	[hbm4b:s4+s3] =	stream.linear.scatter [tilespmem:s28], [sflag:$0x1], $0x200, $0x38;
	[tilespmem:$0x11680] =	vst v63  }
0x2fc: {  	_ =	swait.ge [sflag:s0], $0x200  }
0x2fd: {  	[sflag:s0] =	ssyncset.done $0x0  }
0x2fe: {  	[sflag:s0] =	ssyncadd.s32 $0xFFFFFE00  }
0x2ff: {  	_ =	swait.ge [sflag:s0], $0x200  }
0x300: {  	[sflag:s0] =	ssyncset.done $0x0  }
0x301: {  	[sflag:s0] =	ssyncadd.s32 $0xFFFFFE00  }
0x302: {  	_ =	swait.ge [sflag:s0], $0x200  }
0x303: {  	[sflag:s0] =	ssyncset.done $0x0  }
0x304: {  	[sflag:s0] =	ssyncadd.s32 $0xFFFFFE00  }
0x305: {  	_ =	swait.ge [sflag:s0], $0x200  }
0x306: {  	[sflag:s0] =	ssyncset.done $0x0  }
0x307: {  	[sflag:s0] =	ssyncadd.s32 $0xFFFFFE00  }
0x308: {  	_ =	swait.ge [sflag:s0], $0x200  }
0x309: {  	[sflag:s0] =	ssyncset.done $0x0  }
0x30a: {  	[sflag:s0] =	ssyncadd.s32 $0xFFFFFE00  }
0x30b: {  	_ =	swait.ge [sflag:s0], $0x200  }
0x30c: {  	[sflag:s0] =	ssyncset.done $0x0  }
0x30d: {  	[sflag:s0] =	ssyncadd.s32 $0xFFFFFE00  }
0x30e: {  	_ =	swait.ge [sflag:s0], $0x200  }
0x30f: {  	[sflag:s0] =	ssyncset.done $0x0  }
0x310: {  	[sflag:s0] =	ssyncadd.s32 $0xFFFFFE00  }
0x311: {  	_ =	swait.ge [sflag:s0], $0x200  }
0x312: {  	[sflag:s0] =	ssyncset.done $0x0  }
0x313: {  	[sflag:s0] =	ssyncadd.s32 $0xFFFFFE00  }
0x314: {  	_ =	swait.ge [sflag:s0], $0x200  }
0x315: {  	[sflag:s0] =	ssyncset.done $0x0  }
0x316: {  	[sflag:s0] =	ssyncadd.s32 $0xFFFFFE00  }
0x317: {  	_ =	swait.ge [sflag:s0], $0x200  }
0x318: {  	[sflag:s0] =	ssyncset.done $0x0  }
0x319: {  	[sflag:s0] =	ssyncadd.s32 $0xFFFFFE00  }
0x31a: {  	_ =	swait.ge [sflag:s0], $0x200  }
0x31b: {  	[sflag:s0] =	ssyncset.done $0x0  }
0x31c: {  	[sflag:s0] =	ssyncadd.s32 $0xFFFFFE00  }
0x31d: {  	_ =	swait.ge [sflag:s0], $0x200  }
0x31e: {  	[sflag:s0] =	ssyncset.done $0x0  }
0x31f: {  	[sflag:s0] =	ssyncadd.s32 $0xFFFFFE00  }
0x320: {  	_ =	swait.ge [sflag:s0], $0x200  }
0x321: {  	[sflag:s0] =	ssyncset.done $0x0  }
0x322: {  	[sflag:s0] =	ssyncadd.s32 $0xFFFFFE00  }
0x323: {  	_ =	swait.ge [sflag:s0], $0x200  }
0x324: {  	[sflag:s0] =	ssyncset.done $0x0  }
0x325: {  	s19 =	sadd.s32 $0x1, s19;
	[sflag:s0] =	ssyncadd.s32 $0xFFFFFE00  }
0x326: {  	p0 =	sne.s32 s19, $0x20;
	_ =	swait.ge [sflag:s0], $0x200  }
.Ltmp6:
0x327: {  	[sflag:s0] =	ssyncset.done $0x0;
	(pc) =	sbr.rel @p0 .LBB2_2-.Ltmp6, $4  }
0x328: {  	[sflag:s0] =	ssyncadd.s32 $0xFFFFFE00  }
0x329: {  	_ =	swait.ge [sflag:s0], $0x200  }
0x32a: {  	[sflag:s0] =	ssyncset.done $0x0  }
0x32b: {  	[sflag:s0] =	ssyncadd.s32 $0xFFFFFE00  }
0x32c: {  	s7 =	rddreg [dreg:$0x1a]  }
0x32d: {  	s4 =	rddreg [dreg:$0x19];
	s7 =	sadd.s32 $0x1, s7  }
0x32e: {  	p0 =	sne.s32 s7, s4  }
.Ltmp7:
0x32f: {  	_ = 	snop;
	(pc) =	sbr.rel @p0 .LBB2_1-.Ltmp7, $1  }
0x330: {  	_ =	sdelay $0x3  }
0x331: {  	_ =	sfence.sel $0x180000  }
0x332: {  	[bflag:$0x0] =	sbarrier.arrive $0xFFFF  }
0x333: {  	_ =	strace $0x9000004A  }
0x334: {  	s0 =	stileid.u32;
	[bflag:$0x2] =	sbarrier.arrive $0xFFFF  }
0x335: {  	p0 =	sne.s32 s0, $0x0;
	s0 =	rddreg [dreg:$0x3]  }
0x336: {  	s0 =	sadd.s32 @!p0 $0x100000, s0  }
0x337: {  	[sflag:s0] =	ssyncadd.tile.s32 @!p0 $0x1;
	_ =	shalt  }
.Lfunc_end2:
_tile_overlayer_lowered:
.L_overlay_start_2:
0x338: {  	(tag) =	ssettag $0x2  }
0x339: {  	s0 =	rddreg [dreg:$0x0];
	s2 =	stileid.u32  }
0x33a: {  	s1 =	rddreg [dreg:$0x1];
	p0 =	sne.s32 s2, $0x0  }
0x33b: {  	s3 =	rddreg [dreg:$0x2];
	[bflag:$0x3] =	sbarrier.arrive $0xFFFF;
	s2 =	simm.s32 @!p0 $0x1C02  }
0x33c: {  	[timem:s3], [sflag:s2] =	dma.local @!p0 [hbm:s0], s1  }
0x33d: {  	s0 =	simm.s32 @!p0 $0x2  }
0x33e: {  	_ =	swait.ge @!p0 [sflag:s0], s1  }
0x33f: {  	s1 =	ssub.s32 @!p0 $0x0, s1;
	[sflag:s0] =	ssyncset.done @!p0 $0x0  }
0x340: {  	[sflag:s0] =	ssyncadd.s32 @!p0 s1  }
0x341: {  	[bflag:$0x3] =	sbarrier.arrive $0xFFFF  }
0x342: {  	_ =	shalt  }

</sc_bundles>
